<compile_context>
chip_gen: v7x
topology: tpu7x:2x2x1
jax: 0.10.2.dev20260603
libtpu: 0.0.44.dev20260713+nightly
codegen_flags: <defaults>
</compile_context>

<pallas_src>
import functools

import jax
import jax.numpy as jnp
from jax import lax
from jax.experimental import pallas as pl
from jax.experimental.pallas import tpu as pltpu
from jax.experimental.pallas import tpu_sc as plsc

E = 160000
N = 10000
D = 256
W = D // 2
L = 16
NC, NS = 2, 16
NW = NC * NS
EP = 163840
PER_W = EP // NW
B = 64
NBLK = PER_W // B
NRS = 2
NIS = 4
DC = W // L
NP = 10240
ROWS_PER_TILE = NP // NS
HIMASK = -65536

_mesh = plsc.VectorSubcoreMesh(core_axis_name="c", subcore_axis_name="s")

_GATHER_DN = lax.GatherDimensionNumbers(
    offset_dims=(), collapsed_slice_dims=(0,), start_index_map=(0,))


def _rotate(v, perm):
    return lax.gather(v, perm[:, None], _GATHER_DN, slice_sizes=(1,),
                      mode=lax.GatherScatterMode.PROMISE_IN_BOUNDS)


@functools.partial(
    pl.kernel,
    mesh=_mesh,
    out_type=jax.ShapeDtypeStruct((EP // B, B), jnp.float32),
    compiler_params=pltpu.CompilerParams(needs_layout_passes=False),
    scratch_types=[
        pltpu.VMEM_SHARED((NP, W), jnp.int32),
        pltpu.VMEM((NIS, B), jnp.int32),
        pltpu.VMEM((NIS, B), jnp.int32),
        pltpu.VMEM((NRS, B, W), jnp.int32),
        pltpu.VMEM((NRS, B, W), jnp.int32),
        pltpu.VMEM((NRS, B), jnp.float32),
        pltpu.SemaphoreType.DMA,
        pltpu.SemaphoreType.DMA,
        pltpu.SemaphoreType.DMA,
        pltpu.SemaphoreType.DMA,
        pltpu.SemaphoreType.DMA,
        pltpu.SemaphoreType.DMA,
    ],
)
def _decode(z_hbm, sidx_hbm, didx_hbm, out_hbm,
            ztab_v, sidxb, didxb, srows_v, drows_v, outb_v, *sems):
    rsems = sems[:NRS]
    isems = sems[NRS:]
    cid = lax.axis_index("c")
    sid = lax.axis_index("s")
    wid = sid * NC + cid
    wblk = wid * NBLK

    row0 = sid * ROWS_PER_TILE
    pltpu.sync_copy(z_hbm.at[pl.ds(row0, ROWS_PER_TILE)],
                    ztab_v.at[pl.ds(row0, ROWS_PER_TILE)])
    plsc.subcore_barrier()

    lanes = lax.broadcasted_iota(jnp.int32, (L,), 0)
    rots = [(lanes + r) % L for r in (8, 4, 2, 1)]

    def issue_idx(blk, s):
        pltpu.async_copy(sidx_hbm.at[wblk + blk], sidxb.at[s], isems[s])
        pltpu.async_copy(didx_hbm.at[wblk + blk], didxb.at[s], isems[s])

    def wait_idx(s):
        pltpu.make_async_copy(sidx_hbm.at[0], sidxb.at[s], isems[s]).wait()
        pltpu.make_async_copy(didx_hbm.at[0], didxb.at[s], isems[s]).wait()

    def issue_rows(isl, rs):
        pltpu.async_copy(ztab_v.at[sidxb.at[isl]], srows_v.at[rs], rsems[rs])
        pltpu.async_copy(ztab_v.at[didxb.at[isl]], drows_v.at[rs], rsems[rs])

    def wait_rows(isl, rs):
        pltpu.make_async_copy(
            ztab_v.at[sidxb.at[isl]], srows_v.at[rs], rsems[rs]).wait()
        pltpu.make_async_copy(
            ztab_v.at[didxb.at[isl]], drows_v.at[rs], rsems[rs]).wait()

    issue_idx(0, 0)
    issue_idx(1, 1)
    wait_idx(0)
    issue_rows(0, 0)

    def body(g, c):
        for s in range(NIS):
            blk = NIS * g + s
            rs = s % NRS
            sr = srows_v.at[rs]
            dr = drows_v.at[rs]
            ob = outb_v.at[rs]

            @pl.when(blk + 1 < NBLK)
            def _():
                wait_idx((s + 1) % NIS)
                issue_rows((s + 1) % NIS, (rs + 1) % NRS)

            @pl.when(blk + 2 < NBLK)
            def _():
                issue_idx(blk + 2, (s + 2) % NIS)

            wait_rows(s, rs)

            def grp_body(g2, c2):
                gbase = g2 * L

                def edge_body(i, res):
                    e = gbase + i
                    acc = jnp.zeros((L,), jnp.float32)
                    for j in range(DC):
                        sw = sr[e, pl.ds(j * L, L)]
                        dw = dr[e, pl.ds(j * L, L)]
                        sa = plsc.bitcast(sw << 16, jnp.float32)
                        da = plsc.bitcast(dw << 16, jnp.float32)
                        sb = plsc.bitcast(sw, jnp.float32)
                        db = plsc.bitcast(dw, jnp.float32)
                        acc = acc + sa * da + sb * db
                    for perm in rots:
                        acc = acc + _rotate(acc, perm)
                    return lax.select(lanes == i, acc, res)

                res = lax.fori_loop(0, L, edge_body,
                                    jnp.zeros((L,), jnp.float32), unroll=2)
                res = 1.0 / (1.0 + jnp.exp(-res))
                ob[pl.ds(pl.multiple_of(gbase, L), L)] = res
                return c2

            lax.fori_loop(0, B // L, grp_body, 0)

            pltpu.sync_copy(ob, out_hbm.at[wblk + blk])
        return c

    lax.fori_loop(0, NBLK // NIS, body, 0)


def _pack_bf16_words(z):
    zu = lax.bitcast_convert_type(z, jnp.uint32)
    lo = zu[:, :W]
    hi = zu[:, W:]

    def rne(x):
        return (x + jnp.uint32(0x7FFF) + ((x >> 16) & 1)) >> 16

    packed = rne(lo) | (rne(hi) << 16)
    words = lax.bitcast_convert_type(packed, jnp.int32)
    return jnp.pad(words, ((0, NP - N), (0, 0)))


def kernel(z, edge_idx):
    idx = edge_idx.astype(jnp.int32)
    pad = EP - E
    sidx = jnp.pad(idx[0], (0, pad)).reshape(EP // B, B)
    didx = jnp.pad(idx[1], (0, pad)).reshape(EP // B, B)
    out = _decode(_pack_bf16_words(z), sidx, didx)
    return out.reshape(-1)[:E]

# --- scband reference (transcript-rebuilt; emitter-appended) ---
"""Pipeline reference for scband-inner-product-decoder-ten-82257213653405 (READ-ONLY COPY).

The authoritative reference and input builder live on the scoring server;
editing this copy changes nothing except your own understanding.
"""

import jax, jax.numpy as jnp
import numpy as np


def setup_inputs(seed: int = 0) -> dict:
    key = jax.random.key(seed)
    k1, k2 = jax.random.split(key)
    z = jax.random.normal(k1, (10000, 256), dtype=jnp.float32)
    edge_idx = jax.random.randint(k2, (2, 160000), 0, 10000, dtype=jnp.int64)
    return {"z": z, "edge_idx": edge_idx}


def reference(z, edge_idx):
    # adj = (z[edge_idx[0]] * z[edge_idx[1]]).sum(dim=1); sigmoid(adj)
    src = jnp.take(z, edge_idx[0], axis=0)
    dst = jnp.take(z, edge_idx[1], axis=0)
    adj = jnp.sum(src * dst, axis=1)
    return jax.nn.sigmoid(adj)

if __name__ == "__main__":
    import jax
    _d = setup_inputs()
    print(jax.jit(kernel)(*tuple(_d.values())))

</pallas_src>

<mosaic_0001>
#map = affine_map<(d0, d1) -> (0, 0)>
module attributes {stable_mosaic.version = 14 : i64} {
  func.func @_decode(%arg0: i32, %arg1: i32, %arg2: memref<10240x128xi32, #tpu.memory_space<hbm>>, %arg3: memref<2560x64xi32, #tpu.memory_space<hbm>>, %arg4: memref<2560x64xi32, #tpu.memory_space<hbm>>, %arg5: memref<2560x64xf32, #tpu.memory_space<hbm>>, %arg6: memref<10240x128xi32, #tpu.memory_space<vmem_shared>>, %arg7: memref<4x64xi32, #tpu.memory_space<vmem>>, %arg8: memref<4x64xi32, #tpu.memory_space<vmem>>, %arg9: memref<2x64x128xi32, #tpu.memory_space<vmem>>, %arg10: memref<2x64x128xi32, #tpu.memory_space<vmem>>, %arg11: memref<2x64xf32, #tpu.memory_space<vmem>>, %arg12: memref<!tpu.dma_semaphore, #tpu.memory_space<semaphore_mem>>, %arg13: memref<!tpu.dma_semaphore, #tpu.memory_space<semaphore_mem>>, %arg14: memref<!tpu.dma_semaphore, #tpu.memory_space<semaphore_mem>>, %arg15: memref<!tpu.dma_semaphore, #tpu.memory_space<semaphore_mem>>, %arg16: memref<!tpu.dma_semaphore, #tpu.memory_space<semaphore_mem>>, %arg17: memref<!tpu.dma_semaphore, #tpu.memory_space<semaphore_mem>>) attributes {dimension_semantics = [#tpu.dimension_semantics<core_parallel>, #tpu.dimension_semantics<subcore_parallel>], iteration_bounds = array<i64: 2, 16>, scalar_prefetch = 0 : i64, scratch_operands = 12 : i64, tpu.core_type = #tpu.core_type<sc_vector_subcore>, window_params = [{transform_indices = #map}, {transform_indices = #map}, {transform_indices = #map}, {transform_indices = #map}]} {
    %mul3A = arith.constant 2 : i32
    %mul3A_0 = arith.muli %arg1, %mul3A : i32
    %add3A = arith.addi %mul3A_0, %arg0 : i32
    %mul3A_1 = arith.constant 80 : i32
    %mul3A_2 = arith.muli %add3A, %mul3A_1 : i32
    %mul3A_3 = arith.constant 640 : i32
    %mul3A_4 = arith.muli %arg1, %mul3A_3 : i32
    "tpu.region"() ({
      %run_scoped3A = tpu.sem_alloc : memref<!tpu.dma_semaphore, #tpu.memory_space<semaphore_mem>>
      %dma_start3A_213 = arith.constant 0 : i32
      %dma_start3A_214 = tpu.memref_slice %arg6[%mul3A_4, %dma_start3A_213] : memref<10240x128xi32, #tpu.memory_space<vmem_shared>> -> memref<640x128xi32, #tpu.memory_space<vmem_shared>>
      %dma_start3A_215 = arith.constant 0 : i32
      %dma_start3A_216 = tpu.memref_slice %arg2[%mul3A_4, %dma_start3A_215] : memref<10240x128xi32, #tpu.memory_space<hbm>> -> memref<640x128xi32, #tpu.memory_space<hbm>>
      tpu.enqueue_dma source(%dma_start3A_216 : memref<640x128xi32, #tpu.memory_space<hbm>>) target(%dma_start3A_214 : memref<640x128xi32, #tpu.memory_space<vmem_shared>>) target_semaphore(%run_scoped3A : memref<!tpu.dma_semaphore, #tpu.memory_space<semaphore_mem>>)
      %dma_wait3A_217 = arith.constant 0 : i32
      %dma_wait3A_218 = tpu.memref_slice %arg6[%mul3A_4, %dma_wait3A_217] : memref<10240x128xi32, #tpu.memory_space<vmem_shared>> -> memref<640x128xi32, #tpu.memory_space<vmem_shared>>
      %dma_wait3A_219 = arith.constant 0 : i32
      %dma_wait3A_220 = tpu.memref_slice %arg2[%mul3A_4, %dma_wait3A_219] : memref<10240x128xi32, #tpu.memory_space<hbm>> -> memref<640x128xi32, #tpu.memory_space<hbm>>
      tpu.wait_dma2 semaphore(%run_scoped3A : memref<!tpu.dma_semaphore, #tpu.memory_space<semaphore_mem>>) src(%dma_wait3A_220 : memref<640x128xi32, #tpu.memory_space<hbm>>) dst(%dma_wait3A_218 : memref<640x128xi32, #tpu.memory_space<vmem_shared>>)
      tpu.yield
    }) : () -> ()
    %barrier3A = arith.constant 0 : index
    tpu.barrier barrier_id(%barrier3A)
    %iota3A = tpu.iota {dimensions = array<i32: 0>} : vector<16xi32>
    %add3A_5 = arith.constant 8 : i32
    %add3A_6 = vector.broadcast %add3A_5 : i32 to vector<16xi32>
    %add3A_7 = arith.addi %iota3A, %add3A_6 : vector<16xi32>
    %jit3A = arith.constant 16 : i32
    %eq3A = arith.constant 0 : i32
    %eq3A_8 = arith.cmpi eq, %jit3A, %eq3A : i32
    %jit3A_9 = arith.constant 1 : i32
    %select_n3A = arith.select %eq3A_8, %jit3A_9, %jit3A : i32
    %rem3A = vector.broadcast %select_n3A : i32 to vector<16xi32>
    %rem3A_10 = arith.remsi %add3A_7, %rem3A : vector<16xi32>
    %ne3A = arith.constant 0 : i32
    %ne3A_11 = vector.broadcast %ne3A : i32 to vector<16xi32>
    %ne3A_12 = arith.cmpi ne, %rem3A_10, %ne3A_11 : vector<16xi32>
    %lt3A = arith.constant 0 : i32
    %lt3A_13 = vector.broadcast %lt3A : i32 to vector<16xi32>
    %lt3A_14 = arith.cmpi slt, %rem3A_10, %lt3A_13 : vector<16xi32>
    %lt3A_15 = arith.constant 0 : i32
    %lt3A_16 = arith.cmpi slt, %select_n3A, %lt3A_15 : i32
    %ne3A_17 = vector.broadcast %lt3A_16 : i1 to vector<16xi1>
    %ne3A_18 = vector.broadcast %ne3A_17 : vector<16xi1> to vector<16xi1>
    %ne3A_19 = arith.xori %lt3A_14, %ne3A_18 : vector<16xi1>
    %and3A = arith.andi %ne3A_19, %ne3A_12 : vector<16xi1>
    %add3A_20 = vector.broadcast %select_n3A : i32 to vector<16xi32>
    %add3A_21 = arith.addi %rem3A_10, %add3A_20 : vector<16xi32>
    %select_n3A_22 = arith.select %and3A, %add3A_21, %rem3A_10 : vector<16xi1>, vector<16xi32>
    %add3A_23 = arith.constant 4 : i32
    %add3A_24 = vector.broadcast %add3A_23 : i32 to vector<16xi32>
    %add3A_25 = arith.addi %iota3A, %add3A_24 : vector<16xi32>
    %jit3A_26 = arith.constant 16 : i32
    %eq3A_27 = arith.constant 0 : i32
    %eq3A_28 = arith.cmpi eq, %jit3A_26, %eq3A_27 : i32
    %jit3A_29 = arith.constant 1 : i32
    %select_n3A_30 = arith.select %eq3A_28, %jit3A_29, %jit3A_26 : i32
    %rem3A_31 = vector.broadcast %select_n3A_30 : i32 to vector<16xi32>
    %rem3A_32 = arith.remsi %add3A_25, %rem3A_31 : vector<16xi32>
    %ne3A_33 = arith.constant 0 : i32
    %ne3A_34 = vector.broadcast %ne3A_33 : i32 to vector<16xi32>
    %ne3A_35 = arith.cmpi ne, %rem3A_32, %ne3A_34 : vector<16xi32>
    %lt3A_36 = arith.constant 0 : i32
    %lt3A_37 = vector.broadcast %lt3A_36 : i32 to vector<16xi32>
    %lt3A_38 = arith.cmpi slt, %rem3A_32, %lt3A_37 : vector<16xi32>
    %lt3A_39 = arith.constant 0 : i32
    %lt3A_40 = arith.cmpi slt, %select_n3A_30, %lt3A_39 : i32
    %ne3A_41 = vector.broadcast %lt3A_40 : i1 to vector<16xi1>
    %ne3A_42 = vector.broadcast %ne3A_41 : vector<16xi1> to vector<16xi1>
    %ne3A_43 = arith.xori %lt3A_38, %ne3A_42 : vector<16xi1>
    %and3A_44 = arith.andi %ne3A_43, %ne3A_35 : vector<16xi1>
    %add3A_45 = vector.broadcast %select_n3A_30 : i32 to vector<16xi32>
    %add3A_46 = arith.addi %rem3A_32, %add3A_45 : vector<16xi32>
    %select_n3A_47 = arith.select %and3A_44, %add3A_46, %rem3A_32 : vector<16xi1>, vector<16xi32>
    %add3A_48 = arith.constant 2 : i32
    %add3A_49 = vector.broadcast %add3A_48 : i32 to vector<16xi32>
    %add3A_50 = arith.addi %iota3A, %add3A_49 : vector<16xi32>
    %jit3A_51 = arith.constant 16 : i32
    %eq3A_52 = arith.constant 0 : i32
    %eq3A_53 = arith.cmpi eq, %jit3A_51, %eq3A_52 : i32
    %jit3A_54 = arith.constant 1 : i32
    %select_n3A_55 = arith.select %eq3A_53, %jit3A_54, %jit3A_51 : i32
    %rem3A_56 = vector.broadcast %select_n3A_55 : i32 to vector<16xi32>
    %rem3A_57 = arith.remsi %add3A_50, %rem3A_56 : vector<16xi32>
    %ne3A_58 = arith.constant 0 : i32
    %ne3A_59 = vector.broadcast %ne3A_58 : i32 to vector<16xi32>
    %ne3A_60 = arith.cmpi ne, %rem3A_57, %ne3A_59 : vector<16xi32>
    %lt3A_61 = arith.constant 0 : i32
    %lt3A_62 = vector.broadcast %lt3A_61 : i32 to vector<16xi32>
    %lt3A_63 = arith.cmpi slt, %rem3A_57, %lt3A_62 : vector<16xi32>
    %lt3A_64 = arith.constant 0 : i32
    %lt3A_65 = arith.cmpi slt, %select_n3A_55, %lt3A_64 : i32
    %ne3A_66 = vector.broadcast %lt3A_65 : i1 to vector<16xi1>
    %ne3A_67 = vector.broadcast %ne3A_66 : vector<16xi1> to vector<16xi1>
    %ne3A_68 = arith.xori %lt3A_63, %ne3A_67 : vector<16xi1>
    %and3A_69 = arith.andi %ne3A_68, %ne3A_60 : vector<16xi1>
    %add3A_70 = vector.broadcast %select_n3A_55 : i32 to vector<16xi32>
    %add3A_71 = arith.addi %rem3A_57, %add3A_70 : vector<16xi32>
    %select_n3A_72 = arith.select %and3A_69, %add3A_71, %rem3A_57 : vector<16xi1>, vector<16xi32>
    %add3A_73 = arith.constant 1 : i32
    %add3A_74 = vector.broadcast %add3A_73 : i32 to vector<16xi32>
    %add3A_75 = arith.addi %iota3A, %add3A_74 : vector<16xi32>
    %jit3A_76 = arith.constant 16 : i32
    %eq3A_77 = arith.constant 0 : i32
    %eq3A_78 = arith.cmpi eq, %jit3A_76, %eq3A_77 : i32
    %jit3A_79 = arith.constant 1 : i32
    %select_n3A_80 = arith.select %eq3A_78, %jit3A_79, %jit3A_76 : i32
    %rem3A_81 = vector.broadcast %select_n3A_80 : i32 to vector<16xi32>
    %rem3A_82 = arith.remsi %add3A_75, %rem3A_81 : vector<16xi32>
    %ne3A_83 = arith.constant 0 : i32
    %ne3A_84 = vector.broadcast %ne3A_83 : i32 to vector<16xi32>
    %ne3A_85 = arith.cmpi ne, %rem3A_82, %ne3A_84 : vector<16xi32>
    %lt3A_86 = arith.constant 0 : i32
    %lt3A_87 = vector.broadcast %lt3A_86 : i32 to vector<16xi32>
    %lt3A_88 = arith.cmpi slt, %rem3A_82, %lt3A_87 : vector<16xi32>
    %lt3A_89 = arith.constant 0 : i32
    %lt3A_90 = arith.cmpi slt, %select_n3A_80, %lt3A_89 : i32
    %ne3A_91 = vector.broadcast %lt3A_90 : i1 to vector<16xi1>
    %ne3A_92 = vector.broadcast %ne3A_91 : vector<16xi1> to vector<16xi1>
    %ne3A_93 = arith.xori %lt3A_88, %ne3A_92 : vector<16xi1>
    %and3A_94 = arith.andi %ne3A_93, %ne3A_85 : vector<16xi1>
    %add3A_95 = vector.broadcast %select_n3A_80 : i32 to vector<16xi32>
    %add3A_96 = arith.addi %rem3A_82, %add3A_95 : vector<16xi32>
    %select_n3A_97 = arith.select %and3A_94, %add3A_96, %rem3A_82 : vector<16xi1>, vector<16xi32>
    %add3A_98 = arith.constant 0 : i32
    %add3A_99 = arith.addi %mul3A_2, %add3A_98 : i32
    %dma_start3A = arith.constant 0 : i32
    %dma_start3A_100 = arith.constant 0 : i32
    %dma_start3A_101 = tpu.memref_slice %arg7[%dma_start3A, %dma_start3A_100] : memref<4x64xi32, #tpu.memory_space<vmem>> -> memref<1x64xi32, #tpu.memory_space<vmem>>
    %dma_start3A_102 = tpu.memref_squeeze %dma_start3A_101 : memref<1x64xi32, #tpu.memory_space<vmem>> -> memref<64xi32, #tpu.memory_space<vmem>>
    %dma_start3A_103 = arith.constant 0 : i32
    %dma_start3A_104 = tpu.memref_slice %arg3[%add3A_99, %dma_start3A_103] : memref<2560x64xi32, #tpu.memory_space<hbm>> -> memref<1x64xi32, #tpu.memory_space<hbm>>
    %dma_start3A_105 = tpu.memref_squeeze %dma_start3A_104 : memref<1x64xi32, #tpu.memory_space<hbm>> -> memref<64xi32, #tpu.memory_space<hbm>>
    %dma_start3A_106 = arith.constant 0 : i32
    %dma_start3A_107 = tpu.memref_slice %arg7[%dma_start3A, %dma_start3A_106] : memref<4x64xi32, #tpu.memory_space<vmem>> -> memref<1x64xi32, #tpu.memory_space<vmem>>
    %dma_start3A_108 = tpu.memref_squeeze %dma_start3A_107 : memref<1x64xi32, #tpu.memory_space<vmem>> -> memref<64xi32, #tpu.memory_space<vmem>>
    %dma_start3A_109 = arith.constant 0 : i32
    %dma_start3A_110 = tpu.memref_slice %arg3[%add3A_99, %dma_start3A_109] : memref<2560x64xi32, #tpu.memory_space<hbm>> -> memref<1x64xi32, #tpu.memory_space<hbm>>
    %dma_start3A_111 = tpu.memref_squeeze %dma_start3A_110 : memref<1x64xi32, #tpu.memory_space<hbm>> -> memref<64xi32, #tpu.memory_space<hbm>>
    tpu.enqueue_dma source(%dma_start3A_111 : memref<64xi32, #tpu.memory_space<hbm>>) target(%dma_start3A_108 : memref<64xi32, #tpu.memory_space<vmem>>) target_semaphore(%arg14 : memref<!tpu.dma_semaphore, #tpu.memory_space<semaphore_mem>>)
    %add3A_112 = arith.constant 0 : i32
    %add3A_113 = arith.addi %mul3A_2, %add3A_112 : i32
    %dma_start3A_114 = arith.constant 0 : i32
    %dma_start3A_115 = arith.constant 0 : i32
    %dma_start3A_116 = tpu.memref_slice %arg8[%dma_start3A_114, %dma_start3A_115] : memref<4x64xi32, #tpu.memory_space<vmem>> -> memref<1x64xi32, #tpu.memory_space<vmem>>
    %dma_start3A_117 = tpu.memref_squeeze %dma_start3A_116 : memref<1x64xi32, #tpu.memory_space<vmem>> -> memref<64xi32, #tpu.memory_space<vmem>>
    %dma_start3A_118 = arith.constant 0 : i32
    %dma_start3A_119 = tpu.memref_slice %arg4[%add3A_113, %dma_start3A_118] : memref<2560x64xi32, #tpu.memory_space<hbm>> -> memref<1x64xi32, #tpu.memory_space<hbm>>
    %dma_start3A_120 = tpu.memref_squeeze %dma_start3A_119 : memref<1x64xi32, #tpu.memory_space<hbm>> -> memref<64xi32, #tpu.memory_space<hbm>>
    %dma_start3A_121 = arith.constant 0 : i32
    %dma_start3A_122 = tpu.memref_slice %arg8[%dma_start3A_114, %dma_start3A_121] : memref<4x64xi32, #tpu.memory_space<vmem>> -> memref<1x64xi32, #tpu.memory_space<vmem>>
    %dma_start3A_123 = tpu.memref_squeeze %dma_start3A_122 : memref<1x64xi32, #tpu.memory_space<vmem>> -> memref<64xi32, #tpu.memory_space<vmem>>
    %dma_start3A_124 = arith.constant 0 : i32
    %dma_start3A_125 = tpu.memref_slice %arg4[%add3A_113, %dma_start3A_124] : memref<2560x64xi32, #tpu.memory_space<hbm>> -> memref<1x64xi32, #tpu.memory_space<hbm>>
    %dma_start3A_126 = tpu.memref_squeeze %dma_start3A_125 : memref<1x64xi32, #tpu.memory_space<hbm>> -> memref<64xi32, #tpu.memory_space<hbm>>
    tpu.enqueue_dma source(%dma_start3A_126 : memref<64xi32, #tpu.memory_space<hbm>>) target(%dma_start3A_123 : memref<64xi32, #tpu.memory_space<vmem>>) target_semaphore(%arg14 : memref<!tpu.dma_semaphore, #tpu.memory_space<semaphore_mem>>)
    %add3A_127 = arith.constant 1 : i32
    %add3A_128 = arith.addi %mul3A_2, %add3A_127 : i32
    %dma_start3A_129 = arith.constant 1 : i32
    %dma_start3A_130 = arith.constant 0 : i32
    %dma_start3A_131 = tpu.memref_slice %arg7[%dma_start3A_129, %dma_start3A_130] : memref<4x64xi32, #tpu.memory_space<vmem>> -> memref<1x64xi32, #tpu.memory_space<vmem>>
    %dma_start3A_132 = tpu.memref_squeeze %dma_start3A_131 : memref<1x64xi32, #tpu.memory_space<vmem>> -> memref<64xi32, #tpu.memory_space<vmem>>
    %dma_start3A_133 = arith.constant 0 : i32
    %dma_start3A_134 = tpu.memref_slice %arg3[%add3A_128, %dma_start3A_133] : memref<2560x64xi32, #tpu.memory_space<hbm>> -> memref<1x64xi32, #tpu.memory_space<hbm>>
    %dma_start3A_135 = tpu.memref_squeeze %dma_start3A_134 : memref<1x64xi32, #tpu.memory_space<hbm>> -> memref<64xi32, #tpu.memory_space<hbm>>
    %dma_start3A_136 = arith.constant 0 : i32
    %dma_start3A_137 = tpu.memref_slice %arg7[%dma_start3A_129, %dma_start3A_136] : memref<4x64xi32, #tpu.memory_space<vmem>> -> memref<1x64xi32, #tpu.memory_space<vmem>>
    %dma_start3A_138 = tpu.memref_squeeze %dma_start3A_137 : memref<1x64xi32, #tpu.memory_space<vmem>> -> memref<64xi32, #tpu.memory_space<vmem>>
    %dma_start3A_139 = arith.constant 0 : i32
    %dma_start3A_140 = tpu.memref_slice %arg3[%add3A_128, %dma_start3A_139] : memref<2560x64xi32, #tpu.memory_space<hbm>> -> memref<1x64xi32, #tpu.memory_space<hbm>>
    %dma_start3A_141 = tpu.memref_squeeze %dma_start3A_140 : memref<1x64xi32, #tpu.memory_space<hbm>> -> memref<64xi32, #tpu.memory_space<hbm>>
    tpu.enqueue_dma source(%dma_start3A_141 : memref<64xi32, #tpu.memory_space<hbm>>) target(%dma_start3A_138 : memref<64xi32, #tpu.memory_space<vmem>>) target_semaphore(%arg15 : memref<!tpu.dma_semaphore, #tpu.memory_space<semaphore_mem>>)
    %add3A_142 = arith.constant 1 : i32
    %add3A_143 = arith.addi %mul3A_2, %add3A_142 : i32
    %dma_start3A_144 = arith.constant 1 : i32
    %dma_start3A_145 = arith.constant 0 : i32
    %dma_start3A_146 = tpu.memref_slice %arg8[%dma_start3A_144, %dma_start3A_145] : memref<4x64xi32, #tpu.memory_space<vmem>> -> memref<1x64xi32, #tpu.memory_space<vmem>>
    %dma_start3A_147 = tpu.memref_squeeze %dma_start3A_146 : memref<1x64xi32, #tpu.memory_space<vmem>> -> memref<64xi32, #tpu.memory_space<vmem>>
    %dma_start3A_148 = arith.constant 0 : i32
    %dma_start3A_149 = tpu.memref_slice %arg4[%add3A_143, %dma_start3A_148] : memref<2560x64xi32, #tpu.memory_space<hbm>> -> memref<1x64xi32, #tpu.memory_space<hbm>>
    %dma_start3A_150 = tpu.memref_squeeze %dma_start3A_149 : memref<1x64xi32, #tpu.memory_space<hbm>> -> memref<64xi32, #tpu.memory_space<hbm>>
    %dma_start3A_151 = arith.constant 0 : i32
    %dma_start3A_152 = tpu.memref_slice %arg8[%dma_start3A_144, %dma_start3A_151] : memref<4x64xi32, #tpu.memory_space<vmem>> -> memref<1x64xi32, #tpu.memory_space<vmem>>
    %dma_start3A_153 = tpu.memref_squeeze %dma_start3A_152 : memref<1x64xi32, #tpu.memory_space<vmem>> -> memref<64xi32, #tpu.memory_space<vmem>>
    %dma_start3A_154 = arith.constant 0 : i32
    %dma_start3A_155 = tpu.memref_slice %arg4[%add3A_143, %dma_start3A_154] : memref<2560x64xi32, #tpu.memory_space<hbm>> -> memref<1x64xi32, #tpu.memory_space<hbm>>
    %dma_start3A_156 = tpu.memref_squeeze %dma_start3A_155 : memref<1x64xi32, #tpu.memory_space<hbm>> -> memref<64xi32, #tpu.memory_space<hbm>>
    tpu.enqueue_dma source(%dma_start3A_156 : memref<64xi32, #tpu.memory_space<hbm>>) target(%dma_start3A_153 : memref<64xi32, #tpu.memory_space<vmem>>) target_semaphore(%arg15 : memref<!tpu.dma_semaphore, #tpu.memory_space<semaphore_mem>>)
    %dma_wait3A = arith.constant 0 : i32
    %dma_wait3A_157 = arith.constant 0 : i32
    %dma_wait3A_158 = arith.constant 0 : i32
    %dma_wait3A_159 = tpu.memref_slice %arg7[%dma_wait3A_157, %dma_wait3A_158] : memref<4x64xi32, #tpu.memory_space<vmem>> -> memref<1x64xi32, #tpu.memory_space<vmem>>
    %dma_wait3A_160 = tpu.memref_squeeze %dma_wait3A_159 : memref<1x64xi32, #tpu.memory_space<vmem>> -> memref<64xi32, #tpu.memory_space<vmem>>
    %dma_wait3A_161 = arith.constant 0 : i32
    %dma_wait3A_162 = tpu.memref_slice %arg3[%dma_wait3A, %dma_wait3A_161] : memref<2560x64xi32, #tpu.memory_space<hbm>> -> memref<1x64xi32, #tpu.memory_space<hbm>>
    %dma_wait3A_163 = tpu.memref_squeeze %dma_wait3A_162 : memref<1x64xi32, #tpu.memory_space<hbm>> -> memref<64xi32, #tpu.memory_space<hbm>>
    %dma_wait3A_164 = arith.constant 0 : i32
    %dma_wait3A_165 = tpu.memref_slice %arg7[%dma_wait3A_157, %dma_wait3A_164] : memref<4x64xi32, #tpu.memory_space<vmem>> -> memref<1x64xi32, #tpu.memory_space<vmem>>
    %dma_wait3A_166 = tpu.memref_squeeze %dma_wait3A_165 : memref<1x64xi32, #tpu.memory_space<vmem>> -> memref<64xi32, #tpu.memory_space<vmem>>
    %dma_wait3A_167 = arith.constant 0 : i32
    %dma_wait3A_168 = tpu.memref_slice %arg3[%dma_wait3A, %dma_wait3A_167] : memref<2560x64xi32, #tpu.memory_space<hbm>> -> memref<1x64xi32, #tpu.memory_space<hbm>>
    %dma_wait3A_169 = tpu.memref_squeeze %dma_wait3A_168 : memref<1x64xi32, #tpu.memory_space<hbm>> -> memref<64xi32, #tpu.memory_space<hbm>>
    tpu.wait_dma2 semaphore(%arg14 : memref<!tpu.dma_semaphore, #tpu.memory_space<semaphore_mem>>) src(%dma_wait3A_169 : memref<64xi32, #tpu.memory_space<hbm>>) dst(%dma_wait3A_166 : memref<64xi32, #tpu.memory_space<vmem>>)
    %dma_wait3A_170 = arith.constant 0 : i32
    %dma_wait3A_171 = arith.constant 0 : i32
    %dma_wait3A_172 = arith.constant 0 : i32
    %dma_wait3A_173 = tpu.memref_slice %arg8[%dma_wait3A_171, %dma_wait3A_172] : memref<4x64xi32, #tpu.memory_space<vmem>> -> memref<1x64xi32, #tpu.memory_space<vmem>>
    %dma_wait3A_174 = tpu.memref_squeeze %dma_wait3A_173 : memref<1x64xi32, #tpu.memory_space<vmem>> -> memref<64xi32, #tpu.memory_space<vmem>>
    %dma_wait3A_175 = arith.constant 0 : i32
    %dma_wait3A_176 = tpu.memref_slice %arg4[%dma_wait3A_170, %dma_wait3A_175] : memref<2560x64xi32, #tpu.memory_space<hbm>> -> memref<1x64xi32, #tpu.memory_space<hbm>>
    %dma_wait3A_177 = tpu.memref_squeeze %dma_wait3A_176 : memref<1x64xi32, #tpu.memory_space<hbm>> -> memref<64xi32, #tpu.memory_space<hbm>>
    %dma_wait3A_178 = arith.constant 0 : i32
    %dma_wait3A_179 = tpu.memref_slice %arg8[%dma_wait3A_171, %dma_wait3A_178] : memref<4x64xi32, #tpu.memory_space<vmem>> -> memref<1x64xi32, #tpu.memory_space<vmem>>
    %dma_wait3A_180 = tpu.memref_squeeze %dma_wait3A_179 : memref<1x64xi32, #tpu.memory_space<vmem>> -> memref<64xi32, #tpu.memory_space<vmem>>
    %dma_wait3A_181 = arith.constant 0 : i32
    %dma_wait3A_182 = tpu.memref_slice %arg4[%dma_wait3A_170, %dma_wait3A_181] : memref<2560x64xi32, #tpu.memory_space<hbm>> -> memref<1x64xi32, #tpu.memory_space<hbm>>
    %dma_wait3A_183 = tpu.memref_squeeze %dma_wait3A_182 : memref<1x64xi32, #tpu.memory_space<hbm>> -> memref<64xi32, #tpu.memory_space<hbm>>
    tpu.wait_dma2 semaphore(%arg14 : memref<!tpu.dma_semaphore, #tpu.memory_space<semaphore_mem>>) src(%dma_wait3A_183 : memref<64xi32, #tpu.memory_space<hbm>>) dst(%dma_wait3A_180 : memref<64xi32, #tpu.memory_space<vmem>>)
    %dma_start3A_184 = arith.constant 0 : i32
    %dma_start3A_185 = arith.constant 0 : i32
    %dma_start3A_186 = arith.constant 0 : i32
    %dma_start3A_187 = arith.constant 0 : i32
    %dma_start3A_188 = tpu.memref_slice %arg9[%dma_start3A_185, %dma_start3A_186, %dma_start3A_187] : memref<2x64x128xi32, #tpu.memory_space<vmem>> -> memref<1x64x128xi32, #tpu.memory_space<vmem>>
    %dma_start3A_189 = tpu.memref_squeeze %dma_start3A_188 : memref<1x64x128xi32, #tpu.memory_space<vmem>> -> memref<64x128xi32, #tpu.memory_space<vmem>>
    %dma_start3A_190 = arith.constant 0 : i32
    %dma_start3A_191 = tpu.memref_slice %arg7[%dma_start3A_184, %dma_start3A_190] : memref<4x64xi32, #tpu.memory_space<vmem>> -> memref<1x64xi32, #tpu.memory_space<vmem>>
    %dma_start3A_192 = tpu.memref_squeeze %dma_start3A_191 : memref<1x64xi32, #tpu.memory_space<vmem>> -> memref<64xi32, #tpu.memory_space<vmem>>
    %dma_start3A_193 = arith.constant 0 : i32
    %dma_start3A_194 = arith.constant 0 : i32
    %dma_start3A_195 = tpu.memref_slice %arg6[%dma_start3A_193, %dma_start3A_194] : memref<10240x128xi32, #tpu.memory_space<vmem_shared>> -> memref<10240x128xi32, #tpu.memory_space<vmem_shared>>
    tpu.enqueue_indirect_dma source(%dma_start3A_195 : memref<10240x128xi32, #tpu.memory_space<vmem_shared>>) target(%dma_start3A_189 : memref<64x128xi32, #tpu.memory_space<vmem>>) offsets(%dma_start3A_192 : memref<64xi32, #tpu.memory_space<vmem>>) semaphore(%arg12 : memref<!tpu.dma_semaphore, #tpu.memory_space<semaphore_mem>>)
    %dma_start3A_196 = arith.constant 0 : i32
    %dma_start3A_197 = arith.constant 0 : i32
    %dma_start3A_198 = arith.constant 0 : i32
    %dma_start3A_199 = arith.constant 0 : i32
    %dma_start3A_200 = tpu.memref_slice %arg10[%dma_start3A_197, %dma_start3A_198, %dma_start3A_199] : memref<2x64x128xi32, #tpu.memory_space<vmem>> -> memref<1x64x128xi32, #tpu.memory_space<vmem>>
    %dma_start3A_201 = tpu.memref_squeeze %dma_start3A_200 : memref<1x64x128xi32, #tpu.memory_space<vmem>> -> memref<64x128xi32, #tpu.memory_space<vmem>>
    %dma_start3A_202 = arith.constant 0 : i32
    %dma_start3A_203 = tpu.memref_slice %arg8[%dma_start3A_196, %dma_start3A_202] : memref<4x64xi32, #tpu.memory_space<vmem>> -> memref<1x64xi32, #tpu.memory_space<vmem>>
    %dma_start3A_204 = tpu.memref_squeeze %dma_start3A_203 : memref<1x64xi32, #tpu.memory_space<vmem>> -> memref<64xi32, #tpu.memory_space<vmem>>
    %dma_start3A_205 = arith.constant 0 : i32
    %dma_start3A_206 = arith.constant 0 : i32
    %dma_start3A_207 = tpu.memref_slice %arg6[%dma_start3A_205, %dma_start3A_206] : memref<10240x128xi32, #tpu.memory_space<vmem_shared>> -> memref<10240x128xi32, #tpu.memory_space<vmem_shared>>
    tpu.enqueue_indirect_dma source(%dma_start3A_207 : memref<10240x128xi32, #tpu.memory_space<vmem_shared>>) target(%dma_start3A_201 : memref<64x128xi32, #tpu.memory_space<vmem>>) offsets(%dma_start3A_204 : memref<64xi32, #tpu.memory_space<vmem>>) semaphore(%arg12 : memref<!tpu.dma_semaphore, #tpu.memory_space<semaphore_mem>>)
    %scan3A = arith.constant 0 : i32
    %scan3A_208 = arith.constant 0 : i32
    %scan3A_209 = arith.constant 20 : i32
    %scan3A_210 = arith.addi %scan3A_208, %scan3A_209 : i32
    %scan3A_211 = arith.constant 1 : i32
    scf.for %scan3A_213 = %scan3A_208 to %scan3A_210 step %scan3A_211  : i32 {
      %mul3A_214 = arith.constant 4 : i32
      %mul3A_215 = arith.muli %mul3A_214, %scan3A_213 : i32
      %add3A_216 = arith.constant 0 : i32
      %add3A_217 = arith.addi %mul3A_215, %add3A_216 : i32
      %add3A_218 = arith.constant 1 : i32
      %add3A_219 = arith.addi %add3A_217, %add3A_218 : i32
      %lt3A_220 = arith.constant 80 : i32
      %lt3A_221 = arith.cmpi slt, %add3A_219, %lt3A_220 : i32
      %convert_element_type3A = arith.extui %lt3A_221 : i1 to i32
      %cond3A = arith.constant 0 : i32
      %cond3A_222 = arith.cmpi ne, %convert_element_type3A, %cond3A : i32
      scf.if %cond3A_222 {
        %dma_wait3A_423 = arith.constant 0 : i32
        %dma_wait3A_424 = arith.constant 1 : i32
        %dma_wait3A_425 = arith.constant 0 : i32
        %dma_wait3A_426 = tpu.memref_slice %arg7[%dma_wait3A_424, %dma_wait3A_425] : memref<4x64xi32, #tpu.memory_space<vmem>> -> memref<1x64xi32, #tpu.memory_space<vmem>>
        %dma_wait3A_427 = tpu.memref_squeeze %dma_wait3A_426 : memref<1x64xi32, #tpu.memory_space<vmem>> -> memref<64xi32, #tpu.memory_space<vmem>>
        %dma_wait3A_428 = arith.constant 0 : i32
        %dma_wait3A_429 = tpu.memref_slice %arg3[%dma_wait3A_423, %dma_wait3A_428] : memref<2560x64xi32, #tpu.memory_space<hbm>> -> memref<1x64xi32, #tpu.memory_space<hbm>>
        %dma_wait3A_430 = tpu.memref_squeeze %dma_wait3A_429 : memref<1x64xi32, #tpu.memory_space<hbm>> -> memref<64xi32, #tpu.memory_space<hbm>>
        %dma_wait3A_431 = arith.constant 0 : i32
        %dma_wait3A_432 = tpu.memref_slice %arg7[%dma_wait3A_424, %dma_wait3A_431] : memref<4x64xi32, #tpu.memory_space<vmem>> -> memref<1x64xi32, #tpu.memory_space<vmem>>
        %dma_wait3A_433 = tpu.memref_squeeze %dma_wait3A_432 : memref<1x64xi32, #tpu.memory_space<vmem>> -> memref<64xi32, #tpu.memory_space<vmem>>
        %dma_wait3A_434 = arith.constant 0 : i32
        %dma_wait3A_435 = tpu.memref_slice %arg3[%dma_wait3A_423, %dma_wait3A_434] : memref<2560x64xi32, #tpu.memory_space<hbm>> -> memref<1x64xi32, #tpu.memory_space<hbm>>
        %dma_wait3A_436 = tpu.memref_squeeze %dma_wait3A_435 : memref<1x64xi32, #tpu.memory_space<hbm>> -> memref<64xi32, #tpu.memory_space<hbm>>
        tpu.wait_dma2 semaphore(%arg15 : memref<!tpu.dma_semaphore, #tpu.memory_space<semaphore_mem>>) src(%dma_wait3A_436 : memref<64xi32, #tpu.memory_space<hbm>>) dst(%dma_wait3A_433 : memref<64xi32, #tpu.memory_space<vmem>>)
        %dma_wait3A_437 = arith.constant 0 : i32
        %dma_wait3A_438 = arith.constant 1 : i32
        %dma_wait3A_439 = arith.constant 0 : i32
        %dma_wait3A_440 = tpu.memref_slice %arg8[%dma_wait3A_438, %dma_wait3A_439] : memref<4x64xi32, #tpu.memory_space<vmem>> -> memref<1x64xi32, #tpu.memory_space<vmem>>
        %dma_wait3A_441 = tpu.memref_squeeze %dma_wait3A_440 : memref<1x64xi32, #tpu.memory_space<vmem>> -> memref<64xi32, #tpu.memory_space<vmem>>
        %dma_wait3A_442 = arith.constant 0 : i32
        %dma_wait3A_443 = tpu.memref_slice %arg4[%dma_wait3A_437, %dma_wait3A_442] : memref<2560x64xi32, #tpu.memory_space<hbm>> -> memref<1x64xi32, #tpu.memory_space<hbm>>
        %dma_wait3A_444 = tpu.memref_squeeze %dma_wait3A_443 : memref<1x64xi32, #tpu.memory_space<hbm>> -> memref<64xi32, #tpu.memory_space<hbm>>
        %dma_wait3A_445 = arith.constant 0 : i32
        %dma_wait3A_446 = tpu.memref_slice %arg8[%dma_wait3A_438, %dma_wait3A_445] : memref<4x64xi32, #tpu.memory_space<vmem>> -> memref<1x64xi32, #tpu.memory_space<vmem>>
        %dma_wait3A_447 = tpu.memref_squeeze %dma_wait3A_446 : memref<1x64xi32, #tpu.memory_space<vmem>> -> memref<64xi32, #tpu.memory_space<vmem>>
        %dma_wait3A_448 = arith.constant 0 : i32
        %dma_wait3A_449 = tpu.memref_slice %arg4[%dma_wait3A_437, %dma_wait3A_448] : memref<2560x64xi32, #tpu.memory_space<hbm>> -> memref<1x64xi32, #tpu.memory_space<hbm>>
        %dma_wait3A_450 = tpu.memref_squeeze %dma_wait3A_449 : memref<1x64xi32, #tpu.memory_space<hbm>> -> memref<64xi32, #tpu.memory_space<hbm>>
        tpu.wait_dma2 semaphore(%arg15 : memref<!tpu.dma_semaphore, #tpu.memory_space<semaphore_mem>>) src(%dma_wait3A_450 : memref<64xi32, #tpu.memory_space<hbm>>) dst(%dma_wait3A_447 : memref<64xi32, #tpu.memory_space<vmem>>)
        %dma_start3A_451 = arith.constant 1 : i32
        %dma_start3A_452 = arith.constant 1 : i32
        %dma_start3A_453 = arith.constant 0 : i32
        %dma_start3A_454 = arith.constant 0 : i32
        %dma_start3A_455 = tpu.memref_slice %arg9[%dma_start3A_452, %dma_start3A_453, %dma_start3A_454] : memref<2x64x128xi32, #tpu.memory_space<vmem>> -> memref<1x64x128xi32, #tpu.memory_space<vmem>>
        %dma_start3A_456 = tpu.memref_squeeze %dma_start3A_455 : memref<1x64x128xi32, #tpu.memory_space<vmem>> -> memref<64x128xi32, #tpu.memory_space<vmem>>
        %dma_start3A_457 = arith.constant 0 : i32
        %dma_start3A_458 = tpu.memref_slice %arg7[%dma_start3A_451, %dma_start3A_457] : memref<4x64xi32, #tpu.memory_space<vmem>> -> memref<1x64xi32, #tpu.memory_space<vmem>>
        %dma_start3A_459 = tpu.memref_squeeze %dma_start3A_458 : memref<1x64xi32, #tpu.memory_space<vmem>> -> memref<64xi32, #tpu.memory_space<vmem>>
        %dma_start3A_460 = arith.constant 0 : i32
        %dma_start3A_461 = arith.constant 0 : i32
        %dma_start3A_462 = tpu.memref_slice %arg6[%dma_start3A_460, %dma_start3A_461] : memref<10240x128xi32, #tpu.memory_space<vmem_shared>> -> memref<10240x128xi32, #tpu.memory_space<vmem_shared>>
        tpu.enqueue_indirect_dma source(%dma_start3A_462 : memref<10240x128xi32, #tpu.memory_space<vmem_shared>>) target(%dma_start3A_456 : memref<64x128xi32, #tpu.memory_space<vmem>>) offsets(%dma_start3A_459 : memref<64xi32, #tpu.memory_space<vmem>>) semaphore(%arg13 : memref<!tpu.dma_semaphore, #tpu.memory_space<semaphore_mem>>)
        %dma_start3A_463 = arith.constant 1 : i32
        %dma_start3A_464 = arith.constant 1 : i32
        %dma_start3A_465 = arith.constant 0 : i32
        %dma_start3A_466 = arith.constant 0 : i32
        %dma_start3A_467 = tpu.memref_slice %arg10[%dma_start3A_464, %dma_start3A_465, %dma_start3A_466] : memref<2x64x128xi32, #tpu.memory_space<vmem>> -> memref<1x64x128xi32, #tpu.memory_space<vmem>>
        %dma_start3A_468 = tpu.memref_squeeze %dma_start3A_467 : memref<1x64x128xi32, #tpu.memory_space<vmem>> -> memref<64x128xi32, #tpu.memory_space<vmem>>
        %dma_start3A_469 = arith.constant 0 : i32
        %dma_start3A_470 = tpu.memref_slice %arg8[%dma_start3A_463, %dma_start3A_469] : memref<4x64xi32, #tpu.memory_space<vmem>> -> memref<1x64xi32, #tpu.memory_space<vmem>>
        %dma_start3A_471 = tpu.memref_squeeze %dma_start3A_470 : memref<1x64xi32, #tpu.memory_space<vmem>> -> memref<64xi32, #tpu.memory_space<vmem>>
        %dma_start3A_472 = arith.constant 0 : i32
        %dma_start3A_473 = arith.constant 0 : i32
        %dma_start3A_474 = tpu.memref_slice %arg6[%dma_start3A_472, %dma_start3A_473] : memref<10240x128xi32, #tpu.memory_space<vmem_shared>> -> memref<10240x128xi32, #tpu.memory_space<vmem_shared>>
        tpu.enqueue_indirect_dma source(%dma_start3A_474 : memref<10240x128xi32, #tpu.memory_space<vmem_shared>>) target(%dma_start3A_468 : memref<64x128xi32, #tpu.memory_space<vmem>>) offsets(%dma_start3A_471 : memref<64xi32, #tpu.memory_space<vmem>>) semaphore(%arg13 : memref<!tpu.dma_semaphore, #tpu.memory_space<semaphore_mem>>)
      } else {
      }
      %add3A_223 = arith.constant 2 : i32
      %add3A_224 = arith.addi %add3A_217, %add3A_223 : i32
      %lt3A_225 = arith.constant 80 : i32
      %lt3A_226 = arith.cmpi slt, %add3A_224, %lt3A_225 : i32
      %convert_element_type3A_227 = arith.extui %lt3A_226 : i1 to i32
      %cond3A_228 = arith.constant 0 : i32
      %cond3A_229 = arith.cmpi ne, %convert_element_type3A_227, %cond3A_228 : i32
      scf.if %cond3A_229 {
        %add3A_423 = arith.constant 2 : i32
        %add3A_424 = arith.addi %add3A_217, %add3A_423 : i32
        %add3A_425 = arith.addi %mul3A_2, %add3A_424 : i32
        %dma_start3A_426 = arith.constant 2 : i32
        %dma_start3A_427 = arith.constant 0 : i32
        %dma_start3A_428 = tpu.memref_slice %arg7[%dma_start3A_426, %dma_start3A_427] : memref<4x64xi32, #tpu.memory_space<vmem>> -> memref<1x64xi32, #tpu.memory_space<vmem>>
        %dma_start3A_429 = tpu.memref_squeeze %dma_start3A_428 : memref<1x64xi32, #tpu.memory_space<vmem>> -> memref<64xi32, #tpu.memory_space<vmem>>
        %dma_start3A_430 = arith.constant 0 : i32
        %dma_start3A_431 = tpu.memref_slice %arg3[%add3A_425, %dma_start3A_430] : memref<2560x64xi32, #tpu.memory_space<hbm>> -> memref<1x64xi32, #tpu.memory_space<hbm>>
        %dma_start3A_432 = tpu.memref_squeeze %dma_start3A_431 : memref<1x64xi32, #tpu.memory_space<hbm>> -> memref<64xi32, #tpu.memory_space<hbm>>
        %dma_start3A_433 = arith.constant 0 : i32
        %dma_start3A_434 = tpu.memref_slice %arg7[%dma_start3A_426, %dma_start3A_433] : memref<4x64xi32, #tpu.memory_space<vmem>> -> memref<1x64xi32, #tpu.memory_space<vmem>>
        %dma_start3A_435 = tpu.memref_squeeze %dma_start3A_434 : memref<1x64xi32, #tpu.memory_space<vmem>> -> memref<64xi32, #tpu.memory_space<vmem>>
        %dma_start3A_436 = arith.constant 0 : i32
        %dma_start3A_437 = tpu.memref_slice %arg3[%add3A_425, %dma_start3A_436] : memref<2560x64xi32, #tpu.memory_space<hbm>> -> memref<1x64xi32, #tpu.memory_space<hbm>>
        %dma_start3A_438 = tpu.memref_squeeze %dma_start3A_437 : memref<1x64xi32, #tpu.memory_space<hbm>> -> memref<64xi32, #tpu.memory_space<hbm>>
        tpu.enqueue_dma source(%dma_start3A_438 : memref<64xi32, #tpu.memory_space<hbm>>) target(%dma_start3A_435 : memref<64xi32, #tpu.memory_space<vmem>>) target_semaphore(%arg16 : memref<!tpu.dma_semaphore, #tpu.memory_space<semaphore_mem>>)
        %add3A_439 = arith.addi %mul3A_2, %add3A_424 : i32
        %dma_start3A_440 = arith.constant 2 : i32
        %dma_start3A_441 = arith.constant 0 : i32
        %dma_start3A_442 = tpu.memref_slice %arg8[%dma_start3A_440, %dma_start3A_441] : memref<4x64xi32, #tpu.memory_space<vmem>> -> memref<1x64xi32, #tpu.memory_space<vmem>>
        %dma_start3A_443 = tpu.memref_squeeze %dma_start3A_442 : memref<1x64xi32, #tpu.memory_space<vmem>> -> memref<64xi32, #tpu.memory_space<vmem>>
        %dma_start3A_444 = arith.constant 0 : i32
        %dma_start3A_445 = tpu.memref_slice %arg4[%add3A_439, %dma_start3A_444] : memref<2560x64xi32, #tpu.memory_space<hbm>> -> memref<1x64xi32, #tpu.memory_space<hbm>>
        %dma_start3A_446 = tpu.memref_squeeze %dma_start3A_445 : memref<1x64xi32, #tpu.memory_space<hbm>> -> memref<64xi32, #tpu.memory_space<hbm>>
        %dma_start3A_447 = arith.constant 0 : i32
        %dma_start3A_448 = tpu.memref_slice %arg8[%dma_start3A_440, %dma_start3A_447] : memref<4x64xi32, #tpu.memory_space<vmem>> -> memref<1x64xi32, #tpu.memory_space<vmem>>
        %dma_start3A_449 = tpu.memref_squeeze %dma_start3A_448 : memref<1x64xi32, #tpu.memory_space<vmem>> -> memref<64xi32, #tpu.memory_space<vmem>>
        %dma_start3A_450 = arith.constant 0 : i32
        %dma_start3A_451 = tpu.memref_slice %arg4[%add3A_439, %dma_start3A_450] : memref<2560x64xi32, #tpu.memory_space<hbm>> -> memref<1x64xi32, #tpu.memory_space<hbm>>
        %dma_start3A_452 = tpu.memref_squeeze %dma_start3A_451 : memref<1x64xi32, #tpu.memory_space<hbm>> -> memref<64xi32, #tpu.memory_space<hbm>>
        tpu.enqueue_dma source(%dma_start3A_452 : memref<64xi32, #tpu.memory_space<hbm>>) target(%dma_start3A_449 : memref<64xi32, #tpu.memory_space<vmem>>) target_semaphore(%arg16 : memref<!tpu.dma_semaphore, #tpu.memory_space<semaphore_mem>>)
      } else {
      }
      %dma_wait3A_230 = arith.constant 0 : i32
      %dma_wait3A_231 = arith.constant 0 : i32
      %dma_wait3A_232 = arith.constant 0 : i32
      %dma_wait3A_233 = arith.constant 0 : i32
      %dma_wait3A_234 = tpu.memref_slice %arg9[%dma_wait3A_231, %dma_wait3A_232, %dma_wait3A_233] : memref<2x64x128xi32, #tpu.memory_space<vmem>> -> memref<1x64x128xi32, #tpu.memory_space<vmem>>
      %dma_wait3A_235 = tpu.memref_squeeze %dma_wait3A_234 : memref<1x64x128xi32, #tpu.memory_space<vmem>> -> memref<64x128xi32, #tpu.memory_space<vmem>>
      %dma_wait3A_236 = arith.constant 0 : i32
      %dma_wait3A_237 = tpu.memref_slice %arg7[%dma_wait3A_230, %dma_wait3A_236] : memref<4x64xi32, #tpu.memory_space<vmem>> -> memref<1x64xi32, #tpu.memory_space<vmem>>
      %dma_wait3A_238 = tpu.memref_squeeze %dma_wait3A_237 : memref<1x64xi32, #tpu.memory_space<vmem>> -> memref<64xi32, #tpu.memory_space<vmem>>
      %dma_wait3A_239 = arith.constant 0 : i32
      %dma_wait3A_240 = arith.constant 0 : i32
      %dma_wait3A_241 = tpu.memref_slice %arg6[%dma_wait3A_239, %dma_wait3A_240] : memref<10240x128xi32, #tpu.memory_space<vmem_shared>> -> memref<10240x128xi32, #tpu.memory_space<vmem_shared>>
      tpu.wait_indirect_dma semaphore(%arg12 : memref<!tpu.dma_semaphore, #tpu.memory_space<semaphore_mem>>) src(%dma_wait3A_241 : memref<10240x128xi32, #tpu.memory_space<vmem_shared>>) dst(%dma_wait3A_235 : memref<64x128xi32, #tpu.memory_space<vmem>>)
      %dma_wait3A_242 = arith.constant 0 : i32
      %dma_wait3A_243 = arith.constant 0 : i32
      %dma_wait3A_244 = arith.constant 0 : i32
      %dma_wait3A_245 = arith.constant 0 : i32
      %dma_wait3A_246 = tpu.memref_slice %arg10[%dma_wait3A_243, %dma_wait3A_244, %dma_wait3A_245] : memref<2x64x128xi32, #tpu.memory_space<vmem>> -> memref<1x64x128xi32, #tpu.memory_space<vmem>>
      %dma_wait3A_247 = tpu.memref_squeeze %dma_wait3A_246 : memref<1x64x128xi32, #tpu.memory_space<vmem>> -> memref<64x128xi32, #tpu.memory_space<vmem>>
      %dma_wait3A_248 = arith.constant 0 : i32
      %dma_wait3A_249 = tpu.memref_slice %arg8[%dma_wait3A_242, %dma_wait3A_248] : memref<4x64xi32, #tpu.memory_space<vmem>> -> memref<1x64xi32, #tpu.memory_space<vmem>>
      %dma_wait3A_250 = tpu.memref_squeeze %dma_wait3A_249 : memref<1x64xi32, #tpu.memory_space<vmem>> -> memref<64xi32, #tpu.memory_space<vmem>>
      %dma_wait3A_251 = arith.constant 0 : i32
      %dma_wait3A_252 = arith.constant 0 : i32
      %dma_wait3A_253 = tpu.memref_slice %arg6[%dma_wait3A_251, %dma_wait3A_252] : memref<10240x128xi32, #tpu.memory_space<vmem_shared>> -> memref<10240x128xi32, #tpu.memory_space<vmem_shared>>
      tpu.wait_indirect_dma semaphore(%arg12 : memref<!tpu.dma_semaphore, #tpu.memory_space<semaphore_mem>>) src(%dma_wait3A_253 : memref<10240x128xi32, #tpu.memory_space<vmem_shared>>) dst(%dma_wait3A_247 : memref<64x128xi32, #tpu.memory_space<vmem>>)
      %scan3A_254 = arith.constant 0 : i32
      %scan3A_255 = arith.constant 0 : i32
      %scan3A_256 = arith.constant 0 : i32
      %scan3A_257 = arith.constant 0 : i32
      %scan3A_258 = arith.constant 0 : i32
      %scan3A_259 = arith.constant 4 : i32
      %scan3A_260 = arith.addi %scan3A_258, %scan3A_259 : i32
      %scan3A_261 = arith.constant 1 : i32
      scf.for %scan3A_423 = %scan3A_258 to %scan3A_260 step %scan3A_261  : i32 {
        %mul3A_424 = arith.constant 16 : i32
        %mul3A_425 = arith.muli %scan3A_423, %mul3A_424 : i32
        %broadcast_in_dim3A = arith.constant 0.000000e+00 : f32
        %broadcast_in_dim3A_426 = vector.broadcast %broadcast_in_dim3A : f32 to vector<16xf32>
        %scan3A_427 = arith.constant 0 : i32
        %scan3A_428 = arith.constant 16 : i32
        %scan3A_429 = arith.addi %scan3A_427, %scan3A_428 : i32
        %scan3A_430 = arith.constant 2 : i32
        %scan3A_431 = scf.for %scan3A_444 = %scan3A_427 to %scan3A_429 step %scan3A_430 iter_args(%scan3A_445 = %broadcast_in_dim3A_426) -> (vector<16xf32>)  : i32 {
          %add3A_446 = arith.addi %mul3A_425, %scan3A_444 : i32
          %broadcast_in_dim3A_447 = arith.constant 0.000000e+00 : f32
          %broadcast_in_dim3A_448 = vector.broadcast %broadcast_in_dim3A_447 : f32 to vector<16xf32>
          %get3A = arith.constant 0 : i32
          %get3A_449 = arith.constant 0 : i32
          %get3A_450 = tpu.memref_slice %arg9[%scan3A_255, %get3A, %get3A_449] : memref<2x64x128xi32, #tpu.memory_space<vmem>> -> memref<1x64x128xi32, #tpu.memory_space<vmem>>
          %get3A_451 = tpu.memref_squeeze %get3A_450 : memref<1x64x128xi32, #tpu.memory_space<vmem>> -> memref<64x128xi32, #tpu.memory_space<vmem>>
          %get3A_452 = arith.index_cast %add3A_446 : i32 to index
          %get3A_453 = arith.constant 0 : index
          %get3A_454 = tpu.vector_load %get3A_451[%get3A_452, %get3A_453] {strides = array<i32>} : memref<64x128xi32, #tpu.memory_space<vmem>>, vector<16xi32>,
          %get3A_455 = arith.constant 0 : i32
          %get3A_456 = arith.constant 0 : i32
          %get3A_457 = tpu.memref_slice %arg10[%scan3A_256, %get3A_455, %get3A_456] : memref<2x64x128xi32, #tpu.memory_space<vmem>> -> memref<1x64x128xi32, #tpu.memory_space<vmem>>
          %get3A_458 = tpu.memref_squeeze %get3A_457 : memref<1x64x128xi32, #tpu.memory_space<vmem>> -> memref<64x128xi32, #tpu.memory_space<vmem>>
          %get3A_459 = arith.index_cast %add3A_446 : i32 to index
          %get3A_460 = arith.constant 0 : index
          %get3A_461 = tpu.vector_load %get3A_458[%get3A_459, %get3A_460] {strides = array<i32>} : memref<64x128xi32, #tpu.memory_space<vmem>>, vector<16xi32>,
          %shift_left3A = arith.constant 16 : i32
          %shift_left3A_462 = vector.broadcast %shift_left3A : i32 to vector<16xi32>
          %shift_left3A_463 = arith.shli %get3A_454, %shift_left3A_462 : vector<16xi32>
          %bitcast3A = vector.bitcast %shift_left3A_463 : vector<16xi32> to vector<16xf32>
          %shift_left3A_464 = arith.constant 16 : i32
          %shift_left3A_465 = vector.broadcast %shift_left3A_464 : i32 to vector<16xi32>
          %shift_left3A_466 = arith.shli %get3A_461, %shift_left3A_465 : vector<16xi32>
          %bitcast3A_467 = vector.bitcast %shift_left3A_466 : vector<16xi32> to vector<16xf32>
          %bitcast3A_468 = vector.bitcast %get3A_454 : vector<16xi32> to vector<16xf32>
          %bitcast3A_469 = vector.bitcast %get3A_461 : vector<16xi32> to vector<16xf32>
          %mul3A_470 = arith.mulf %bitcast3A, %bitcast3A_467 : vector<16xf32>
          %add3A_471 = arith.addf %broadcast_in_dim3A_448, %mul3A_470 : vector<16xf32>
          %mul3A_472 = arith.mulf %bitcast3A_468, %bitcast3A_469 : vector<16xf32>
          %add3A_473 = arith.addf %add3A_471, %mul3A_472 : vector<16xf32>
          %get3A_474 = arith.constant 0 : i32
          %get3A_475 = arith.constant 0 : i32
          %get3A_476 = tpu.memref_slice %arg9[%scan3A_255, %get3A_474, %get3A_475] : memref<2x64x128xi32, #tpu.memory_space<vmem>> -> memref<1x64x128xi32, #tpu.memory_space<vmem>>
          %get3A_477 = tpu.memref_squeeze %get3A_476 : memref<1x64x128xi32, #tpu.memory_space<vmem>> -> memref<64x128xi32, #tpu.memory_space<vmem>>
          %get3A_478 = arith.index_cast %add3A_446 : i32 to index
          %get3A_479 = arith.constant 16 : index
          %get3A_480 = tpu.vector_load %get3A_477[%get3A_478, %get3A_479] {strides = array<i32>} : memref<64x128xi32, #tpu.memory_space<vmem>>, vector<16xi32>,
          %get3A_481 = arith.constant 0 : i32
          %get3A_482 = arith.constant 0 : i32
          %get3A_483 = tpu.memref_slice %arg10[%scan3A_256, %get3A_481, %get3A_482] : memref<2x64x128xi32, #tpu.memory_space<vmem>> -> memref<1x64x128xi32, #tpu.memory_space<vmem>>
          %get3A_484 = tpu.memref_squeeze %get3A_483 : memref<1x64x128xi32, #tpu.memory_space<vmem>> -> memref<64x128xi32, #tpu.memory_space<vmem>>
          %get3A_485 = arith.index_cast %add3A_446 : i32 to index
          %get3A_486 = arith.constant 16 : index
          %get3A_487 = tpu.vector_load %get3A_484[%get3A_485, %get3A_486] {strides = array<i32>} : memref<64x128xi32, #tpu.memory_space<vmem>>, vector<16xi32>,
          %shift_left3A_488 = arith.constant 16 : i32
          %shift_left3A_489 = vector.broadcast %shift_left3A_488 : i32 to vector<16xi32>
          %shift_left3A_490 = arith.shli %get3A_480, %shift_left3A_489 : vector<16xi32>
          %bitcast3A_491 = vector.bitcast %shift_left3A_490 : vector<16xi32> to vector<16xf32>
          %shift_left3A_492 = arith.constant 16 : i32
          %shift_left3A_493 = vector.broadcast %shift_left3A_492 : i32 to vector<16xi32>
          %shift_left3A_494 = arith.shli %get3A_487, %shift_left3A_493 : vector<16xi32>
          %bitcast3A_495 = vector.bitcast %shift_left3A_494 : vector<16xi32> to vector<16xf32>
          %bitcast3A_496 = vector.bitcast %get3A_480 : vector<16xi32> to vector<16xf32>
          %bitcast3A_497 = vector.bitcast %get3A_487 : vector<16xi32> to vector<16xf32>
          %mul3A_498 = arith.mulf %bitcast3A_491, %bitcast3A_495 : vector<16xf32>
          %add3A_499 = arith.addf %add3A_473, %mul3A_498 : vector<16xf32>
          %mul3A_500 = arith.mulf %bitcast3A_496, %bitcast3A_497 : vector<16xf32>
          %add3A_501 = arith.addf %add3A_499, %mul3A_500 : vector<16xf32>
          %get3A_502 = arith.constant 0 : i32
          %get3A_503 = arith.constant 0 : i32
          %get3A_504 = tpu.memref_slice %arg9[%scan3A_255, %get3A_502, %get3A_503] : memref<2x64x128xi32, #tpu.memory_space<vmem>> -> memref<1x64x128xi32, #tpu.memory_space<vmem>>
          %get3A_505 = tpu.memref_squeeze %get3A_504 : memref<1x64x128xi32, #tpu.memory_space<vmem>> -> memref<64x128xi32, #tpu.memory_space<vmem>>
          %get3A_506 = arith.index_cast %add3A_446 : i32 to index
          %get3A_507 = arith.constant 32 : index
          %get3A_508 = tpu.vector_load %get3A_505[%get3A_506, %get3A_507] {strides = array<i32>} : memref<64x128xi32, #tpu.memory_space<vmem>>, vector<16xi32>,
          %get3A_509 = arith.constant 0 : i32
          %get3A_510 = arith.constant 0 : i32
          %get3A_511 = tpu.memref_slice %arg10[%scan3A_256, %get3A_509, %get3A_510] : memref<2x64x128xi32, #tpu.memory_space<vmem>> -> memref<1x64x128xi32, #tpu.memory_space<vmem>>
          %get3A_512 = tpu.memref_squeeze %get3A_511 : memref<1x64x128xi32, #tpu.memory_space<vmem>> -> memref<64x128xi32, #tpu.memory_space<vmem>>
          %get3A_513 = arith.index_cast %add3A_446 : i32 to index
          %get3A_514 = arith.constant 32 : index
          %get3A_515 = tpu.vector_load %get3A_512[%get3A_513, %get3A_514] {strides = array<i32>} : memref<64x128xi32, #tpu.memory_space<vmem>>, vector<16xi32>,
          %shift_left3A_516 = arith.constant 16 : i32
          %shift_left3A_517 = vector.broadcast %shift_left3A_516 : i32 to vector<16xi32>
          %shift_left3A_518 = arith.shli %get3A_508, %shift_left3A_517 : vector<16xi32>
          %bitcast3A_519 = vector.bitcast %shift_left3A_518 : vector<16xi32> to vector<16xf32>
          %shift_left3A_520 = arith.constant 16 : i32
          %shift_left3A_521 = vector.broadcast %shift_left3A_520 : i32 to vector<16xi32>
          %shift_left3A_522 = arith.shli %get3A_515, %shift_left3A_521 : vector<16xi32>
          %bitcast3A_523 = vector.bitcast %shift_left3A_522 : vector<16xi32> to vector<16xf32>
          %bitcast3A_524 = vector.bitcast %get3A_508 : vector<16xi32> to vector<16xf32>
          %bitcast3A_525 = vector.bitcast %get3A_515 : vector<16xi32> to vector<16xf32>
          %mul3A_526 = arith.mulf %bitcast3A_519, %bitcast3A_523 : vector<16xf32>
          %add3A_527 = arith.addf %add3A_501, %mul3A_526 : vector<16xf32>
          %mul3A_528 = arith.mulf %bitcast3A_524, %bitcast3A_525 : vector<16xf32>
          %add3A_529 = arith.addf %add3A_527, %mul3A_528 : vector<16xf32>
          %get3A_530 = arith.constant 0 : i32
          %get3A_531 = arith.constant 0 : i32
          %get3A_532 = tpu.memref_slice %arg9[%scan3A_255, %get3A_530, %get3A_531] : memref<2x64x128xi32, #tpu.memory_space<vmem>> -> memref<1x64x128xi32, #tpu.memory_space<vmem>>
          %get3A_533 = tpu.memref_squeeze %get3A_532 : memref<1x64x128xi32, #tpu.memory_space<vmem>> -> memref<64x128xi32, #tpu.memory_space<vmem>>
          %get3A_534 = arith.index_cast %add3A_446 : i32 to index
          %get3A_535 = arith.constant 48 : index
          %get3A_536 = tpu.vector_load %get3A_533[%get3A_534, %get3A_535] {strides = array<i32>} : memref<64x128xi32, #tpu.memory_space<vmem>>, vector<16xi32>,
          %get3A_537 = arith.constant 0 : i32
          %get3A_538 = arith.constant 0 : i32
          %get3A_539 = tpu.memref_slice %arg10[%scan3A_256, %get3A_537, %get3A_538] : memref<2x64x128xi32, #tpu.memory_space<vmem>> -> memref<1x64x128xi32, #tpu.memory_space<vmem>>
          %get3A_540 = tpu.memref_squeeze %get3A_539 : memref<1x64x128xi32, #tpu.memory_space<vmem>> -> memref<64x128xi32, #tpu.memory_space<vmem>>
          %get3A_541 = arith.index_cast %add3A_446 : i32 to index
          %get3A_542 = arith.constant 48 : index
          %get3A_543 = tpu.vector_load %get3A_540[%get3A_541, %get3A_542] {strides = array<i32>} : memref<64x128xi32, #tpu.memory_space<vmem>>, vector<16xi32>,
          %shift_left3A_544 = arith.constant 16 : i32
          %shift_left3A_545 = vector.broadcast %shift_left3A_544 : i32 to vector<16xi32>
          %shift_left3A_546 = arith.shli %get3A_536, %shift_left3A_545 : vector<16xi32>
          %bitcast3A_547 = vector.bitcast %shift_left3A_546 : vector<16xi32> to vector<16xf32>
          %shift_left3A_548 = arith.constant 16 : i32
          %shift_left3A_549 = vector.broadcast %shift_left3A_548 : i32 to vector<16xi32>
          %shift_left3A_550 = arith.shli %get3A_543, %shift_left3A_549 : vector<16xi32>
          %bitcast3A_551 = vector.bitcast %shift_left3A_550 : vector<16xi32> to vector<16xf32>
          %bitcast3A_552 = vector.bitcast %get3A_536 : vector<16xi32> to vector<16xf32>
          %bitcast3A_553 = vector.bitcast %get3A_543 : vector<16xi32> to vector<16xf32>
          %mul3A_554 = arith.mulf %bitcast3A_547, %bitcast3A_551 : vector<16xf32>
          %add3A_555 = arith.addf %add3A_529, %mul3A_554 : vector<16xf32>
          %mul3A_556 = arith.mulf %bitcast3A_552, %bitcast3A_553 : vector<16xf32>
          %add3A_557 = arith.addf %add3A_555, %mul3A_556 : vector<16xf32>
          %get3A_558 = arith.constant 0 : i32
          %get3A_559 = arith.constant 0 : i32
          %get3A_560 = tpu.memref_slice %arg9[%scan3A_255, %get3A_558, %get3A_559] : memref<2x64x128xi32, #tpu.memory_space<vmem>> -> memref<1x64x128xi32, #tpu.memory_space<vmem>>
          %get3A_561 = tpu.memref_squeeze %get3A_560 : memref<1x64x128xi32, #tpu.memory_space<vmem>> -> memref<64x128xi32, #tpu.memory_space<vmem>>
          %get3A_562 = arith.index_cast %add3A_446 : i32 to index
          %get3A_563 = arith.constant 64 : index
          %get3A_564 = tpu.vector_load %get3A_561[%get3A_562, %get3A_563] {strides = array<i32>} : memref<64x128xi32, #tpu.memory_space<vmem>>, vector<16xi32>,
          %get3A_565 = arith.constant 0 : i32
          %get3A_566 = arith.constant 0 : i32
          %get3A_567 = tpu.memref_slice %arg10[%scan3A_256, %get3A_565, %get3A_566] : memref<2x64x128xi32, #tpu.memory_space<vmem>> -> memref<1x64x128xi32, #tpu.memory_space<vmem>>
          %get3A_568 = tpu.memref_squeeze %get3A_567 : memref<1x64x128xi32, #tpu.memory_space<vmem>> -> memref<64x128xi32, #tpu.memory_space<vmem>>
          %get3A_569 = arith.index_cast %add3A_446 : i32 to index
          %get3A_570 = arith.constant 64 : index
          %get3A_571 = tpu.vector_load %get3A_568[%get3A_569, %get3A_570] {strides = array<i32>} : memref<64x128xi32, #tpu.memory_space<vmem>>, vector<16xi32>,
          %shift_left3A_572 = arith.constant 16 : i32
          %shift_left3A_573 = vector.broadcast %shift_left3A_572 : i32 to vector<16xi32>
          %shift_left3A_574 = arith.shli %get3A_564, %shift_left3A_573 : vector<16xi32>
          %bitcast3A_575 = vector.bitcast %shift_left3A_574 : vector<16xi32> to vector<16xf32>
          %shift_left3A_576 = arith.constant 16 : i32
          %shift_left3A_577 = vector.broadcast %shift_left3A_576 : i32 to vector<16xi32>
          %shift_left3A_578 = arith.shli %get3A_571, %shift_left3A_577 : vector<16xi32>
          %bitcast3A_579 = vector.bitcast %shift_left3A_578 : vector<16xi32> to vector<16xf32>
          %bitcast3A_580 = vector.bitcast %get3A_564 : vector<16xi32> to vector<16xf32>
          %bitcast3A_581 = vector.bitcast %get3A_571 : vector<16xi32> to vector<16xf32>
          %mul3A_582 = arith.mulf %bitcast3A_575, %bitcast3A_579 : vector<16xf32>
          %add3A_583 = arith.addf %add3A_557, %mul3A_582 : vector<16xf32>
          %mul3A_584 = arith.mulf %bitcast3A_580, %bitcast3A_581 : vector<16xf32>
          %add3A_585 = arith.addf %add3A_583, %mul3A_584 : vector<16xf32>
          %get3A_586 = arith.constant 0 : i32
          %get3A_587 = arith.constant 0 : i32
          %get3A_588 = tpu.memref_slice %arg9[%scan3A_255, %get3A_586, %get3A_587] : memref<2x64x128xi32, #tpu.memory_space<vmem>> -> memref<1x64x128xi32, #tpu.memory_space<vmem>>
          %get3A_589 = tpu.memref_squeeze %get3A_588 : memref<1x64x128xi32, #tpu.memory_space<vmem>> -> memref<64x128xi32, #tpu.memory_space<vmem>>
          %get3A_590 = arith.index_cast %add3A_446 : i32 to index
          %get3A_591 = arith.constant 80 : index
          %get3A_592 = tpu.vector_load %get3A_589[%get3A_590, %get3A_591] {strides = array<i32>} : memref<64x128xi32, #tpu.memory_space<vmem>>, vector<16xi32>,
          %get3A_593 = arith.constant 0 : i32
          %get3A_594 = arith.constant 0 : i32
          %get3A_595 = tpu.memref_slice %arg10[%scan3A_256, %get3A_593, %get3A_594] : memref<2x64x128xi32, #tpu.memory_space<vmem>> -> memref<1x64x128xi32, #tpu.memory_space<vmem>>
          %get3A_596 = tpu.memref_squeeze %get3A_595 : memref<1x64x128xi32, #tpu.memory_space<vmem>> -> memref<64x128xi32, #tpu.memory_space<vmem>>
          %get3A_597 = arith.index_cast %add3A_446 : i32 to index
          %get3A_598 = arith.constant 80 : index
          %get3A_599 = tpu.vector_load %get3A_596[%get3A_597, %get3A_598] {strides = array<i32>} : memref<64x128xi32, #tpu.memory_space<vmem>>, vector<16xi32>,
          %shift_left3A_600 = arith.constant 16 : i32
          %shift_left3A_601 = vector.broadcast %shift_left3A_600 : i32 to vector<16xi32>
          %shift_left3A_602 = arith.shli %get3A_592, %shift_left3A_601 : vector<16xi32>
          %bitcast3A_603 = vector.bitcast %shift_left3A_602 : vector<16xi32> to vector<16xf32>
          %shift_left3A_604 = arith.constant 16 : i32
          %shift_left3A_605 = vector.broadcast %shift_left3A_604 : i32 to vector<16xi32>
          %shift_left3A_606 = arith.shli %get3A_599, %shift_left3A_605 : vector<16xi32>
          %bitcast3A_607 = vector.bitcast %shift_left3A_606 : vector<16xi32> to vector<16xf32>
          %bitcast3A_608 = vector.bitcast %get3A_592 : vector<16xi32> to vector<16xf32>
          %bitcast3A_609 = vector.bitcast %get3A_599 : vector<16xi32> to vector<16xf32>
          %mul3A_610 = arith.mulf %bitcast3A_603, %bitcast3A_607 : vector<16xf32>
          %add3A_611 = arith.addf %add3A_585, %mul3A_610 : vector<16xf32>
          %mul3A_612 = arith.mulf %bitcast3A_608, %bitcast3A_609 : vector<16xf32>
          %add3A_613 = arith.addf %add3A_611, %mul3A_612 : vector<16xf32>
          %get3A_614 = arith.constant 0 : i32
          %get3A_615 = arith.constant 0 : i32
          %get3A_616 = tpu.memref_slice %arg9[%scan3A_255, %get3A_614, %get3A_615] : memref<2x64x128xi32, #tpu.memory_space<vmem>> -> memref<1x64x128xi32, #tpu.memory_space<vmem>>
          %get3A_617 = tpu.memref_squeeze %get3A_616 : memref<1x64x128xi32, #tpu.memory_space<vmem>> -> memref<64x128xi32, #tpu.memory_space<vmem>>
          %get3A_618 = arith.index_cast %add3A_446 : i32 to index
          %get3A_619 = arith.constant 96 : index
          %get3A_620 = tpu.vector_load %get3A_617[%get3A_618, %get3A_619] {strides = array<i32>} : memref<64x128xi32, #tpu.memory_space<vmem>>, vector<16xi32>,
          %get3A_621 = arith.constant 0 : i32
          %get3A_622 = arith.constant 0 : i32
          %get3A_623 = tpu.memref_slice %arg10[%scan3A_256, %get3A_621, %get3A_622] : memref<2x64x128xi32, #tpu.memory_space<vmem>> -> memref<1x64x128xi32, #tpu.memory_space<vmem>>
          %get3A_624 = tpu.memref_squeeze %get3A_623 : memref<1x64x128xi32, #tpu.memory_space<vmem>> -> memref<64x128xi32, #tpu.memory_space<vmem>>
          %get3A_625 = arith.index_cast %add3A_446 : i32 to index
          %get3A_626 = arith.constant 96 : index
          %get3A_627 = tpu.vector_load %get3A_624[%get3A_625, %get3A_626] {strides = array<i32>} : memref<64x128xi32, #tpu.memory_space<vmem>>, vector<16xi32>,
          %shift_left3A_628 = arith.constant 16 : i32
          %shift_left3A_629 = vector.broadcast %shift_left3A_628 : i32 to vector<16xi32>
          %shift_left3A_630 = arith.shli %get3A_620, %shift_left3A_629 : vector<16xi32>
          %bitcast3A_631 = vector.bitcast %shift_left3A_630 : vector<16xi32> to vector<16xf32>
          %shift_left3A_632 = arith.constant 16 : i32
          %shift_left3A_633 = vector.broadcast %shift_left3A_632 : i32 to vector<16xi32>
          %shift_left3A_634 = arith.shli %get3A_627, %shift_left3A_633 : vector<16xi32>
          %bitcast3A_635 = vector.bitcast %shift_left3A_634 : vector<16xi32> to vector<16xf32>
          %bitcast3A_636 = vector.bitcast %get3A_620 : vector<16xi32> to vector<16xf32>
          %bitcast3A_637 = vector.bitcast %get3A_627 : vector<16xi32> to vector<16xf32>
          %mul3A_638 = arith.mulf %bitcast3A_631, %bitcast3A_635 : vector<16xf32>
          %add3A_639 = arith.addf %add3A_613, %mul3A_638 : vector<16xf32>
          %mul3A_640 = arith.mulf %bitcast3A_636, %bitcast3A_637 : vector<16xf32>
          %add3A_641 = arith.addf %add3A_639, %mul3A_640 : vector<16xf32>
          %get3A_642 = arith.constant 0 : i32
          %get3A_643 = arith.constant 0 : i32
          %get3A_644 = tpu.memref_slice %arg9[%scan3A_255, %get3A_642, %get3A_643] : memref<2x64x128xi32, #tpu.memory_space<vmem>> -> memref<1x64x128xi32, #tpu.memory_space<vmem>>
          %get3A_645 = tpu.memref_squeeze %get3A_644 : memref<1x64x128xi32, #tpu.memory_space<vmem>> -> memref<64x128xi32, #tpu.memory_space<vmem>>
          %get3A_646 = arith.index_cast %add3A_446 : i32 to index
          %get3A_647 = arith.constant 112 : index
          %get3A_648 = tpu.vector_load %get3A_645[%get3A_646, %get3A_647] {strides = array<i32>} : memref<64x128xi32, #tpu.memory_space<vmem>>, vector<16xi32>,
          %get3A_649 = arith.constant 0 : i32
          %get3A_650 = arith.constant 0 : i32
          %get3A_651 = tpu.memref_slice %arg10[%scan3A_256, %get3A_649, %get3A_650] : memref<2x64x128xi32, #tpu.memory_space<vmem>> -> memref<1x64x128xi32, #tpu.memory_space<vmem>>
          %get3A_652 = tpu.memref_squeeze %get3A_651 : memref<1x64x128xi32, #tpu.memory_space<vmem>> -> memref<64x128xi32, #tpu.memory_space<vmem>>
          %get3A_653 = arith.index_cast %add3A_446 : i32 to index
          %get3A_654 = arith.constant 112 : index
          %get3A_655 = tpu.vector_load %get3A_652[%get3A_653, %get3A_654] {strides = array<i32>} : memref<64x128xi32, #tpu.memory_space<vmem>>, vector<16xi32>,
          %shift_left3A_656 = arith.constant 16 : i32
          %shift_left3A_657 = vector.broadcast %shift_left3A_656 : i32 to vector<16xi32>
          %shift_left3A_658 = arith.shli %get3A_648, %shift_left3A_657 : vector<16xi32>
          %bitcast3A_659 = vector.bitcast %shift_left3A_658 : vector<16xi32> to vector<16xf32>
          %shift_left3A_660 = arith.constant 16 : i32
          %shift_left3A_661 = vector.broadcast %shift_left3A_660 : i32 to vector<16xi32>
          %shift_left3A_662 = arith.shli %get3A_655, %shift_left3A_661 : vector<16xi32>
          %bitcast3A_663 = vector.bitcast %shift_left3A_662 : vector<16xi32> to vector<16xf32>
          %bitcast3A_664 = vector.bitcast %get3A_648 : vector<16xi32> to vector<16xf32>
          %bitcast3A_665 = vector.bitcast %get3A_655 : vector<16xi32> to vector<16xf32>
          %mul3A_666 = arith.mulf %bitcast3A_659, %bitcast3A_663 : vector<16xf32>
          %add3A_667 = arith.addf %add3A_641, %mul3A_666 : vector<16xf32>
          %mul3A_668 = arith.mulf %bitcast3A_664, %bitcast3A_665 : vector<16xf32>
          %add3A_669 = arith.addf %add3A_667, %mul3A_668 : vector<16xf32>
          %broadcast_in_dim3A_670 = vector.shape_cast %select_n3A_22 : vector<16xi32> to vector<16x1xi32>
          %gather3A = vector.shape_cast %broadcast_in_dim3A_670 : vector<16x1xi32> to vector<16xi32>
          %gather3A_671 = tpu.dynamic_gather %add3A_669[%gather3A] in [0] : vector<16xf32>, vector<16xi32> -> vector<16xf32>
          %add3A_672 = arith.addf %add3A_669, %gather3A_671 : vector<16xf32>
          %broadcast_in_dim3A_673 = vector.shape_cast %select_n3A_47 : vector<16xi32> to vector<16x1xi32>
          %gather3A_674 = vector.shape_cast %broadcast_in_dim3A_673 : vector<16x1xi32> to vector<16xi32>
          %gather3A_675 = tpu.dynamic_gather %add3A_672[%gather3A_674] in [0] : vector<16xf32>, vector<16xi32> -> vector<16xf32>
          %add3A_676 = arith.addf %add3A_672, %gather3A_675 : vector<16xf32>
          %broadcast_in_dim3A_677 = vector.shape_cast %select_n3A_72 : vector<16xi32> to vector<16x1xi32>
          %gather3A_678 = vector.shape_cast %broadcast_in_dim3A_677 : vector<16x1xi32> to vector<16xi32>
          %gather3A_679 = tpu.dynamic_gather %add3A_676[%gather3A_678] in [0] : vector<16xf32>, vector<16xi32> -> vector<16xf32>
          %add3A_680 = arith.addf %add3A_676, %gather3A_679 : vector<16xf32>
          %broadcast_in_dim3A_681 = vector.shape_cast %select_n3A_97 : vector<16xi32> to vector<16x1xi32>
          %gather3A_682 = vector.shape_cast %broadcast_in_dim3A_681 : vector<16x1xi32> to vector<16xi32>
          %gather3A_683 = tpu.dynamic_gather %add3A_680[%gather3A_682] in [0] : vector<16xf32>, vector<16xi32> -> vector<16xf32>
          %add3A_684 = arith.addf %add3A_680, %gather3A_683 : vector<16xf32>
          %eq3A_685 = vector.broadcast %scan3A_444 : i32 to vector<16xi32>
          %eq3A_686 = arith.cmpi eq, %iota3A, %eq3A_685 : vector<16xi32>
          %select_n3A_687 = arith.select %eq3A_686, %add3A_684, %scan3A_445 : vector<16xi1>, vector<16xf32>
          %scan3A_688 = arith.constant 1 : i32
          %scan3A_689 = arith.addi %scan3A_444, %scan3A_688 : i32
          %add3A_690 = arith.addi %mul3A_425, %scan3A_689 : i32
          %broadcast_in_dim3A_691 = arith.constant 0.000000e+00 : f32
          %broadcast_in_dim3A_692 = vector.broadcast %broadcast_in_dim3A_691 : f32 to vector<16xf32>
          %get3A_693 = arith.constant 0 : i32
          %get3A_694 = arith.constant 0 : i32
          %get3A_695 = tpu.memref_slice %arg9[%scan3A_255, %get3A_693, %get3A_694] : memref<2x64x128xi32, #tpu.memory_space<vmem>> -> memref<1x64x128xi32, #tpu.memory_space<vmem>>
          %get3A_696 = tpu.memref_squeeze %get3A_695 : memref<1x64x128xi32, #tpu.memory_space<vmem>> -> memref<64x128xi32, #tpu.memory_space<vmem>>
          %get3A_697 = arith.index_cast %add3A_690 : i32 to index
          %get3A_698 = arith.constant 0 : index
          %get3A_699 = tpu.vector_load %get3A_696[%get3A_697, %get3A_698] {strides = array<i32>} : memref<64x128xi32, #tpu.memory_space<vmem>>, vector<16xi32>,
          %get3A_700 = arith.constant 0 : i32
          %get3A_701 = arith.constant 0 : i32
          %get3A_702 = tpu.memref_slice %arg10[%scan3A_256, %get3A_700, %get3A_701] : memref<2x64x128xi32, #tpu.memory_space<vmem>> -> memref<1x64x128xi32, #tpu.memory_space<vmem>>
          %get3A_703 = tpu.memref_squeeze %get3A_702 : memref<1x64x128xi32, #tpu.memory_space<vmem>> -> memref<64x128xi32, #tpu.memory_space<vmem>>
          %get3A_704 = arith.index_cast %add3A_690 : i32 to index
          %get3A_705 = arith.constant 0 : index
          %get3A_706 = tpu.vector_load %get3A_703[%get3A_704, %get3A_705] {strides = array<i32>} : memref<64x128xi32, #tpu.memory_space<vmem>>, vector<16xi32>,
          %shift_left3A_707 = arith.constant 16 : i32
          %shift_left3A_708 = vector.broadcast %shift_left3A_707 : i32 to vector<16xi32>
          %shift_left3A_709 = arith.shli %get3A_699, %shift_left3A_708 : vector<16xi32>
          %bitcast3A_710 = vector.bitcast %shift_left3A_709 : vector<16xi32> to vector<16xf32>
          %shift_left3A_711 = arith.constant 16 : i32
          %shift_left3A_712 = vector.broadcast %shift_left3A_711 : i32 to vector<16xi32>
          %shift_left3A_713 = arith.shli %get3A_706, %shift_left3A_712 : vector<16xi32>
          %bitcast3A_714 = vector.bitcast %shift_left3A_713 : vector<16xi32> to vector<16xf32>
          %bitcast3A_715 = vector.bitcast %get3A_699 : vector<16xi32> to vector<16xf32>
          %bitcast3A_716 = vector.bitcast %get3A_706 : vector<16xi32> to vector<16xf32>
          %mul3A_717 = arith.mulf %bitcast3A_710, %bitcast3A_714 : vector<16xf32>
          %add3A_718 = arith.addf %broadcast_in_dim3A_692, %mul3A_717 : vector<16xf32>
          %mul3A_719 = arith.mulf %bitcast3A_715, %bitcast3A_716 : vector<16xf32>
          %add3A_720 = arith.addf %add3A_718, %mul3A_719 : vector<16xf32>
          %get3A_721 = arith.constant 0 : i32
          %get3A_722 = arith.constant 0 : i32
          %get3A_723 = tpu.memref_slice %arg9[%scan3A_255, %get3A_721, %get3A_722] : memref<2x64x128xi32, #tpu.memory_space<vmem>> -> memref<1x64x128xi32, #tpu.memory_space<vmem>>
          %get3A_724 = tpu.memref_squeeze %get3A_723 : memref<1x64x128xi32, #tpu.memory_space<vmem>> -> memref<64x128xi32, #tpu.memory_space<vmem>>
          %get3A_725 = arith.index_cast %add3A_690 : i32 to index
          %get3A_726 = arith.constant 16 : index
          %get3A_727 = tpu.vector_load %get3A_724[%get3A_725, %get3A_726] {strides = array<i32>} : memref<64x128xi32, #tpu.memory_space<vmem>>, vector<16xi32>,
          %get3A_728 = arith.constant 0 : i32
          %get3A_729 = arith.constant 0 : i32
          %get3A_730 = tpu.memref_slice %arg10[%scan3A_256, %get3A_728, %get3A_729] : memref<2x64x128xi32, #tpu.memory_space<vmem>> -> memref<1x64x128xi32, #tpu.memory_space<vmem>>
          %get3A_731 = tpu.memref_squeeze %get3A_730 : memref<1x64x128xi32, #tpu.memory_space<vmem>> -> memref<64x128xi32, #tpu.memory_space<vmem>>
          %get3A_732 = arith.index_cast %add3A_690 : i32 to index
          %get3A_733 = arith.constant 16 : index
          %get3A_734 = tpu.vector_load %get3A_731[%get3A_732, %get3A_733] {strides = array<i32>} : memref<64x128xi32, #tpu.memory_space<vmem>>, vector<16xi32>,
          %shift_left3A_735 = arith.constant 16 : i32
          %shift_left3A_736 = vector.broadcast %shift_left3A_735 : i32 to vector<16xi32>
          %shift_left3A_737 = arith.shli %get3A_727, %shift_left3A_736 : vector<16xi32>
          %bitcast3A_738 = vector.bitcast %shift_left3A_737 : vector<16xi32> to vector<16xf32>
          %shift_left3A_739 = arith.constant 16 : i32
          %shift_left3A_740 = vector.broadcast %shift_left3A_739 : i32 to vector<16xi32>
          %shift_left3A_741 = arith.shli %get3A_734, %shift_left3A_740 : vector<16xi32>
          %bitcast3A_742 = vector.bitcast %shift_left3A_741 : vector<16xi32> to vector<16xf32>
          %bitcast3A_743 = vector.bitcast %get3A_727 : vector<16xi32> to vector<16xf32>
          %bitcast3A_744 = vector.bitcast %get3A_734 : vector<16xi32> to vector<16xf32>
          %mul3A_745 = arith.mulf %bitcast3A_738, %bitcast3A_742 : vector<16xf32>
          %add3A_746 = arith.addf %add3A_720, %mul3A_745 : vector<16xf32>
          %mul3A_747 = arith.mulf %bitcast3A_743, %bitcast3A_744 : vector<16xf32>
          %add3A_748 = arith.addf %add3A_746, %mul3A_747 : vector<16xf32>
          %get3A_749 = arith.constant 0 : i32
          %get3A_750 = arith.constant 0 : i32
          %get3A_751 = tpu.memref_slice %arg9[%scan3A_255, %get3A_749, %get3A_750] : memref<2x64x128xi32, #tpu.memory_space<vmem>> -> memref<1x64x128xi32, #tpu.memory_space<vmem>>
          %get3A_752 = tpu.memref_squeeze %get3A_751 : memref<1x64x128xi32, #tpu.memory_space<vmem>> -> memref<64x128xi32, #tpu.memory_space<vmem>>
          %get3A_753 = arith.index_cast %add3A_690 : i32 to index
          %get3A_754 = arith.constant 32 : index
          %get3A_755 = tpu.vector_load %get3A_752[%get3A_753, %get3A_754] {strides = array<i32>} : memref<64x128xi32, #tpu.memory_space<vmem>>, vector<16xi32>,
          %get3A_756 = arith.constant 0 : i32
          %get3A_757 = arith.constant 0 : i32
          %get3A_758 = tpu.memref_slice %arg10[%scan3A_256, %get3A_756, %get3A_757] : memref<2x64x128xi32, #tpu.memory_space<vmem>> -> memref<1x64x128xi32, #tpu.memory_space<vmem>>
          %get3A_759 = tpu.memref_squeeze %get3A_758 : memref<1x64x128xi32, #tpu.memory_space<vmem>> -> memref<64x128xi32, #tpu.memory_space<vmem>>
          %get3A_760 = arith.index_cast %add3A_690 : i32 to index
          %get3A_761 = arith.constant 32 : index
          %get3A_762 = tpu.vector_load %get3A_759[%get3A_760, %get3A_761] {strides = array<i32>} : memref<64x128xi32, #tpu.memory_space<vmem>>, vector<16xi32>,
          %shift_left3A_763 = arith.constant 16 : i32
          %shift_left3A_764 = vector.broadcast %shift_left3A_763 : i32 to vector<16xi32>
          %shift_left3A_765 = arith.shli %get3A_755, %shift_left3A_764 : vector<16xi32>
          %bitcast3A_766 = vector.bitcast %shift_left3A_765 : vector<16xi32> to vector<16xf32>
          %shift_left3A_767 = arith.constant 16 : i32
          %shift_left3A_768 = vector.broadcast %shift_left3A_767 : i32 to vector<16xi32>
          %shift_left3A_769 = arith.shli %get3A_762, %shift_left3A_768 : vector<16xi32>
          %bitcast3A_770 = vector.bitcast %shift_left3A_769 : vector<16xi32> to vector<16xf32>
          %bitcast3A_771 = vector.bitcast %get3A_755 : vector<16xi32> to vector<16xf32>
          %bitcast3A_772 = vector.bitcast %get3A_762 : vector<16xi32> to vector<16xf32>
          %mul3A_773 = arith.mulf %bitcast3A_766, %bitcast3A_770 : vector<16xf32>
          %add3A_774 = arith.addf %add3A_748, %mul3A_773 : vector<16xf32>
          %mul3A_775 = arith.mulf %bitcast3A_771, %bitcast3A_772 : vector<16xf32>
          %add3A_776 = arith.addf %add3A_774, %mul3A_775 : vector<16xf32>
          %get3A_777 = arith.constant 0 : i32
          %get3A_778 = arith.constant 0 : i32
          %get3A_779 = tpu.memref_slice %arg9[%scan3A_255, %get3A_777, %get3A_778] : memref<2x64x128xi32, #tpu.memory_space<vmem>> -> memref<1x64x128xi32, #tpu.memory_space<vmem>>
          %get3A_780 = tpu.memref_squeeze %get3A_779 : memref<1x64x128xi32, #tpu.memory_space<vmem>> -> memref<64x128xi32, #tpu.memory_space<vmem>>
          %get3A_781 = arith.index_cast %add3A_690 : i32 to index
          %get3A_782 = arith.constant 48 : index
          %get3A_783 = tpu.vector_load %get3A_780[%get3A_781, %get3A_782] {strides = array<i32>} : memref<64x128xi32, #tpu.memory_space<vmem>>, vector<16xi32>,
          %get3A_784 = arith.constant 0 : i32
          %get3A_785 = arith.constant 0 : i32
          %get3A_786 = tpu.memref_slice %arg10[%scan3A_256, %get3A_784, %get3A_785] : memref<2x64x128xi32, #tpu.memory_space<vmem>> -> memref<1x64x128xi32, #tpu.memory_space<vmem>>
          %get3A_787 = tpu.memref_squeeze %get3A_786 : memref<1x64x128xi32, #tpu.memory_space<vmem>> -> memref<64x128xi32, #tpu.memory_space<vmem>>
          %get3A_788 = arith.index_cast %add3A_690 : i32 to index
          %get3A_789 = arith.constant 48 : index
          %get3A_790 = tpu.vector_load %get3A_787[%get3A_788, %get3A_789] {strides = array<i32>} : memref<64x128xi32, #tpu.memory_space<vmem>>, vector<16xi32>,
          %shift_left3A_791 = arith.constant 16 : i32
          %shift_left3A_792 = vector.broadcast %shift_left3A_791 : i32 to vector<16xi32>
          %shift_left3A_793 = arith.shli %get3A_783, %shift_left3A_792 : vector<16xi32>
          %bitcast3A_794 = vector.bitcast %shift_left3A_793 : vector<16xi32> to vector<16xf32>
          %shift_left3A_795 = arith.constant 16 : i32
          %shift_left3A_796 = vector.broadcast %shift_left3A_795 : i32 to vector<16xi32>
          %shift_left3A_797 = arith.shli %get3A_790, %shift_left3A_796 : vector<16xi32>
          %bitcast3A_798 = vector.bitcast %shift_left3A_797 : vector<16xi32> to vector<16xf32>
          %bitcast3A_799 = vector.bitcast %get3A_783 : vector<16xi32> to vector<16xf32>
          %bitcast3A_800 = vector.bitcast %get3A_790 : vector<16xi32> to vector<16xf32>
          %mul3A_801 = arith.mulf %bitcast3A_794, %bitcast3A_798 : vector<16xf32>
          %add3A_802 = arith.addf %add3A_776, %mul3A_801 : vector<16xf32>
          %mul3A_803 = arith.mulf %bitcast3A_799, %bitcast3A_800 : vector<16xf32>
          %add3A_804 = arith.addf %add3A_802, %mul3A_803 : vector<16xf32>
          %get3A_805 = arith.constant 0 : i32
          %get3A_806 = arith.constant 0 : i32
          %get3A_807 = tpu.memref_slice %arg9[%scan3A_255, %get3A_805, %get3A_806] : memref<2x64x128xi32, #tpu.memory_space<vmem>> -> memref<1x64x128xi32, #tpu.memory_space<vmem>>
          %get3A_808 = tpu.memref_squeeze %get3A_807 : memref<1x64x128xi32, #tpu.memory_space<vmem>> -> memref<64x128xi32, #tpu.memory_space<vmem>>
          %get3A_809 = arith.index_cast %add3A_690 : i32 to index
          %get3A_810 = arith.constant 64 : index
          %get3A_811 = tpu.vector_load %get3A_808[%get3A_809, %get3A_810] {strides = array<i32>} : memref<64x128xi32, #tpu.memory_space<vmem>>, vector<16xi32>,
          %get3A_812 = arith.constant 0 : i32
          %get3A_813 = arith.constant 0 : i32
          %get3A_814 = tpu.memref_slice %arg10[%scan3A_256, %get3A_812, %get3A_813] : memref<2x64x128xi32, #tpu.memory_space<vmem>> -> memref<1x64x128xi32, #tpu.memory_space<vmem>>
          %get3A_815 = tpu.memref_squeeze %get3A_814 : memref<1x64x128xi32, #tpu.memory_space<vmem>> -> memref<64x128xi32, #tpu.memory_space<vmem>>
          %get3A_816 = arith.index_cast %add3A_690 : i32 to index
          %get3A_817 = arith.constant 64 : index
          %get3A_818 = tpu.vector_load %get3A_815[%get3A_816, %get3A_817] {strides = array<i32>} : memref<64x128xi32, #tpu.memory_space<vmem>>, vector<16xi32>,
          %shift_left3A_819 = arith.constant 16 : i32
          %shift_left3A_820 = vector.broadcast %shift_left3A_819 : i32 to vector<16xi32>
          %shift_left3A_821 = arith.shli %get3A_811, %shift_left3A_820 : vector<16xi32>
          %bitcast3A_822 = vector.bitcast %shift_left3A_821 : vector<16xi32> to vector<16xf32>
          %shift_left3A_823 = arith.constant 16 : i32
          %shift_left3A_824 = vector.broadcast %shift_left3A_823 : i32 to vector<16xi32>
          %shift_left3A_825 = arith.shli %get3A_818, %shift_left3A_824 : vector<16xi32>
          %bitcast3A_826 = vector.bitcast %shift_left3A_825 : vector<16xi32> to vector<16xf32>
          %bitcast3A_827 = vector.bitcast %get3A_811 : vector<16xi32> to vector<16xf32>
          %bitcast3A_828 = vector.bitcast %get3A_818 : vector<16xi32> to vector<16xf32>
          %mul3A_829 = arith.mulf %bitcast3A_822, %bitcast3A_826 : vector<16xf32>
          %add3A_830 = arith.addf %add3A_804, %mul3A_829 : vector<16xf32>
          %mul3A_831 = arith.mulf %bitcast3A_827, %bitcast3A_828 : vector<16xf32>
          %add3A_832 = arith.addf %add3A_830, %mul3A_831 : vector<16xf32>
          %get3A_833 = arith.constant 0 : i32
          %get3A_834 = arith.constant 0 : i32
          %get3A_835 = tpu.memref_slice %arg9[%scan3A_255, %get3A_833, %get3A_834] : memref<2x64x128xi32, #tpu.memory_space<vmem>> -> memref<1x64x128xi32, #tpu.memory_space<vmem>>
          %get3A_836 = tpu.memref_squeeze %get3A_835 : memref<1x64x128xi32, #tpu.memory_space<vmem>> -> memref<64x128xi32, #tpu.memory_space<vmem>>
          %get3A_837 = arith.index_cast %add3A_690 : i32 to index
          %get3A_838 = arith.constant 80 : index
          %get3A_839 = tpu.vector_load %get3A_836[%get3A_837, %get3A_838] {strides = array<i32>} : memref<64x128xi32, #tpu.memory_space<vmem>>, vector<16xi32>,
          %get3A_840 = arith.constant 0 : i32
          %get3A_841 = arith.constant 0 : i32
          %get3A_842 = tpu.memref_slice %arg10[%scan3A_256, %get3A_840, %get3A_841] : memref<2x64x128xi32, #tpu.memory_space<vmem>> -> memref<1x64x128xi32, #tpu.memory_space<vmem>>
          %get3A_843 = tpu.memref_squeeze %get3A_842 : memref<1x64x128xi32, #tpu.memory_space<vmem>> -> memref<64x128xi32, #tpu.memory_space<vmem>>
          %get3A_844 = arith.index_cast %add3A_690 : i32 to index
          %get3A_845 = arith.constant 80 : index
          %get3A_846 = tpu.vector_load %get3A_843[%get3A_844, %get3A_845] {strides = array<i32>} : memref<64x128xi32, #tpu.memory_space<vmem>>, vector<16xi32>,
          %shift_left3A_847 = arith.constant 16 : i32
          %shift_left3A_848 = vector.broadcast %shift_left3A_847 : i32 to vector<16xi32>
          %shift_left3A_849 = arith.shli %get3A_839, %shift_left3A_848 : vector<16xi32>
          %bitcast3A_850 = vector.bitcast %shift_left3A_849 : vector<16xi32> to vector<16xf32>
          %shift_left3A_851 = arith.constant 16 : i32
          %shift_left3A_852 = vector.broadcast %shift_left3A_851 : i32 to vector<16xi32>
          %shift_left3A_853 = arith.shli %get3A_846, %shift_left3A_852 : vector<16xi32>
          %bitcast3A_854 = vector.bitcast %shift_left3A_853 : vector<16xi32> to vector<16xf32>
          %bitcast3A_855 = vector.bitcast %get3A_839 : vector<16xi32> to vector<16xf32>
          %bitcast3A_856 = vector.bitcast %get3A_846 : vector<16xi32> to vector<16xf32>
          %mul3A_857 = arith.mulf %bitcast3A_850, %bitcast3A_854 : vector<16xf32>
          %add3A_858 = arith.addf %add3A_832, %mul3A_857 : vector<16xf32>
          %mul3A_859 = arith.mulf %bitcast3A_855, %bitcast3A_856 : vector<16xf32>
          %add3A_860 = arith.addf %add3A_858, %mul3A_859 : vector<16xf32>
          %get3A_861 = arith.constant 0 : i32
          %get3A_862 = arith.constant 0 : i32
          %get3A_863 = tpu.memref_slice %arg9[%scan3A_255, %get3A_861, %get3A_862] : memref<2x64x128xi32, #tpu.memory_space<vmem>> -> memref<1x64x128xi32, #tpu.memory_space<vmem>>
          %get3A_864 = tpu.memref_squeeze %get3A_863 : memref<1x64x128xi32, #tpu.memory_space<vmem>> -> memref<64x128xi32, #tpu.memory_space<vmem>>
          %get3A_865 = arith.index_cast %add3A_690 : i32 to index
          %get3A_866 = arith.constant 96 : index
          %get3A_867 = tpu.vector_load %get3A_864[%get3A_865, %get3A_866] {strides = array<i32>} : memref<64x128xi32, #tpu.memory_space<vmem>>, vector<16xi32>,
          %get3A_868 = arith.constant 0 : i32
          %get3A_869 = arith.constant 0 : i32
          %get3A_870 = tpu.memref_slice %arg10[%scan3A_256, %get3A_868, %get3A_869] : memref<2x64x128xi32, #tpu.memory_space<vmem>> -> memref<1x64x128xi32, #tpu.memory_space<vmem>>
          %get3A_871 = tpu.memref_squeeze %get3A_870 : memref<1x64x128xi32, #tpu.memory_space<vmem>> -> memref<64x128xi32, #tpu.memory_space<vmem>>
          %get3A_872 = arith.index_cast %add3A_690 : i32 to index
          %get3A_873 = arith.constant 96 : index
          %get3A_874 = tpu.vector_load %get3A_871[%get3A_872, %get3A_873] {strides = array<i32>} : memref<64x128xi32, #tpu.memory_space<vmem>>, vector<16xi32>,
          %shift_left3A_875 = arith.constant 16 : i32
          %shift_left3A_876 = vector.broadcast %shift_left3A_875 : i32 to vector<16xi32>
          %shift_left3A_877 = arith.shli %get3A_867, %shift_left3A_876 : vector<16xi32>
          %bitcast3A_878 = vector.bitcast %shift_left3A_877 : vector<16xi32> to vector<16xf32>
          %shift_left3A_879 = arith.constant 16 : i32
          %shift_left3A_880 = vector.broadcast %shift_left3A_879 : i32 to vector<16xi32>
          %shift_left3A_881 = arith.shli %get3A_874, %shift_left3A_880 : vector<16xi32>
          %bitcast3A_882 = vector.bitcast %shift_left3A_881 : vector<16xi32> to vector<16xf32>
          %bitcast3A_883 = vector.bitcast %get3A_867 : vector<16xi32> to vector<16xf32>
          %bitcast3A_884 = vector.bitcast %get3A_874 : vector<16xi32> to vector<16xf32>
          %mul3A_885 = arith.mulf %bitcast3A_878, %bitcast3A_882 : vector<16xf32>
          %add3A_886 = arith.addf %add3A_860, %mul3A_885 : vector<16xf32>
          %mul3A_887 = arith.mulf %bitcast3A_883, %bitcast3A_884 : vector<16xf32>
          %add3A_888 = arith.addf %add3A_886, %mul3A_887 : vector<16xf32>
          %get3A_889 = arith.constant 0 : i32
          %get3A_890 = arith.constant 0 : i32
          %get3A_891 = tpu.memref_slice %arg9[%scan3A_255, %get3A_889, %get3A_890] : memref<2x64x128xi32, #tpu.memory_space<vmem>> -> memref<1x64x128xi32, #tpu.memory_space<vmem>>
          %get3A_892 = tpu.memref_squeeze %get3A_891 : memref<1x64x128xi32, #tpu.memory_space<vmem>> -> memref<64x128xi32, #tpu.memory_space<vmem>>
          %get3A_893 = arith.index_cast %add3A_690 : i32 to index
          %get3A_894 = arith.constant 112 : index
          %get3A_895 = tpu.vector_load %get3A_892[%get3A_893, %get3A_894] {strides = array<i32>} : memref<64x128xi32, #tpu.memory_space<vmem>>, vector<16xi32>,
          %get3A_896 = arith.constant 0 : i32
          %get3A_897 = arith.constant 0 : i32
          %get3A_898 = tpu.memref_slice %arg10[%scan3A_256, %get3A_896, %get3A_897] : memref<2x64x128xi32, #tpu.memory_space<vmem>> -> memref<1x64x128xi32, #tpu.memory_space<vmem>>
          %get3A_899 = tpu.memref_squeeze %get3A_898 : memref<1x64x128xi32, #tpu.memory_space<vmem>> -> memref<64x128xi32, #tpu.memory_space<vmem>>
          %get3A_900 = arith.index_cast %add3A_690 : i32 to index
          %get3A_901 = arith.constant 112 : index
          %get3A_902 = tpu.vector_load %get3A_899[%get3A_900, %get3A_901] {strides = array<i32>} : memref<64x128xi32, #tpu.memory_space<vmem>>, vector<16xi32>,
          %shift_left3A_903 = arith.constant 16 : i32
          %shift_left3A_904 = vector.broadcast %shift_left3A_903 : i32 to vector<16xi32>
          %shift_left3A_905 = arith.shli %get3A_895, %shift_left3A_904 : vector<16xi32>
          %bitcast3A_906 = vector.bitcast %shift_left3A_905 : vector<16xi32> to vector<16xf32>
          %shift_left3A_907 = arith.constant 16 : i32
          %shift_left3A_908 = vector.broadcast %shift_left3A_907 : i32 to vector<16xi32>
          %shift_left3A_909 = arith.shli %get3A_902, %shift_left3A_908 : vector<16xi32>
          %bitcast3A_910 = vector.bitcast %shift_left3A_909 : vector<16xi32> to vector<16xf32>
          %bitcast3A_911 = vector.bitcast %get3A_895 : vector<16xi32> to vector<16xf32>
          %bitcast3A_912 = vector.bitcast %get3A_902 : vector<16xi32> to vector<16xf32>
          %mul3A_913 = arith.mulf %bitcast3A_906, %bitcast3A_910 : vector<16xf32>
          %add3A_914 = arith.addf %add3A_888, %mul3A_913 : vector<16xf32>
          %mul3A_915 = arith.mulf %bitcast3A_911, %bitcast3A_912 : vector<16xf32>
          %add3A_916 = arith.addf %add3A_914, %mul3A_915 : vector<16xf32>
          %broadcast_in_dim3A_917 = vector.shape_cast %select_n3A_22 : vector<16xi32> to vector<16x1xi32>
          %gather3A_918 = vector.shape_cast %broadcast_in_dim3A_917 : vector<16x1xi32> to vector<16xi32>
          %gather3A_919 = tpu.dynamic_gather %add3A_916[%gather3A_918] in [0] : vector<16xf32>, vector<16xi32> -> vector<16xf32>
          %add3A_920 = arith.addf %add3A_916, %gather3A_919 : vector<16xf32>
          %broadcast_in_dim3A_921 = vector.shape_cast %select_n3A_47 : vector<16xi32> to vector<16x1xi32>
          %gather3A_922 = vector.shape_cast %broadcast_in_dim3A_921 : vector<16x1xi32> to vector<16xi32>
          %gather3A_923 = tpu.dynamic_gather %add3A_920[%gather3A_922] in [0] : vector<16xf32>, vector<16xi32> -> vector<16xf32>
          %add3A_924 = arith.addf %add3A_920, %gather3A_923 : vector<16xf32>
          %broadcast_in_dim3A_925 = vector.shape_cast %select_n3A_72 : vector<16xi32> to vector<16x1xi32>
          %gather3A_926 = vector.shape_cast %broadcast_in_dim3A_925 : vector<16x1xi32> to vector<16xi32>
          %gather3A_927 = tpu.dynamic_gather %add3A_924[%gather3A_926] in [0] : vector<16xf32>, vector<16xi32> -> vector<16xf32>
          %add3A_928 = arith.addf %add3A_924, %gather3A_927 : vector<16xf32>
          %broadcast_in_dim3A_929 = vector.shape_cast %select_n3A_97 : vector<16xi32> to vector<16x1xi32>
          %gather3A_930 = vector.shape_cast %broadcast_in_dim3A_929 : vector<16x1xi32> to vector<16xi32>
          %gather3A_931 = tpu.dynamic_gather %add3A_928[%gather3A_930] in [0] : vector<16xf32>, vector<16xi32> -> vector<16xf32>
          %add3A_932 = arith.addf %add3A_928, %gather3A_931 : vector<16xf32>
          %eq3A_933 = vector.broadcast %scan3A_689 : i32 to vector<16xi32>
          %eq3A_934 = arith.cmpi eq, %iota3A, %eq3A_933 : vector<16xi32>
          %select_n3A_935 = arith.select %eq3A_934, %add3A_932, %select_n3A_687 : vector<16xi1>, vector<16xf32>
          scf.yield %select_n3A_935 : vector<16xf32>
        }
        %scan3A_432 = arith.constant 16 : i32
        %neg3A = arith.constant 0.000000e+00 : f32
        %neg3A_433 = vector.broadcast %neg3A : f32 to vector<16xf32>
        %neg3A_434 = arith.subf %neg3A_433, %scan3A_431 : vector<16xf32>
        %exp3A = math.exp %neg3A_434 : vector<16xf32>
        %add3A_435 = arith.constant 1.000000e+00 : f32
        %add3A_436 = vector.broadcast %add3A_435 : f32 to vector<16xf32>
        %add3A_437 = arith.addf %add3A_436, %exp3A : vector<16xf32>
        %div3A = arith.constant 1.000000e+00 : f32
        %div3A_438 = vector.broadcast %div3A : f32 to vector<16xf32>
        %div3A_439 = arith.divf %div3A_438, %add3A_437 : vector<16xf32>
        %multiple_of3A = tpu.assume_multiple %mul3A_425, 16 : i32
        %swap3A = arith.constant 0 : i32
        %swap3A_440 = tpu.memref_slice %arg11[%scan3A_257, %swap3A] : memref<2x64xf32, #tpu.memory_space<vmem>> -> memref<1x64xf32, #tpu.memory_space<vmem>>
        %swap3A_441 = tpu.memref_squeeze %swap3A_440 : memref<1x64xf32, #tpu.memory_space<vmem>> -> memref<64xf32, #tpu.memory_space<vmem>>
        %swap3A_442 = arith.index_cast %multiple_of3A : i32 to index
        %swap3A_443 = tpu.vector_load %swap3A_441[%swap3A_442] {strides = array<i32>} : memref<64xf32, #tpu.memory_space<vmem>>, vector<16xf32>,
        tpu.vector_store %swap3A_441[%swap3A_442], %div3A_439 {strides = array<i32>} : memref<64xf32, #tpu.memory_space<vmem>>, vector<16xf32>,
      }
      %scan3A_262 = arith.constant 4 : i32
      %add3A_263 = arith.addi %mul3A_2, %add3A_217 : i32
      %run_scoped3A = arith.constant 0 : i32
      "tpu.region"() ({
        %run_scoped3A_423 = tpu.sem_alloc : memref<!tpu.dma_semaphore, #tpu.memory_space<semaphore_mem>>
        %dma_start3A_424 = arith.constant 0 : i32
        %dma_start3A_425 = tpu.memref_slice %arg11[%run_scoped3A, %dma_start3A_424] : memref<2x64xf32, #tpu.memory_space<vmem>> -> memref<1x64xf32, #tpu.memory_space<vmem>>
        %dma_start3A_426 = tpu.memref_squeeze %dma_start3A_425 : memref<1x64xf32, #tpu.memory_space<vmem>> -> memref<64xf32, #tpu.memory_space<vmem>>
        %dma_start3A_427 = arith.constant 0 : i32
        %dma_start3A_428 = tpu.memref_slice %arg5[%add3A_263, %dma_start3A_427] : memref<2560x64xf32, #tpu.memory_space<hbm>> -> memref<1x64xf32, #tpu.memory_space<hbm>>
        %dma_start3A_429 = tpu.memref_squeeze %dma_start3A_428 : memref<1x64xf32, #tpu.memory_space<hbm>> -> memref<64xf32, #tpu.memory_space<hbm>>
        %dma_start3A_430 = arith.constant 0 : i32
        %dma_start3A_431 = tpu.memref_slice %arg5[%add3A_263, %dma_start3A_430] : memref<2560x64xf32, #tpu.memory_space<hbm>> -> memref<1x64xf32, #tpu.memory_space<hbm>>
        %dma_start3A_432 = tpu.memref_squeeze %dma_start3A_431 : memref<1x64xf32, #tpu.memory_space<hbm>> -> memref<64xf32, #tpu.memory_space<hbm>>
        %dma_start3A_433 = arith.constant 0 : i32
        %dma_start3A_434 = tpu.memref_slice %arg11[%run_scoped3A, %dma_start3A_433] : memref<2x64xf32, #tpu.memory_space<vmem>> -> memref<1x64xf32, #tpu.memory_space<vmem>>
        %dma_start3A_435 = tpu.memref_squeeze %dma_start3A_434 : memref<1x64xf32, #tpu.memory_space<vmem>> -> memref<64xf32, #tpu.memory_space<vmem>>
        tpu.enqueue_dma source(%dma_start3A_435 : memref<64xf32, #tpu.memory_space<vmem>>) target(%dma_start3A_432 : memref<64xf32, #tpu.memory_space<hbm>>) target_semaphore(%run_scoped3A_423 : memref<!tpu.dma_semaphore, #tpu.memory_space<semaphore_mem>>)
        %dma_wait3A_436 = arith.constant 0 : i32
        %dma_wait3A_437 = tpu.memref_slice %arg11[%run_scoped3A, %dma_wait3A_436] : memref<2x64xf32, #tpu.memory_space<vmem>> -> memref<1x64xf32, #tpu.memory_space<vmem>>
        %dma_wait3A_438 = tpu.memref_squeeze %dma_wait3A_437 : memref<1x64xf32, #tpu.memory_space<vmem>> -> memref<64xf32, #tpu.memory_space<vmem>>
        %dma_wait3A_439 = arith.constant 0 : i32
        %dma_wait3A_440 = tpu.memref_slice %arg5[%add3A_263, %dma_wait3A_439] : memref<2560x64xf32, #tpu.memory_space<hbm>> -> memref<1x64xf32, #tpu.memory_space<hbm>>
        %dma_wait3A_441 = tpu.memref_squeeze %dma_wait3A_440 : memref<1x64xf32, #tpu.memory_space<hbm>> -> memref<64xf32, #tpu.memory_space<hbm>>
        %dma_wait3A_442 = arith.constant 0 : i32
        %dma_wait3A_443 = tpu.memref_slice %arg5[%add3A_263, %dma_wait3A_442] : memref<2560x64xf32, #tpu.memory_space<hbm>> -> memref<1x64xf32, #tpu.memory_space<hbm>>
        %dma_wait3A_444 = tpu.memref_squeeze %dma_wait3A_443 : memref<1x64xf32, #tpu.memory_space<hbm>> -> memref<64xf32, #tpu.memory_space<hbm>>
        %dma_wait3A_445 = arith.constant 0 : i32
        %dma_wait3A_446 = tpu.memref_slice %arg11[%run_scoped3A, %dma_wait3A_445] : memref<2x64xf32, #tpu.memory_space<vmem>> -> memref<1x64xf32, #tpu.memory_space<vmem>>
        %dma_wait3A_447 = tpu.memref_squeeze %dma_wait3A_446 : memref<1x64xf32, #tpu.memory_space<vmem>> -> memref<64xf32, #tpu.memory_space<vmem>>
        tpu.wait_dma2 semaphore(%run_scoped3A_423 : memref<!tpu.dma_semaphore, #tpu.memory_space<semaphore_mem>>) src(%dma_wait3A_447 : memref<64xf32, #tpu.memory_space<vmem>>) dst(%dma_wait3A_444 : memref<64xf32, #tpu.memory_space<hbm>>)
        tpu.yield
      }) : () -> ()
      %mul3A_264 = arith.constant 4 : i32
      %mul3A_265 = arith.muli %mul3A_264, %scan3A_213 : i32
      %add3A_266 = arith.constant 1 : i32
      %add3A_267 = arith.addi %mul3A_265, %add3A_266 : i32
      %add3A_268 = arith.constant 1 : i32
      %add3A_269 = arith.addi %add3A_267, %add3A_268 : i32
      %lt3A_270 = arith.constant 80 : i32
      %lt3A_271 = arith.cmpi slt, %add3A_269, %lt3A_270 : i32
      %convert_element_type3A_272 = arith.extui %lt3A_271 : i1 to i32
      %cond3A_273 = arith.constant 0 : i32
      %cond3A_274 = arith.cmpi ne, %convert_element_type3A_272, %cond3A_273 : i32
      scf.if %cond3A_274 {
        %dma_wait3A_423 = arith.constant 0 : i32
        %dma_wait3A_424 = arith.constant 2 : i32
        %dma_wait3A_425 = arith.constant 0 : i32
        %dma_wait3A_426 = tpu.memref_slice %arg7[%dma_wait3A_424, %dma_wait3A_425] : memref<4x64xi32, #tpu.memory_space<vmem>> -> memref<1x64xi32, #tpu.memory_space<vmem>>
        %dma_wait3A_427 = tpu.memref_squeeze %dma_wait3A_426 : memref<1x64xi32, #tpu.memory_space<vmem>> -> memref<64xi32, #tpu.memory_space<vmem>>
        %dma_wait3A_428 = arith.constant 0 : i32
        %dma_wait3A_429 = tpu.memref_slice %arg3[%dma_wait3A_423, %dma_wait3A_428] : memref<2560x64xi32, #tpu.memory_space<hbm>> -> memref<1x64xi32, #tpu.memory_space<hbm>>
        %dma_wait3A_430 = tpu.memref_squeeze %dma_wait3A_429 : memref<1x64xi32, #tpu.memory_space<hbm>> -> memref<64xi32, #tpu.memory_space<hbm>>
        %dma_wait3A_431 = arith.constant 0 : i32
        %dma_wait3A_432 = tpu.memref_slice %arg7[%dma_wait3A_424, %dma_wait3A_431] : memref<4x64xi32, #tpu.memory_space<vmem>> -> memref<1x64xi32, #tpu.memory_space<vmem>>
        %dma_wait3A_433 = tpu.memref_squeeze %dma_wait3A_432 : memref<1x64xi32, #tpu.memory_space<vmem>> -> memref<64xi32, #tpu.memory_space<vmem>>
        %dma_wait3A_434 = arith.constant 0 : i32
        %dma_wait3A_435 = tpu.memref_slice %arg3[%dma_wait3A_423, %dma_wait3A_434] : memref<2560x64xi32, #tpu.memory_space<hbm>> -> memref<1x64xi32, #tpu.memory_space<hbm>>
        %dma_wait3A_436 = tpu.memref_squeeze %dma_wait3A_435 : memref<1x64xi32, #tpu.memory_space<hbm>> -> memref<64xi32, #tpu.memory_space<hbm>>
        tpu.wait_dma2 semaphore(%arg16 : memref<!tpu.dma_semaphore, #tpu.memory_space<semaphore_mem>>) src(%dma_wait3A_436 : memref<64xi32, #tpu.memory_space<hbm>>) dst(%dma_wait3A_433 : memref<64xi32, #tpu.memory_space<vmem>>)
        %dma_wait3A_437 = arith.constant 0 : i32
        %dma_wait3A_438 = arith.constant 2 : i32
        %dma_wait3A_439 = arith.constant 0 : i32
        %dma_wait3A_440 = tpu.memref_slice %arg8[%dma_wait3A_438, %dma_wait3A_439] : memref<4x64xi32, #tpu.memory_space<vmem>> -> memref<1x64xi32, #tpu.memory_space<vmem>>
        %dma_wait3A_441 = tpu.memref_squeeze %dma_wait3A_440 : memref<1x64xi32, #tpu.memory_space<vmem>> -> memref<64xi32, #tpu.memory_space<vmem>>
        %dma_wait3A_442 = arith.constant 0 : i32
        %dma_wait3A_443 = tpu.memref_slice %arg4[%dma_wait3A_437, %dma_wait3A_442] : memref<2560x64xi32, #tpu.memory_space<hbm>> -> memref<1x64xi32, #tpu.memory_space<hbm>>
        %dma_wait3A_444 = tpu.memref_squeeze %dma_wait3A_443 : memref<1x64xi32, #tpu.memory_space<hbm>> -> memref<64xi32, #tpu.memory_space<hbm>>
        %dma_wait3A_445 = arith.constant 0 : i32
        %dma_wait3A_446 = tpu.memref_slice %arg8[%dma_wait3A_438, %dma_wait3A_445] : memref<4x64xi32, #tpu.memory_space<vmem>> -> memref<1x64xi32, #tpu.memory_space<vmem>>
        %dma_wait3A_447 = tpu.memref_squeeze %dma_wait3A_446 : memref<1x64xi32, #tpu.memory_space<vmem>> -> memref<64xi32, #tpu.memory_space<vmem>>
        %dma_wait3A_448 = arith.constant 0 : i32
        %dma_wait3A_449 = tpu.memref_slice %arg4[%dma_wait3A_437, %dma_wait3A_448] : memref<2560x64xi32, #tpu.memory_space<hbm>> -> memref<1x64xi32, #tpu.memory_space<hbm>>
        %dma_wait3A_450 = tpu.memref_squeeze %dma_wait3A_449 : memref<1x64xi32, #tpu.memory_space<hbm>> -> memref<64xi32, #tpu.memory_space<hbm>>
        tpu.wait_dma2 semaphore(%arg16 : memref<!tpu.dma_semaphore, #tpu.memory_space<semaphore_mem>>) src(%dma_wait3A_450 : memref<64xi32, #tpu.memory_space<hbm>>) dst(%dma_wait3A_447 : memref<64xi32, #tpu.memory_space<vmem>>)
        %dma_start3A_451 = arith.constant 2 : i32
        %dma_start3A_452 = arith.constant 0 : i32
        %dma_start3A_453 = arith.constant 0 : i32
        %dma_start3A_454 = arith.constant 0 : i32
        %dma_start3A_455 = tpu.memref_slice %arg9[%dma_start3A_452, %dma_start3A_453, %dma_start3A_454] : memref<2x64x128xi32, #tpu.memory_space<vmem>> -> memref<1x64x128xi32, #tpu.memory_space<vmem>>
        %dma_start3A_456 = tpu.memref_squeeze %dma_start3A_455 : memref<1x64x128xi32, #tpu.memory_space<vmem>> -> memref<64x128xi32, #tpu.memory_space<vmem>>
        %dma_start3A_457 = arith.constant 0 : i32
        %dma_start3A_458 = tpu.memref_slice %arg7[%dma_start3A_451, %dma_start3A_457] : memref<4x64xi32, #tpu.memory_space<vmem>> -> memref<1x64xi32, #tpu.memory_space<vmem>>
        %dma_start3A_459 = tpu.memref_squeeze %dma_start3A_458 : memref<1x64xi32, #tpu.memory_space<vmem>> -> memref<64xi32, #tpu.memory_space<vmem>>
        %dma_start3A_460 = arith.constant 0 : i32
        %dma_start3A_461 = arith.constant 0 : i32
        %dma_start3A_462 = tpu.memref_slice %arg6[%dma_start3A_460, %dma_start3A_461] : memref<10240x128xi32, #tpu.memory_space<vmem_shared>> -> memref<10240x128xi32, #tpu.memory_space<vmem_shared>>
        tpu.enqueue_indirect_dma source(%dma_start3A_462 : memref<10240x128xi32, #tpu.memory_space<vmem_shared>>) target(%dma_start3A_456 : memref<64x128xi32, #tpu.memory_space<vmem>>) offsets(%dma_start3A_459 : memref<64xi32, #tpu.memory_space<vmem>>) semaphore(%arg12 : memref<!tpu.dma_semaphore, #tpu.memory_space<semaphore_mem>>)
        %dma_start3A_463 = arith.constant 2 : i32
        %dma_start3A_464 = arith.constant 0 : i32
        %dma_start3A_465 = arith.constant 0 : i32
        %dma_start3A_466 = arith.constant 0 : i32
        %dma_start3A_467 = tpu.memref_slice %arg10[%dma_start3A_464, %dma_start3A_465, %dma_start3A_466] : memref<2x64x128xi32, #tpu.memory_space<vmem>> -> memref<1x64x128xi32, #tpu.memory_space<vmem>>
        %dma_start3A_468 = tpu.memref_squeeze %dma_start3A_467 : memref<1x64x128xi32, #tpu.memory_space<vmem>> -> memref<64x128xi32, #tpu.memory_space<vmem>>
        %dma_start3A_469 = arith.constant 0 : i32
        %dma_start3A_470 = tpu.memref_slice %arg8[%dma_start3A_463, %dma_start3A_469] : memref<4x64xi32, #tpu.memory_space<vmem>> -> memref<1x64xi32, #tpu.memory_space<vmem>>
        %dma_start3A_471 = tpu.memref_squeeze %dma_start3A_470 : memref<1x64xi32, #tpu.memory_space<vmem>> -> memref<64xi32, #tpu.memory_space<vmem>>
        %dma_start3A_472 = arith.constant 0 : i32
        %dma_start3A_473 = arith.constant 0 : i32
        %dma_start3A_474 = tpu.memref_slice %arg6[%dma_start3A_472, %dma_start3A_473] : memref<10240x128xi32, #tpu.memory_space<vmem_shared>> -> memref<10240x128xi32, #tpu.memory_space<vmem_shared>>
        tpu.enqueue_indirect_dma source(%dma_start3A_474 : memref<10240x128xi32, #tpu.memory_space<vmem_shared>>) target(%dma_start3A_468 : memref<64x128xi32, #tpu.memory_space<vmem>>) offsets(%dma_start3A_471 : memref<64xi32, #tpu.memory_space<vmem>>) semaphore(%arg12 : memref<!tpu.dma_semaphore, #tpu.memory_space<semaphore_mem>>)
      } else {
      }
      %add3A_275 = arith.constant 2 : i32
      %add3A_276 = arith.addi %add3A_267, %add3A_275 : i32
      %lt3A_277 = arith.constant 80 : i32
      %lt3A_278 = arith.cmpi slt, %add3A_276, %lt3A_277 : i32
      %convert_element_type3A_279 = arith.extui %lt3A_278 : i1 to i32
      %cond3A_280 = arith.constant 0 : i32
      %cond3A_281 = arith.cmpi ne, %convert_element_type3A_279, %cond3A_280 : i32
      scf.if %cond3A_281 {
        %add3A_423 = arith.constant 2 : i32
        %add3A_424 = arith.addi %add3A_267, %add3A_423 : i32
        %add3A_425 = arith.addi %mul3A_2, %add3A_424 : i32
        %dma_start3A_426 = arith.constant 3 : i32
        %dma_start3A_427 = arith.constant 0 : i32
        %dma_start3A_428 = tpu.memref_slice %arg7[%dma_start3A_426, %dma_start3A_427] : memref<4x64xi32, #tpu.memory_space<vmem>> -> memref<1x64xi32, #tpu.memory_space<vmem>>
        %dma_start3A_429 = tpu.memref_squeeze %dma_start3A_428 : memref<1x64xi32, #tpu.memory_space<vmem>> -> memref<64xi32, #tpu.memory_space<vmem>>
        %dma_start3A_430 = arith.constant 0 : i32
        %dma_start3A_431 = tpu.memref_slice %arg3[%add3A_425, %dma_start3A_430] : memref<2560x64xi32, #tpu.memory_space<hbm>> -> memref<1x64xi32, #tpu.memory_space<hbm>>
        %dma_start3A_432 = tpu.memref_squeeze %dma_start3A_431 : memref<1x64xi32, #tpu.memory_space<hbm>> -> memref<64xi32, #tpu.memory_space<hbm>>
        %dma_start3A_433 = arith.constant 0 : i32
        %dma_start3A_434 = tpu.memref_slice %arg7[%dma_start3A_426, %dma_start3A_433] : memref<4x64xi32, #tpu.memory_space<vmem>> -> memref<1x64xi32, #tpu.memory_space<vmem>>
        %dma_start3A_435 = tpu.memref_squeeze %dma_start3A_434 : memref<1x64xi32, #tpu.memory_space<vmem>> -> memref<64xi32, #tpu.memory_space<vmem>>
        %dma_start3A_436 = arith.constant 0 : i32
        %dma_start3A_437 = tpu.memref_slice %arg3[%add3A_425, %dma_start3A_436] : memref<2560x64xi32, #tpu.memory_space<hbm>> -> memref<1x64xi32, #tpu.memory_space<hbm>>
        %dma_start3A_438 = tpu.memref_squeeze %dma_start3A_437 : memref<1x64xi32, #tpu.memory_space<hbm>> -> memref<64xi32, #tpu.memory_space<hbm>>
        tpu.enqueue_dma source(%dma_start3A_438 : memref<64xi32, #tpu.memory_space<hbm>>) target(%dma_start3A_435 : memref<64xi32, #tpu.memory_space<vmem>>) target_semaphore(%arg17 : memref<!tpu.dma_semaphore, #tpu.memory_space<semaphore_mem>>)
        %add3A_439 = arith.addi %mul3A_2, %add3A_424 : i32
        %dma_start3A_440 = arith.constant 3 : i32
        %dma_start3A_441 = arith.constant 0 : i32
        %dma_start3A_442 = tpu.memref_slice %arg8[%dma_start3A_440, %dma_start3A_441] : memref<4x64xi32, #tpu.memory_space<vmem>> -> memref<1x64xi32, #tpu.memory_space<vmem>>
        %dma_start3A_443 = tpu.memref_squeeze %dma_start3A_442 : memref<1x64xi32, #tpu.memory_space<vmem>> -> memref<64xi32, #tpu.memory_space<vmem>>
        %dma_start3A_444 = arith.constant 0 : i32
        %dma_start3A_445 = tpu.memref_slice %arg4[%add3A_439, %dma_start3A_444] : memref<2560x64xi32, #tpu.memory_space<hbm>> -> memref<1x64xi32, #tpu.memory_space<hbm>>
        %dma_start3A_446 = tpu.memref_squeeze %dma_start3A_445 : memref<1x64xi32, #tpu.memory_space<hbm>> -> memref<64xi32, #tpu.memory_space<hbm>>
        %dma_start3A_447 = arith.constant 0 : i32
        %dma_start3A_448 = tpu.memref_slice %arg8[%dma_start3A_440, %dma_start3A_447] : memref<4x64xi32, #tpu.memory_space<vmem>> -> memref<1x64xi32, #tpu.memory_space<vmem>>
        %dma_start3A_449 = tpu.memref_squeeze %dma_start3A_448 : memref<1x64xi32, #tpu.memory_space<vmem>> -> memref<64xi32, #tpu.memory_space<vmem>>
        %dma_start3A_450 = arith.constant 0 : i32
        %dma_start3A_451 = tpu.memref_slice %arg4[%add3A_439, %dma_start3A_450] : memref<2560x64xi32, #tpu.memory_space<hbm>> -> memref<1x64xi32, #tpu.memory_space<hbm>>
        %dma_start3A_452 = tpu.memref_squeeze %dma_start3A_451 : memref<1x64xi32, #tpu.memory_space<hbm>> -> memref<64xi32, #tpu.memory_space<hbm>>
        tpu.enqueue_dma source(%dma_start3A_452 : memref<64xi32, #tpu.memory_space<hbm>>) target(%dma_start3A_449 : memref<64xi32, #tpu.memory_space<vmem>>) target_semaphore(%arg17 : memref<!tpu.dma_semaphore, #tpu.memory_space<semaphore_mem>>)
      } else {
      }
      %dma_wait3A_282 = arith.constant 1 : i32
      %dma_wait3A_283 = arith.constant 1 : i32
      %dma_wait3A_284 = arith.constant 0 : i32
      %dma_wait3A_285 = arith.constant 0 : i32
      %dma_wait3A_286 = tpu.memref_slice %arg9[%dma_wait3A_283, %dma_wait3A_284, %dma_wait3A_285] : memref<2x64x128xi32, #tpu.memory_space<vmem>> -> memref<1x64x128xi32, #tpu.memory_space<vmem>>
      %dma_wait3A_287 = tpu.memref_squeeze %dma_wait3A_286 : memref<1x64x128xi32, #tpu.memory_space<vmem>> -> memref<64x128xi32, #tpu.memory_space<vmem>>
      %dma_wait3A_288 = arith.constant 0 : i32
      %dma_wait3A_289 = tpu.memref_slice %arg7[%dma_wait3A_282, %dma_wait3A_288] : memref<4x64xi32, #tpu.memory_space<vmem>> -> memref<1x64xi32, #tpu.memory_space<vmem>>
      %dma_wait3A_290 = tpu.memref_squeeze %dma_wait3A_289 : memref<1x64xi32, #tpu.memory_space<vmem>> -> memref<64xi32, #tpu.memory_space<vmem>>
      %dma_wait3A_291 = arith.constant 0 : i32
      %dma_wait3A_292 = arith.constant 0 : i32
      %dma_wait3A_293 = tpu.memref_slice %arg6[%dma_wait3A_291, %dma_wait3A_292] : memref<10240x128xi32, #tpu.memory_space<vmem_shared>> -> memref<10240x128xi32, #tpu.memory_space<vmem_shared>>
      tpu.wait_indirect_dma semaphore(%arg13 : memref<!tpu.dma_semaphore, #tpu.memory_space<semaphore_mem>>) src(%dma_wait3A_293 : memref<10240x128xi32, #tpu.memory_space<vmem_shared>>) dst(%dma_wait3A_287 : memref<64x128xi32, #tpu.memory_space<vmem>>)
      %dma_wait3A_294 = arith.constant 1 : i32
      %dma_wait3A_295 = arith.constant 1 : i32
      %dma_wait3A_296 = arith.constant 0 : i32
      %dma_wait3A_297 = arith.constant 0 : i32
      %dma_wait3A_298 = tpu.memref_slice %arg10[%dma_wait3A_295, %dma_wait3A_296, %dma_wait3A_297] : memref<2x64x128xi32, #tpu.memory_space<vmem>> -> memref<1x64x128xi32, #tpu.memory_space<vmem>>
      %dma_wait3A_299 = tpu.memref_squeeze %dma_wait3A_298 : memref<1x64x128xi32, #tpu.memory_space<vmem>> -> memref<64x128xi32, #tpu.memory_space<vmem>>
      %dma_wait3A_300 = arith.constant 0 : i32
      %dma_wait3A_301 = tpu.memref_slice %arg8[%dma_wait3A_294, %dma_wait3A_300] : memref<4x64xi32, #tpu.memory_space<vmem>> -> memref<1x64xi32, #tpu.memory_space<vmem>>
      %dma_wait3A_302 = tpu.memref_squeeze %dma_wait3A_301 : memref<1x64xi32, #tpu.memory_space<vmem>> -> memref<64xi32, #tpu.memory_space<vmem>>
      %dma_wait3A_303 = arith.constant 0 : i32
      %dma_wait3A_304 = arith.constant 0 : i32
      %dma_wait3A_305 = tpu.memref_slice %arg6[%dma_wait3A_303, %dma_wait3A_304] : memref<10240x128xi32, #tpu.memory_space<vmem_shared>> -> memref<10240x128xi32, #tpu.memory_space<vmem_shared>>
      tpu.wait_indirect_dma semaphore(%arg13 : memref<!tpu.dma_semaphore, #tpu.memory_space<semaphore_mem>>) src(%dma_wait3A_305 : memref<10240x128xi32, #tpu.memory_space<vmem_shared>>) dst(%dma_wait3A_299 : memref<64x128xi32, #tpu.memory_space<vmem>>)
      %scan3A_306 = arith.constant 0 : i32
      %scan3A_307 = arith.constant 1 : i32
      %scan3A_308 = arith.constant 1 : i32
      %scan3A_309 = arith.constant 1 : i32
      %scan3A_310 = arith.constant 0 : i32
      %scan3A_311 = arith.constant 4 : i32
      %scan3A_312 = arith.addi %scan3A_310, %scan3A_311 : i32
      %scan3A_313 = arith.constant 1 : i32
      scf.for %scan3A_423 = %scan3A_310 to %scan3A_312 step %scan3A_313  : i32 {
        %mul3A_424 = arith.constant 16 : i32
        %mul3A_425 = arith.muli %scan3A_423, %mul3A_424 : i32
        %broadcast_in_dim3A = arith.constant 0.000000e+00 : f32
        %broadcast_in_dim3A_426 = vector.broadcast %broadcast_in_dim3A : f32 to vector<16xf32>
        %scan3A_427 = arith.constant 0 : i32
        %scan3A_428 = arith.constant 16 : i32
        %scan3A_429 = arith.addi %scan3A_427, %scan3A_428 : i32
        %scan3A_430 = arith.constant 2 : i32
        %scan3A_431 = scf.for %scan3A_444 = %scan3A_427 to %scan3A_429 step %scan3A_430 iter_args(%scan3A_445 = %broadcast_in_dim3A_426) -> (vector<16xf32>)  : i32 {
          %add3A_446 = arith.addi %mul3A_425, %scan3A_444 : i32
          %broadcast_in_dim3A_447 = arith.constant 0.000000e+00 : f32
          %broadcast_in_dim3A_448 = vector.broadcast %broadcast_in_dim3A_447 : f32 to vector<16xf32>
          %get3A = arith.constant 0 : i32
          %get3A_449 = arith.constant 0 : i32
          %get3A_450 = tpu.memref_slice %arg9[%scan3A_307, %get3A, %get3A_449] : memref<2x64x128xi32, #tpu.memory_space<vmem>> -> memref<1x64x128xi32, #tpu.memory_space<vmem>>
          %get3A_451 = tpu.memref_squeeze %get3A_450 : memref<1x64x128xi32, #tpu.memory_space<vmem>> -> memref<64x128xi32, #tpu.memory_space<vmem>>
          %get3A_452 = arith.index_cast %add3A_446 : i32 to index
          %get3A_453 = arith.constant 0 : index
          %get3A_454 = tpu.vector_load %get3A_451[%get3A_452, %get3A_453] {strides = array<i32>} : memref<64x128xi32, #tpu.memory_space<vmem>>, vector<16xi32>,
          %get3A_455 = arith.constant 0 : i32
          %get3A_456 = arith.constant 0 : i32
          %get3A_457 = tpu.memref_slice %arg10[%scan3A_308, %get3A_455, %get3A_456] : memref<2x64x128xi32, #tpu.memory_space<vmem>> -> memref<1x64x128xi32, #tpu.memory_space<vmem>>
          %get3A_458 = tpu.memref_squeeze %get3A_457 : memref<1x64x128xi32, #tpu.memory_space<vmem>> -> memref<64x128xi32, #tpu.memory_space<vmem>>
          %get3A_459 = arith.index_cast %add3A_446 : i32 to index
          %get3A_460 = arith.constant 0 : index
          %get3A_461 = tpu.vector_load %get3A_458[%get3A_459, %get3A_460] {strides = array<i32>} : memref<64x128xi32, #tpu.memory_space<vmem>>, vector<16xi32>,
          %shift_left3A = arith.constant 16 : i32
          %shift_left3A_462 = vector.broadcast %shift_left3A : i32 to vector<16xi32>
          %shift_left3A_463 = arith.shli %get3A_454, %shift_left3A_462 : vector<16xi32>
          %bitcast3A = vector.bitcast %shift_left3A_463 : vector<16xi32> to vector<16xf32>
          %shift_left3A_464 = arith.constant 16 : i32
          %shift_left3A_465 = vector.broadcast %shift_left3A_464 : i32 to vector<16xi32>
          %shift_left3A_466 = arith.shli %get3A_461, %shift_left3A_465 : vector<16xi32>
          %bitcast3A_467 = vector.bitcast %shift_left3A_466 : vector<16xi32> to vector<16xf32>
          %bitcast3A_468 = vector.bitcast %get3A_454 : vector<16xi32> to vector<16xf32>
          %bitcast3A_469 = vector.bitcast %get3A_461 : vector<16xi32> to vector<16xf32>
          %mul3A_470 = arith.mulf %bitcast3A, %bitcast3A_467 : vector<16xf32>
          %add3A_471 = arith.addf %broadcast_in_dim3A_448, %mul3A_470 : vector<16xf32>
          %mul3A_472 = arith.mulf %bitcast3A_468, %bitcast3A_469 : vector<16xf32>
          %add3A_473 = arith.addf %add3A_471, %mul3A_472 : vector<16xf32>
          %get3A_474 = arith.constant 0 : i32
          %get3A_475 = arith.constant 0 : i32
          %get3A_476 = tpu.memref_slice %arg9[%scan3A_307, %get3A_474, %get3A_475] : memref<2x64x128xi32, #tpu.memory_space<vmem>> -> memref<1x64x128xi32, #tpu.memory_space<vmem>>
          %get3A_477 = tpu.memref_squeeze %get3A_476 : memref<1x64x128xi32, #tpu.memory_space<vmem>> -> memref<64x128xi32, #tpu.memory_space<vmem>>
          %get3A_478 = arith.index_cast %add3A_446 : i32 to index
          %get3A_479 = arith.constant 16 : index
          %get3A_480 = tpu.vector_load %get3A_477[%get3A_478, %get3A_479] {strides = array<i32>} : memref<64x128xi32, #tpu.memory_space<vmem>>, vector<16xi32>,
          %get3A_481 = arith.constant 0 : i32
          %get3A_482 = arith.constant 0 : i32
          %get3A_483 = tpu.memref_slice %arg10[%scan3A_308, %get3A_481, %get3A_482] : memref<2x64x128xi32, #tpu.memory_space<vmem>> -> memref<1x64x128xi32, #tpu.memory_space<vmem>>
          %get3A_484 = tpu.memref_squeeze %get3A_483 : memref<1x64x128xi32, #tpu.memory_space<vmem>> -> memref<64x128xi32, #tpu.memory_space<vmem>>
          %get3A_485 = arith.index_cast %add3A_446 : i32 to index
          %get3A_486 = arith.constant 16 : index
          %get3A_487 = tpu.vector_load %get3A_484[%get3A_485, %get3A_486] {strides = array<i32>} : memref<64x128xi32, #tpu.memory_space<vmem>>, vector<16xi32>,
          %shift_left3A_488 = arith.constant 16 : i32
          %shift_left3A_489 = vector.broadcast %shift_left3A_488 : i32 to vector<16xi32>
          %shift_left3A_490 = arith.shli %get3A_480, %shift_left3A_489 : vector<16xi32>
          %bitcast3A_491 = vector.bitcast %shift_left3A_490 : vector<16xi32> to vector<16xf32>
          %shift_left3A_492 = arith.constant 16 : i32
          %shift_left3A_493 = vector.broadcast %shift_left3A_492 : i32 to vector<16xi32>
          %shift_left3A_494 = arith.shli %get3A_487, %shift_left3A_493 : vector<16xi32>
          %bitcast3A_495 = vector.bitcast %shift_left3A_494 : vector<16xi32> to vector<16xf32>
          %bitcast3A_496 = vector.bitcast %get3A_480 : vector<16xi32> to vector<16xf32>
          %bitcast3A_497 = vector.bitcast %get3A_487 : vector<16xi32> to vector<16xf32>
          %mul3A_498 = arith.mulf %bitcast3A_491, %bitcast3A_495 : vector<16xf32>
          %add3A_499 = arith.addf %add3A_473, %mul3A_498 : vector<16xf32>
          %mul3A_500 = arith.mulf %bitcast3A_496, %bitcast3A_497 : vector<16xf32>
          %add3A_501 = arith.addf %add3A_499, %mul3A_500 : vector<16xf32>
          %get3A_502 = arith.constant 0 : i32
          %get3A_503 = arith.constant 0 : i32
          %get3A_504 = tpu.memref_slice %arg9[%scan3A_307, %get3A_502, %get3A_503] : memref<2x64x128xi32, #tpu.memory_space<vmem>> -> memref<1x64x128xi32, #tpu.memory_space<vmem>>
          %get3A_505 = tpu.memref_squeeze %get3A_504 : memref<1x64x128xi32, #tpu.memory_space<vmem>> -> memref<64x128xi32, #tpu.memory_space<vmem>>
          %get3A_506 = arith.index_cast %add3A_446 : i32 to index
          %get3A_507 = arith.constant 32 : index
          %get3A_508 = tpu.vector_load %get3A_505[%get3A_506, %get3A_507] {strides = array<i32>} : memref<64x128xi32, #tpu.memory_space<vmem>>, vector<16xi32>,
          %get3A_509 = arith.constant 0 : i32
          %get3A_510 = arith.constant 0 : i32
          %get3A_511 = tpu.memref_slice %arg10[%scan3A_308, %get3A_509, %get3A_510] : memref<2x64x128xi32, #tpu.memory_space<vmem>> -> memref<1x64x128xi32, #tpu.memory_space<vmem>>
          %get3A_512 = tpu.memref_squeeze %get3A_511 : memref<1x64x128xi32, #tpu.memory_space<vmem>> -> memref<64x128xi32, #tpu.memory_space<vmem>>
          %get3A_513 = arith.index_cast %add3A_446 : i32 to index
          %get3A_514 = arith.constant 32 : index
          %get3A_515 = tpu.vector_load %get3A_512[%get3A_513, %get3A_514] {strides = array<i32>} : memref<64x128xi32, #tpu.memory_space<vmem>>, vector<16xi32>,
          %shift_left3A_516 = arith.constant 16 : i32
          %shift_left3A_517 = vector.broadcast %shift_left3A_516 : i32 to vector<16xi32>
          %shift_left3A_518 = arith.shli %get3A_508, %shift_left3A_517 : vector<16xi32>
          %bitcast3A_519 = vector.bitcast %shift_left3A_518 : vector<16xi32> to vector<16xf32>
          %shift_left3A_520 = arith.constant 16 : i32
          %shift_left3A_521 = vector.broadcast %shift_left3A_520 : i32 to vector<16xi32>
          %shift_left3A_522 = arith.shli %get3A_515, %shift_left3A_521 : vector<16xi32>
          %bitcast3A_523 = vector.bitcast %shift_left3A_522 : vector<16xi32> to vector<16xf32>
          %bitcast3A_524 = vector.bitcast %get3A_508 : vector<16xi32> to vector<16xf32>
          %bitcast3A_525 = vector.bitcast %get3A_515 : vector<16xi32> to vector<16xf32>
          %mul3A_526 = arith.mulf %bitcast3A_519, %bitcast3A_523 : vector<16xf32>
          %add3A_527 = arith.addf %add3A_501, %mul3A_526 : vector<16xf32>
          %mul3A_528 = arith.mulf %bitcast3A_524, %bitcast3A_525 : vector<16xf32>
          %add3A_529 = arith.addf %add3A_527, %mul3A_528 : vector<16xf32>
          %get3A_530 = arith.constant 0 : i32
          %get3A_531 = arith.constant 0 : i32
          %get3A_532 = tpu.memref_slice %arg9[%scan3A_307, %get3A_530, %get3A_531] : memref<2x64x128xi32, #tpu.memory_space<vmem>> -> memref<1x64x128xi32, #tpu.memory_space<vmem>>
          %get3A_533 = tpu.memref_squeeze %get3A_532 : memref<1x64x128xi32, #tpu.memory_space<vmem>> -> memref<64x128xi32, #tpu.memory_space<vmem>>
          %get3A_534 = arith.index_cast %add3A_446 : i32 to index
          %get3A_535 = arith.constant 48 : index
          %get3A_536 = tpu.vector_load %get3A_533[%get3A_534, %get3A_535] {strides = array<i32>} : memref<64x128xi32, #tpu.memory_space<vmem>>, vector<16xi32>,
          %get3A_537 = arith.constant 0 : i32
          %get3A_538 = arith.constant 0 : i32
          %get3A_539 = tpu.memref_slice %arg10[%scan3A_308, %get3A_537, %get3A_538] : memref<2x64x128xi32, #tpu.memory_space<vmem>> -> memref<1x64x128xi32, #tpu.memory_space<vmem>>
          %get3A_540 = tpu.memref_squeeze %get3A_539 : memref<1x64x128xi32, #tpu.memory_space<vmem>> -> memref<64x128xi32, #tpu.memory_space<vmem>>
          %get3A_541 = arith.index_cast %add3A_446 : i32 to index
          %get3A_542 = arith.constant 48 : index
          %get3A_543 = tpu.vector_load %get3A_540[%get3A_541, %get3A_542] {strides = array<i32>} : memref<64x128xi32, #tpu.memory_space<vmem>>, vector<16xi32>,
          %shift_left3A_544 = arith.constant 16 : i32
          %shift_left3A_545 = vector.broadcast %shift_left3A_544 : i32 to vector<16xi32>
          %shift_left3A_546 = arith.shli %get3A_536, %shift_left3A_545 : vector<16xi32>
          %bitcast3A_547 = vector.bitcast %shift_left3A_546 : vector<16xi32> to vector<16xf32>
          %shift_left3A_548 = arith.constant 16 : i32
          %shift_left3A_549 = vector.broadcast %shift_left3A_548 : i32 to vector<16xi32>
          %shift_left3A_550 = arith.shli %get3A_543, %shift_left3A_549 : vector<16xi32>
          %bitcast3A_551 = vector.bitcast %shift_left3A_550 : vector<16xi32> to vector<16xf32>
          %bitcast3A_552 = vector.bitcast %get3A_536 : vector<16xi32> to vector<16xf32>
          %bitcast3A_553 = vector.bitcast %get3A_543 : vector<16xi32> to vector<16xf32>
          %mul3A_554 = arith.mulf %bitcast3A_547, %bitcast3A_551 : vector<16xf32>
          %add3A_555 = arith.addf %add3A_529, %mul3A_554 : vector<16xf32>
          %mul3A_556 = arith.mulf %bitcast3A_552, %bitcast3A_553 : vector<16xf32>
          %add3A_557 = arith.addf %add3A_555, %mul3A_556 : vector<16xf32>
          %get3A_558 = arith.constant 0 : i32
          %get3A_559 = arith.constant 0 : i32
          %get3A_560 = tpu.memref_slice %arg9[%scan3A_307, %get3A_558, %get3A_559] : memref<2x64x128xi32, #tpu.memory_space<vmem>> -> memref<1x64x128xi32, #tpu.memory_space<vmem>>
          %get3A_561 = tpu.memref_squeeze %get3A_560 : memref<1x64x128xi32, #tpu.memory_space<vmem>> -> memref<64x128xi32, #tpu.memory_space<vmem>>
          %get3A_562 = arith.index_cast %add3A_446 : i32 to index
          %get3A_563 = arith.constant 64 : index
          %get3A_564 = tpu.vector_load %get3A_561[%get3A_562, %get3A_563] {strides = array<i32>} : memref<64x128xi32, #tpu.memory_space<vmem>>, vector<16xi32>,
          %get3A_565 = arith.constant 0 : i32
          %get3A_566 = arith.constant 0 : i32
          %get3A_567 = tpu.memref_slice %arg10[%scan3A_308, %get3A_565, %get3A_566] : memref<2x64x128xi32, #tpu.memory_space<vmem>> -> memref<1x64x128xi32, #tpu.memory_space<vmem>>
          %get3A_568 = tpu.memref_squeeze %get3A_567 : memref<1x64x128xi32, #tpu.memory_space<vmem>> -> memref<64x128xi32, #tpu.memory_space<vmem>>
          %get3A_569 = arith.index_cast %add3A_446 : i32 to index
          %get3A_570 = arith.constant 64 : index
          %get3A_571 = tpu.vector_load %get3A_568[%get3A_569, %get3A_570] {strides = array<i32>} : memref<64x128xi32, #tpu.memory_space<vmem>>, vector<16xi32>,
          %shift_left3A_572 = arith.constant 16 : i32
          %shift_left3A_573 = vector.broadcast %shift_left3A_572 : i32 to vector<16xi32>
          %shift_left3A_574 = arith.shli %get3A_564, %shift_left3A_573 : vector<16xi32>
          %bitcast3A_575 = vector.bitcast %shift_left3A_574 : vector<16xi32> to vector<16xf32>
          %shift_left3A_576 = arith.constant 16 : i32
          %shift_left3A_577 = vector.broadcast %shift_left3A_576 : i32 to vector<16xi32>
          %shift_left3A_578 = arith.shli %get3A_571, %shift_left3A_577 : vector<16xi32>
          %bitcast3A_579 = vector.bitcast %shift_left3A_578 : vector<16xi32> to vector<16xf32>
          %bitcast3A_580 = vector.bitcast %get3A_564 : vector<16xi32> to vector<16xf32>
          %bitcast3A_581 = vector.bitcast %get3A_571 : vector<16xi32> to vector<16xf32>
          %mul3A_582 = arith.mulf %bitcast3A_575, %bitcast3A_579 : vector<16xf32>
          %add3A_583 = arith.addf %add3A_557, %mul3A_582 : vector<16xf32>
          %mul3A_584 = arith.mulf %bitcast3A_580, %bitcast3A_581 : vector<16xf32>
          %add3A_585 = arith.addf %add3A_583, %mul3A_584 : vector<16xf32>
          %get3A_586 = arith.constant 0 : i32
          %get3A_587 = arith.constant 0 : i32
          %get3A_588 = tpu.memref_slice %arg9[%scan3A_307, %get3A_586, %get3A_587] : memref<2x64x128xi32, #tpu.memory_space<vmem>> -> memref<1x64x128xi32, #tpu.memory_space<vmem>>
          %get3A_589 = tpu.memref_squeeze %get3A_588 : memref<1x64x128xi32, #tpu.memory_space<vmem>> -> memref<64x128xi32, #tpu.memory_space<vmem>>
          %get3A_590 = arith.index_cast %add3A_446 : i32 to index
          %get3A_591 = arith.constant 80 : index
          %get3A_592 = tpu.vector_load %get3A_589[%get3A_590, %get3A_591] {strides = array<i32>} : memref<64x128xi32, #tpu.memory_space<vmem>>, vector<16xi32>,
          %get3A_593 = arith.constant 0 : i32
          %get3A_594 = arith.constant 0 : i32
          %get3A_595 = tpu.memref_slice %arg10[%scan3A_308, %get3A_593, %get3A_594] : memref<2x64x128xi32, #tpu.memory_space<vmem>> -> memref<1x64x128xi32, #tpu.memory_space<vmem>>
          %get3A_596 = tpu.memref_squeeze %get3A_595 : memref<1x64x128xi32, #tpu.memory_space<vmem>> -> memref<64x128xi32, #tpu.memory_space<vmem>>
          %get3A_597 = arith.index_cast %add3A_446 : i32 to index
          %get3A_598 = arith.constant 80 : index
          %get3A_599 = tpu.vector_load %get3A_596[%get3A_597, %get3A_598] {strides = array<i32>} : memref<64x128xi32, #tpu.memory_space<vmem>>, vector<16xi32>,
          %shift_left3A_600 = arith.constant 16 : i32
          %shift_left3A_601 = vector.broadcast %shift_left3A_600 : i32 to vector<16xi32>
          %shift_left3A_602 = arith.shli %get3A_592, %shift_left3A_601 : vector<16xi32>
          %bitcast3A_603 = vector.bitcast %shift_left3A_602 : vector<16xi32> to vector<16xf32>
          %shift_left3A_604 = arith.constant 16 : i32
          %shift_left3A_605 = vector.broadcast %shift_left3A_604 : i32 to vector<16xi32>
          %shift_left3A_606 = arith.shli %get3A_599, %shift_left3A_605 : vector<16xi32>
          %bitcast3A_607 = vector.bitcast %shift_left3A_606 : vector<16xi32> to vector<16xf32>
          %bitcast3A_608 = vector.bitcast %get3A_592 : vector<16xi32> to vector<16xf32>
          %bitcast3A_609 = vector.bitcast %get3A_599 : vector<16xi32> to vector<16xf32>
          %mul3A_610 = arith.mulf %bitcast3A_603, %bitcast3A_607 : vector<16xf32>
          %add3A_611 = arith.addf %add3A_585, %mul3A_610 : vector<16xf32>
          %mul3A_612 = arith.mulf %bitcast3A_608, %bitcast3A_609 : vector<16xf32>
          %add3A_613 = arith.addf %add3A_611, %mul3A_612 : vector<16xf32>
          %get3A_614 = arith.constant 0 : i32
          %get3A_615 = arith.constant 0 : i32
          %get3A_616 = tpu.memref_slice %arg9[%scan3A_307, %get3A_614, %get3A_615] : memref<2x64x128xi32, #tpu.memory_space<vmem>> -> memref<1x64x128xi32, #tpu.memory_space<vmem>>
          %get3A_617 = tpu.memref_squeeze %get3A_616 : memref<1x64x128xi32, #tpu.memory_space<vmem>> -> memref<64x128xi32, #tpu.memory_space<vmem>>
          %get3A_618 = arith.index_cast %add3A_446 : i32 to index
          %get3A_619 = arith.constant 96 : index
          %get3A_620 = tpu.vector_load %get3A_617[%get3A_618, %get3A_619] {strides = array<i32>} : memref<64x128xi32, #tpu.memory_space<vmem>>, vector<16xi32>,
          %get3A_621 = arith.constant 0 : i32
          %get3A_622 = arith.constant 0 : i32
          %get3A_623 = tpu.memref_slice %arg10[%scan3A_308, %get3A_621, %get3A_622] : memref<2x64x128xi32, #tpu.memory_space<vmem>> -> memref<1x64x128xi32, #tpu.memory_space<vmem>>
          %get3A_624 = tpu.memref_squeeze %get3A_623 : memref<1x64x128xi32, #tpu.memory_space<vmem>> -> memref<64x128xi32, #tpu.memory_space<vmem>>
          %get3A_625 = arith.index_cast %add3A_446 : i32 to index
          %get3A_626 = arith.constant 96 : index
          %get3A_627 = tpu.vector_load %get3A_624[%get3A_625, %get3A_626] {strides = array<i32>} : memref<64x128xi32, #tpu.memory_space<vmem>>, vector<16xi32>,
          %shift_left3A_628 = arith.constant 16 : i32
          %shift_left3A_629 = vector.broadcast %shift_left3A_628 : i32 to vector<16xi32>
          %shift_left3A_630 = arith.shli %get3A_620, %shift_left3A_629 : vector<16xi32>
          %bitcast3A_631 = vector.bitcast %shift_left3A_630 : vector<16xi32> to vector<16xf32>
          %shift_left3A_632 = arith.constant 16 : i32
          %shift_left3A_633 = vector.broadcast %shift_left3A_632 : i32 to vector<16xi32>
          %shift_left3A_634 = arith.shli %get3A_627, %shift_left3A_633 : vector<16xi32>
          %bitcast3A_635 = vector.bitcast %shift_left3A_634 : vector<16xi32> to vector<16xf32>
          %bitcast3A_636 = vector.bitcast %get3A_620 : vector<16xi32> to vector<16xf32>
          %bitcast3A_637 = vector.bitcast %get3A_627 : vector<16xi32> to vector<16xf32>
          %mul3A_638 = arith.mulf %bitcast3A_631, %bitcast3A_635 : vector<16xf32>
          %add3A_639 = arith.addf %add3A_613, %mul3A_638 : vector<16xf32>
          %mul3A_640 = arith.mulf %bitcast3A_636, %bitcast3A_637 : vector<16xf32>
          %add3A_641 = arith.addf %add3A_639, %mul3A_640 : vector<16xf32>
          %get3A_642 = arith.constant 0 : i32
          %get3A_643 = arith.constant 0 : i32
          %get3A_644 = tpu.memref_slice %arg9[%scan3A_307, %get3A_642, %get3A_643] : memref<2x64x128xi32, #tpu.memory_space<vmem>> -> memref<1x64x128xi32, #tpu.memory_space<vmem>>
          %get3A_645 = tpu.memref_squeeze %get3A_644 : memref<1x64x128xi32, #tpu.memory_space<vmem>> -> memref<64x128xi32, #tpu.memory_space<vmem>>
          %get3A_646 = arith.index_cast %add3A_446 : i32 to index
          %get3A_647 = arith.constant 112 : index
          %get3A_648 = tpu.vector_load %get3A_645[%get3A_646, %get3A_647] {strides = array<i32>} : memref<64x128xi32, #tpu.memory_space<vmem>>, vector<16xi32>,
          %get3A_649 = arith.constant 0 : i32
          %get3A_650 = arith.constant 0 : i32
          %get3A_651 = tpu.memref_slice %arg10[%scan3A_308, %get3A_649, %get3A_650] : memref<2x64x128xi32, #tpu.memory_space<vmem>> -> memref<1x64x128xi32, #tpu.memory_space<vmem>>
          %get3A_652 = tpu.memref_squeeze %get3A_651 : memref<1x64x128xi32, #tpu.memory_space<vmem>> -> memref<64x128xi32, #tpu.memory_space<vmem>>
          %get3A_653 = arith.index_cast %add3A_446 : i32 to index
          %get3A_654 = arith.constant 112 : index
          %get3A_655 = tpu.vector_load %get3A_652[%get3A_653, %get3A_654] {strides = array<i32>} : memref<64x128xi32, #tpu.memory_space<vmem>>, vector<16xi32>,
          %shift_left3A_656 = arith.constant 16 : i32
          %shift_left3A_657 = vector.broadcast %shift_left3A_656 : i32 to vector<16xi32>
          %shift_left3A_658 = arith.shli %get3A_648, %shift_left3A_657 : vector<16xi32>
          %bitcast3A_659 = vector.bitcast %shift_left3A_658 : vector<16xi32> to vector<16xf32>
          %shift_left3A_660 = arith.constant 16 : i32
          %shift_left3A_661 = vector.broadcast %shift_left3A_660 : i32 to vector<16xi32>
          %shift_left3A_662 = arith.shli %get3A_655, %shift_left3A_661 : vector<16xi32>
          %bitcast3A_663 = vector.bitcast %shift_left3A_662 : vector<16xi32> to vector<16xf32>
          %bitcast3A_664 = vector.bitcast %get3A_648 : vector<16xi32> to vector<16xf32>
          %bitcast3A_665 = vector.bitcast %get3A_655 : vector<16xi32> to vector<16xf32>
          %mul3A_666 = arith.mulf %bitcast3A_659, %bitcast3A_663 : vector<16xf32>
          %add3A_667 = arith.addf %add3A_641, %mul3A_666 : vector<16xf32>
          %mul3A_668 = arith.mulf %bitcast3A_664, %bitcast3A_665 : vector<16xf32>
          %add3A_669 = arith.addf %add3A_667, %mul3A_668 : vector<16xf32>
          %broadcast_in_dim3A_670 = vector.shape_cast %select_n3A_22 : vector<16xi32> to vector<16x1xi32>
          %gather3A = vector.shape_cast %broadcast_in_dim3A_670 : vector<16x1xi32> to vector<16xi32>
          %gather3A_671 = tpu.dynamic_gather %add3A_669[%gather3A] in [0] : vector<16xf32>, vector<16xi32> -> vector<16xf32>
          %add3A_672 = arith.addf %add3A_669, %gather3A_671 : vector<16xf32>
          %broadcast_in_dim3A_673 = vector.shape_cast %select_n3A_47 : vector<16xi32> to vector<16x1xi32>
          %gather3A_674 = vector.shape_cast %broadcast_in_dim3A_673 : vector<16x1xi32> to vector<16xi32>
          %gather3A_675 = tpu.dynamic_gather %add3A_672[%gather3A_674] in [0] : vector<16xf32>, vector<16xi32> -> vector<16xf32>
          %add3A_676 = arith.addf %add3A_672, %gather3A_675 : vector<16xf32>
          %broadcast_in_dim3A_677 = vector.shape_cast %select_n3A_72 : vector<16xi32> to vector<16x1xi32>
          %gather3A_678 = vector.shape_cast %broadcast_in_dim3A_677 : vector<16x1xi32> to vector<16xi32>
          %gather3A_679 = tpu.dynamic_gather %add3A_676[%gather3A_678] in [0] : vector<16xf32>, vector<16xi32> -> vector<16xf32>
          %add3A_680 = arith.addf %add3A_676, %gather3A_679 : vector<16xf32>
          %broadcast_in_dim3A_681 = vector.shape_cast %select_n3A_97 : vector<16xi32> to vector<16x1xi32>
          %gather3A_682 = vector.shape_cast %broadcast_in_dim3A_681 : vector<16x1xi32> to vector<16xi32>
          %gather3A_683 = tpu.dynamic_gather %add3A_680[%gather3A_682] in [0] : vector<16xf32>, vector<16xi32> -> vector<16xf32>
          %add3A_684 = arith.addf %add3A_680, %gather3A_683 : vector<16xf32>
          %eq3A_685 = vector.broadcast %scan3A_444 : i32 to vector<16xi32>
          %eq3A_686 = arith.cmpi eq, %iota3A, %eq3A_685 : vector<16xi32>
          %select_n3A_687 = arith.select %eq3A_686, %add3A_684, %scan3A_445 : vector<16xi1>, vector<16xf32>
          %scan3A_688 = arith.constant 1 : i32
          %scan3A_689 = arith.addi %scan3A_444, %scan3A_688 : i32
          %add3A_690 = arith.addi %mul3A_425, %scan3A_689 : i32
          %broadcast_in_dim3A_691 = arith.constant 0.000000e+00 : f32
          %broadcast_in_dim3A_692 = vector.broadcast %broadcast_in_dim3A_691 : f32 to vector<16xf32>
          %get3A_693 = arith.constant 0 : i32
          %get3A_694 = arith.constant 0 : i32
          %get3A_695 = tpu.memref_slice %arg9[%scan3A_307, %get3A_693, %get3A_694] : memref<2x64x128xi32, #tpu.memory_space<vmem>> -> memref<1x64x128xi32, #tpu.memory_space<vmem>>
          %get3A_696 = tpu.memref_squeeze %get3A_695 : memref<1x64x128xi32, #tpu.memory_space<vmem>> -> memref<64x128xi32, #tpu.memory_space<vmem>>
          %get3A_697 = arith.index_cast %add3A_690 : i32 to index
          %get3A_698 = arith.constant 0 : index
          %get3A_699 = tpu.vector_load %get3A_696[%get3A_697, %get3A_698] {strides = array<i32>} : memref<64x128xi32, #tpu.memory_space<vmem>>, vector<16xi32>,
          %get3A_700 = arith.constant 0 : i32
          %get3A_701 = arith.constant 0 : i32
          %get3A_702 = tpu.memref_slice %arg10[%scan3A_308, %get3A_700, %get3A_701] : memref<2x64x128xi32, #tpu.memory_space<vmem>> -> memref<1x64x128xi32, #tpu.memory_space<vmem>>
          %get3A_703 = tpu.memref_squeeze %get3A_702 : memref<1x64x128xi32, #tpu.memory_space<vmem>> -> memref<64x128xi32, #tpu.memory_space<vmem>>
          %get3A_704 = arith.index_cast %add3A_690 : i32 to index
          %get3A_705 = arith.constant 0 : index
          %get3A_706 = tpu.vector_load %get3A_703[%get3A_704, %get3A_705] {strides = array<i32>} : memref<64x128xi32, #tpu.memory_space<vmem>>, vector<16xi32>,
          %shift_left3A_707 = arith.constant 16 : i32
          %shift_left3A_708 = vector.broadcast %shift_left3A_707 : i32 to vector<16xi32>
          %shift_left3A_709 = arith.shli %get3A_699, %shift_left3A_708 : vector<16xi32>
          %bitcast3A_710 = vector.bitcast %shift_left3A_709 : vector<16xi32> to vector<16xf32>
          %shift_left3A_711 = arith.constant 16 : i32
          %shift_left3A_712 = vector.broadcast %shift_left3A_711 : i32 to vector<16xi32>
          %shift_left3A_713 = arith.shli %get3A_706, %shift_left3A_712 : vector<16xi32>
          %bitcast3A_714 = vector.bitcast %shift_left3A_713 : vector<16xi32> to vector<16xf32>
          %bitcast3A_715 = vector.bitcast %get3A_699 : vector<16xi32> to vector<16xf32>
          %bitcast3A_716 = vector.bitcast %get3A_706 : vector<16xi32> to vector<16xf32>
          %mul3A_717 = arith.mulf %bitcast3A_710, %bitcast3A_714 : vector<16xf32>
          %add3A_718 = arith.addf %broadcast_in_dim3A_692, %mul3A_717 : vector<16xf32>
          %mul3A_719 = arith.mulf %bitcast3A_715, %bitcast3A_716 : vector<16xf32>
          %add3A_720 = arith.addf %add3A_718, %mul3A_719 : vector<16xf32>
          %get3A_721 = arith.constant 0 : i32
          %get3A_722 = arith.constant 0 : i32
          %get3A_723 = tpu.memref_slice %arg9[%scan3A_307, %get3A_721, %get3A_722] : memref<2x64x128xi32, #tpu.memory_space<vmem>> -> memref<1x64x128xi32, #tpu.memory_space<vmem>>
          %get3A_724 = tpu.memref_squeeze %get3A_723 : memref<1x64x128xi32, #tpu.memory_space<vmem>> -> memref<64x128xi32, #tpu.memory_space<vmem>>
          %get3A_725 = arith.index_cast %add3A_690 : i32 to index
          %get3A_726 = arith.constant 16 : index
          %get3A_727 = tpu.vector_load %get3A_724[%get3A_725, %get3A_726] {strides = array<i32>} : memref<64x128xi32, #tpu.memory_space<vmem>>, vector<16xi32>,
          %get3A_728 = arith.constant 0 : i32
          %get3A_729 = arith.constant 0 : i32
          %get3A_730 = tpu.memref_slice %arg10[%scan3A_308, %get3A_728, %get3A_729] : memref<2x64x128xi32, #tpu.memory_space<vmem>> -> memref<1x64x128xi32, #tpu.memory_space<vmem>>
          %get3A_731 = tpu.memref_squeeze %get3A_730 : memref<1x64x128xi32, #tpu.memory_space<vmem>> -> memref<64x128xi32, #tpu.memory_space<vmem>>
          %get3A_732 = arith.index_cast %add3A_690 : i32 to index
          %get3A_733 = arith.constant 16 : index
          %get3A_734 = tpu.vector_load %get3A_731[%get3A_732, %get3A_733] {strides = array<i32>} : memref<64x128xi32, #tpu.memory_space<vmem>>, vector<16xi32>,
          %shift_left3A_735 = arith.constant 16 : i32
          %shift_left3A_736 = vector.broadcast %shift_left3A_735 : i32 to vector<16xi32>
          %shift_left3A_737 = arith.shli %get3A_727, %shift_left3A_736 : vector<16xi32>
          %bitcast3A_738 = vector.bitcast %shift_left3A_737 : vector<16xi32> to vector<16xf32>
          %shift_left3A_739 = arith.constant 16 : i32
          %shift_left3A_740 = vector.broadcast %shift_left3A_739 : i32 to vector<16xi32>
          %shift_left3A_741 = arith.shli %get3A_734, %shift_left3A_740 : vector<16xi32>
          %bitcast3A_742 = vector.bitcast %shift_left3A_741 : vector<16xi32> to vector<16xf32>
          %bitcast3A_743 = vector.bitcast %get3A_727 : vector<16xi32> to vector<16xf32>
          %bitcast3A_744 = vector.bitcast %get3A_734 : vector<16xi32> to vector<16xf32>
          %mul3A_745 = arith.mulf %bitcast3A_738, %bitcast3A_742 : vector<16xf32>
          %add3A_746 = arith.addf %add3A_720, %mul3A_745 : vector<16xf32>
          %mul3A_747 = arith.mulf %bitcast3A_743, %bitcast3A_744 : vector<16xf32>
          %add3A_748 = arith.addf %add3A_746, %mul3A_747 : vector<16xf32>
          %get3A_749 = arith.constant 0 : i32
          %get3A_750 = arith.constant 0 : i32
          %get3A_751 = tpu.memref_slice %arg9[%scan3A_307, %get3A_749, %get3A_750] : memref<2x64x128xi32, #tpu.memory_space<vmem>> -> memref<1x64x128xi32, #tpu.memory_space<vmem>>
          %get3A_752 = tpu.memref_squeeze %get3A_751 : memref<1x64x128xi32, #tpu.memory_space<vmem>> -> memref<64x128xi32, #tpu.memory_space<vmem>>
          %get3A_753 = arith.index_cast %add3A_690 : i32 to index
          %get3A_754 = arith.constant 32 : index
          %get3A_755 = tpu.vector_load %get3A_752[%get3A_753, %get3A_754] {strides = array<i32>} : memref<64x128xi32, #tpu.memory_space<vmem>>, vector<16xi32>,
          %get3A_756 = arith.constant 0 : i32
          %get3A_757 = arith.constant 0 : i32
          %get3A_758 = tpu.memref_slice %arg10[%scan3A_308, %get3A_756, %get3A_757] : memref<2x64x128xi32, #tpu.memory_space<vmem>> -> memref<1x64x128xi32, #tpu.memory_space<vmem>>
          %get3A_759 = tpu.memref_squeeze %get3A_758 : memref<1x64x128xi32, #tpu.memory_space<vmem>> -> memref<64x128xi32, #tpu.memory_space<vmem>>
          %get3A_760 = arith.index_cast %add3A_690 : i32 to index
          %get3A_761 = arith.constant 32 : index
          %get3A_762 = tpu.vector_load %get3A_759[%get3A_760, %get3A_761] {strides = array<i32>} : memref<64x128xi32, #tpu.memory_space<vmem>>, vector<16xi32>,
          %shift_left3A_763 = arith.constant 16 : i32
          %shift_left3A_764 = vector.broadcast %shift_left3A_763 : i32 to vector<16xi32>
          %shift_left3A_765 = arith.shli %get3A_755, %shift_left3A_764 : vector<16xi32>
          %bitcast3A_766 = vector.bitcast %shift_left3A_765 : vector<16xi32> to vector<16xf32>
          %shift_left3A_767 = arith.constant 16 : i32
          %shift_left3A_768 = vector.broadcast %shift_left3A_767 : i32 to vector<16xi32>
          %shift_left3A_769 = arith.shli %get3A_762, %shift_left3A_768 : vector<16xi32>
          %bitcast3A_770 = vector.bitcast %shift_left3A_769 : vector<16xi32> to vector<16xf32>
          %bitcast3A_771 = vector.bitcast %get3A_755 : vector<16xi32> to vector<16xf32>
          %bitcast3A_772 = vector.bitcast %get3A_762 : vector<16xi32> to vector<16xf32>
          %mul3A_773 = arith.mulf %bitcast3A_766, %bitcast3A_770 : vector<16xf32>
          %add3A_774 = arith.addf %add3A_748, %mul3A_773 : vector<16xf32>
          %mul3A_775 = arith.mulf %bitcast3A_771, %bitcast3A_772 : vector<16xf32>
          %add3A_776 = arith.addf %add3A_774, %mul3A_775 : vector<16xf32>
          %get3A_777 = arith.constant 0 : i32
          %get3A_778 = arith.constant 0 : i32
          %get3A_779 = tpu.memref_slice %arg9[%scan3A_307, %get3A_777, %get3A_778] : memref<2x64x128xi32, #tpu.memory_space<vmem>> -> memref<1x64x128xi32, #tpu.memory_space<vmem>>
          %get3A_780 = tpu.memref_squeeze %get3A_779 : memref<1x64x128xi32, #tpu.memory_space<vmem>> -> memref<64x128xi32, #tpu.memory_space<vmem>>
          %get3A_781 = arith.index_cast %add3A_690 : i32 to index
          %get3A_782 = arith.constant 48 : index
          %get3A_783 = tpu.vector_load %get3A_780[%get3A_781, %get3A_782] {strides = array<i32>} : memref<64x128xi32, #tpu.memory_space<vmem>>, vector<16xi32>,
          %get3A_784 = arith.constant 0 : i32
          %get3A_785 = arith.constant 0 : i32
          %get3A_786 = tpu.memref_slice %arg10[%scan3A_308, %get3A_784, %get3A_785] : memref<2x64x128xi32, #tpu.memory_space<vmem>> -> memref<1x64x128xi32, #tpu.memory_space<vmem>>
          %get3A_787 = tpu.memref_squeeze %get3A_786 : memref<1x64x128xi32, #tpu.memory_space<vmem>> -> memref<64x128xi32, #tpu.memory_space<vmem>>
          %get3A_788 = arith.index_cast %add3A_690 : i32 to index
          %get3A_789 = arith.constant 48 : index
          %get3A_790 = tpu.vector_load %get3A_787[%get3A_788, %get3A_789] {strides = array<i32>} : memref<64x128xi32, #tpu.memory_space<vmem>>, vector<16xi32>,
          %shift_left3A_791 = arith.constant 16 : i32
          %shift_left3A_792 = vector.broadcast %shift_left3A_791 : i32 to vector<16xi32>
          %shift_left3A_793 = arith.shli %get3A_783, %shift_left3A_792 : vector<16xi32>
          %bitcast3A_794 = vector.bitcast %shift_left3A_793 : vector<16xi32> to vector<16xf32>
          %shift_left3A_795 = arith.constant 16 : i32
          %shift_left3A_796 = vector.broadcast %shift_left3A_795 : i32 to vector<16xi32>
          %shift_left3A_797 = arith.shli %get3A_790, %shift_left3A_796 : vector<16xi32>
          %bitcast3A_798 = vector.bitcast %shift_left3A_797 : vector<16xi32> to vector<16xf32>
          %bitcast3A_799 = vector.bitcast %get3A_783 : vector<16xi32> to vector<16xf32>
          %bitcast3A_800 = vector.bitcast %get3A_790 : vector<16xi32> to vector<16xf32>
          %mul3A_801 = arith.mulf %bitcast3A_794, %bitcast3A_798 : vector<16xf32>
          %add3A_802 = arith.addf %add3A_776, %mul3A_801 : vector<16xf32>
          %mul3A_803 = arith.mulf %bitcast3A_799, %bitcast3A_800 : vector<16xf32>
          %add3A_804 = arith.addf %add3A_802, %mul3A_803 : vector<16xf32>
          %get3A_805 = arith.constant 0 : i32
          %get3A_806 = arith.constant 0 : i32
          %get3A_807 = tpu.memref_slice %arg9[%scan3A_307, %get3A_805, %get3A_806] : memref<2x64x128xi32, #tpu.memory_space<vmem>> -> memref<1x64x128xi32, #tpu.memory_space<vmem>>
          %get3A_808 = tpu.memref_squeeze %get3A_807 : memref<1x64x128xi32, #tpu.memory_space<vmem>> -> memref<64x128xi32, #tpu.memory_space<vmem>>
          %get3A_809 = arith.index_cast %add3A_690 : i32 to index
          %get3A_810 = arith.constant 64 : index
          %get3A_811 = tpu.vector_load %get3A_808[%get3A_809, %get3A_810] {strides = array<i32>} : memref<64x128xi32, #tpu.memory_space<vmem>>, vector<16xi32>,
          %get3A_812 = arith.constant 0 : i32
          %get3A_813 = arith.constant 0 : i32
          %get3A_814 = tpu.memref_slice %arg10[%scan3A_308, %get3A_812, %get3A_813] : memref<2x64x128xi32, #tpu.memory_space<vmem>> -> memref<1x64x128xi32, #tpu.memory_space<vmem>>
          %get3A_815 = tpu.memref_squeeze %get3A_814 : memref<1x64x128xi32, #tpu.memory_space<vmem>> -> memref<64x128xi32, #tpu.memory_space<vmem>>
          %get3A_816 = arith.index_cast %add3A_690 : i32 to index
          %get3A_817 = arith.constant 64 : index
          %get3A_818 = tpu.vector_load %get3A_815[%get3A_816, %get3A_817] {strides = array<i32>} : memref<64x128xi32, #tpu.memory_space<vmem>>, vector<16xi32>,
          %shift_left3A_819 = arith.constant 16 : i32
          %shift_left3A_820 = vector.broadcast %shift_left3A_819 : i32 to vector<16xi32>
          %shift_left3A_821 = arith.shli %get3A_811, %shift_left3A_820 : vector<16xi32>
          %bitcast3A_822 = vector.bitcast %shift_left3A_821 : vector<16xi32> to vector<16xf32>
          %shift_left3A_823 = arith.constant 16 : i32
          %shift_left3A_824 = vector.broadcast %shift_left3A_823 : i32 to vector<16xi32>
          %shift_left3A_825 = arith.shli %get3A_818, %shift_left3A_824 : vector<16xi32>
          %bitcast3A_826 = vector.bitcast %shift_left3A_825 : vector<16xi32> to vector<16xf32>
          %bitcast3A_827 = vector.bitcast %get3A_811 : vector<16xi32> to vector<16xf32>
          %bitcast3A_828 = vector.bitcast %get3A_818 : vector<16xi32> to vector<16xf32>
          %mul3A_829 = arith.mulf %bitcast3A_822, %bitcast3A_826 : vector<16xf32>
          %add3A_830 = arith.addf %add3A_804, %mul3A_829 : vector<16xf32>
          %mul3A_831 = arith.mulf %bitcast3A_827, %bitcast3A_828 : vector<16xf32>
          %add3A_832 = arith.addf %add3A_830, %mul3A_831 : vector<16xf32>
          %get3A_833 = arith.constant 0 : i32
          %get3A_834 = arith.constant 0 : i32
          %get3A_835 = tpu.memref_slice %arg9[%scan3A_307, %get3A_833, %get3A_834] : memref<2x64x128xi32, #tpu.memory_space<vmem>> -> memref<1x64x128xi32, #tpu.memory_space<vmem>>
          %get3A_836 = tpu.memref_squeeze %get3A_835 : memref<1x64x128xi32, #tpu.memory_space<vmem>> -> memref<64x128xi32, #tpu.memory_space<vmem>>
          %get3A_837 = arith.index_cast %add3A_690 : i32 to index
          %get3A_838 = arith.constant 80 : index
          %get3A_839 = tpu.vector_load %get3A_836[%get3A_837, %get3A_838] {strides = array<i32>} : memref<64x128xi32, #tpu.memory_space<vmem>>, vector<16xi32>,
          %get3A_840 = arith.constant 0 : i32
          %get3A_841 = arith.constant 0 : i32
          %get3A_842 = tpu.memref_slice %arg10[%scan3A_308, %get3A_840, %get3A_841] : memref<2x64x128xi32, #tpu.memory_space<vmem>> -> memref<1x64x128xi32, #tpu.memory_space<vmem>>
          %get3A_843 = tpu.memref_squeeze %get3A_842 : memref<1x64x128xi32, #tpu.memory_space<vmem>> -> memref<64x128xi32, #tpu.memory_space<vmem>>
          %get3A_844 = arith.index_cast %add3A_690 : i32 to index
          %get3A_845 = arith.constant 80 : index
          %get3A_846 = tpu.vector_load %get3A_843[%get3A_844, %get3A_845] {strides = array<i32>} : memref<64x128xi32, #tpu.memory_space<vmem>>, vector<16xi32>,
          %shift_left3A_847 = arith.constant 16 : i32
          %shift_left3A_848 = vector.broadcast %shift_left3A_847 : i32 to vector<16xi32>
          %shift_left3A_849 = arith.shli %get3A_839, %shift_left3A_848 : vector<16xi32>
          %bitcast3A_850 = vector.bitcast %shift_left3A_849 : vector<16xi32> to vector<16xf32>
          %shift_left3A_851 = arith.constant 16 : i32
          %shift_left3A_852 = vector.broadcast %shift_left3A_851 : i32 to vector<16xi32>
          %shift_left3A_853 = arith.shli %get3A_846, %shift_left3A_852 : vector<16xi32>
          %bitcast3A_854 = vector.bitcast %shift_left3A_853 : vector<16xi32> to vector<16xf32>
          %bitcast3A_855 = vector.bitcast %get3A_839 : vector<16xi32> to vector<16xf32>
          %bitcast3A_856 = vector.bitcast %get3A_846 : vector<16xi32> to vector<16xf32>
          %mul3A_857 = arith.mulf %bitcast3A_850, %bitcast3A_854 : vector<16xf32>
          %add3A_858 = arith.addf %add3A_832, %mul3A_857 : vector<16xf32>
          %mul3A_859 = arith.mulf %bitcast3A_855, %bitcast3A_856 : vector<16xf32>
          %add3A_860 = arith.addf %add3A_858, %mul3A_859 : vector<16xf32>
          %get3A_861 = arith.constant 0 : i32
          %get3A_862 = arith.constant 0 : i32
          %get3A_863 = tpu.memref_slice %arg9[%scan3A_307, %get3A_861, %get3A_862] : memref<2x64x128xi32, #tpu.memory_space<vmem>> -> memref<1x64x128xi32, #tpu.memory_space<vmem>>
          %get3A_864 = tpu.memref_squeeze %get3A_863 : memref<1x64x128xi32, #tpu.memory_space<vmem>> -> memref<64x128xi32, #tpu.memory_space<vmem>>
          %get3A_865 = arith.index_cast %add3A_690 : i32 to index
          %get3A_866 = arith.constant 96 : index
          %get3A_867 = tpu.vector_load %get3A_864[%get3A_865, %get3A_866] {strides = array<i32>} : memref<64x128xi32, #tpu.memory_space<vmem>>, vector<16xi32>,
          %get3A_868 = arith.constant 0 : i32
          %get3A_869 = arith.constant 0 : i32
          %get3A_870 = tpu.memref_slice %arg10[%scan3A_308, %get3A_868, %get3A_869] : memref<2x64x128xi32, #tpu.memory_space<vmem>> -> memref<1x64x128xi32, #tpu.memory_space<vmem>>
          %get3A_871 = tpu.memref_squeeze %get3A_870 : memref<1x64x128xi32, #tpu.memory_space<vmem>> -> memref<64x128xi32, #tpu.memory_space<vmem>>
          %get3A_872 = arith.index_cast %add3A_690 : i32 to index
          %get3A_873 = arith.constant 96 : index
          %get3A_874 = tpu.vector_load %get3A_871[%get3A_872, %get3A_873] {strides = array<i32>} : memref<64x128xi32, #tpu.memory_space<vmem>>, vector<16xi32>,
          %shift_left3A_875 = arith.constant 16 : i32
          %shift_left3A_876 = vector.broadcast %shift_left3A_875 : i32 to vector<16xi32>
          %shift_left3A_877 = arith.shli %get3A_867, %shift_left3A_876 : vector<16xi32>
          %bitcast3A_878 = vector.bitcast %shift_left3A_877 : vector<16xi32> to vector<16xf32>
          %shift_left3A_879 = arith.constant 16 : i32
          %shift_left3A_880 = vector.broadcast %shift_left3A_879 : i32 to vector<16xi32>
          %shift_left3A_881 = arith.shli %get3A_874, %shift_left3A_880 : vector<16xi32>
          %bitcast3A_882 = vector.bitcast %shift_left3A_881 : vector<16xi32> to vector<16xf32>
          %bitcast3A_883 = vector.bitcast %get3A_867 : vector<16xi32> to vector<16xf32>
          %bitcast3A_884 = vector.bitcast %get3A_874 : vector<16xi32> to vector<16xf32>
          %mul3A_885 = arith.mulf %bitcast3A_878, %bitcast3A_882 : vector<16xf32>
          %add3A_886 = arith.addf %add3A_860, %mul3A_885 : vector<16xf32>
          %mul3A_887 = arith.mulf %bitcast3A_883, %bitcast3A_884 : vector<16xf32>
          %add3A_888 = arith.addf %add3A_886, %mul3A_887 : vector<16xf32>
          %get3A_889 = arith.constant 0 : i32
          %get3A_890 = arith.constant 0 : i32
          %get3A_891 = tpu.memref_slice %arg9[%scan3A_307, %get3A_889, %get3A_890] : memref<2x64x128xi32, #tpu.memory_space<vmem>> -> memref<1x64x128xi32, #tpu.memory_space<vmem>>
          %get3A_892 = tpu.memref_squeeze %get3A_891 : memref<1x64x128xi32, #tpu.memory_space<vmem>> -> memref<64x128xi32, #tpu.memory_space<vmem>>
          %get3A_893 = arith.index_cast %add3A_690 : i32 to index
          %get3A_894 = arith.constant 112 : index
          %get3A_895 = tpu.vector_load %get3A_892[%get3A_893, %get3A_894] {strides = array<i32>} : memref<64x128xi32, #tpu.memory_space<vmem>>, vector<16xi32>,
          %get3A_896 = arith.constant 0 : i32
          %get3A_897 = arith.constant 0 : i32
          %get3A_898 = tpu.memref_slice %arg10[%scan3A_308, %get3A_896, %get3A_897] : memref<2x64x128xi32, #tpu.memory_space<vmem>> -> memref<1x64x128xi32, #tpu.memory_space<vmem>>
          %get3A_899 = tpu.memref_squeeze %get3A_898 : memref<1x64x128xi32, #tpu.memory_space<vmem>> -> memref<64x128xi32, #tpu.memory_space<vmem>>
          %get3A_900 = arith.index_cast %add3A_690 : i32 to index
          %get3A_901 = arith.constant 112 : index
          %get3A_902 = tpu.vector_load %get3A_899[%get3A_900, %get3A_901] {strides = array<i32>} : memref<64x128xi32, #tpu.memory_space<vmem>>, vector<16xi32>,
          %shift_left3A_903 = arith.constant 16 : i32
          %shift_left3A_904 = vector.broadcast %shift_left3A_903 : i32 to vector<16xi32>
          %shift_left3A_905 = arith.shli %get3A_895, %shift_left3A_904 : vector<16xi32>
          %bitcast3A_906 = vector.bitcast %shift_left3A_905 : vector<16xi32> to vector<16xf32>
          %shift_left3A_907 = arith.constant 16 : i32
          %shift_left3A_908 = vector.broadcast %shift_left3A_907 : i32 to vector<16xi32>
          %shift_left3A_909 = arith.shli %get3A_902, %shift_left3A_908 : vector<16xi32>
          %bitcast3A_910 = vector.bitcast %shift_left3A_909 : vector<16xi32> to vector<16xf32>
          %bitcast3A_911 = vector.bitcast %get3A_895 : vector<16xi32> to vector<16xf32>
          %bitcast3A_912 = vector.bitcast %get3A_902 : vector<16xi32> to vector<16xf32>
          %mul3A_913 = arith.mulf %bitcast3A_906, %bitcast3A_910 : vector<16xf32>
          %add3A_914 = arith.addf %add3A_888, %mul3A_913 : vector<16xf32>
          %mul3A_915 = arith.mulf %bitcast3A_911, %bitcast3A_912 : vector<16xf32>
          %add3A_916 = arith.addf %add3A_914, %mul3A_915 : vector<16xf32>
          %broadcast_in_dim3A_917 = vector.shape_cast %select_n3A_22 : vector<16xi32> to vector<16x1xi32>
          %gather3A_918 = vector.shape_cast %broadcast_in_dim3A_917 : vector<16x1xi32> to vector<16xi32>
          %gather3A_919 = tpu.dynamic_gather %add3A_916[%gather3A_918] in [0] : vector<16xf32>, vector<16xi32> -> vector<16xf32>
          %add3A_920 = arith.addf %add3A_916, %gather3A_919 : vector<16xf32>
          %broadcast_in_dim3A_921 = vector.shape_cast %select_n3A_47 : vector<16xi32> to vector<16x1xi32>
          %gather3A_922 = vector.shape_cast %broadcast_in_dim3A_921 : vector<16x1xi32> to vector<16xi32>
          %gather3A_923 = tpu.dynamic_gather %add3A_920[%gather3A_922] in [0] : vector<16xf32>, vector<16xi32> -> vector<16xf32>
          %add3A_924 = arith.addf %add3A_920, %gather3A_923 : vector<16xf32>
          %broadcast_in_dim3A_925 = vector.shape_cast %select_n3A_72 : vector<16xi32> to vector<16x1xi32>
          %gather3A_926 = vector.shape_cast %broadcast_in_dim3A_925 : vector<16x1xi32> to vector<16xi32>
          %gather3A_927 = tpu.dynamic_gather %add3A_924[%gather3A_926] in [0] : vector<16xf32>, vector<16xi32> -> vector<16xf32>
          %add3A_928 = arith.addf %add3A_924, %gather3A_927 : vector<16xf32>
          %broadcast_in_dim3A_929 = vector.shape_cast %select_n3A_97 : vector<16xi32> to vector<16x1xi32>
          %gather3A_930 = vector.shape_cast %broadcast_in_dim3A_929 : vector<16x1xi32> to vector<16xi32>
          %gather3A_931 = tpu.dynamic_gather %add3A_928[%gather3A_930] in [0] : vector<16xf32>, vector<16xi32> -> vector<16xf32>
          %add3A_932 = arith.addf %add3A_928, %gather3A_931 : vector<16xf32>
          %eq3A_933 = vector.broadcast %scan3A_689 : i32 to vector<16xi32>
          %eq3A_934 = arith.cmpi eq, %iota3A, %eq3A_933 : vector<16xi32>
          %select_n3A_935 = arith.select %eq3A_934, %add3A_932, %select_n3A_687 : vector<16xi1>, vector<16xf32>
          scf.yield %select_n3A_935 : vector<16xf32>
        }
        %scan3A_432 = arith.constant 16 : i32
        %neg3A = arith.constant 0.000000e+00 : f32
        %neg3A_433 = vector.broadcast %neg3A : f32 to vector<16xf32>
        %neg3A_434 = arith.subf %neg3A_433, %scan3A_431 : vector<16xf32>
        %exp3A = math.exp %neg3A_434 : vector<16xf32>
        %add3A_435 = arith.constant 1.000000e+00 : f32
        %add3A_436 = vector.broadcast %add3A_435 : f32 to vector<16xf32>
        %add3A_437 = arith.addf %add3A_436, %exp3A : vector<16xf32>
        %div3A = arith.constant 1.000000e+00 : f32
        %div3A_438 = vector.broadcast %div3A : f32 to vector<16xf32>
        %div3A_439 = arith.divf %div3A_438, %add3A_437 : vector<16xf32>
        %multiple_of3A = tpu.assume_multiple %mul3A_425, 16 : i32
        %swap3A = arith.constant 0 : i32
        %swap3A_440 = tpu.memref_slice %arg11[%scan3A_309, %swap3A] : memref<2x64xf32, #tpu.memory_space<vmem>> -> memref<1x64xf32, #tpu.memory_space<vmem>>
        %swap3A_441 = tpu.memref_squeeze %swap3A_440 : memref<1x64xf32, #tpu.memory_space<vmem>> -> memref<64xf32, #tpu.memory_space<vmem>>
        %swap3A_442 = arith.index_cast %multiple_of3A : i32 to index
        %swap3A_443 = tpu.vector_load %swap3A_441[%swap3A_442] {strides = array<i32>} : memref<64xf32, #tpu.memory_space<vmem>>, vector<16xf32>,
        tpu.vector_store %swap3A_441[%swap3A_442], %div3A_439 {strides = array<i32>} : memref<64xf32, #tpu.memory_space<vmem>>, vector<16xf32>,
      }
      %scan3A_314 = arith.constant 4 : i32
      %add3A_315 = arith.addi %mul3A_2, %add3A_267 : i32
      %run_scoped3A_316 = arith.constant 1 : i32
      "tpu.region"() ({
        %run_scoped3A_423 = tpu.sem_alloc : memref<!tpu.dma_semaphore, #tpu.memory_space<semaphore_mem>>
        %dma_start3A_424 = arith.constant 0 : i32
        %dma_start3A_425 = tpu.memref_slice %arg11[%run_scoped3A_316, %dma_start3A_424] : memref<2x64xf32, #tpu.memory_space<vmem>> -> memref<1x64xf32, #tpu.memory_space<vmem>>
        %dma_start3A_426 = tpu.memref_squeeze %dma_start3A_425 : memref<1x64xf32, #tpu.memory_space<vmem>> -> memref<64xf32, #tpu.memory_space<vmem>>
        %dma_start3A_427 = arith.constant 0 : i32
        %dma_start3A_428 = tpu.memref_slice %arg5[%add3A_315, %dma_start3A_427] : memref<2560x64xf32, #tpu.memory_space<hbm>> -> memref<1x64xf32, #tpu.memory_space<hbm>>
        %dma_start3A_429 = tpu.memref_squeeze %dma_start3A_428 : memref<1x64xf32, #tpu.memory_space<hbm>> -> memref<64xf32, #tpu.memory_space<hbm>>
        %dma_start3A_430 = arith.constant 0 : i32
        %dma_start3A_431 = tpu.memref_slice %arg5[%add3A_315, %dma_start3A_430] : memref<2560x64xf32, #tpu.memory_space<hbm>> -> memref<1x64xf32, #tpu.memory_space<hbm>>
        %dma_start3A_432 = tpu.memref_squeeze %dma_start3A_431 : memref<1x64xf32, #tpu.memory_space<hbm>> -> memref<64xf32, #tpu.memory_space<hbm>>
        %dma_start3A_433 = arith.constant 0 : i32
        %dma_start3A_434 = tpu.memref_slice %arg11[%run_scoped3A_316, %dma_start3A_433] : memref<2x64xf32, #tpu.memory_space<vmem>> -> memref<1x64xf32, #tpu.memory_space<vmem>>
        %dma_start3A_435 = tpu.memref_squeeze %dma_start3A_434 : memref<1x64xf32, #tpu.memory_space<vmem>> -> memref<64xf32, #tpu.memory_space<vmem>>
        tpu.enqueue_dma source(%dma_start3A_435 : memref<64xf32, #tpu.memory_space<vmem>>) target(%dma_start3A_432 : memref<64xf32, #tpu.memory_space<hbm>>) target_semaphore(%run_scoped3A_423 : memref<!tpu.dma_semaphore, #tpu.memory_space<semaphore_mem>>)
        %dma_wait3A_436 = arith.constant 0 : i32
        %dma_wait3A_437 = tpu.memref_slice %arg11[%run_scoped3A_316, %dma_wait3A_436] : memref<2x64xf32, #tpu.memory_space<vmem>> -> memref<1x64xf32, #tpu.memory_space<vmem>>
        %dma_wait3A_438 = tpu.memref_squeeze %dma_wait3A_437 : memref<1x64xf32, #tpu.memory_space<vmem>> -> memref<64xf32, #tpu.memory_space<vmem>>
        %dma_wait3A_439 = arith.constant 0 : i32
        %dma_wait3A_440 = tpu.memref_slice %arg5[%add3A_315, %dma_wait3A_439] : memref<2560x64xf32, #tpu.memory_space<hbm>> -> memref<1x64xf32, #tpu.memory_space<hbm>>
        %dma_wait3A_441 = tpu.memref_squeeze %dma_wait3A_440 : memref<1x64xf32, #tpu.memory_space<hbm>> -> memref<64xf32, #tpu.memory_space<hbm>>
        %dma_wait3A_442 = arith.constant 0 : i32
        %dma_wait3A_443 = tpu.memref_slice %arg5[%add3A_315, %dma_wait3A_442] : memref<2560x64xf32, #tpu.memory_space<hbm>> -> memref<1x64xf32, #tpu.memory_space<hbm>>
        %dma_wait3A_444 = tpu.memref_squeeze %dma_wait3A_443 : memref<1x64xf32, #tpu.memory_space<hbm>> -> memref<64xf32, #tpu.memory_space<hbm>>
        %dma_wait3A_445 = arith.constant 0 : i32
        %dma_wait3A_446 = tpu.memref_slice %arg11[%run_scoped3A_316, %dma_wait3A_445] : memref<2x64xf32, #tpu.memory_space<vmem>> -> memref<1x64xf32, #tpu.memory_space<vmem>>
        %dma_wait3A_447 = tpu.memref_squeeze %dma_wait3A_446 : memref<1x64xf32, #tpu.memory_space<vmem>> -> memref<64xf32, #tpu.memory_space<vmem>>
        tpu.wait_dma2 semaphore(%run_scoped3A_423 : memref<!tpu.dma_semaphore, #tpu.memory_space<semaphore_mem>>) src(%dma_wait3A_447 : memref<64xf32, #tpu.memory_space<vmem>>) dst(%dma_wait3A_444 : memref<64xf32, #tpu.memory_space<hbm>>)
        tpu.yield
      }) : () -> ()
      %mul3A_317 = arith.constant 4 : i32
      %mul3A_318 = arith.muli %mul3A_317, %scan3A_213 : i32
      %add3A_319 = arith.constant 2 : i32
      %add3A_320 = arith.addi %mul3A_318, %add3A_319 : i32
      %add3A_321 = arith.constant 1 : i32
      %add3A_322 = arith.addi %add3A_320, %add3A_321 : i32
      %lt3A_323 = arith.constant 80 : i32
      %lt3A_324 = arith.cmpi slt, %add3A_322, %lt3A_323 : i32
      %convert_element_type3A_325 = arith.extui %lt3A_324 : i1 to i32
      %cond3A_326 = arith.constant 0 : i32
      %cond3A_327 = arith.cmpi ne, %convert_element_type3A_325, %cond3A_326 : i32
      scf.if %cond3A_327 {
        %dma_wait3A_423 = arith.constant 0 : i32
        %dma_wait3A_424 = arith.constant 3 : i32
        %dma_wait3A_425 = arith.constant 0 : i32
        %dma_wait3A_426 = tpu.memref_slice %arg7[%dma_wait3A_424, %dma_wait3A_425] : memref<4x64xi32, #tpu.memory_space<vmem>> -> memref<1x64xi32, #tpu.memory_space<vmem>>
        %dma_wait3A_427 = tpu.memref_squeeze %dma_wait3A_426 : memref<1x64xi32, #tpu.memory_space<vmem>> -> memref<64xi32, #tpu.memory_space<vmem>>
        %dma_wait3A_428 = arith.constant 0 : i32
        %dma_wait3A_429 = tpu.memref_slice %arg3[%dma_wait3A_423, %dma_wait3A_428] : memref<2560x64xi32, #tpu.memory_space<hbm>> -> memref<1x64xi32, #tpu.memory_space<hbm>>
        %dma_wait3A_430 = tpu.memref_squeeze %dma_wait3A_429 : memref<1x64xi32, #tpu.memory_space<hbm>> -> memref<64xi32, #tpu.memory_space<hbm>>
        %dma_wait3A_431 = arith.constant 0 : i32
        %dma_wait3A_432 = tpu.memref_slice %arg7[%dma_wait3A_424, %dma_wait3A_431] : memref<4x64xi32, #tpu.memory_space<vmem>> -> memref<1x64xi32, #tpu.memory_space<vmem>>
        %dma_wait3A_433 = tpu.memref_squeeze %dma_wait3A_432 : memref<1x64xi32, #tpu.memory_space<vmem>> -> memref<64xi32, #tpu.memory_space<vmem>>
        %dma_wait3A_434 = arith.constant 0 : i32
        %dma_wait3A_435 = tpu.memref_slice %arg3[%dma_wait3A_423, %dma_wait3A_434] : memref<2560x64xi32, #tpu.memory_space<hbm>> -> memref<1x64xi32, #tpu.memory_space<hbm>>
        %dma_wait3A_436 = tpu.memref_squeeze %dma_wait3A_435 : memref<1x64xi32, #tpu.memory_space<hbm>> -> memref<64xi32, #tpu.memory_space<hbm>>
        tpu.wait_dma2 semaphore(%arg17 : memref<!tpu.dma_semaphore, #tpu.memory_space<semaphore_mem>>) src(%dma_wait3A_436 : memref<64xi32, #tpu.memory_space<hbm>>) dst(%dma_wait3A_433 : memref<64xi32, #tpu.memory_space<vmem>>)
        %dma_wait3A_437 = arith.constant 0 : i32
        %dma_wait3A_438 = arith.constant 3 : i32
        %dma_wait3A_439 = arith.constant 0 : i32
        %dma_wait3A_440 = tpu.memref_slice %arg8[%dma_wait3A_438, %dma_wait3A_439] : memref<4x64xi32, #tpu.memory_space<vmem>> -> memref<1x64xi32, #tpu.memory_space<vmem>>
        %dma_wait3A_441 = tpu.memref_squeeze %dma_wait3A_440 : memref<1x64xi32, #tpu.memory_space<vmem>> -> memref<64xi32, #tpu.memory_space<vmem>>
        %dma_wait3A_442 = arith.constant 0 : i32
        %dma_wait3A_443 = tpu.memref_slice %arg4[%dma_wait3A_437, %dma_wait3A_442] : memref<2560x64xi32, #tpu.memory_space<hbm>> -> memref<1x64xi32, #tpu.memory_space<hbm>>
        %dma_wait3A_444 = tpu.memref_squeeze %dma_wait3A_443 : memref<1x64xi32, #tpu.memory_space<hbm>> -> memref<64xi32, #tpu.memory_space<hbm>>
        %dma_wait3A_445 = arith.constant 0 : i32
        %dma_wait3A_446 = tpu.memref_slice %arg8[%dma_wait3A_438, %dma_wait3A_445] : memref<4x64xi32, #tpu.memory_space<vmem>> -> memref<1x64xi32, #tpu.memory_space<vmem>>
        %dma_wait3A_447 = tpu.memref_squeeze %dma_wait3A_446 : memref<1x64xi32, #tpu.memory_space<vmem>> -> memref<64xi32, #tpu.memory_space<vmem>>
        %dma_wait3A_448 = arith.constant 0 : i32
        %dma_wait3A_449 = tpu.memref_slice %arg4[%dma_wait3A_437, %dma_wait3A_448] : memref<2560x64xi32, #tpu.memory_space<hbm>> -> memref<1x64xi32, #tpu.memory_space<hbm>>
        %dma_wait3A_450 = tpu.memref_squeeze %dma_wait3A_449 : memref<1x64xi32, #tpu.memory_space<hbm>> -> memref<64xi32, #tpu.memory_space<hbm>>
        tpu.wait_dma2 semaphore(%arg17 : memref<!tpu.dma_semaphore, #tpu.memory_space<semaphore_mem>>) src(%dma_wait3A_450 : memref<64xi32, #tpu.memory_space<hbm>>) dst(%dma_wait3A_447 : memref<64xi32, #tpu.memory_space<vmem>>)
        %dma_start3A_451 = arith.constant 3 : i32
        %dma_start3A_452 = arith.constant 1 : i32
        %dma_start3A_453 = arith.constant 0 : i32
        %dma_start3A_454 = arith.constant 0 : i32
        %dma_start3A_455 = tpu.memref_slice %arg9[%dma_start3A_452, %dma_start3A_453, %dma_start3A_454] : memref<2x64x128xi32, #tpu.memory_space<vmem>> -> memref<1x64x128xi32, #tpu.memory_space<vmem>>
        %dma_start3A_456 = tpu.memref_squeeze %dma_start3A_455 : memref<1x64x128xi32, #tpu.memory_space<vmem>> -> memref<64x128xi32, #tpu.memory_space<vmem>>
        %dma_start3A_457 = arith.constant 0 : i32
        %dma_start3A_458 = tpu.memref_slice %arg7[%dma_start3A_451, %dma_start3A_457] : memref<4x64xi32, #tpu.memory_space<vmem>> -> memref<1x64xi32, #tpu.memory_space<vmem>>
        %dma_start3A_459 = tpu.memref_squeeze %dma_start3A_458 : memref<1x64xi32, #tpu.memory_space<vmem>> -> memref<64xi32, #tpu.memory_space<vmem>>
        %dma_start3A_460 = arith.constant 0 : i32
        %dma_start3A_461 = arith.constant 0 : i32
        %dma_start3A_462 = tpu.memref_slice %arg6[%dma_start3A_460, %dma_start3A_461] : memref<10240x128xi32, #tpu.memory_space<vmem_shared>> -> memref<10240x128xi32, #tpu.memory_space<vmem_shared>>
        tpu.enqueue_indirect_dma source(%dma_start3A_462 : memref<10240x128xi32, #tpu.memory_space<vmem_shared>>) target(%dma_start3A_456 : memref<64x128xi32, #tpu.memory_space<vmem>>) offsets(%dma_start3A_459 : memref<64xi32, #tpu.memory_space<vmem>>) semaphore(%arg13 : memref<!tpu.dma_semaphore, #tpu.memory_space<semaphore_mem>>)
        %dma_start3A_463 = arith.constant 3 : i32
        %dma_start3A_464 = arith.constant 1 : i32
        %dma_start3A_465 = arith.constant 0 : i32
        %dma_start3A_466 = arith.constant 0 : i32
        %dma_start3A_467 = tpu.memref_slice %arg10[%dma_start3A_464, %dma_start3A_465, %dma_start3A_466] : memref<2x64x128xi32, #tpu.memory_space<vmem>> -> memref<1x64x128xi32, #tpu.memory_space<vmem>>
        %dma_start3A_468 = tpu.memref_squeeze %dma_start3A_467 : memref<1x64x128xi32, #tpu.memory_space<vmem>> -> memref<64x128xi32, #tpu.memory_space<vmem>>
        %dma_start3A_469 = arith.constant 0 : i32
        %dma_start3A_470 = tpu.memref_slice %arg8[%dma_start3A_463, %dma_start3A_469] : memref<4x64xi32, #tpu.memory_space<vmem>> -> memref<1x64xi32, #tpu.memory_space<vmem>>
        %dma_start3A_471 = tpu.memref_squeeze %dma_start3A_470 : memref<1x64xi32, #tpu.memory_space<vmem>> -> memref<64xi32, #tpu.memory_space<vmem>>
        %dma_start3A_472 = arith.constant 0 : i32
        %dma_start3A_473 = arith.constant 0 : i32
        %dma_start3A_474 = tpu.memref_slice %arg6[%dma_start3A_472, %dma_start3A_473] : memref<10240x128xi32, #tpu.memory_space<vmem_shared>> -> memref<10240x128xi32, #tpu.memory_space<vmem_shared>>
        tpu.enqueue_indirect_dma source(%dma_start3A_474 : memref<10240x128xi32, #tpu.memory_space<vmem_shared>>) target(%dma_start3A_468 : memref<64x128xi32, #tpu.memory_space<vmem>>) offsets(%dma_start3A_471 : memref<64xi32, #tpu.memory_space<vmem>>) semaphore(%arg13 : memref<!tpu.dma_semaphore, #tpu.memory_space<semaphore_mem>>)
      } else {
      }
      %add3A_328 = arith.constant 2 : i32
      %add3A_329 = arith.addi %add3A_320, %add3A_328 : i32
      %lt3A_330 = arith.constant 80 : i32
      %lt3A_331 = arith.cmpi slt, %add3A_329, %lt3A_330 : i32
      %convert_element_type3A_332 = arith.extui %lt3A_331 : i1 to i32
      %cond3A_333 = arith.constant 0 : i32
      %cond3A_334 = arith.cmpi ne, %convert_element_type3A_332, %cond3A_333 : i32
      scf.if %cond3A_334 {
        %add3A_423 = arith.constant 2 : i32
        %add3A_424 = arith.addi %add3A_320, %add3A_423 : i32
        %add3A_425 = arith.addi %mul3A_2, %add3A_424 : i32
        %dma_start3A_426 = arith.constant 0 : i32
        %dma_start3A_427 = arith.constant 0 : i32
        %dma_start3A_428 = tpu.memref_slice %arg7[%dma_start3A_426, %dma_start3A_427] : memref<4x64xi32, #tpu.memory_space<vmem>> -> memref<1x64xi32, #tpu.memory_space<vmem>>
        %dma_start3A_429 = tpu.memref_squeeze %dma_start3A_428 : memref<1x64xi32, #tpu.memory_space<vmem>> -> memref<64xi32, #tpu.memory_space<vmem>>
        %dma_start3A_430 = arith.constant 0 : i32
        %dma_start3A_431 = tpu.memref_slice %arg3[%add3A_425, %dma_start3A_430] : memref<2560x64xi32, #tpu.memory_space<hbm>> -> memref<1x64xi32, #tpu.memory_space<hbm>>
        %dma_start3A_432 = tpu.memref_squeeze %dma_start3A_431 : memref<1x64xi32, #tpu.memory_space<hbm>> -> memref<64xi32, #tpu.memory_space<hbm>>
        %dma_start3A_433 = arith.constant 0 : i32
        %dma_start3A_434 = tpu.memref_slice %arg7[%dma_start3A_426, %dma_start3A_433] : memref<4x64xi32, #tpu.memory_space<vmem>> -> memref<1x64xi32, #tpu.memory_space<vmem>>
        %dma_start3A_435 = tpu.memref_squeeze %dma_start3A_434 : memref<1x64xi32, #tpu.memory_space<vmem>> -> memref<64xi32, #tpu.memory_space<vmem>>
        %dma_start3A_436 = arith.constant 0 : i32
        %dma_start3A_437 = tpu.memref_slice %arg3[%add3A_425, %dma_start3A_436] : memref<2560x64xi32, #tpu.memory_space<hbm>> -> memref<1x64xi32, #tpu.memory_space<hbm>>
        %dma_start3A_438 = tpu.memref_squeeze %dma_start3A_437 : memref<1x64xi32, #tpu.memory_space<hbm>> -> memref<64xi32, #tpu.memory_space<hbm>>
        tpu.enqueue_dma source(%dma_start3A_438 : memref<64xi32, #tpu.memory_space<hbm>>) target(%dma_start3A_435 : memref<64xi32, #tpu.memory_space<vmem>>) target_semaphore(%arg14 : memref<!tpu.dma_semaphore, #tpu.memory_space<semaphore_mem>>)
        %add3A_439 = arith.addi %mul3A_2, %add3A_424 : i32
        %dma_start3A_440 = arith.constant 0 : i32
        %dma_start3A_441 = arith.constant 0 : i32
        %dma_start3A_442 = tpu.memref_slice %arg8[%dma_start3A_440, %dma_start3A_441] : memref<4x64xi32, #tpu.memory_space<vmem>> -> memref<1x64xi32, #tpu.memory_space<vmem>>
        %dma_start3A_443 = tpu.memref_squeeze %dma_start3A_442 : memref<1x64xi32, #tpu.memory_space<vmem>> -> memref<64xi32, #tpu.memory_space<vmem>>
        %dma_start3A_444 = arith.constant 0 : i32
        %dma_start3A_445 = tpu.memref_slice %arg4[%add3A_439, %dma_start3A_444] : memref<2560x64xi32, #tpu.memory_space<hbm>> -> memref<1x64xi32, #tpu.memory_space<hbm>>
        %dma_start3A_446 = tpu.memref_squeeze %dma_start3A_445 : memref<1x64xi32, #tpu.memory_space<hbm>> -> memref<64xi32, #tpu.memory_space<hbm>>
        %dma_start3A_447 = arith.constant 0 : i32
        %dma_start3A_448 = tpu.memref_slice %arg8[%dma_start3A_440, %dma_start3A_447] : memref<4x64xi32, #tpu.memory_space<vmem>> -> memref<1x64xi32, #tpu.memory_space<vmem>>
        %dma_start3A_449 = tpu.memref_squeeze %dma_start3A_448 : memref<1x64xi32, #tpu.memory_space<vmem>> -> memref<64xi32, #tpu.memory_space<vmem>>
        %dma_start3A_450 = arith.constant 0 : i32
        %dma_start3A_451 = tpu.memref_slice %arg4[%add3A_439, %dma_start3A_450] : memref<2560x64xi32, #tpu.memory_space<hbm>> -> memref<1x64xi32, #tpu.memory_space<hbm>>
        %dma_start3A_452 = tpu.memref_squeeze %dma_start3A_451 : memref<1x64xi32, #tpu.memory_space<hbm>> -> memref<64xi32, #tpu.memory_space<hbm>>
        tpu.enqueue_dma source(%dma_start3A_452 : memref<64xi32, #tpu.memory_space<hbm>>) target(%dma_start3A_449 : memref<64xi32, #tpu.memory_space<vmem>>) target_semaphore(%arg14 : memref<!tpu.dma_semaphore, #tpu.memory_space<semaphore_mem>>)
      } else {
      }
      %dma_wait3A_335 = arith.constant 2 : i32
      %dma_wait3A_336 = arith.constant 0 : i32
      %dma_wait3A_337 = arith.constant 0 : i32
      %dma_wait3A_338 = arith.constant 0 : i32
      %dma_wait3A_339 = tpu.memref_slice %arg9[%dma_wait3A_336, %dma_wait3A_337, %dma_wait3A_338] : memref<2x64x128xi32, #tpu.memory_space<vmem>> -> memref<1x64x128xi32, #tpu.memory_space<vmem>>
      %dma_wait3A_340 = tpu.memref_squeeze %dma_wait3A_339 : memref<1x64x128xi32, #tpu.memory_space<vmem>> -> memref<64x128xi32, #tpu.memory_space<vmem>>
      %dma_wait3A_341 = arith.constant 0 : i32
      %dma_wait3A_342 = tpu.memref_slice %arg7[%dma_wait3A_335, %dma_wait3A_341] : memref<4x64xi32, #tpu.memory_space<vmem>> -> memref<1x64xi32, #tpu.memory_space<vmem>>
      %dma_wait3A_343 = tpu.memref_squeeze %dma_wait3A_342 : memref<1x64xi32, #tpu.memory_space<vmem>> -> memref<64xi32, #tpu.memory_space<vmem>>
      %dma_wait3A_344 = arith.constant 0 : i32
      %dma_wait3A_345 = arith.constant 0 : i32
      %dma_wait3A_346 = tpu.memref_slice %arg6[%dma_wait3A_344, %dma_wait3A_345] : memref<10240x128xi32, #tpu.memory_space<vmem_shared>> -> memref<10240x128xi32, #tpu.memory_space<vmem_shared>>
      tpu.wait_indirect_dma semaphore(%arg12 : memref<!tpu.dma_semaphore, #tpu.memory_space<semaphore_mem>>) src(%dma_wait3A_346 : memref<10240x128xi32, #tpu.memory_space<vmem_shared>>) dst(%dma_wait3A_340 : memref<64x128xi32, #tpu.memory_space<vmem>>)
      %dma_wait3A_347 = arith.constant 2 : i32
      %dma_wait3A_348 = arith.constant 0 : i32
      %dma_wait3A_349 = arith.constant 0 : i32
      %dma_wait3A_350 = arith.constant 0 : i32
      %dma_wait3A_351 = tpu.memref_slice %arg10[%dma_wait3A_348, %dma_wait3A_349, %dma_wait3A_350] : memref<2x64x128xi32, #tpu.memory_space<vmem>> -> memref<1x64x128xi32, #tpu.memory_space<vmem>>
      %dma_wait3A_352 = tpu.memref_squeeze %dma_wait3A_351 : memref<1x64x128xi32, #tpu.memory_space<vmem>> -> memref<64x128xi32, #tpu.memory_space<vmem>>
      %dma_wait3A_353 = arith.constant 0 : i32
      %dma_wait3A_354 = tpu.memref_slice %arg8[%dma_wait3A_347, %dma_wait3A_353] : memref<4x64xi32, #tpu.memory_space<vmem>> -> memref<1x64xi32, #tpu.memory_space<vmem>>
      %dma_wait3A_355 = tpu.memref_squeeze %dma_wait3A_354 : memref<1x64xi32, #tpu.memory_space<vmem>> -> memref<64xi32, #tpu.memory_space<vmem>>
      %dma_wait3A_356 = arith.constant 0 : i32
      %dma_wait3A_357 = arith.constant 0 : i32
      %dma_wait3A_358 = tpu.memref_slice %arg6[%dma_wait3A_356, %dma_wait3A_357] : memref<10240x128xi32, #tpu.memory_space<vmem_shared>> -> memref<10240x128xi32, #tpu.memory_space<vmem_shared>>
      tpu.wait_indirect_dma semaphore(%arg12 : memref<!tpu.dma_semaphore, #tpu.memory_space<semaphore_mem>>) src(%dma_wait3A_358 : memref<10240x128xi32, #tpu.memory_space<vmem_shared>>) dst(%dma_wait3A_352 : memref<64x128xi32, #tpu.memory_space<vmem>>)
      %scan3A_359 = arith.constant 0 : i32
      %scan3A_360 = arith.constant 0 : i32
      %scan3A_361 = arith.constant 0 : i32
      %scan3A_362 = arith.constant 0 : i32
      %scan3A_363 = arith.constant 0 : i32
      %scan3A_364 = arith.constant 4 : i32
      %scan3A_365 = arith.addi %scan3A_363, %scan3A_364 : i32
      %scan3A_366 = arith.constant 1 : i32
      scf.for %scan3A_423 = %scan3A_363 to %scan3A_365 step %scan3A_366  : i32 {
        %mul3A_424 = arith.constant 16 : i32
        %mul3A_425 = arith.muli %scan3A_423, %mul3A_424 : i32
        %broadcast_in_dim3A = arith.constant 0.000000e+00 : f32
        %broadcast_in_dim3A_426 = vector.broadcast %broadcast_in_dim3A : f32 to vector<16xf32>
        %scan3A_427 = arith.constant 0 : i32
        %scan3A_428 = arith.constant 16 : i32
        %scan3A_429 = arith.addi %scan3A_427, %scan3A_428 : i32
        %scan3A_430 = arith.constant 2 : i32
        %scan3A_431 = scf.for %scan3A_444 = %scan3A_427 to %scan3A_429 step %scan3A_430 iter_args(%scan3A_445 = %broadcast_in_dim3A_426) -> (vector<16xf32>)  : i32 {
          %add3A_446 = arith.addi %mul3A_425, %scan3A_444 : i32
          %broadcast_in_dim3A_447 = arith.constant 0.000000e+00 : f32
          %broadcast_in_dim3A_448 = vector.broadcast %broadcast_in_dim3A_447 : f32 to vector<16xf32>
          %get3A = arith.constant 0 : i32
          %get3A_449 = arith.constant 0 : i32
          %get3A_450 = tpu.memref_slice %arg9[%scan3A_360, %get3A, %get3A_449] : memref<2x64x128xi32, #tpu.memory_space<vmem>> -> memref<1x64x128xi32, #tpu.memory_space<vmem>>
          %get3A_451 = tpu.memref_squeeze %get3A_450 : memref<1x64x128xi32, #tpu.memory_space<vmem>> -> memref<64x128xi32, #tpu.memory_space<vmem>>
          %get3A_452 = arith.index_cast %add3A_446 : i32 to index
          %get3A_453 = arith.constant 0 : index
          %get3A_454 = tpu.vector_load %get3A_451[%get3A_452, %get3A_453] {strides = array<i32>} : memref<64x128xi32, #tpu.memory_space<vmem>>, vector<16xi32>,
          %get3A_455 = arith.constant 0 : i32
          %get3A_456 = arith.constant 0 : i32
          %get3A_457 = tpu.memref_slice %arg10[%scan3A_361, %get3A_455, %get3A_456] : memref<2x64x128xi32, #tpu.memory_space<vmem>> -> memref<1x64x128xi32, #tpu.memory_space<vmem>>
          %get3A_458 = tpu.memref_squeeze %get3A_457 : memref<1x64x128xi32, #tpu.memory_space<vmem>> -> memref<64x128xi32, #tpu.memory_space<vmem>>
          %get3A_459 = arith.index_cast %add3A_446 : i32 to index
          %get3A_460 = arith.constant 0 : index
          %get3A_461 = tpu.vector_load %get3A_458[%get3A_459, %get3A_460] {strides = array<i32>} : memref<64x128xi32, #tpu.memory_space<vmem>>, vector<16xi32>,
          %shift_left3A = arith.constant 16 : i32
          %shift_left3A_462 = vector.broadcast %shift_left3A : i32 to vector<16xi32>
          %shift_left3A_463 = arith.shli %get3A_454, %shift_left3A_462 : vector<16xi32>
          %bitcast3A = vector.bitcast %shift_left3A_463 : vector<16xi32> to vector<16xf32>
          %shift_left3A_464 = arith.constant 16 : i32
          %shift_left3A_465 = vector.broadcast %shift_left3A_464 : i32 to vector<16xi32>
          %shift_left3A_466 = arith.shli %get3A_461, %shift_left3A_465 : vector<16xi32>
          %bitcast3A_467 = vector.bitcast %shift_left3A_466 : vector<16xi32> to vector<16xf32>
          %bitcast3A_468 = vector.bitcast %get3A_454 : vector<16xi32> to vector<16xf32>
          %bitcast3A_469 = vector.bitcast %get3A_461 : vector<16xi32> to vector<16xf32>
          %mul3A_470 = arith.mulf %bitcast3A, %bitcast3A_467 : vector<16xf32>
          %add3A_471 = arith.addf %broadcast_in_dim3A_448, %mul3A_470 : vector<16xf32>
          %mul3A_472 = arith.mulf %bitcast3A_468, %bitcast3A_469 : vector<16xf32>
          %add3A_473 = arith.addf %add3A_471, %mul3A_472 : vector<16xf32>
          %get3A_474 = arith.constant 0 : i32
          %get3A_475 = arith.constant 0 : i32
          %get3A_476 = tpu.memref_slice %arg9[%scan3A_360, %get3A_474, %get3A_475] : memref<2x64x128xi32, #tpu.memory_space<vmem>> -> memref<1x64x128xi32, #tpu.memory_space<vmem>>
          %get3A_477 = tpu.memref_squeeze %get3A_476 : memref<1x64x128xi32, #tpu.memory_space<vmem>> -> memref<64x128xi32, #tpu.memory_space<vmem>>
          %get3A_478 = arith.index_cast %add3A_446 : i32 to index
          %get3A_479 = arith.constant 16 : index
          %get3A_480 = tpu.vector_load %get3A_477[%get3A_478, %get3A_479] {strides = array<i32>} : memref<64x128xi32, #tpu.memory_space<vmem>>, vector<16xi32>,
          %get3A_481 = arith.constant 0 : i32
          %get3A_482 = arith.constant 0 : i32
          %get3A_483 = tpu.memref_slice %arg10[%scan3A_361, %get3A_481, %get3A_482] : memref<2x64x128xi32, #tpu.memory_space<vmem>> -> memref<1x64x128xi32, #tpu.memory_space<vmem>>
          %get3A_484 = tpu.memref_squeeze %get3A_483 : memref<1x64x128xi32, #tpu.memory_space<vmem>> -> memref<64x128xi32, #tpu.memory_space<vmem>>
          %get3A_485 = arith.index_cast %add3A_446 : i32 to index
          %get3A_486 = arith.constant 16 : index
          %get3A_487 = tpu.vector_load %get3A_484[%get3A_485, %get3A_486] {strides = array<i32>} : memref<64x128xi32, #tpu.memory_space<vmem>>, vector<16xi32>,
          %shift_left3A_488 = arith.constant 16 : i32
          %shift_left3A_489 = vector.broadcast %shift_left3A_488 : i32 to vector<16xi32>
          %shift_left3A_490 = arith.shli %get3A_480, %shift_left3A_489 : vector<16xi32>
          %bitcast3A_491 = vector.bitcast %shift_left3A_490 : vector<16xi32> to vector<16xf32>
          %shift_left3A_492 = arith.constant 16 : i32
          %shift_left3A_493 = vector.broadcast %shift_left3A_492 : i32 to vector<16xi32>
          %shift_left3A_494 = arith.shli %get3A_487, %shift_left3A_493 : vector<16xi32>
          %bitcast3A_495 = vector.bitcast %shift_left3A_494 : vector<16xi32> to vector<16xf32>
          %bitcast3A_496 = vector.bitcast %get3A_480 : vector<16xi32> to vector<16xf32>
          %bitcast3A_497 = vector.bitcast %get3A_487 : vector<16xi32> to vector<16xf32>
          %mul3A_498 = arith.mulf %bitcast3A_491, %bitcast3A_495 : vector<16xf32>
          %add3A_499 = arith.addf %add3A_473, %mul3A_498 : vector<16xf32>
          %mul3A_500 = arith.mulf %bitcast3A_496, %bitcast3A_497 : vector<16xf32>
          %add3A_501 = arith.addf %add3A_499, %mul3A_500 : vector<16xf32>
          %get3A_502 = arith.constant 0 : i32
          %get3A_503 = arith.constant 0 : i32
          %get3A_504 = tpu.memref_slice %arg9[%scan3A_360, %get3A_502, %get3A_503] : memref<2x64x128xi32, #tpu.memory_space<vmem>> -> memref<1x64x128xi32, #tpu.memory_space<vmem>>
          %get3A_505 = tpu.memref_squeeze %get3A_504 : memref<1x64x128xi32, #tpu.memory_space<vmem>> -> memref<64x128xi32, #tpu.memory_space<vmem>>
          %get3A_506 = arith.index_cast %add3A_446 : i32 to index
          %get3A_507 = arith.constant 32 : index
          %get3A_508 = tpu.vector_load %get3A_505[%get3A_506, %get3A_507] {strides = array<i32>} : memref<64x128xi32, #tpu.memory_space<vmem>>, vector<16xi32>,
          %get3A_509 = arith.constant 0 : i32
          %get3A_510 = arith.constant 0 : i32
          %get3A_511 = tpu.memref_slice %arg10[%scan3A_361, %get3A_509, %get3A_510] : memref<2x64x128xi32, #tpu.memory_space<vmem>> -> memref<1x64x128xi32, #tpu.memory_space<vmem>>
          %get3A_512 = tpu.memref_squeeze %get3A_511 : memref<1x64x128xi32, #tpu.memory_space<vmem>> -> memref<64x128xi32, #tpu.memory_space<vmem>>
          %get3A_513 = arith.index_cast %add3A_446 : i32 to index
          %get3A_514 = arith.constant 32 : index
          %get3A_515 = tpu.vector_load %get3A_512[%get3A_513, %get3A_514] {strides = array<i32>} : memref<64x128xi32, #tpu.memory_space<vmem>>, vector<16xi32>,
          %shift_left3A_516 = arith.constant 16 : i32
          %shift_left3A_517 = vector.broadcast %shift_left3A_516 : i32 to vector<16xi32>
          %shift_left3A_518 = arith.shli %get3A_508, %shift_left3A_517 : vector<16xi32>
          %bitcast3A_519 = vector.bitcast %shift_left3A_518 : vector<16xi32> to vector<16xf32>
          %shift_left3A_520 = arith.constant 16 : i32
          %shift_left3A_521 = vector.broadcast %shift_left3A_520 : i32 to vector<16xi32>
          %shift_left3A_522 = arith.shli %get3A_515, %shift_left3A_521 : vector<16xi32>
          %bitcast3A_523 = vector.bitcast %shift_left3A_522 : vector<16xi32> to vector<16xf32>
          %bitcast3A_524 = vector.bitcast %get3A_508 : vector<16xi32> to vector<16xf32>
          %bitcast3A_525 = vector.bitcast %get3A_515 : vector<16xi32> to vector<16xf32>
          %mul3A_526 = arith.mulf %bitcast3A_519, %bitcast3A_523 : vector<16xf32>
          %add3A_527 = arith.addf %add3A_501, %mul3A_526 : vector<16xf32>
          %mul3A_528 = arith.mulf %bitcast3A_524, %bitcast3A_525 : vector<16xf32>
          %add3A_529 = arith.addf %add3A_527, %mul3A_528 : vector<16xf32>
          %get3A_530 = arith.constant 0 : i32
          %get3A_531 = arith.constant 0 : i32
          %get3A_532 = tpu.memref_slice %arg9[%scan3A_360, %get3A_530, %get3A_531] : memref<2x64x128xi32, #tpu.memory_space<vmem>> -> memref<1x64x128xi32, #tpu.memory_space<vmem>>
          %get3A_533 = tpu.memref_squeeze %get3A_532 : memref<1x64x128xi32, #tpu.memory_space<vmem>> -> memref<64x128xi32, #tpu.memory_space<vmem>>
          %get3A_534 = arith.index_cast %add3A_446 : i32 to index
          %get3A_535 = arith.constant 48 : index
          %get3A_536 = tpu.vector_load %get3A_533[%get3A_534, %get3A_535] {strides = array<i32>} : memref<64x128xi32, #tpu.memory_space<vmem>>, vector<16xi32>,
          %get3A_537 = arith.constant 0 : i32
          %get3A_538 = arith.constant 0 : i32
          %get3A_539 = tpu.memref_slice %arg10[%scan3A_361, %get3A_537, %get3A_538] : memref<2x64x128xi32, #tpu.memory_space<vmem>> -> memref<1x64x128xi32, #tpu.memory_space<vmem>>
          %get3A_540 = tpu.memref_squeeze %get3A_539 : memref<1x64x128xi32, #tpu.memory_space<vmem>> -> memref<64x128xi32, #tpu.memory_space<vmem>>
          %get3A_541 = arith.index_cast %add3A_446 : i32 to index
          %get3A_542 = arith.constant 48 : index
          %get3A_543 = tpu.vector_load %get3A_540[%get3A_541, %get3A_542] {strides = array<i32>} : memref<64x128xi32, #tpu.memory_space<vmem>>, vector<16xi32>,
          %shift_left3A_544 = arith.constant 16 : i32
          %shift_left3A_545 = vector.broadcast %shift_left3A_544 : i32 to vector<16xi32>
          %shift_left3A_546 = arith.shli %get3A_536, %shift_left3A_545 : vector<16xi32>
          %bitcast3A_547 = vector.bitcast %shift_left3A_546 : vector<16xi32> to vector<16xf32>
          %shift_left3A_548 = arith.constant 16 : i32
          %shift_left3A_549 = vector.broadcast %shift_left3A_548 : i32 to vector<16xi32>
          %shift_left3A_550 = arith.shli %get3A_543, %shift_left3A_549 : vector<16xi32>
          %bitcast3A_551 = vector.bitcast %shift_left3A_550 : vector<16xi32> to vector<16xf32>
          %bitcast3A_552 = vector.bitcast %get3A_536 : vector<16xi32> to vector<16xf32>
          %bitcast3A_553 = vector.bitcast %get3A_543 : vector<16xi32> to vector<16xf32>
          %mul3A_554 = arith.mulf %bitcast3A_547, %bitcast3A_551 : vector<16xf32>
          %add3A_555 = arith.addf %add3A_529, %mul3A_554 : vector<16xf32>
          %mul3A_556 = arith.mulf %bitcast3A_552, %bitcast3A_553 : vector<16xf32>
          %add3A_557 = arith.addf %add3A_555, %mul3A_556 : vector<16xf32>
          %get3A_558 = arith.constant 0 : i32
          %get3A_559 = arith.constant 0 : i32
          %get3A_560 = tpu.memref_slice %arg9[%scan3A_360, %get3A_558, %get3A_559] : memref<2x64x128xi32, #tpu.memory_space<vmem>> -> memref<1x64x128xi32, #tpu.memory_space<vmem>>
          %get3A_561 = tpu.memref_squeeze %get3A_560 : memref<1x64x128xi32, #tpu.memory_space<vmem>> -> memref<64x128xi32, #tpu.memory_space<vmem>>
          %get3A_562 = arith.index_cast %add3A_446 : i32 to index
          %get3A_563 = arith.constant 64 : index
          %get3A_564 = tpu.vector_load %get3A_561[%get3A_562, %get3A_563] {strides = array<i32>} : memref<64x128xi32, #tpu.memory_space<vmem>>, vector<16xi32>,
          %get3A_565 = arith.constant 0 : i32
          %get3A_566 = arith.constant 0 : i32
          %get3A_567 = tpu.memref_slice %arg10[%scan3A_361, %get3A_565, %get3A_566] : memref<2x64x128xi32, #tpu.memory_space<vmem>> -> memref<1x64x128xi32, #tpu.memory_space<vmem>>
          %get3A_568 = tpu.memref_squeeze %get3A_567 : memref<1x64x128xi32, #tpu.memory_space<vmem>> -> memref<64x128xi32, #tpu.memory_space<vmem>>
          %get3A_569 = arith.index_cast %add3A_446 : i32 to index
          %get3A_570 = arith.constant 64 : index
          %get3A_571 = tpu.vector_load %get3A_568[%get3A_569, %get3A_570] {strides = array<i32>} : memref<64x128xi32, #tpu.memory_space<vmem>>, vector<16xi32>,
          %shift_left3A_572 = arith.constant 16 : i32
          %shift_left3A_573 = vector.broadcast %shift_left3A_572 : i32 to vector<16xi32>
          %shift_left3A_574 = arith.shli %get3A_564, %shift_left3A_573 : vector<16xi32>
          %bitcast3A_575 = vector.bitcast %shift_left3A_574 : vector<16xi32> to vector<16xf32>
          %shift_left3A_576 = arith.constant 16 : i32
          %shift_left3A_577 = vector.broadcast %shift_left3A_576 : i32 to vector<16xi32>
          %shift_left3A_578 = arith.shli %get3A_571, %shift_left3A_577 : vector<16xi32>
          %bitcast3A_579 = vector.bitcast %shift_left3A_578 : vector<16xi32> to vector<16xf32>
          %bitcast3A_580 = vector.bitcast %get3A_564 : vector<16xi32> to vector<16xf32>
          %bitcast3A_581 = vector.bitcast %get3A_571 : vector<16xi32> to vector<16xf32>
          %mul3A_582 = arith.mulf %bitcast3A_575, %bitcast3A_579 : vector<16xf32>
          %add3A_583 = arith.addf %add3A_557, %mul3A_582 : vector<16xf32>
          %mul3A_584 = arith.mulf %bitcast3A_580, %bitcast3A_581 : vector<16xf32>
          %add3A_585 = arith.addf %add3A_583, %mul3A_584 : vector<16xf32>
          %get3A_586 = arith.constant 0 : i32
          %get3A_587 = arith.constant 0 : i32
          %get3A_588 = tpu.memref_slice %arg9[%scan3A_360, %get3A_586, %get3A_587] : memref<2x64x128xi32, #tpu.memory_space<vmem>> -> memref<1x64x128xi32, #tpu.memory_space<vmem>>
          %get3A_589 = tpu.memref_squeeze %get3A_588 : memref<1x64x128xi32, #tpu.memory_space<vmem>> -> memref<64x128xi32, #tpu.memory_space<vmem>>
          %get3A_590 = arith.index_cast %add3A_446 : i32 to index
          %get3A_591 = arith.constant 80 : index
          %get3A_592 = tpu.vector_load %get3A_589[%get3A_590, %get3A_591] {strides = array<i32>} : memref<64x128xi32, #tpu.memory_space<vmem>>, vector<16xi32>,
          %get3A_593 = arith.constant 0 : i32
          %get3A_594 = arith.constant 0 : i32
          %get3A_595 = tpu.memref_slice %arg10[%scan3A_361, %get3A_593, %get3A_594] : memref<2x64x128xi32, #tpu.memory_space<vmem>> -> memref<1x64x128xi32, #tpu.memory_space<vmem>>
          %get3A_596 = tpu.memref_squeeze %get3A_595 : memref<1x64x128xi32, #tpu.memory_space<vmem>> -> memref<64x128xi32, #tpu.memory_space<vmem>>
          %get3A_597 = arith.index_cast %add3A_446 : i32 to index
          %get3A_598 = arith.constant 80 : index
          %get3A_599 = tpu.vector_load %get3A_596[%get3A_597, %get3A_598] {strides = array<i32>} : memref<64x128xi32, #tpu.memory_space<vmem>>, vector<16xi32>,
          %shift_left3A_600 = arith.constant 16 : i32
          %shift_left3A_601 = vector.broadcast %shift_left3A_600 : i32 to vector<16xi32>
          %shift_left3A_602 = arith.shli %get3A_592, %shift_left3A_601 : vector<16xi32>
          %bitcast3A_603 = vector.bitcast %shift_left3A_602 : vector<16xi32> to vector<16xf32>
          %shift_left3A_604 = arith.constant 16 : i32
          %shift_left3A_605 = vector.broadcast %shift_left3A_604 : i32 to vector<16xi32>
          %shift_left3A_606 = arith.shli %get3A_599, %shift_left3A_605 : vector<16xi32>
          %bitcast3A_607 = vector.bitcast %shift_left3A_606 : vector<16xi32> to vector<16xf32>
          %bitcast3A_608 = vector.bitcast %get3A_592 : vector<16xi32> to vector<16xf32>
          %bitcast3A_609 = vector.bitcast %get3A_599 : vector<16xi32> to vector<16xf32>
          %mul3A_610 = arith.mulf %bitcast3A_603, %bitcast3A_607 : vector<16xf32>
          %add3A_611 = arith.addf %add3A_585, %mul3A_610 : vector<16xf32>
          %mul3A_612 = arith.mulf %bitcast3A_608, %bitcast3A_609 : vector<16xf32>
          %add3A_613 = arith.addf %add3A_611, %mul3A_612 : vector<16xf32>
          %get3A_614 = arith.constant 0 : i32
          %get3A_615 = arith.constant 0 : i32
          %get3A_616 = tpu.memref_slice %arg9[%scan3A_360, %get3A_614, %get3A_615] : memref<2x64x128xi32, #tpu.memory_space<vmem>> -> memref<1x64x128xi32, #tpu.memory_space<vmem>>
          %get3A_617 = tpu.memref_squeeze %get3A_616 : memref<1x64x128xi32, #tpu.memory_space<vmem>> -> memref<64x128xi32, #tpu.memory_space<vmem>>
          %get3A_618 = arith.index_cast %add3A_446 : i32 to index
          %get3A_619 = arith.constant 96 : index
          %get3A_620 = tpu.vector_load %get3A_617[%get3A_618, %get3A_619] {strides = array<i32>} : memref<64x128xi32, #tpu.memory_space<vmem>>, vector<16xi32>,
          %get3A_621 = arith.constant 0 : i32
          %get3A_622 = arith.constant 0 : i32
          %get3A_623 = tpu.memref_slice %arg10[%scan3A_361, %get3A_621, %get3A_622] : memref<2x64x128xi32, #tpu.memory_space<vmem>> -> memref<1x64x128xi32, #tpu.memory_space<vmem>>
          %get3A_624 = tpu.memref_squeeze %get3A_623 : memref<1x64x128xi32, #tpu.memory_space<vmem>> -> memref<64x128xi32, #tpu.memory_space<vmem>>
          %get3A_625 = arith.index_cast %add3A_446 : i32 to index
          %get3A_626 = arith.constant 96 : index
          %get3A_627 = tpu.vector_load %get3A_624[%get3A_625, %get3A_626] {strides = array<i32>} : memref<64x128xi32, #tpu.memory_space<vmem>>, vector<16xi32>,
          %shift_left3A_628 = arith.constant 16 : i32
          %shift_left3A_629 = vector.broadcast %shift_left3A_628 : i32 to vector<16xi32>
          %shift_left3A_630 = arith.shli %get3A_620, %shift_left3A_629 : vector<16xi32>
          %bitcast3A_631 = vector.bitcast %shift_left3A_630 : vector<16xi32> to vector<16xf32>
          %shift_left3A_632 = arith.constant 16 : i32
          %shift_left3A_633 = vector.broadcast %shift_left3A_632 : i32 to vector<16xi32>
          %shift_left3A_634 = arith.shli %get3A_627, %shift_left3A_633 : vector<16xi32>
          %bitcast3A_635 = vector.bitcast %shift_left3A_634 : vector<16xi32> to vector<16xf32>
          %bitcast3A_636 = vector.bitcast %get3A_620 : vector<16xi32> to vector<16xf32>
          %bitcast3A_637 = vector.bitcast %get3A_627 : vector<16xi32> to vector<16xf32>
          %mul3A_638 = arith.mulf %bitcast3A_631, %bitcast3A_635 : vector<16xf32>
          %add3A_639 = arith.addf %add3A_613, %mul3A_638 : vector<16xf32>
          %mul3A_640 = arith.mulf %bitcast3A_636, %bitcast3A_637 : vector<16xf32>
          %add3A_641 = arith.addf %add3A_639, %mul3A_640 : vector<16xf32>
          %get3A_642 = arith.constant 0 : i32
          %get3A_643 = arith.constant 0 : i32
          %get3A_644 = tpu.memref_slice %arg9[%scan3A_360, %get3A_642, %get3A_643] : memref<2x64x128xi32, #tpu.memory_space<vmem>> -> memref<1x64x128xi32, #tpu.memory_space<vmem>>
          %get3A_645 = tpu.memref_squeeze %get3A_644 : memref<1x64x128xi32, #tpu.memory_space<vmem>> -> memref<64x128xi32, #tpu.memory_space<vmem>>
          %get3A_646 = arith.index_cast %add3A_446 : i32 to index
          %get3A_647 = arith.constant 112 : index
          %get3A_648 = tpu.vector_load %get3A_645[%get3A_646, %get3A_647] {strides = array<i32>} : memref<64x128xi32, #tpu.memory_space<vmem>>, vector<16xi32>,
          %get3A_649 = arith.constant 0 : i32
          %get3A_650 = arith.constant 0 : i32
          %get3A_651 = tpu.memref_slice %arg10[%scan3A_361, %get3A_649, %get3A_650] : memref<2x64x128xi32, #tpu.memory_space<vmem>> -> memref<1x64x128xi32, #tpu.memory_space<vmem>>
          %get3A_652 = tpu.memref_squeeze %get3A_651 : memref<1x64x128xi32, #tpu.memory_space<vmem>> -> memref<64x128xi32, #tpu.memory_space<vmem>>
          %get3A_653 = arith.index_cast %add3A_446 : i32 to index
          %get3A_654 = arith.constant 112 : index
          %get3A_655 = tpu.vector_load %get3A_652[%get3A_653, %get3A_654] {strides = array<i32>} : memref<64x128xi32, #tpu.memory_space<vmem>>, vector<16xi32>,
          %shift_left3A_656 = arith.constant 16 : i32
          %shift_left3A_657 = vector.broadcast %shift_left3A_656 : i32 to vector<16xi32>
          %shift_left3A_658 = arith.shli %get3A_648, %shift_left3A_657 : vector<16xi32>
          %bitcast3A_659 = vector.bitcast %shift_left3A_658 : vector<16xi32> to vector<16xf32>
          %shift_left3A_660 = arith.constant 16 : i32
          %shift_left3A_661 = vector.broadcast %shift_left3A_660 : i32 to vector<16xi32>
          %shift_left3A_662 = arith.shli %get3A_655, %shift_left3A_661 : vector<16xi32>
          %bitcast3A_663 = vector.bitcast %shift_left3A_662 : vector<16xi32> to vector<16xf32>
          %bitcast3A_664 = vector.bitcast %get3A_648 : vector<16xi32> to vector<16xf32>
          %bitcast3A_665 = vector.bitcast %get3A_655 : vector<16xi32> to vector<16xf32>
          %mul3A_666 = arith.mulf %bitcast3A_659, %bitcast3A_663 : vector<16xf32>
          %add3A_667 = arith.addf %add3A_641, %mul3A_666 : vector<16xf32>
          %mul3A_668 = arith.mulf %bitcast3A_664, %bitcast3A_665 : vector<16xf32>
          %add3A_669 = arith.addf %add3A_667, %mul3A_668 : vector<16xf32>
          %broadcast_in_dim3A_670 = vector.shape_cast %select_n3A_22 : vector<16xi32> to vector<16x1xi32>
          %gather3A = vector.shape_cast %broadcast_in_dim3A_670 : vector<16x1xi32> to vector<16xi32>
          %gather3A_671 = tpu.dynamic_gather %add3A_669[%gather3A] in [0] : vector<16xf32>, vector<16xi32> -> vector<16xf32>
          %add3A_672 = arith.addf %add3A_669, %gather3A_671 : vector<16xf32>
          %broadcast_in_dim3A_673 = vector.shape_cast %select_n3A_47 : vector<16xi32> to vector<16x1xi32>
          %gather3A_674 = vector.shape_cast %broadcast_in_dim3A_673 : vector<16x1xi32> to vector<16xi32>
          %gather3A_675 = tpu.dynamic_gather %add3A_672[%gather3A_674] in [0] : vector<16xf32>, vector<16xi32> -> vector<16xf32>
          %add3A_676 = arith.addf %add3A_672, %gather3A_675 : vector<16xf32>
          %broadcast_in_dim3A_677 = vector.shape_cast %select_n3A_72 : vector<16xi32> to vector<16x1xi32>
          %gather3A_678 = vector.shape_cast %broadcast_in_dim3A_677 : vector<16x1xi32> to vector<16xi32>
          %gather3A_679 = tpu.dynamic_gather %add3A_676[%gather3A_678] in [0] : vector<16xf32>, vector<16xi32> -> vector<16xf32>
          %add3A_680 = arith.addf %add3A_676, %gather3A_679 : vector<16xf32>
          %broadcast_in_dim3A_681 = vector.shape_cast %select_n3A_97 : vector<16xi32> to vector<16x1xi32>
          %gather3A_682 = vector.shape_cast %broadcast_in_dim3A_681 : vector<16x1xi32> to vector<16xi32>
          %gather3A_683 = tpu.dynamic_gather %add3A_680[%gather3A_682] in [0] : vector<16xf32>, vector<16xi32> -> vector<16xf32>
          %add3A_684 = arith.addf %add3A_680, %gather3A_683 : vector<16xf32>
          %eq3A_685 = vector.broadcast %scan3A_444 : i32 to vector<16xi32>
          %eq3A_686 = arith.cmpi eq, %iota3A, %eq3A_685 : vector<16xi32>
          %select_n3A_687 = arith.select %eq3A_686, %add3A_684, %scan3A_445 : vector<16xi1>, vector<16xf32>
          %scan3A_688 = arith.constant 1 : i32
          %scan3A_689 = arith.addi %scan3A_444, %scan3A_688 : i32
          %add3A_690 = arith.addi %mul3A_425, %scan3A_689 : i32
          %broadcast_in_dim3A_691 = arith.constant 0.000000e+00 : f32
          %broadcast_in_dim3A_692 = vector.broadcast %broadcast_in_dim3A_691 : f32 to vector<16xf32>
          %get3A_693 = arith.constant 0 : i32
          %get3A_694 = arith.constant 0 : i32
          %get3A_695 = tpu.memref_slice %arg9[%scan3A_360, %get3A_693, %get3A_694] : memref<2x64x128xi32, #tpu.memory_space<vmem>> -> memref<1x64x128xi32, #tpu.memory_space<vmem>>
          %get3A_696 = tpu.memref_squeeze %get3A_695 : memref<1x64x128xi32, #tpu.memory_space<vmem>> -> memref<64x128xi32, #tpu.memory_space<vmem>>
          %get3A_697 = arith.index_cast %add3A_690 : i32 to index
          %get3A_698 = arith.constant 0 : index
          %get3A_699 = tpu.vector_load %get3A_696[%get3A_697, %get3A_698] {strides = array<i32>} : memref<64x128xi32, #tpu.memory_space<vmem>>, vector<16xi32>,
          %get3A_700 = arith.constant 0 : i32
          %get3A_701 = arith.constant 0 : i32
          %get3A_702 = tpu.memref_slice %arg10[%scan3A_361, %get3A_700, %get3A_701] : memref<2x64x128xi32, #tpu.memory_space<vmem>> -> memref<1x64x128xi32, #tpu.memory_space<vmem>>
          %get3A_703 = tpu.memref_squeeze %get3A_702 : memref<1x64x128xi32, #tpu.memory_space<vmem>> -> memref<64x128xi32, #tpu.memory_space<vmem>>
          %get3A_704 = arith.index_cast %add3A_690 : i32 to index
          %get3A_705 = arith.constant 0 : index
          %get3A_706 = tpu.vector_load %get3A_703[%get3A_704, %get3A_705] {strides = array<i32>} : memref<64x128xi32, #tpu.memory_space<vmem>>, vector<16xi32>,
          %shift_left3A_707 = arith.constant 16 : i32
          %shift_left3A_708 = vector.broadcast %shift_left3A_707 : i32 to vector<16xi32>
          %shift_left3A_709 = arith.shli %get3A_699, %shift_left3A_708 : vector<16xi32>
          %bitcast3A_710 = vector.bitcast %shift_left3A_709 : vector<16xi32> to vector<16xf32>
          %shift_left3A_711 = arith.constant 16 : i32
          %shift_left3A_712 = vector.broadcast %shift_left3A_711 : i32 to vector<16xi32>
          %shift_left3A_713 = arith.shli %get3A_706, %shift_left3A_712 : vector<16xi32>
          %bitcast3A_714 = vector.bitcast %shift_left3A_713 : vector<16xi32> to vector<16xf32>
          %bitcast3A_715 = vector.bitcast %get3A_699 : vector<16xi32> to vector<16xf32>
          %bitcast3A_716 = vector.bitcast %get3A_706 : vector<16xi32> to vector<16xf32>
          %mul3A_717 = arith.mulf %bitcast3A_710, %bitcast3A_714 : vector<16xf32>
          %add3A_718 = arith.addf %broadcast_in_dim3A_692, %mul3A_717 : vector<16xf32>
          %mul3A_719 = arith.mulf %bitcast3A_715, %bitcast3A_716 : vector<16xf32>
          %add3A_720 = arith.addf %add3A_718, %mul3A_719 : vector<16xf32>
          %get3A_721 = arith.constant 0 : i32
          %get3A_722 = arith.constant 0 : i32
          %get3A_723 = tpu.memref_slice %arg9[%scan3A_360, %get3A_721, %get3A_722] : memref<2x64x128xi32, #tpu.memory_space<vmem>> -> memref<1x64x128xi32, #tpu.memory_space<vmem>>
          %get3A_724 = tpu.memref_squeeze %get3A_723 : memref<1x64x128xi32, #tpu.memory_space<vmem>> -> memref<64x128xi32, #tpu.memory_space<vmem>>
          %get3A_725 = arith.index_cast %add3A_690 : i32 to index
          %get3A_726 = arith.constant 16 : index
          %get3A_727 = tpu.vector_load %get3A_724[%get3A_725, %get3A_726] {strides = array<i32>} : memref<64x128xi32, #tpu.memory_space<vmem>>, vector<16xi32>,
          %get3A_728 = arith.constant 0 : i32
          %get3A_729 = arith.constant 0 : i32
          %get3A_730 = tpu.memref_slice %arg10[%scan3A_361, %get3A_728, %get3A_729] : memref<2x64x128xi32, #tpu.memory_space<vmem>> -> memref<1x64x128xi32, #tpu.memory_space<vmem>>
          %get3A_731 = tpu.memref_squeeze %get3A_730 : memref<1x64x128xi32, #tpu.memory_space<vmem>> -> memref<64x128xi32, #tpu.memory_space<vmem>>
          %get3A_732 = arith.index_cast %add3A_690 : i32 to index
          %get3A_733 = arith.constant 16 : index
          %get3A_734 = tpu.vector_load %get3A_731[%get3A_732, %get3A_733] {strides = array<i32>} : memref<64x128xi32, #tpu.memory_space<vmem>>, vector<16xi32>,
          %shift_left3A_735 = arith.constant 16 : i32
          %shift_left3A_736 = vector.broadcast %shift_left3A_735 : i32 to vector<16xi32>
          %shift_left3A_737 = arith.shli %get3A_727, %shift_left3A_736 : vector<16xi32>
          %bitcast3A_738 = vector.bitcast %shift_left3A_737 : vector<16xi32> to vector<16xf32>
          %shift_left3A_739 = arith.constant 16 : i32
          %shift_left3A_740 = vector.broadcast %shift_left3A_739 : i32 to vector<16xi32>
          %shift_left3A_741 = arith.shli %get3A_734, %shift_left3A_740 : vector<16xi32>
          %bitcast3A_742 = vector.bitcast %shift_left3A_741 : vector<16xi32> to vector<16xf32>
          %bitcast3A_743 = vector.bitcast %get3A_727 : vector<16xi32> to vector<16xf32>
          %bitcast3A_744 = vector.bitcast %get3A_734 : vector<16xi32> to vector<16xf32>
          %mul3A_745 = arith.mulf %bitcast3A_738, %bitcast3A_742 : vector<16xf32>
          %add3A_746 = arith.addf %add3A_720, %mul3A_745 : vector<16xf32>
          %mul3A_747 = arith.mulf %bitcast3A_743, %bitcast3A_744 : vector<16xf32>
          %add3A_748 = arith.addf %add3A_746, %mul3A_747 : vector<16xf32>
          %get3A_749 = arith.constant 0 : i32
          %get3A_750 = arith.constant 0 : i32
          %get3A_751 = tpu.memref_slice %arg9[%scan3A_360, %get3A_749, %get3A_750] : memref<2x64x128xi32, #tpu.memory_space<vmem>> -> memref<1x64x128xi32, #tpu.memory_space<vmem>>
          %get3A_752 = tpu.memref_squeeze %get3A_751 : memref<1x64x128xi32, #tpu.memory_space<vmem>> -> memref<64x128xi32, #tpu.memory_space<vmem>>
          %get3A_753 = arith.index_cast %add3A_690 : i32 to index
          %get3A_754 = arith.constant 32 : index
          %get3A_755 = tpu.vector_load %get3A_752[%get3A_753, %get3A_754] {strides = array<i32>} : memref<64x128xi32, #tpu.memory_space<vmem>>, vector<16xi32>,
          %get3A_756 = arith.constant 0 : i32
          %get3A_757 = arith.constant 0 : i32
          %get3A_758 = tpu.memref_slice %arg10[%scan3A_361, %get3A_756, %get3A_757] : memref<2x64x128xi32, #tpu.memory_space<vmem>> -> memref<1x64x128xi32, #tpu.memory_space<vmem>>
          %get3A_759 = tpu.memref_squeeze %get3A_758 : memref<1x64x128xi32, #tpu.memory_space<vmem>> -> memref<64x128xi32, #tpu.memory_space<vmem>>
          %get3A_760 = arith.index_cast %add3A_690 : i32 to index
          %get3A_761 = arith.constant 32 : index
          %get3A_762 = tpu.vector_load %get3A_759[%get3A_760, %get3A_761] {strides = array<i32>} : memref<64x128xi32, #tpu.memory_space<vmem>>, vector<16xi32>,
          %shift_left3A_763 = arith.constant 16 : i32
          %shift_left3A_764 = vector.broadcast %shift_left3A_763 : i32 to vector<16xi32>
          %shift_left3A_765 = arith.shli %get3A_755, %shift_left3A_764 : vector<16xi32>
          %bitcast3A_766 = vector.bitcast %shift_left3A_765 : vector<16xi32> to vector<16xf32>
          %shift_left3A_767 = arith.constant 16 : i32
          %shift_left3A_768 = vector.broadcast %shift_left3A_767 : i32 to vector<16xi32>
          %shift_left3A_769 = arith.shli %get3A_762, %shift_left3A_768 : vector<16xi32>
          %bitcast3A_770 = vector.bitcast %shift_left3A_769 : vector<16xi32> to vector<16xf32>
          %bitcast3A_771 = vector.bitcast %get3A_755 : vector<16xi32> to vector<16xf32>
          %bitcast3A_772 = vector.bitcast %get3A_762 : vector<16xi32> to vector<16xf32>
          %mul3A_773 = arith.mulf %bitcast3A_766, %bitcast3A_770 : vector<16xf32>
          %add3A_774 = arith.addf %add3A_748, %mul3A_773 : vector<16xf32>
          %mul3A_775 = arith.mulf %bitcast3A_771, %bitcast3A_772 : vector<16xf32>
          %add3A_776 = arith.addf %add3A_774, %mul3A_775 : vector<16xf32>
          %get3A_777 = arith.constant 0 : i32
          %get3A_778 = arith.constant 0 : i32
          %get3A_779 = tpu.memref_slice %arg9[%scan3A_360, %get3A_777, %get3A_778] : memref<2x64x128xi32, #tpu.memory_space<vmem>> -> memref<1x64x128xi32, #tpu.memory_space<vmem>>
          %get3A_780 = tpu.memref_squeeze %get3A_779 : memref<1x64x128xi32, #tpu.memory_space<vmem>> -> memref<64x128xi32, #tpu.memory_space<vmem>>
          %get3A_781 = arith.index_cast %add3A_690 : i32 to index
          %get3A_782 = arith.constant 48 : index
          %get3A_783 = tpu.vector_load %get3A_780[%get3A_781, %get3A_782] {strides = array<i32>} : memref<64x128xi32, #tpu.memory_space<vmem>>, vector<16xi32>,
          %get3A_784 = arith.constant 0 : i32
          %get3A_785 = arith.constant 0 : i32
          %get3A_786 = tpu.memref_slice %arg10[%scan3A_361, %get3A_784, %get3A_785] : memref<2x64x128xi32, #tpu.memory_space<vmem>> -> memref<1x64x128xi32, #tpu.memory_space<vmem>>
          %get3A_787 = tpu.memref_squeeze %get3A_786 : memref<1x64x128xi32, #tpu.memory_space<vmem>> -> memref<64x128xi32, #tpu.memory_space<vmem>>
          %get3A_788 = arith.index_cast %add3A_690 : i32 to index
          %get3A_789 = arith.constant 48 : index
          %get3A_790 = tpu.vector_load %get3A_787[%get3A_788, %get3A_789] {strides = array<i32>} : memref<64x128xi32, #tpu.memory_space<vmem>>, vector<16xi32>,
          %shift_left3A_791 = arith.constant 16 : i32
          %shift_left3A_792 = vector.broadcast %shift_left3A_791 : i32 to vector<16xi32>
          %shift_left3A_793 = arith.shli %get3A_783, %shift_left3A_792 : vector<16xi32>
          %bitcast3A_794 = vector.bitcast %shift_left3A_793 : vector<16xi32> to vector<16xf32>
          %shift_left3A_795 = arith.constant 16 : i32
          %shift_left3A_796 = vector.broadcast %shift_left3A_795 : i32 to vector<16xi32>
          %shift_left3A_797 = arith.shli %get3A_790, %shift_left3A_796 : vector<16xi32>
          %bitcast3A_798 = vector.bitcast %shift_left3A_797 : vector<16xi32> to vector<16xf32>
          %bitcast3A_799 = vector.bitcast %get3A_783 : vector<16xi32> to vector<16xf32>
          %bitcast3A_800 = vector.bitcast %get3A_790 : vector<16xi32> to vector<16xf32>
          %mul3A_801 = arith.mulf %bitcast3A_794, %bitcast3A_798 : vector<16xf32>
          %add3A_802 = arith.addf %add3A_776, %mul3A_801 : vector<16xf32>
          %mul3A_803 = arith.mulf %bitcast3A_799, %bitcast3A_800 : vector<16xf32>
          %add3A_804 = arith.addf %add3A_802, %mul3A_803 : vector<16xf32>
          %get3A_805 = arith.constant 0 : i32
          %get3A_806 = arith.constant 0 : i32
          %get3A_807 = tpu.memref_slice %arg9[%scan3A_360, %get3A_805, %get3A_806] : memref<2x64x128xi32, #tpu.memory_space<vmem>> -> memref<1x64x128xi32, #tpu.memory_space<vmem>>
          %get3A_808 = tpu.memref_squeeze %get3A_807 : memref<1x64x128xi32, #tpu.memory_space<vmem>> -> memref<64x128xi32, #tpu.memory_space<vmem>>
          %get3A_809 = arith.index_cast %add3A_690 : i32 to index
          %get3A_810 = arith.constant 64 : index
          %get3A_811 = tpu.vector_load %get3A_808[%get3A_809, %get3A_810] {strides = array<i32>} : memref<64x128xi32, #tpu.memory_space<vmem>>, vector<16xi32>,
          %get3A_812 = arith.constant 0 : i32
          %get3A_813 = arith.constant 0 : i32
          %get3A_814 = tpu.memref_slice %arg10[%scan3A_361, %get3A_812, %get3A_813] : memref<2x64x128xi32, #tpu.memory_space<vmem>> -> memref<1x64x128xi32, #tpu.memory_space<vmem>>
          %get3A_815 = tpu.memref_squeeze %get3A_814 : memref<1x64x128xi32, #tpu.memory_space<vmem>> -> memref<64x128xi32, #tpu.memory_space<vmem>>
          %get3A_816 = arith.index_cast %add3A_690 : i32 to index
          %get3A_817 = arith.constant 64 : index
          %get3A_818 = tpu.vector_load %get3A_815[%get3A_816, %get3A_817] {strides = array<i32>} : memref<64x128xi32, #tpu.memory_space<vmem>>, vector<16xi32>,
          %shift_left3A_819 = arith.constant 16 : i32
          %shift_left3A_820 = vector.broadcast %shift_left3A_819 : i32 to vector<16xi32>
          %shift_left3A_821 = arith.shli %get3A_811, %shift_left3A_820 : vector<16xi32>
          %bitcast3A_822 = vector.bitcast %shift_left3A_821 : vector<16xi32> to vector<16xf32>
          %shift_left3A_823 = arith.constant 16 : i32
          %shift_left3A_824 = vector.broadcast %shift_left3A_823 : i32 to vector<16xi32>
          %shift_left3A_825 = arith.shli %get3A_818, %shift_left3A_824 : vector<16xi32>
          %bitcast3A_826 = vector.bitcast %shift_left3A_825 : vector<16xi32> to vector<16xf32>
          %bitcast3A_827 = vector.bitcast %get3A_811 : vector<16xi32> to vector<16xf32>
          %bitcast3A_828 = vector.bitcast %get3A_818 : vector<16xi32> to vector<16xf32>
          %mul3A_829 = arith.mulf %bitcast3A_822, %bitcast3A_826 : vector<16xf32>
          %add3A_830 = arith.addf %add3A_804, %mul3A_829 : vector<16xf32>
          %mul3A_831 = arith.mulf %bitcast3A_827, %bitcast3A_828 : vector<16xf32>
          %add3A_832 = arith.addf %add3A_830, %mul3A_831 : vector<16xf32>
          %get3A_833 = arith.constant 0 : i32
          %get3A_834 = arith.constant 0 : i32
          %get3A_835 = tpu.memref_slice %arg9[%scan3A_360, %get3A_833, %get3A_834] : memref<2x64x128xi32, #tpu.memory_space<vmem>> -> memref<1x64x128xi32, #tpu.memory_space<vmem>>
          %get3A_836 = tpu.memref_squeeze %get3A_835 : memref<1x64x128xi32, #tpu.memory_space<vmem>> -> memref<64x128xi32, #tpu.memory_space<vmem>>
          %get3A_837 = arith.index_cast %add3A_690 : i32 to index
          %get3A_838 = arith.constant 80 : index
          %get3A_839 = tpu.vector_load %get3A_836[%get3A_837, %get3A_838] {strides = array<i32>} : memref<64x128xi32, #tpu.memory_space<vmem>>, vector<16xi32>,
          %get3A_840 = arith.constant 0 : i32
          %get3A_841 = arith.constant 0 : i32
          %get3A_842 = tpu.memref_slice %arg10[%scan3A_361, %get3A_840, %get3A_841] : memref<2x64x128xi32, #tpu.memory_space<vmem>> -> memref<1x64x128xi32, #tpu.memory_space<vmem>>
          %get3A_843 = tpu.memref_squeeze %get3A_842 : memref<1x64x128xi32, #tpu.memory_space<vmem>> -> memref<64x128xi32, #tpu.memory_space<vmem>>
          %get3A_844 = arith.index_cast %add3A_690 : i32 to index
          %get3A_845 = arith.constant 80 : index
          %get3A_846 = tpu.vector_load %get3A_843[%get3A_844, %get3A_845] {strides = array<i32>} : memref<64x128xi32, #tpu.memory_space<vmem>>, vector<16xi32>,
          %shift_left3A_847 = arith.constant 16 : i32
          %shift_left3A_848 = vector.broadcast %shift_left3A_847 : i32 to vector<16xi32>
          %shift_left3A_849 = arith.shli %get3A_839, %shift_left3A_848 : vector<16xi32>
          %bitcast3A_850 = vector.bitcast %shift_left3A_849 : vector<16xi32> to vector<16xf32>
          %shift_left3A_851 = arith.constant 16 : i32
          %shift_left3A_852 = vector.broadcast %shift_left3A_851 : i32 to vector<16xi32>
          %shift_left3A_853 = arith.shli %get3A_846, %shift_left3A_852 : vector<16xi32>
          %bitcast3A_854 = vector.bitcast %shift_left3A_853 : vector<16xi32> to vector<16xf32>
          %bitcast3A_855 = vector.bitcast %get3A_839 : vector<16xi32> to vector<16xf32>
          %bitcast3A_856 = vector.bitcast %get3A_846 : vector<16xi32> to vector<16xf32>
          %mul3A_857 = arith.mulf %bitcast3A_850, %bitcast3A_854 : vector<16xf32>
          %add3A_858 = arith.addf %add3A_832, %mul3A_857 : vector<16xf32>
          %mul3A_859 = arith.mulf %bitcast3A_855, %bitcast3A_856 : vector<16xf32>
          %add3A_860 = arith.addf %add3A_858, %mul3A_859 : vector<16xf32>
          %get3A_861 = arith.constant 0 : i32
          %get3A_862 = arith.constant 0 : i32
          %get3A_863 = tpu.memref_slice %arg9[%scan3A_360, %get3A_861, %get3A_862] : memref<2x64x128xi32, #tpu.memory_space<vmem>> -> memref<1x64x128xi32, #tpu.memory_space<vmem>>
          %get3A_864 = tpu.memref_squeeze %get3A_863 : memref<1x64x128xi32, #tpu.memory_space<vmem>> -> memref<64x128xi32, #tpu.memory_space<vmem>>
          %get3A_865 = arith.index_cast %add3A_690 : i32 to index
          %get3A_866 = arith.constant 96 : index
          %get3A_867 = tpu.vector_load %get3A_864[%get3A_865, %get3A_866] {strides = array<i32>} : memref<64x128xi32, #tpu.memory_space<vmem>>, vector<16xi32>,
          %get3A_868 = arith.constant 0 : i32
          %get3A_869 = arith.constant 0 : i32
          %get3A_870 = tpu.memref_slice %arg10[%scan3A_361, %get3A_868, %get3A_869] : memref<2x64x128xi32, #tpu.memory_space<vmem>> -> memref<1x64x128xi32, #tpu.memory_space<vmem>>
          %get3A_871 = tpu.memref_squeeze %get3A_870 : memref<1x64x128xi32, #tpu.memory_space<vmem>> -> memref<64x128xi32, #tpu.memory_space<vmem>>
          %get3A_872 = arith.index_cast %add3A_690 : i32 to index
          %get3A_873 = arith.constant 96 : index
          %get3A_874 = tpu.vector_load %get3A_871[%get3A_872, %get3A_873] {strides = array<i32>} : memref<64x128xi32, #tpu.memory_space<vmem>>, vector<16xi32>,
          %shift_left3A_875 = arith.constant 16 : i32
          %shift_left3A_876 = vector.broadcast %shift_left3A_875 : i32 to vector<16xi32>
          %shift_left3A_877 = arith.shli %get3A_867, %shift_left3A_876 : vector<16xi32>
          %bitcast3A_878 = vector.bitcast %shift_left3A_877 : vector<16xi32> to vector<16xf32>
          %shift_left3A_879 = arith.constant 16 : i32
          %shift_left3A_880 = vector.broadcast %shift_left3A_879 : i32 to vector<16xi32>
          %shift_left3A_881 = arith.shli %get3A_874, %shift_left3A_880 : vector<16xi32>
          %bitcast3A_882 = vector.bitcast %shift_left3A_881 : vector<16xi32> to vector<16xf32>
          %bitcast3A_883 = vector.bitcast %get3A_867 : vector<16xi32> to vector<16xf32>
          %bitcast3A_884 = vector.bitcast %get3A_874 : vector<16xi32> to vector<16xf32>
          %mul3A_885 = arith.mulf %bitcast3A_878, %bitcast3A_882 : vector<16xf32>
          %add3A_886 = arith.addf %add3A_860, %mul3A_885 : vector<16xf32>
          %mul3A_887 = arith.mulf %bitcast3A_883, %bitcast3A_884 : vector<16xf32>
          %add3A_888 = arith.addf %add3A_886, %mul3A_887 : vector<16xf32>
          %get3A_889 = arith.constant 0 : i32
          %get3A_890 = arith.constant 0 : i32
          %get3A_891 = tpu.memref_slice %arg9[%scan3A_360, %get3A_889, %get3A_890] : memref<2x64x128xi32, #tpu.memory_space<vmem>> -> memref<1x64x128xi32, #tpu.memory_space<vmem>>
          %get3A_892 = tpu.memref_squeeze %get3A_891 : memref<1x64x128xi32, #tpu.memory_space<vmem>> -> memref<64x128xi32, #tpu.memory_space<vmem>>
          %get3A_893 = arith.index_cast %add3A_690 : i32 to index
          %get3A_894 = arith.constant 112 : index
          %get3A_895 = tpu.vector_load %get3A_892[%get3A_893, %get3A_894] {strides = array<i32>} : memref<64x128xi32, #tpu.memory_space<vmem>>, vector<16xi32>,
          %get3A_896 = arith.constant 0 : i32
          %get3A_897 = arith.constant 0 : i32
          %get3A_898 = tpu.memref_slice %arg10[%scan3A_361, %get3A_896, %get3A_897] : memref<2x64x128xi32, #tpu.memory_space<vmem>> -> memref<1x64x128xi32, #tpu.memory_space<vmem>>
          %get3A_899 = tpu.memref_squeeze %get3A_898 : memref<1x64x128xi32, #tpu.memory_space<vmem>> -> memref<64x128xi32, #tpu.memory_space<vmem>>
          %get3A_900 = arith.index_cast %add3A_690 : i32 to index
          %get3A_901 = arith.constant 112 : index
          %get3A_902 = tpu.vector_load %get3A_899[%get3A_900, %get3A_901] {strides = array<i32>} : memref<64x128xi32, #tpu.memory_space<vmem>>, vector<16xi32>,
          %shift_left3A_903 = arith.constant 16 : i32
          %shift_left3A_904 = vector.broadcast %shift_left3A_903 : i32 to vector<16xi32>
          %shift_left3A_905 = arith.shli %get3A_895, %shift_left3A_904 : vector<16xi32>
          %bitcast3A_906 = vector.bitcast %shift_left3A_905 : vector<16xi32> to vector<16xf32>
          %shift_left3A_907 = arith.constant 16 : i32
          %shift_left3A_908 = vector.broadcast %shift_left3A_907 : i32 to vector<16xi32>
          %shift_left3A_909 = arith.shli %get3A_902, %shift_left3A_908 : vector<16xi32>
          %bitcast3A_910 = vector.bitcast %shift_left3A_909 : vector<16xi32> to vector<16xf32>
          %bitcast3A_911 = vector.bitcast %get3A_895 : vector<16xi32> to vector<16xf32>
          %bitcast3A_912 = vector.bitcast %get3A_902 : vector<16xi32> to vector<16xf32>
          %mul3A_913 = arith.mulf %bitcast3A_906, %bitcast3A_910 : vector<16xf32>
          %add3A_914 = arith.addf %add3A_888, %mul3A_913 : vector<16xf32>
          %mul3A_915 = arith.mulf %bitcast3A_911, %bitcast3A_912 : vector<16xf32>
          %add3A_916 = arith.addf %add3A_914, %mul3A_915 : vector<16xf32>
          %broadcast_in_dim3A_917 = vector.shape_cast %select_n3A_22 : vector<16xi32> to vector<16x1xi32>
          %gather3A_918 = vector.shape_cast %broadcast_in_dim3A_917 : vector<16x1xi32> to vector<16xi32>
          %gather3A_919 = tpu.dynamic_gather %add3A_916[%gather3A_918] in [0] : vector<16xf32>, vector<16xi32> -> vector<16xf32>
          %add3A_920 = arith.addf %add3A_916, %gather3A_919 : vector<16xf32>
          %broadcast_in_dim3A_921 = vector.shape_cast %select_n3A_47 : vector<16xi32> to vector<16x1xi32>
          %gather3A_922 = vector.shape_cast %broadcast_in_dim3A_921 : vector<16x1xi32> to vector<16xi32>
          %gather3A_923 = tpu.dynamic_gather %add3A_920[%gather3A_922] in [0] : vector<16xf32>, vector<16xi32> -> vector<16xf32>
          %add3A_924 = arith.addf %add3A_920, %gather3A_923 : vector<16xf32>
          %broadcast_in_dim3A_925 = vector.shape_cast %select_n3A_72 : vector<16xi32> to vector<16x1xi32>
          %gather3A_926 = vector.shape_cast %broadcast_in_dim3A_925 : vector<16x1xi32> to vector<16xi32>
          %gather3A_927 = tpu.dynamic_gather %add3A_924[%gather3A_926] in [0] : vector<16xf32>, vector<16xi32> -> vector<16xf32>
          %add3A_928 = arith.addf %add3A_924, %gather3A_927 : vector<16xf32>
          %broadcast_in_dim3A_929 = vector.shape_cast %select_n3A_97 : vector<16xi32> to vector<16x1xi32>
          %gather3A_930 = vector.shape_cast %broadcast_in_dim3A_929 : vector<16x1xi32> to vector<16xi32>
          %gather3A_931 = tpu.dynamic_gather %add3A_928[%gather3A_930] in [0] : vector<16xf32>, vector<16xi32> -> vector<16xf32>
          %add3A_932 = arith.addf %add3A_928, %gather3A_931 : vector<16xf32>
          %eq3A_933 = vector.broadcast %scan3A_689 : i32 to vector<16xi32>
          %eq3A_934 = arith.cmpi eq, %iota3A, %eq3A_933 : vector<16xi32>
          %select_n3A_935 = arith.select %eq3A_934, %add3A_932, %select_n3A_687 : vector<16xi1>, vector<16xf32>
          scf.yield %select_n3A_935 : vector<16xf32>
        }
        %scan3A_432 = arith.constant 16 : i32
        %neg3A = arith.constant 0.000000e+00 : f32
        %neg3A_433 = vector.broadcast %neg3A : f32 to vector<16xf32>
        %neg3A_434 = arith.subf %neg3A_433, %scan3A_431 : vector<16xf32>
        %exp3A = math.exp %neg3A_434 : vector<16xf32>
        %add3A_435 = arith.constant 1.000000e+00 : f32
        %add3A_436 = vector.broadcast %add3A_435 : f32 to vector<16xf32>
        %add3A_437 = arith.addf %add3A_436, %exp3A : vector<16xf32>
        %div3A = arith.constant 1.000000e+00 : f32
        %div3A_438 = vector.broadcast %div3A : f32 to vector<16xf32>
        %div3A_439 = arith.divf %div3A_438, %add3A_437 : vector<16xf32>
        %multiple_of3A = tpu.assume_multiple %mul3A_425, 16 : i32
        %swap3A = arith.constant 0 : i32
        %swap3A_440 = tpu.memref_slice %arg11[%scan3A_362, %swap3A] : memref<2x64xf32, #tpu.memory_space<vmem>> -> memref<1x64xf32, #tpu.memory_space<vmem>>
        %swap3A_441 = tpu.memref_squeeze %swap3A_440 : memref<1x64xf32, #tpu.memory_space<vmem>> -> memref<64xf32, #tpu.memory_space<vmem>>
        %swap3A_442 = arith.index_cast %multiple_of3A : i32 to index
        %swap3A_443 = tpu.vector_load %swap3A_441[%swap3A_442] {strides = array<i32>} : memref<64xf32, #tpu.memory_space<vmem>>, vector<16xf32>,
        tpu.vector_store %swap3A_441[%swap3A_442], %div3A_439 {strides = array<i32>} : memref<64xf32, #tpu.memory_space<vmem>>, vector<16xf32>,
      }
      %scan3A_367 = arith.constant 4 : i32
      %add3A_368 = arith.addi %mul3A_2, %add3A_320 : i32
      %run_scoped3A_369 = arith.constant 0 : i32
      "tpu.region"() ({
        %run_scoped3A_423 = tpu.sem_alloc : memref<!tpu.dma_semaphore, #tpu.memory_space<semaphore_mem>>
        %dma_start3A_424 = arith.constant 0 : i32
        %dma_start3A_425 = tpu.memref_slice %arg11[%run_scoped3A_369, %dma_start3A_424] : memref<2x64xf32, #tpu.memory_space<vmem>> -> memref<1x64xf32, #tpu.memory_space<vmem>>
        %dma_start3A_426 = tpu.memref_squeeze %dma_start3A_425 : memref<1x64xf32, #tpu.memory_space<vmem>> -> memref<64xf32, #tpu.memory_space<vmem>>
        %dma_start3A_427 = arith.constant 0 : i32
        %dma_start3A_428 = tpu.memref_slice %arg5[%add3A_368, %dma_start3A_427] : memref<2560x64xf32, #tpu.memory_space<hbm>> -> memref<1x64xf32, #tpu.memory_space<hbm>>
        %dma_start3A_429 = tpu.memref_squeeze %dma_start3A_428 : memref<1x64xf32, #tpu.memory_space<hbm>> -> memref<64xf32, #tpu.memory_space<hbm>>
        %dma_start3A_430 = arith.constant 0 : i32
        %dma_start3A_431 = tpu.memref_slice %arg5[%add3A_368, %dma_start3A_430] : memref<2560x64xf32, #tpu.memory_space<hbm>> -> memref<1x64xf32, #tpu.memory_space<hbm>>
        %dma_start3A_432 = tpu.memref_squeeze %dma_start3A_431 : memref<1x64xf32, #tpu.memory_space<hbm>> -> memref<64xf32, #tpu.memory_space<hbm>>
        %dma_start3A_433 = arith.constant 0 : i32
        %dma_start3A_434 = tpu.memref_slice %arg11[%run_scoped3A_369, %dma_start3A_433] : memref<2x64xf32, #tpu.memory_space<vmem>> -> memref<1x64xf32, #tpu.memory_space<vmem>>
        %dma_start3A_435 = tpu.memref_squeeze %dma_start3A_434 : memref<1x64xf32, #tpu.memory_space<vmem>> -> memref<64xf32, #tpu.memory_space<vmem>>
        tpu.enqueue_dma source(%dma_start3A_435 : memref<64xf32, #tpu.memory_space<vmem>>) target(%dma_start3A_432 : memref<64xf32, #tpu.memory_space<hbm>>) target_semaphore(%run_scoped3A_423 : memref<!tpu.dma_semaphore, #tpu.memory_space<semaphore_mem>>)
        %dma_wait3A_436 = arith.constant 0 : i32
        %dma_wait3A_437 = tpu.memref_slice %arg11[%run_scoped3A_369, %dma_wait3A_436] : memref<2x64xf32, #tpu.memory_space<vmem>> -> memref<1x64xf32, #tpu.memory_space<vmem>>
        %dma_wait3A_438 = tpu.memref_squeeze %dma_wait3A_437 : memref<1x64xf32, #tpu.memory_space<vmem>> -> memref<64xf32, #tpu.memory_space<vmem>>
        %dma_wait3A_439 = arith.constant 0 : i32
        %dma_wait3A_440 = tpu.memref_slice %arg5[%add3A_368, %dma_wait3A_439] : memref<2560x64xf32, #tpu.memory_space<hbm>> -> memref<1x64xf32, #tpu.memory_space<hbm>>
        %dma_wait3A_441 = tpu.memref_squeeze %dma_wait3A_440 : memref<1x64xf32, #tpu.memory_space<hbm>> -> memref<64xf32, #tpu.memory_space<hbm>>
        %dma_wait3A_442 = arith.constant 0 : i32
        %dma_wait3A_443 = tpu.memref_slice %arg5[%add3A_368, %dma_wait3A_442] : memref<2560x64xf32, #tpu.memory_space<hbm>> -> memref<1x64xf32, #tpu.memory_space<hbm>>
        %dma_wait3A_444 = tpu.memref_squeeze %dma_wait3A_443 : memref<1x64xf32, #tpu.memory_space<hbm>> -> memref<64xf32, #tpu.memory_space<hbm>>
        %dma_wait3A_445 = arith.constant 0 : i32
        %dma_wait3A_446 = tpu.memref_slice %arg11[%run_scoped3A_369, %dma_wait3A_445] : memref<2x64xf32, #tpu.memory_space<vmem>> -> memref<1x64xf32, #tpu.memory_space<vmem>>
        %dma_wait3A_447 = tpu.memref_squeeze %dma_wait3A_446 : memref<1x64xf32, #tpu.memory_space<vmem>> -> memref<64xf32, #tpu.memory_space<vmem>>
        tpu.wait_dma2 semaphore(%run_scoped3A_423 : memref<!tpu.dma_semaphore, #tpu.memory_space<semaphore_mem>>) src(%dma_wait3A_447 : memref<64xf32, #tpu.memory_space<vmem>>) dst(%dma_wait3A_444 : memref<64xf32, #tpu.memory_space<hbm>>)
        tpu.yield
      }) : () -> ()
      %mul3A_370 = arith.constant 4 : i32
      %mul3A_371 = arith.muli %mul3A_370, %scan3A_213 : i32
      %add3A_372 = arith.constant 3 : i32
      %add3A_373 = arith.addi %mul3A_371, %add3A_372 : i32
      %add3A_374 = arith.constant 1 : i32
      %add3A_375 = arith.addi %add3A_373, %add3A_374 : i32
      %lt3A_376 = arith.constant 80 : i32
      %lt3A_377 = arith.cmpi slt, %add3A_375, %lt3A_376 : i32
      %convert_element_type3A_378 = arith.extui %lt3A_377 : i1 to i32
      %cond3A_379 = arith.constant 0 : i32
      %cond3A_380 = arith.cmpi ne, %convert_element_type3A_378, %cond3A_379 : i32
      scf.if %cond3A_380 {
        %dma_wait3A_423 = arith.constant 0 : i32
        %dma_wait3A_424 = arith.constant 0 : i32
        %dma_wait3A_425 = arith.constant 0 : i32
        %dma_wait3A_426 = tpu.memref_slice %arg7[%dma_wait3A_424, %dma_wait3A_425] : memref<4x64xi32, #tpu.memory_space<vmem>> -> memref<1x64xi32, #tpu.memory_space<vmem>>
        %dma_wait3A_427 = tpu.memref_squeeze %dma_wait3A_426 : memref<1x64xi32, #tpu.memory_space<vmem>> -> memref<64xi32, #tpu.memory_space<vmem>>
        %dma_wait3A_428 = arith.constant 0 : i32
        %dma_wait3A_429 = tpu.memref_slice %arg3[%dma_wait3A_423, %dma_wait3A_428] : memref<2560x64xi32, #tpu.memory_space<hbm>> -> memref<1x64xi32, #tpu.memory_space<hbm>>
        %dma_wait3A_430 = tpu.memref_squeeze %dma_wait3A_429 : memref<1x64xi32, #tpu.memory_space<hbm>> -> memref<64xi32, #tpu.memory_space<hbm>>
        %dma_wait3A_431 = arith.constant 0 : i32
        %dma_wait3A_432 = tpu.memref_slice %arg7[%dma_wait3A_424, %dma_wait3A_431] : memref<4x64xi32, #tpu.memory_space<vmem>> -> memref<1x64xi32, #tpu.memory_space<vmem>>
        %dma_wait3A_433 = tpu.memref_squeeze %dma_wait3A_432 : memref<1x64xi32, #tpu.memory_space<vmem>> -> memref<64xi32, #tpu.memory_space<vmem>>
        %dma_wait3A_434 = arith.constant 0 : i32
        %dma_wait3A_435 = tpu.memref_slice %arg3[%dma_wait3A_423, %dma_wait3A_434] : memref<2560x64xi32, #tpu.memory_space<hbm>> -> memref<1x64xi32, #tpu.memory_space<hbm>>
        %dma_wait3A_436 = tpu.memref_squeeze %dma_wait3A_435 : memref<1x64xi32, #tpu.memory_space<hbm>> -> memref<64xi32, #tpu.memory_space<hbm>>
        tpu.wait_dma2 semaphore(%arg14 : memref<!tpu.dma_semaphore, #tpu.memory_space<semaphore_mem>>) src(%dma_wait3A_436 : memref<64xi32, #tpu.memory_space<hbm>>) dst(%dma_wait3A_433 : memref<64xi32, #tpu.memory_space<vmem>>)
        %dma_wait3A_437 = arith.constant 0 : i32
        %dma_wait3A_438 = arith.constant 0 : i32
        %dma_wait3A_439 = arith.constant 0 : i32
        %dma_wait3A_440 = tpu.memref_slice %arg8[%dma_wait3A_438, %dma_wait3A_439] : memref<4x64xi32, #tpu.memory_space<vmem>> -> memref<1x64xi32, #tpu.memory_space<vmem>>
        %dma_wait3A_441 = tpu.memref_squeeze %dma_wait3A_440 : memref<1x64xi32, #tpu.memory_space<vmem>> -> memref<64xi32, #tpu.memory_space<vmem>>
        %dma_wait3A_442 = arith.constant 0 : i32
        %dma_wait3A_443 = tpu.memref_slice %arg4[%dma_wait3A_437, %dma_wait3A_442] : memref<2560x64xi32, #tpu.memory_space<hbm>> -> memref<1x64xi32, #tpu.memory_space<hbm>>
        %dma_wait3A_444 = tpu.memref_squeeze %dma_wait3A_443 : memref<1x64xi32, #tpu.memory_space<hbm>> -> memref<64xi32, #tpu.memory_space<hbm>>
        %dma_wait3A_445 = arith.constant 0 : i32
        %dma_wait3A_446 = tpu.memref_slice %arg8[%dma_wait3A_438, %dma_wait3A_445] : memref<4x64xi32, #tpu.memory_space<vmem>> -> memref<1x64xi32, #tpu.memory_space<vmem>>
        %dma_wait3A_447 = tpu.memref_squeeze %dma_wait3A_446 : memref<1x64xi32, #tpu.memory_space<vmem>> -> memref<64xi32, #tpu.memory_space<vmem>>
        %dma_wait3A_448 = arith.constant 0 : i32
        %dma_wait3A_449 = tpu.memref_slice %arg4[%dma_wait3A_437, %dma_wait3A_448] : memref<2560x64xi32, #tpu.memory_space<hbm>> -> memref<1x64xi32, #tpu.memory_space<hbm>>
        %dma_wait3A_450 = tpu.memref_squeeze %dma_wait3A_449 : memref<1x64xi32, #tpu.memory_space<hbm>> -> memref<64xi32, #tpu.memory_space<hbm>>
        tpu.wait_dma2 semaphore(%arg14 : memref<!tpu.dma_semaphore, #tpu.memory_space<semaphore_mem>>) src(%dma_wait3A_450 : memref<64xi32, #tpu.memory_space<hbm>>) dst(%dma_wait3A_447 : memref<64xi32, #tpu.memory_space<vmem>>)
        %dma_start3A_451 = arith.constant 0 : i32
        %dma_start3A_452 = arith.constant 0 : i32
        %dma_start3A_453 = arith.constant 0 : i32
        %dma_start3A_454 = arith.constant 0 : i32
        %dma_start3A_455 = tpu.memref_slice %arg9[%dma_start3A_452, %dma_start3A_453, %dma_start3A_454] : memref<2x64x128xi32, #tpu.memory_space<vmem>> -> memref<1x64x128xi32, #tpu.memory_space<vmem>>
        %dma_start3A_456 = tpu.memref_squeeze %dma_start3A_455 : memref<1x64x128xi32, #tpu.memory_space<vmem>> -> memref<64x128xi32, #tpu.memory_space<vmem>>
        %dma_start3A_457 = arith.constant 0 : i32
        %dma_start3A_458 = tpu.memref_slice %arg7[%dma_start3A_451, %dma_start3A_457] : memref<4x64xi32, #tpu.memory_space<vmem>> -> memref<1x64xi32, #tpu.memory_space<vmem>>
        %dma_start3A_459 = tpu.memref_squeeze %dma_start3A_458 : memref<1x64xi32, #tpu.memory_space<vmem>> -> memref<64xi32, #tpu.memory_space<vmem>>
        %dma_start3A_460 = arith.constant 0 : i32
        %dma_start3A_461 = arith.constant 0 : i32
        %dma_start3A_462 = tpu.memref_slice %arg6[%dma_start3A_460, %dma_start3A_461] : memref<10240x128xi32, #tpu.memory_space<vmem_shared>> -> memref<10240x128xi32, #tpu.memory_space<vmem_shared>>
        tpu.enqueue_indirect_dma source(%dma_start3A_462 : memref<10240x128xi32, #tpu.memory_space<vmem_shared>>) target(%dma_start3A_456 : memref<64x128xi32, #tpu.memory_space<vmem>>) offsets(%dma_start3A_459 : memref<64xi32, #tpu.memory_space<vmem>>) semaphore(%arg12 : memref<!tpu.dma_semaphore, #tpu.memory_space<semaphore_mem>>)
        %dma_start3A_463 = arith.constant 0 : i32
        %dma_start3A_464 = arith.constant 0 : i32
        %dma_start3A_465 = arith.constant 0 : i32
        %dma_start3A_466 = arith.constant 0 : i32
        %dma_start3A_467 = tpu.memref_slice %arg10[%dma_start3A_464, %dma_start3A_465, %dma_start3A_466] : memref<2x64x128xi32, #tpu.memory_space<vmem>> -> memref<1x64x128xi32, #tpu.memory_space<vmem>>
        %dma_start3A_468 = tpu.memref_squeeze %dma_start3A_467 : memref<1x64x128xi32, #tpu.memory_space<vmem>> -> memref<64x128xi32, #tpu.memory_space<vmem>>
        %dma_start3A_469 = arith.constant 0 : i32
        %dma_start3A_470 = tpu.memref_slice %arg8[%dma_start3A_463, %dma_start3A_469] : memref<4x64xi32, #tpu.memory_space<vmem>> -> memref<1x64xi32, #tpu.memory_space<vmem>>
        %dma_start3A_471 = tpu.memref_squeeze %dma_start3A_470 : memref<1x64xi32, #tpu.memory_space<vmem>> -> memref<64xi32, #tpu.memory_space<vmem>>
        %dma_start3A_472 = arith.constant 0 : i32
        %dma_start3A_473 = arith.constant 0 : i32
        %dma_start3A_474 = tpu.memref_slice %arg6[%dma_start3A_472, %dma_start3A_473] : memref<10240x128xi32, #tpu.memory_space<vmem_shared>> -> memref<10240x128xi32, #tpu.memory_space<vmem_shared>>
        tpu.enqueue_indirect_dma source(%dma_start3A_474 : memref<10240x128xi32, #tpu.memory_space<vmem_shared>>) target(%dma_start3A_468 : memref<64x128xi32, #tpu.memory_space<vmem>>) offsets(%dma_start3A_471 : memref<64xi32, #tpu.memory_space<vmem>>) semaphore(%arg12 : memref<!tpu.dma_semaphore, #tpu.memory_space<semaphore_mem>>)
      } else {
      }
      %add3A_381 = arith.constant 2 : i32
      %add3A_382 = arith.addi %add3A_373, %add3A_381 : i32
      %lt3A_383 = arith.constant 80 : i32
      %lt3A_384 = arith.cmpi slt, %add3A_382, %lt3A_383 : i32
      %convert_element_type3A_385 = arith.extui %lt3A_384 : i1 to i32
      %cond3A_386 = arith.constant 0 : i32
      %cond3A_387 = arith.cmpi ne, %convert_element_type3A_385, %cond3A_386 : i32
      scf.if %cond3A_387 {
        %add3A_423 = arith.constant 2 : i32
        %add3A_424 = arith.addi %add3A_373, %add3A_423 : i32
        %add3A_425 = arith.addi %mul3A_2, %add3A_424 : i32
        %dma_start3A_426 = arith.constant 1 : i32
        %dma_start3A_427 = arith.constant 0 : i32
        %dma_start3A_428 = tpu.memref_slice %arg7[%dma_start3A_426, %dma_start3A_427] : memref<4x64xi32, #tpu.memory_space<vmem>> -> memref<1x64xi32, #tpu.memory_space<vmem>>
        %dma_start3A_429 = tpu.memref_squeeze %dma_start3A_428 : memref<1x64xi32, #tpu.memory_space<vmem>> -> memref<64xi32, #tpu.memory_space<vmem>>
        %dma_start3A_430 = arith.constant 0 : i32
        %dma_start3A_431 = tpu.memref_slice %arg3[%add3A_425, %dma_start3A_430] : memref<2560x64xi32, #tpu.memory_space<hbm>> -> memref<1x64xi32, #tpu.memory_space<hbm>>
        %dma_start3A_432 = tpu.memref_squeeze %dma_start3A_431 : memref<1x64xi32, #tpu.memory_space<hbm>> -> memref<64xi32, #tpu.memory_space<hbm>>
        %dma_start3A_433 = arith.constant 0 : i32
        %dma_start3A_434 = tpu.memref_slice %arg7[%dma_start3A_426, %dma_start3A_433] : memref<4x64xi32, #tpu.memory_space<vmem>> -> memref<1x64xi32, #tpu.memory_space<vmem>>
        %dma_start3A_435 = tpu.memref_squeeze %dma_start3A_434 : memref<1x64xi32, #tpu.memory_space<vmem>> -> memref<64xi32, #tpu.memory_space<vmem>>
        %dma_start3A_436 = arith.constant 0 : i32
        %dma_start3A_437 = tpu.memref_slice %arg3[%add3A_425, %dma_start3A_436] : memref<2560x64xi32, #tpu.memory_space<hbm>> -> memref<1x64xi32, #tpu.memory_space<hbm>>
        %dma_start3A_438 = tpu.memref_squeeze %dma_start3A_437 : memref<1x64xi32, #tpu.memory_space<hbm>> -> memref<64xi32, #tpu.memory_space<hbm>>
        tpu.enqueue_dma source(%dma_start3A_438 : memref<64xi32, #tpu.memory_space<hbm>>) target(%dma_start3A_435 : memref<64xi32, #tpu.memory_space<vmem>>) target_semaphore(%arg15 : memref<!tpu.dma_semaphore, #tpu.memory_space<semaphore_mem>>)
        %add3A_439 = arith.addi %mul3A_2, %add3A_424 : i32
        %dma_start3A_440 = arith.constant 1 : i32
        %dma_start3A_441 = arith.constant 0 : i32
        %dma_start3A_442 = tpu.memref_slice %arg8[%dma_start3A_440, %dma_start3A_441] : memref<4x64xi32, #tpu.memory_space<vmem>> -> memref<1x64xi32, #tpu.memory_space<vmem>>
        %dma_start3A_443 = tpu.memref_squeeze %dma_start3A_442 : memref<1x64xi32, #tpu.memory_space<vmem>> -> memref<64xi32, #tpu.memory_space<vmem>>
        %dma_start3A_444 = arith.constant 0 : i32
        %dma_start3A_445 = tpu.memref_slice %arg4[%add3A_439, %dma_start3A_444] : memref<2560x64xi32, #tpu.memory_space<hbm>> -> memref<1x64xi32, #tpu.memory_space<hbm>>
        %dma_start3A_446 = tpu.memref_squeeze %dma_start3A_445 : memref<1x64xi32, #tpu.memory_space<hbm>> -> memref<64xi32, #tpu.memory_space<hbm>>
        %dma_start3A_447 = arith.constant 0 : i32
        %dma_start3A_448 = tpu.memref_slice %arg8[%dma_start3A_440, %dma_start3A_447] : memref<4x64xi32, #tpu.memory_space<vmem>> -> memref<1x64xi32, #tpu.memory_space<vmem>>
        %dma_start3A_449 = tpu.memref_squeeze %dma_start3A_448 : memref<1x64xi32, #tpu.memory_space<vmem>> -> memref<64xi32, #tpu.memory_space<vmem>>
        %dma_start3A_450 = arith.constant 0 : i32
        %dma_start3A_451 = tpu.memref_slice %arg4[%add3A_439, %dma_start3A_450] : memref<2560x64xi32, #tpu.memory_space<hbm>> -> memref<1x64xi32, #tpu.memory_space<hbm>>
        %dma_start3A_452 = tpu.memref_squeeze %dma_start3A_451 : memref<1x64xi32, #tpu.memory_space<hbm>> -> memref<64xi32, #tpu.memory_space<hbm>>
        tpu.enqueue_dma source(%dma_start3A_452 : memref<64xi32, #tpu.memory_space<hbm>>) target(%dma_start3A_449 : memref<64xi32, #tpu.memory_space<vmem>>) target_semaphore(%arg15 : memref<!tpu.dma_semaphore, #tpu.memory_space<semaphore_mem>>)
      } else {
      }
      %dma_wait3A_388 = arith.constant 3 : i32
      %dma_wait3A_389 = arith.constant 1 : i32
      %dma_wait3A_390 = arith.constant 0 : i32
      %dma_wait3A_391 = arith.constant 0 : i32
      %dma_wait3A_392 = tpu.memref_slice %arg9[%dma_wait3A_389, %dma_wait3A_390, %dma_wait3A_391] : memref<2x64x128xi32, #tpu.memory_space<vmem>> -> memref<1x64x128xi32, #tpu.memory_space<vmem>>
      %dma_wait3A_393 = tpu.memref_squeeze %dma_wait3A_392 : memref<1x64x128xi32, #tpu.memory_space<vmem>> -> memref<64x128xi32, #tpu.memory_space<vmem>>
      %dma_wait3A_394 = arith.constant 0 : i32
      %dma_wait3A_395 = tpu.memref_slice %arg7[%dma_wait3A_388, %dma_wait3A_394] : memref<4x64xi32, #tpu.memory_space<vmem>> -> memref<1x64xi32, #tpu.memory_space<vmem>>
      %dma_wait3A_396 = tpu.memref_squeeze %dma_wait3A_395 : memref<1x64xi32, #tpu.memory_space<vmem>> -> memref<64xi32, #tpu.memory_space<vmem>>
      %dma_wait3A_397 = arith.constant 0 : i32
      %dma_wait3A_398 = arith.constant 0 : i32
      %dma_wait3A_399 = tpu.memref_slice %arg6[%dma_wait3A_397, %dma_wait3A_398] : memref<10240x128xi32, #tpu.memory_space<vmem_shared>> -> memref<10240x128xi32, #tpu.memory_space<vmem_shared>>
      tpu.wait_indirect_dma semaphore(%arg13 : memref<!tpu.dma_semaphore, #tpu.memory_space<semaphore_mem>>) src(%dma_wait3A_399 : memref<10240x128xi32, #tpu.memory_space<vmem_shared>>) dst(%dma_wait3A_393 : memref<64x128xi32, #tpu.memory_space<vmem>>)
      %dma_wait3A_400 = arith.constant 3 : i32
      %dma_wait3A_401 = arith.constant 1 : i32
      %dma_wait3A_402 = arith.constant 0 : i32
      %dma_wait3A_403 = arith.constant 0 : i32
      %dma_wait3A_404 = tpu.memref_slice %arg10[%dma_wait3A_401, %dma_wait3A_402, %dma_wait3A_403] : memref<2x64x128xi32, #tpu.memory_space<vmem>> -> memref<1x64x128xi32, #tpu.memory_space<vmem>>
      %dma_wait3A_405 = tpu.memref_squeeze %dma_wait3A_404 : memref<1x64x128xi32, #tpu.memory_space<vmem>> -> memref<64x128xi32, #tpu.memory_space<vmem>>
      %dma_wait3A_406 = arith.constant 0 : i32
      %dma_wait3A_407 = tpu.memref_slice %arg8[%dma_wait3A_400, %dma_wait3A_406] : memref<4x64xi32, #tpu.memory_space<vmem>> -> memref<1x64xi32, #tpu.memory_space<vmem>>
      %dma_wait3A_408 = tpu.memref_squeeze %dma_wait3A_407 : memref<1x64xi32, #tpu.memory_space<vmem>> -> memref<64xi32, #tpu.memory_space<vmem>>
      %dma_wait3A_409 = arith.constant 0 : i32
      %dma_wait3A_410 = arith.constant 0 : i32
      %dma_wait3A_411 = tpu.memref_slice %arg6[%dma_wait3A_409, %dma_wait3A_410] : memref<10240x128xi32, #tpu.memory_space<vmem_shared>> -> memref<10240x128xi32, #tpu.memory_space<vmem_shared>>
      tpu.wait_indirect_dma semaphore(%arg13 : memref<!tpu.dma_semaphore, #tpu.memory_space<semaphore_mem>>) src(%dma_wait3A_411 : memref<10240x128xi32, #tpu.memory_space<vmem_shared>>) dst(%dma_wait3A_405 : memref<64x128xi32, #tpu.memory_space<vmem>>)
      %scan3A_412 = arith.constant 0 : i32
      %scan3A_413 = arith.constant 1 : i32
      %scan3A_414 = arith.constant 1 : i32
      %scan3A_415 = arith.constant 1 : i32
      %scan3A_416 = arith.constant 0 : i32
      %scan3A_417 = arith.constant 4 : i32
      %scan3A_418 = arith.addi %scan3A_416, %scan3A_417 : i32
      %scan3A_419 = arith.constant 1 : i32
      scf.for %scan3A_423 = %scan3A_416 to %scan3A_418 step %scan3A_419  : i32 {
        %mul3A_424 = arith.constant 16 : i32
        %mul3A_425 = arith.muli %scan3A_423, %mul3A_424 : i32
        %broadcast_in_dim3A = arith.constant 0.000000e+00 : f32
        %broadcast_in_dim3A_426 = vector.broadcast %broadcast_in_dim3A : f32 to vector<16xf32>
        %scan3A_427 = arith.constant 0 : i32
        %scan3A_428 = arith.constant 16 : i32
        %scan3A_429 = arith.addi %scan3A_427, %scan3A_428 : i32
        %scan3A_430 = arith.constant 2 : i32
        %scan3A_431 = scf.for %scan3A_444 = %scan3A_427 to %scan3A_429 step %scan3A_430 iter_args(%scan3A_445 = %broadcast_in_dim3A_426) -> (vector<16xf32>)  : i32 {
          %add3A_446 = arith.addi %mul3A_425, %scan3A_444 : i32
          %broadcast_in_dim3A_447 = arith.constant 0.000000e+00 : f32
          %broadcast_in_dim3A_448 = vector.broadcast %broadcast_in_dim3A_447 : f32 to vector<16xf32>
          %get3A = arith.constant 0 : i32
          %get3A_449 = arith.constant 0 : i32
          %get3A_450 = tpu.memref_slice %arg9[%scan3A_413, %get3A, %get3A_449] : memref<2x64x128xi32, #tpu.memory_space<vmem>> -> memref<1x64x128xi32, #tpu.memory_space<vmem>>
          %get3A_451 = tpu.memref_squeeze %get3A_450 : memref<1x64x128xi32, #tpu.memory_space<vmem>> -> memref<64x128xi32, #tpu.memory_space<vmem>>
          %get3A_452 = arith.index_cast %add3A_446 : i32 to index
          %get3A_453 = arith.constant 0 : index
          %get3A_454 = tpu.vector_load %get3A_451[%get3A_452, %get3A_453] {strides = array<i32>} : memref<64x128xi32, #tpu.memory_space<vmem>>, vector<16xi32>,
          %get3A_455 = arith.constant 0 : i32
          %get3A_456 = arith.constant 0 : i32
          %get3A_457 = tpu.memref_slice %arg10[%scan3A_414, %get3A_455, %get3A_456] : memref<2x64x128xi32, #tpu.memory_space<vmem>> -> memref<1x64x128xi32, #tpu.memory_space<vmem>>
          %get3A_458 = tpu.memref_squeeze %get3A_457 : memref<1x64x128xi32, #tpu.memory_space<vmem>> -> memref<64x128xi32, #tpu.memory_space<vmem>>
          %get3A_459 = arith.index_cast %add3A_446 : i32 to index
          %get3A_460 = arith.constant 0 : index
          %get3A_461 = tpu.vector_load %get3A_458[%get3A_459, %get3A_460] {strides = array<i32>} : memref<64x128xi32, #tpu.memory_space<vmem>>, vector<16xi32>,
          %shift_left3A = arith.constant 16 : i32
          %shift_left3A_462 = vector.broadcast %shift_left3A : i32 to vector<16xi32>
          %shift_left3A_463 = arith.shli %get3A_454, %shift_left3A_462 : vector<16xi32>
          %bitcast3A = vector.bitcast %shift_left3A_463 : vector<16xi32> to vector<16xf32>
          %shift_left3A_464 = arith.constant 16 : i32
          %shift_left3A_465 = vector.broadcast %shift_left3A_464 : i32 to vector<16xi32>
          %shift_left3A_466 = arith.shli %get3A_461, %shift_left3A_465 : vector<16xi32>
          %bitcast3A_467 = vector.bitcast %shift_left3A_466 : vector<16xi32> to vector<16xf32>
          %bitcast3A_468 = vector.bitcast %get3A_454 : vector<16xi32> to vector<16xf32>
          %bitcast3A_469 = vector.bitcast %get3A_461 : vector<16xi32> to vector<16xf32>
          %mul3A_470 = arith.mulf %bitcast3A, %bitcast3A_467 : vector<16xf32>
          %add3A_471 = arith.addf %broadcast_in_dim3A_448, %mul3A_470 : vector<16xf32>
          %mul3A_472 = arith.mulf %bitcast3A_468, %bitcast3A_469 : vector<16xf32>
          %add3A_473 = arith.addf %add3A_471, %mul3A_472 : vector<16xf32>
          %get3A_474 = arith.constant 0 : i32
          %get3A_475 = arith.constant 0 : i32
          %get3A_476 = tpu.memref_slice %arg9[%scan3A_413, %get3A_474, %get3A_475] : memref<2x64x128xi32, #tpu.memory_space<vmem>> -> memref<1x64x128xi32, #tpu.memory_space<vmem>>
          %get3A_477 = tpu.memref_squeeze %get3A_476 : memref<1x64x128xi32, #tpu.memory_space<vmem>> -> memref<64x128xi32, #tpu.memory_space<vmem>>
          %get3A_478 = arith.index_cast %add3A_446 : i32 to index
          %get3A_479 = arith.constant 16 : index
          %get3A_480 = tpu.vector_load %get3A_477[%get3A_478, %get3A_479] {strides = array<i32>} : memref<64x128xi32, #tpu.memory_space<vmem>>, vector<16xi32>,
          %get3A_481 = arith.constant 0 : i32
          %get3A_482 = arith.constant 0 : i32
          %get3A_483 = tpu.memref_slice %arg10[%scan3A_414, %get3A_481, %get3A_482] : memref<2x64x128xi32, #tpu.memory_space<vmem>> -> memref<1x64x128xi32, #tpu.memory_space<vmem>>
          %get3A_484 = tpu.memref_squeeze %get3A_483 : memref<1x64x128xi32, #tpu.memory_space<vmem>> -> memref<64x128xi32, #tpu.memory_space<vmem>>
          %get3A_485 = arith.index_cast %add3A_446 : i32 to index
          %get3A_486 = arith.constant 16 : index
          %get3A_487 = tpu.vector_load %get3A_484[%get3A_485, %get3A_486] {strides = array<i32>} : memref<64x128xi32, #tpu.memory_space<vmem>>, vector<16xi32>,
          %shift_left3A_488 = arith.constant 16 : i32
          %shift_left3A_489 = vector.broadcast %shift_left3A_488 : i32 to vector<16xi32>
          %shift_left3A_490 = arith.shli %get3A_480, %shift_left3A_489 : vector<16xi32>
          %bitcast3A_491 = vector.bitcast %shift_left3A_490 : vector<16xi32> to vector<16xf32>
          %shift_left3A_492 = arith.constant 16 : i32
          %shift_left3A_493 = vector.broadcast %shift_left3A_492 : i32 to vector<16xi32>
          %shift_left3A_494 = arith.shli %get3A_487, %shift_left3A_493 : vector<16xi32>
          %bitcast3A_495 = vector.bitcast %shift_left3A_494 : vector<16xi32> to vector<16xf32>
          %bitcast3A_496 = vector.bitcast %get3A_480 : vector<16xi32> to vector<16xf32>
          %bitcast3A_497 = vector.bitcast %get3A_487 : vector<16xi32> to vector<16xf32>
          %mul3A_498 = arith.mulf %bitcast3A_491, %bitcast3A_495 : vector<16xf32>
          %add3A_499 = arith.addf %add3A_473, %mul3A_498 : vector<16xf32>
          %mul3A_500 = arith.mulf %bitcast3A_496, %bitcast3A_497 : vector<16xf32>
          %add3A_501 = arith.addf %add3A_499, %mul3A_500 : vector<16xf32>
          %get3A_502 = arith.constant 0 : i32
          %get3A_503 = arith.constant 0 : i32
          %get3A_504 = tpu.memref_slice %arg9[%scan3A_413, %get3A_502, %get3A_503] : memref<2x64x128xi32, #tpu.memory_space<vmem>> -> memref<1x64x128xi32, #tpu.memory_space<vmem>>
          %get3A_505 = tpu.memref_squeeze %get3A_504 : memref<1x64x128xi32, #tpu.memory_space<vmem>> -> memref<64x128xi32, #tpu.memory_space<vmem>>
          %get3A_506 = arith.index_cast %add3A_446 : i32 to index
          %get3A_507 = arith.constant 32 : index
          %get3A_508 = tpu.vector_load %get3A_505[%get3A_506, %get3A_507] {strides = array<i32>} : memref<64x128xi32, #tpu.memory_space<vmem>>, vector<16xi32>,
          %get3A_509 = arith.constant 0 : i32
          %get3A_510 = arith.constant 0 : i32
          %get3A_511 = tpu.memref_slice %arg10[%scan3A_414, %get3A_509, %get3A_510] : memref<2x64x128xi32, #tpu.memory_space<vmem>> -> memref<1x64x128xi32, #tpu.memory_space<vmem>>
          %get3A_512 = tpu.memref_squeeze %get3A_511 : memref<1x64x128xi32, #tpu.memory_space<vmem>> -> memref<64x128xi32, #tpu.memory_space<vmem>>
          %get3A_513 = arith.index_cast %add3A_446 : i32 to index
          %get3A_514 = arith.constant 32 : index
          %get3A_515 = tpu.vector_load %get3A_512[%get3A_513, %get3A_514] {strides = array<i32>} : memref<64x128xi32, #tpu.memory_space<vmem>>, vector<16xi32>,
          %shift_left3A_516 = arith.constant 16 : i32
          %shift_left3A_517 = vector.broadcast %shift_left3A_516 : i32 to vector<16xi32>
          %shift_left3A_518 = arith.shli %get3A_508, %shift_left3A_517 : vector<16xi32>
          %bitcast3A_519 = vector.bitcast %shift_left3A_518 : vector<16xi32> to vector<16xf32>
          %shift_left3A_520 = arith.constant 16 : i32
          %shift_left3A_521 = vector.broadcast %shift_left3A_520 : i32 to vector<16xi32>
          %shift_left3A_522 = arith.shli %get3A_515, %shift_left3A_521 : vector<16xi32>
          %bitcast3A_523 = vector.bitcast %shift_left3A_522 : vector<16xi32> to vector<16xf32>
          %bitcast3A_524 = vector.bitcast %get3A_508 : vector<16xi32> to vector<16xf32>
          %bitcast3A_525 = vector.bitcast %get3A_515 : vector<16xi32> to vector<16xf32>
          %mul3A_526 = arith.mulf %bitcast3A_519, %bitcast3A_523 : vector<16xf32>
          %add3A_527 = arith.addf %add3A_501, %mul3A_526 : vector<16xf32>
          %mul3A_528 = arith.mulf %bitcast3A_524, %bitcast3A_525 : vector<16xf32>
          %add3A_529 = arith.addf %add3A_527, %mul3A_528 : vector<16xf32>
          %get3A_530 = arith.constant 0 : i32
          %get3A_531 = arith.constant 0 : i32
          %get3A_532 = tpu.memref_slice %arg9[%scan3A_413, %get3A_530, %get3A_531] : memref<2x64x128xi32, #tpu.memory_space<vmem>> -> memref<1x64x128xi32, #tpu.memory_space<vmem>>
          %get3A_533 = tpu.memref_squeeze %get3A_532 : memref<1x64x128xi32, #tpu.memory_space<vmem>> -> memref<64x128xi32, #tpu.memory_space<vmem>>
          %get3A_534 = arith.index_cast %add3A_446 : i32 to index
          %get3A_535 = arith.constant 48 : index
          %get3A_536 = tpu.vector_load %get3A_533[%get3A_534, %get3A_535] {strides = array<i32>} : memref<64x128xi32, #tpu.memory_space<vmem>>, vector<16xi32>,
          %get3A_537 = arith.constant 0 : i32
          %get3A_538 = arith.constant 0 : i32
          %get3A_539 = tpu.memref_slice %arg10[%scan3A_414, %get3A_537, %get3A_538] : memref<2x64x128xi32, #tpu.memory_space<vmem>> -> memref<1x64x128xi32, #tpu.memory_space<vmem>>
          %get3A_540 = tpu.memref_squeeze %get3A_539 : memref<1x64x128xi32, #tpu.memory_space<vmem>> -> memref<64x128xi32, #tpu.memory_space<vmem>>
          %get3A_541 = arith.index_cast %add3A_446 : i32 to index
          %get3A_542 = arith.constant 48 : index
          %get3A_543 = tpu.vector_load %get3A_540[%get3A_541, %get3A_542] {strides = array<i32>} : memref<64x128xi32, #tpu.memory_space<vmem>>, vector<16xi32>,
          %shift_left3A_544 = arith.constant 16 : i32
          %shift_left3A_545 = vector.broadcast %shift_left3A_544 : i32 to vector<16xi32>
          %shift_left3A_546 = arith.shli %get3A_536, %shift_left3A_545 : vector<16xi32>
          %bitcast3A_547 = vector.bitcast %shift_left3A_546 : vector<16xi32> to vector<16xf32>
          %shift_left3A_548 = arith.constant 16 : i32
          %shift_left3A_549 = vector.broadcast %shift_left3A_548 : i32 to vector<16xi32>
          %shift_left3A_550 = arith.shli %get3A_543, %shift_left3A_549 : vector<16xi32>
          %bitcast3A_551 = vector.bitcast %shift_left3A_550 : vector<16xi32> to vector<16xf32>
          %bitcast3A_552 = vector.bitcast %get3A_536 : vector<16xi32> to vector<16xf32>
          %bitcast3A_553 = vector.bitcast %get3A_543 : vector<16xi32> to vector<16xf32>
          %mul3A_554 = arith.mulf %bitcast3A_547, %bitcast3A_551 : vector<16xf32>
          %add3A_555 = arith.addf %add3A_529, %mul3A_554 : vector<16xf32>
          %mul3A_556 = arith.mulf %bitcast3A_552, %bitcast3A_553 : vector<16xf32>
          %add3A_557 = arith.addf %add3A_555, %mul3A_556 : vector<16xf32>
          %get3A_558 = arith.constant 0 : i32
          %get3A_559 = arith.constant 0 : i32
          %get3A_560 = tpu.memref_slice %arg9[%scan3A_413, %get3A_558, %get3A_559] : memref<2x64x128xi32, #tpu.memory_space<vmem>> -> memref<1x64x128xi32, #tpu.memory_space<vmem>>
          %get3A_561 = tpu.memref_squeeze %get3A_560 : memref<1x64x128xi32, #tpu.memory_space<vmem>> -> memref<64x128xi32, #tpu.memory_space<vmem>>
          %get3A_562 = arith.index_cast %add3A_446 : i32 to index
          %get3A_563 = arith.constant 64 : index
          %get3A_564 = tpu.vector_load %get3A_561[%get3A_562, %get3A_563] {strides = array<i32>} : memref<64x128xi32, #tpu.memory_space<vmem>>, vector<16xi32>,
          %get3A_565 = arith.constant 0 : i32
          %get3A_566 = arith.constant 0 : i32
          %get3A_567 = tpu.memref_slice %arg10[%scan3A_414, %get3A_565, %get3A_566] : memref<2x64x128xi32, #tpu.memory_space<vmem>> -> memref<1x64x128xi32, #tpu.memory_space<vmem>>
          %get3A_568 = tpu.memref_squeeze %get3A_567 : memref<1x64x128xi32, #tpu.memory_space<vmem>> -> memref<64x128xi32, #tpu.memory_space<vmem>>
          %get3A_569 = arith.index_cast %add3A_446 : i32 to index
          %get3A_570 = arith.constant 64 : index
          %get3A_571 = tpu.vector_load %get3A_568[%get3A_569, %get3A_570] {strides = array<i32>} : memref<64x128xi32, #tpu.memory_space<vmem>>, vector<16xi32>,
          %shift_left3A_572 = arith.constant 16 : i32
          %shift_left3A_573 = vector.broadcast %shift_left3A_572 : i32 to vector<16xi32>
          %shift_left3A_574 = arith.shli %get3A_564, %shift_left3A_573 : vector<16xi32>
          %bitcast3A_575 = vector.bitcast %shift_left3A_574 : vector<16xi32> to vector<16xf32>
          %shift_left3A_576 = arith.constant 16 : i32
          %shift_left3A_577 = vector.broadcast %shift_left3A_576 : i32 to vector<16xi32>
          %shift_left3A_578 = arith.shli %get3A_571, %shift_left3A_577 : vector<16xi32>
          %bitcast3A_579 = vector.bitcast %shift_left3A_578 : vector<16xi32> to vector<16xf32>
          %bitcast3A_580 = vector.bitcast %get3A_564 : vector<16xi32> to vector<16xf32>
          %bitcast3A_581 = vector.bitcast %get3A_571 : vector<16xi32> to vector<16xf32>
          %mul3A_582 = arith.mulf %bitcast3A_575, %bitcast3A_579 : vector<16xf32>
          %add3A_583 = arith.addf %add3A_557, %mul3A_582 : vector<16xf32>
          %mul3A_584 = arith.mulf %bitcast3A_580, %bitcast3A_581 : vector<16xf32>
          %add3A_585 = arith.addf %add3A_583, %mul3A_584 : vector<16xf32>
          %get3A_586 = arith.constant 0 : i32
          %get3A_587 = arith.constant 0 : i32
          %get3A_588 = tpu.memref_slice %arg9[%scan3A_413, %get3A_586, %get3A_587] : memref<2x64x128xi32, #tpu.memory_space<vmem>> -> memref<1x64x128xi32, #tpu.memory_space<vmem>>
          %get3A_589 = tpu.memref_squeeze %get3A_588 : memref<1x64x128xi32, #tpu.memory_space<vmem>> -> memref<64x128xi32, #tpu.memory_space<vmem>>
          %get3A_590 = arith.index_cast %add3A_446 : i32 to index
          %get3A_591 = arith.constant 80 : index
          %get3A_592 = tpu.vector_load %get3A_589[%get3A_590, %get3A_591] {strides = array<i32>} : memref<64x128xi32, #tpu.memory_space<vmem>>, vector<16xi32>,
          %get3A_593 = arith.constant 0 : i32
          %get3A_594 = arith.constant 0 : i32
          %get3A_595 = tpu.memref_slice %arg10[%scan3A_414, %get3A_593, %get3A_594] : memref<2x64x128xi32, #tpu.memory_space<vmem>> -> memref<1x64x128xi32, #tpu.memory_space<vmem>>
          %get3A_596 = tpu.memref_squeeze %get3A_595 : memref<1x64x128xi32, #tpu.memory_space<vmem>> -> memref<64x128xi32, #tpu.memory_space<vmem>>
          %get3A_597 = arith.index_cast %add3A_446 : i32 to index
          %get3A_598 = arith.constant 80 : index
          %get3A_599 = tpu.vector_load %get3A_596[%get3A_597, %get3A_598] {strides = array<i32>} : memref<64x128xi32, #tpu.memory_space<vmem>>, vector<16xi32>,
          %shift_left3A_600 = arith.constant 16 : i32
          %shift_left3A_601 = vector.broadcast %shift_left3A_600 : i32 to vector<16xi32>
          %shift_left3A_602 = arith.shli %get3A_592, %shift_left3A_601 : vector<16xi32>
          %bitcast3A_603 = vector.bitcast %shift_left3A_602 : vector<16xi32> to vector<16xf32>
          %shift_left3A_604 = arith.constant 16 : i32
          %shift_left3A_605 = vector.broadcast %shift_left3A_604 : i32 to vector<16xi32>
          %shift_left3A_606 = arith.shli %get3A_599, %shift_left3A_605 : vector<16xi32>
          %bitcast3A_607 = vector.bitcast %shift_left3A_606 : vector<16xi32> to vector<16xf32>
          %bitcast3A_608 = vector.bitcast %get3A_592 : vector<16xi32> to vector<16xf32>
          %bitcast3A_609 = vector.bitcast %get3A_599 : vector<16xi32> to vector<16xf32>
          %mul3A_610 = arith.mulf %bitcast3A_603, %bitcast3A_607 : vector<16xf32>
          %add3A_611 = arith.addf %add3A_585, %mul3A_610 : vector<16xf32>
          %mul3A_612 = arith.mulf %bitcast3A_608, %bitcast3A_609 : vector<16xf32>
          %add3A_613 = arith.addf %add3A_611, %mul3A_612 : vector<16xf32>
          %get3A_614 = arith.constant 0 : i32
          %get3A_615 = arith.constant 0 : i32
          %get3A_616 = tpu.memref_slice %arg9[%scan3A_413, %get3A_614, %get3A_615] : memref<2x64x128xi32, #tpu.memory_space<vmem>> -> memref<1x64x128xi32, #tpu.memory_space<vmem>>
          %get3A_617 = tpu.memref_squeeze %get3A_616 : memref<1x64x128xi32, #tpu.memory_space<vmem>> -> memref<64x128xi32, #tpu.memory_space<vmem>>
          %get3A_618 = arith.index_cast %add3A_446 : i32 to index
          %get3A_619 = arith.constant 96 : index
          %get3A_620 = tpu.vector_load %get3A_617[%get3A_618, %get3A_619] {strides = array<i32>} : memref<64x128xi32, #tpu.memory_space<vmem>>, vector<16xi32>,
          %get3A_621 = arith.constant 0 : i32
          %get3A_622 = arith.constant 0 : i32
          %get3A_623 = tpu.memref_slice %arg10[%scan3A_414, %get3A_621, %get3A_622] : memref<2x64x128xi32, #tpu.memory_space<vmem>> -> memref<1x64x128xi32, #tpu.memory_space<vmem>>
          %get3A_624 = tpu.memref_squeeze %get3A_623 : memref<1x64x128xi32, #tpu.memory_space<vmem>> -> memref<64x128xi32, #tpu.memory_space<vmem>>
          %get3A_625 = arith.index_cast %add3A_446 : i32 to index
          %get3A_626 = arith.constant 96 : index
          %get3A_627 = tpu.vector_load %get3A_624[%get3A_625, %get3A_626] {strides = array<i32>} : memref<64x128xi32, #tpu.memory_space<vmem>>, vector<16xi32>,
          %shift_left3A_628 = arith.constant 16 : i32
          %shift_left3A_629 = vector.broadcast %shift_left3A_628 : i32 to vector<16xi32>
          %shift_left3A_630 = arith.shli %get3A_620, %shift_left3A_629 : vector<16xi32>
          %bitcast3A_631 = vector.bitcast %shift_left3A_630 : vector<16xi32> to vector<16xf32>
          %shift_left3A_632 = arith.constant 16 : i32
          %shift_left3A_633 = vector.broadcast %shift_left3A_632 : i32 to vector<16xi32>
          %shift_left3A_634 = arith.shli %get3A_627, %shift_left3A_633 : vector<16xi32>
          %bitcast3A_635 = vector.bitcast %shift_left3A_634 : vector<16xi32> to vector<16xf32>
          %bitcast3A_636 = vector.bitcast %get3A_620 : vector<16xi32> to vector<16xf32>
          %bitcast3A_637 = vector.bitcast %get3A_627 : vector<16xi32> to vector<16xf32>
          %mul3A_638 = arith.mulf %bitcast3A_631, %bitcast3A_635 : vector<16xf32>
          %add3A_639 = arith.addf %add3A_613, %mul3A_638 : vector<16xf32>
          %mul3A_640 = arith.mulf %bitcast3A_636, %bitcast3A_637 : vector<16xf32>
          %add3A_641 = arith.addf %add3A_639, %mul3A_640 : vector<16xf32>
          %get3A_642 = arith.constant 0 : i32
          %get3A_643 = arith.constant 0 : i32
          %get3A_644 = tpu.memref_slice %arg9[%scan3A_413, %get3A_642, %get3A_643] : memref<2x64x128xi32, #tpu.memory_space<vmem>> -> memref<1x64x128xi32, #tpu.memory_space<vmem>>
          %get3A_645 = tpu.memref_squeeze %get3A_644 : memref<1x64x128xi32, #tpu.memory_space<vmem>> -> memref<64x128xi32, #tpu.memory_space<vmem>>
          %get3A_646 = arith.index_cast %add3A_446 : i32 to index
          %get3A_647 = arith.constant 112 : index
          %get3A_648 = tpu.vector_load %get3A_645[%get3A_646, %get3A_647] {strides = array<i32>} : memref<64x128xi32, #tpu.memory_space<vmem>>, vector<16xi32>,
          %get3A_649 = arith.constant 0 : i32
          %get3A_650 = arith.constant 0 : i32
          %get3A_651 = tpu.memref_slice %arg10[%scan3A_414, %get3A_649, %get3A_650] : memref<2x64x128xi32, #tpu.memory_space<vmem>> -> memref<1x64x128xi32, #tpu.memory_space<vmem>>
          %get3A_652 = tpu.memref_squeeze %get3A_651 : memref<1x64x128xi32, #tpu.memory_space<vmem>> -> memref<64x128xi32, #tpu.memory_space<vmem>>
          %get3A_653 = arith.index_cast %add3A_446 : i32 to index
          %get3A_654 = arith.constant 112 : index
          %get3A_655 = tpu.vector_load %get3A_652[%get3A_653, %get3A_654] {strides = array<i32>} : memref<64x128xi32, #tpu.memory_space<vmem>>, vector<16xi32>,
          %shift_left3A_656 = arith.constant 16 : i32
          %shift_left3A_657 = vector.broadcast %shift_left3A_656 : i32 to vector<16xi32>
          %shift_left3A_658 = arith.shli %get3A_648, %shift_left3A_657 : vector<16xi32>
          %bitcast3A_659 = vector.bitcast %shift_left3A_658 : vector<16xi32> to vector<16xf32>
          %shift_left3A_660 = arith.constant 16 : i32
          %shift_left3A_661 = vector.broadcast %shift_left3A_660 : i32 to vector<16xi32>
          %shift_left3A_662 = arith.shli %get3A_655, %shift_left3A_661 : vector<16xi32>
          %bitcast3A_663 = vector.bitcast %shift_left3A_662 : vector<16xi32> to vector<16xf32>
          %bitcast3A_664 = vector.bitcast %get3A_648 : vector<16xi32> to vector<16xf32>
          %bitcast3A_665 = vector.bitcast %get3A_655 : vector<16xi32> to vector<16xf32>
          %mul3A_666 = arith.mulf %bitcast3A_659, %bitcast3A_663 : vector<16xf32>
          %add3A_667 = arith.addf %add3A_641, %mul3A_666 : vector<16xf32>
          %mul3A_668 = arith.mulf %bitcast3A_664, %bitcast3A_665 : vector<16xf32>
          %add3A_669 = arith.addf %add3A_667, %mul3A_668 : vector<16xf32>
          %broadcast_in_dim3A_670 = vector.shape_cast %select_n3A_22 : vector<16xi32> to vector<16x1xi32>
          %gather3A = vector.shape_cast %broadcast_in_dim3A_670 : vector<16x1xi32> to vector<16xi32>
          %gather3A_671 = tpu.dynamic_gather %add3A_669[%gather3A] in [0] : vector<16xf32>, vector<16xi32> -> vector<16xf32>
          %add3A_672 = arith.addf %add3A_669, %gather3A_671 : vector<16xf32>
          %broadcast_in_dim3A_673 = vector.shape_cast %select_n3A_47 : vector<16xi32> to vector<16x1xi32>
          %gather3A_674 = vector.shape_cast %broadcast_in_dim3A_673 : vector<16x1xi32> to vector<16xi32>
          %gather3A_675 = tpu.dynamic_gather %add3A_672[%gather3A_674] in [0] : vector<16xf32>, vector<16xi32> -> vector<16xf32>
          %add3A_676 = arith.addf %add3A_672, %gather3A_675 : vector<16xf32>
          %broadcast_in_dim3A_677 = vector.shape_cast %select_n3A_72 : vector<16xi32> to vector<16x1xi32>
          %gather3A_678 = vector.shape_cast %broadcast_in_dim3A_677 : vector<16x1xi32> to vector<16xi32>
          %gather3A_679 = tpu.dynamic_gather %add3A_676[%gather3A_678] in [0] : vector<16xf32>, vector<16xi32> -> vector<16xf32>
          %add3A_680 = arith.addf %add3A_676, %gather3A_679 : vector<16xf32>
          %broadcast_in_dim3A_681 = vector.shape_cast %select_n3A_97 : vector<16xi32> to vector<16x1xi32>
          %gather3A_682 = vector.shape_cast %broadcast_in_dim3A_681 : vector<16x1xi32> to vector<16xi32>
          %gather3A_683 = tpu.dynamic_gather %add3A_680[%gather3A_682] in [0] : vector<16xf32>, vector<16xi32> -> vector<16xf32>
          %add3A_684 = arith.addf %add3A_680, %gather3A_683 : vector<16xf32>
          %eq3A_685 = vector.broadcast %scan3A_444 : i32 to vector<16xi32>
          %eq3A_686 = arith.cmpi eq, %iota3A, %eq3A_685 : vector<16xi32>
          %select_n3A_687 = arith.select %eq3A_686, %add3A_684, %scan3A_445 : vector<16xi1>, vector<16xf32>
          %scan3A_688 = arith.constant 1 : i32
          %scan3A_689 = arith.addi %scan3A_444, %scan3A_688 : i32
          %add3A_690 = arith.addi %mul3A_425, %scan3A_689 : i32
          %broadcast_in_dim3A_691 = arith.constant 0.000000e+00 : f32
          %broadcast_in_dim3A_692 = vector.broadcast %broadcast_in_dim3A_691 : f32 to vector<16xf32>
          %get3A_693 = arith.constant 0 : i32
          %get3A_694 = arith.constant 0 : i32
          %get3A_695 = tpu.memref_slice %arg9[%scan3A_413, %get3A_693, %get3A_694] : memref<2x64x128xi32, #tpu.memory_space<vmem>> -> memref<1x64x128xi32, #tpu.memory_space<vmem>>
          %get3A_696 = tpu.memref_squeeze %get3A_695 : memref<1x64x128xi32, #tpu.memory_space<vmem>> -> memref<64x128xi32, #tpu.memory_space<vmem>>
          %get3A_697 = arith.index_cast %add3A_690 : i32 to index
          %get3A_698 = arith.constant 0 : index
          %get3A_699 = tpu.vector_load %get3A_696[%get3A_697, %get3A_698] {strides = array<i32>} : memref<64x128xi32, #tpu.memory_space<vmem>>, vector<16xi32>,
          %get3A_700 = arith.constant 0 : i32
          %get3A_701 = arith.constant 0 : i32
          %get3A_702 = tpu.memref_slice %arg10[%scan3A_414, %get3A_700, %get3A_701] : memref<2x64x128xi32, #tpu.memory_space<vmem>> -> memref<1x64x128xi32, #tpu.memory_space<vmem>>
          %get3A_703 = tpu.memref_squeeze %get3A_702 : memref<1x64x128xi32, #tpu.memory_space<vmem>> -> memref<64x128xi32, #tpu.memory_space<vmem>>
          %get3A_704 = arith.index_cast %add3A_690 : i32 to index
          %get3A_705 = arith.constant 0 : index
          %get3A_706 = tpu.vector_load %get3A_703[%get3A_704, %get3A_705] {strides = array<i32>} : memref<64x128xi32, #tpu.memory_space<vmem>>, vector<16xi32>,
          %shift_left3A_707 = arith.constant 16 : i32
          %shift_left3A_708 = vector.broadcast %shift_left3A_707 : i32 to vector<16xi32>
          %shift_left3A_709 = arith.shli %get3A_699, %shift_left3A_708 : vector<16xi32>
          %bitcast3A_710 = vector.bitcast %shift_left3A_709 : vector<16xi32> to vector<16xf32>
          %shift_left3A_711 = arith.constant 16 : i32
          %shift_left3A_712 = vector.broadcast %shift_left3A_711 : i32 to vector<16xi32>
          %shift_left3A_713 = arith.shli %get3A_706, %shift_left3A_712 : vector<16xi32>
          %bitcast3A_714 = vector.bitcast %shift_left3A_713 : vector<16xi32> to vector<16xf32>
          %bitcast3A_715 = vector.bitcast %get3A_699 : vector<16xi32> to vector<16xf32>
          %bitcast3A_716 = vector.bitcast %get3A_706 : vector<16xi32> to vector<16xf32>
          %mul3A_717 = arith.mulf %bitcast3A_710, %bitcast3A_714 : vector<16xf32>
          %add3A_718 = arith.addf %broadcast_in_dim3A_692, %mul3A_717 : vector<16xf32>
          %mul3A_719 = arith.mulf %bitcast3A_715, %bitcast3A_716 : vector<16xf32>
          %add3A_720 = arith.addf %add3A_718, %mul3A_719 : vector<16xf32>
          %get3A_721 = arith.constant 0 : i32
          %get3A_722 = arith.constant 0 : i32
          %get3A_723 = tpu.memref_slice %arg9[%scan3A_413, %get3A_721, %get3A_722] : memref<2x64x128xi32, #tpu.memory_space<vmem>> -> memref<1x64x128xi32, #tpu.memory_space<vmem>>
          %get3A_724 = tpu.memref_squeeze %get3A_723 : memref<1x64x128xi32, #tpu.memory_space<vmem>> -> memref<64x128xi32, #tpu.memory_space<vmem>>
          %get3A_725 = arith.index_cast %add3A_690 : i32 to index
          %get3A_726 = arith.constant 16 : index
          %get3A_727 = tpu.vector_load %get3A_724[%get3A_725, %get3A_726] {strides = array<i32>} : memref<64x128xi32, #tpu.memory_space<vmem>>, vector<16xi32>,
          %get3A_728 = arith.constant 0 : i32
          %get3A_729 = arith.constant 0 : i32
          %get3A_730 = tpu.memref_slice %arg10[%scan3A_414, %get3A_728, %get3A_729] : memref<2x64x128xi32, #tpu.memory_space<vmem>> -> memref<1x64x128xi32, #tpu.memory_space<vmem>>
          %get3A_731 = tpu.memref_squeeze %get3A_730 : memref<1x64x128xi32, #tpu.memory_space<vmem>> -> memref<64x128xi32, #tpu.memory_space<vmem>>
          %get3A_732 = arith.index_cast %add3A_690 : i32 to index
          %get3A_733 = arith.constant 16 : index
          %get3A_734 = tpu.vector_load %get3A_731[%get3A_732, %get3A_733] {strides = array<i32>} : memref<64x128xi32, #tpu.memory_space<vmem>>, vector<16xi32>,
          %shift_left3A_735 = arith.constant 16 : i32
          %shift_left3A_736 = vector.broadcast %shift_left3A_735 : i32 to vector<16xi32>
          %shift_left3A_737 = arith.shli %get3A_727, %shift_left3A_736 : vector<16xi32>
          %bitcast3A_738 = vector.bitcast %shift_left3A_737 : vector<16xi32> to vector<16xf32>
          %shift_left3A_739 = arith.constant 16 : i32
          %shift_left3A_740 = vector.broadcast %shift_left3A_739 : i32 to vector<16xi32>
          %shift_left3A_741 = arith.shli %get3A_734, %shift_left3A_740 : vector<16xi32>
          %bitcast3A_742 = vector.bitcast %shift_left3A_741 : vector<16xi32> to vector<16xf32>
          %bitcast3A_743 = vector.bitcast %get3A_727 : vector<16xi32> to vector<16xf32>
          %bitcast3A_744 = vector.bitcast %get3A_734 : vector<16xi32> to vector<16xf32>
          %mul3A_745 = arith.mulf %bitcast3A_738, %bitcast3A_742 : vector<16xf32>
          %add3A_746 = arith.addf %add3A_720, %mul3A_745 : vector<16xf32>
          %mul3A_747 = arith.mulf %bitcast3A_743, %bitcast3A_744 : vector<16xf32>
          %add3A_748 = arith.addf %add3A_746, %mul3A_747 : vector<16xf32>
          %get3A_749 = arith.constant 0 : i32
          %get3A_750 = arith.constant 0 : i32
          %get3A_751 = tpu.memref_slice %arg9[%scan3A_413, %get3A_749, %get3A_750] : memref<2x64x128xi32, #tpu.memory_space<vmem>> -> memref<1x64x128xi32, #tpu.memory_space<vmem>>
          %get3A_752 = tpu.memref_squeeze %get3A_751 : memref<1x64x128xi32, #tpu.memory_space<vmem>> -> memref<64x128xi32, #tpu.memory_space<vmem>>
          %get3A_753 = arith.index_cast %add3A_690 : i32 to index
          %get3A_754 = arith.constant 32 : index
          %get3A_755 = tpu.vector_load %get3A_752[%get3A_753, %get3A_754] {strides = array<i32>} : memref<64x128xi32, #tpu.memory_space<vmem>>, vector<16xi32>,
          %get3A_756 = arith.constant 0 : i32
          %get3A_757 = arith.constant 0 : i32
          %get3A_758 = tpu.memref_slice %arg10[%scan3A_414, %get3A_756, %get3A_757] : memref<2x64x128xi32, #tpu.memory_space<vmem>> -> memref<1x64x128xi32, #tpu.memory_space<vmem>>
          %get3A_759 = tpu.memref_squeeze %get3A_758 : memref<1x64x128xi32, #tpu.memory_space<vmem>> -> memref<64x128xi32, #tpu.memory_space<vmem>>
          %get3A_760 = arith.index_cast %add3A_690 : i32 to index
          %get3A_761 = arith.constant 32 : index
          %get3A_762 = tpu.vector_load %get3A_759[%get3A_760, %get3A_761] {strides = array<i32>} : memref<64x128xi32, #tpu.memory_space<vmem>>, vector<16xi32>,
          %shift_left3A_763 = arith.constant 16 : i32
          %shift_left3A_764 = vector.broadcast %shift_left3A_763 : i32 to vector<16xi32>
          %shift_left3A_765 = arith.shli %get3A_755, %shift_left3A_764 : vector<16xi32>
          %bitcast3A_766 = vector.bitcast %shift_left3A_765 : vector<16xi32> to vector<16xf32>
          %shift_left3A_767 = arith.constant 16 : i32
          %shift_left3A_768 = vector.broadcast %shift_left3A_767 : i32 to vector<16xi32>
          %shift_left3A_769 = arith.shli %get3A_762, %shift_left3A_768 : vector<16xi32>
          %bitcast3A_770 = vector.bitcast %shift_left3A_769 : vector<16xi32> to vector<16xf32>
          %bitcast3A_771 = vector.bitcast %get3A_755 : vector<16xi32> to vector<16xf32>
          %bitcast3A_772 = vector.bitcast %get3A_762 : vector<16xi32> to vector<16xf32>
          %mul3A_773 = arith.mulf %bitcast3A_766, %bitcast3A_770 : vector<16xf32>
          %add3A_774 = arith.addf %add3A_748, %mul3A_773 : vector<16xf32>
          %mul3A_775 = arith.mulf %bitcast3A_771, %bitcast3A_772 : vector<16xf32>
          %add3A_776 = arith.addf %add3A_774, %mul3A_775 : vector<16xf32>
          %get3A_777 = arith.constant 0 : i32
          %get3A_778 = arith.constant 0 : i32
          %get3A_779 = tpu.memref_slice %arg9[%scan3A_413, %get3A_777, %get3A_778] : memref<2x64x128xi32, #tpu.memory_space<vmem>> -> memref<1x64x128xi32, #tpu.memory_space<vmem>>
          %get3A_780 = tpu.memref_squeeze %get3A_779 : memref<1x64x128xi32, #tpu.memory_space<vmem>> -> memref<64x128xi32, #tpu.memory_space<vmem>>
          %get3A_781 = arith.index_cast %add3A_690 : i32 to index
          %get3A_782 = arith.constant 48 : index
          %get3A_783 = tpu.vector_load %get3A_780[%get3A_781, %get3A_782] {strides = array<i32>} : memref<64x128xi32, #tpu.memory_space<vmem>>, vector<16xi32>,
          %get3A_784 = arith.constant 0 : i32
          %get3A_785 = arith.constant 0 : i32
          %get3A_786 = tpu.memref_slice %arg10[%scan3A_414, %get3A_784, %get3A_785] : memref<2x64x128xi32, #tpu.memory_space<vmem>> -> memref<1x64x128xi32, #tpu.memory_space<vmem>>
          %get3A_787 = tpu.memref_squeeze %get3A_786 : memref<1x64x128xi32, #tpu.memory_space<vmem>> -> memref<64x128xi32, #tpu.memory_space<vmem>>
          %get3A_788 = arith.index_cast %add3A_690 : i32 to index
          %get3A_789 = arith.constant 48 : index
          %get3A_790 = tpu.vector_load %get3A_787[%get3A_788, %get3A_789] {strides = array<i32>} : memref<64x128xi32, #tpu.memory_space<vmem>>, vector<16xi32>,
          %shift_left3A_791 = arith.constant 16 : i32
          %shift_left3A_792 = vector.broadcast %shift_left3A_791 : i32 to vector<16xi32>
          %shift_left3A_793 = arith.shli %get3A_783, %shift_left3A_792 : vector<16xi32>
          %bitcast3A_794 = vector.bitcast %shift_left3A_793 : vector<16xi32> to vector<16xf32>
          %shift_left3A_795 = arith.constant 16 : i32
          %shift_left3A_796 = vector.broadcast %shift_left3A_795 : i32 to vector<16xi32>
          %shift_left3A_797 = arith.shli %get3A_790, %shift_left3A_796 : vector<16xi32>
          %bitcast3A_798 = vector.bitcast %shift_left3A_797 : vector<16xi32> to vector<16xf32>
          %bitcast3A_799 = vector.bitcast %get3A_783 : vector<16xi32> to vector<16xf32>
          %bitcast3A_800 = vector.bitcast %get3A_790 : vector<16xi32> to vector<16xf32>
          %mul3A_801 = arith.mulf %bitcast3A_794, %bitcast3A_798 : vector<16xf32>
          %add3A_802 = arith.addf %add3A_776, %mul3A_801 : vector<16xf32>
          %mul3A_803 = arith.mulf %bitcast3A_799, %bitcast3A_800 : vector<16xf32>
          %add3A_804 = arith.addf %add3A_802, %mul3A_803 : vector<16xf32>
          %get3A_805 = arith.constant 0 : i32
          %get3A_806 = arith.constant 0 : i32
          %get3A_807 = tpu.memref_slice %arg9[%scan3A_413, %get3A_805, %get3A_806] : memref<2x64x128xi32, #tpu.memory_space<vmem>> -> memref<1x64x128xi32, #tpu.memory_space<vmem>>
          %get3A_808 = tpu.memref_squeeze %get3A_807 : memref<1x64x128xi32, #tpu.memory_space<vmem>> -> memref<64x128xi32, #tpu.memory_space<vmem>>
          %get3A_809 = arith.index_cast %add3A_690 : i32 to index
          %get3A_810 = arith.constant 64 : index
          %get3A_811 = tpu.vector_load %get3A_808[%get3A_809, %get3A_810] {strides = array<i32>} : memref<64x128xi32, #tpu.memory_space<vmem>>, vector<16xi32>,
          %get3A_812 = arith.constant 0 : i32
          %get3A_813 = arith.constant 0 : i32
          %get3A_814 = tpu.memref_slice %arg10[%scan3A_414, %get3A_812, %get3A_813] : memref<2x64x128xi32, #tpu.memory_space<vmem>> -> memref<1x64x128xi32, #tpu.memory_space<vmem>>
          %get3A_815 = tpu.memref_squeeze %get3A_814 : memref<1x64x128xi32, #tpu.memory_space<vmem>> -> memref<64x128xi32, #tpu.memory_space<vmem>>
          %get3A_816 = arith.index_cast %add3A_690 : i32 to index
          %get3A_817 = arith.constant 64 : index
          %get3A_818 = tpu.vector_load %get3A_815[%get3A_816, %get3A_817] {strides = array<i32>} : memref<64x128xi32, #tpu.memory_space<vmem>>, vector<16xi32>,
          %shift_left3A_819 = arith.constant 16 : i32
          %shift_left3A_820 = vector.broadcast %shift_left3A_819 : i32 to vector<16xi32>
          %shift_left3A_821 = arith.shli %get3A_811, %shift_left3A_820 : vector<16xi32>
          %bitcast3A_822 = vector.bitcast %shift_left3A_821 : vector<16xi32> to vector<16xf32>
          %shift_left3A_823 = arith.constant 16 : i32
          %shift_left3A_824 = vector.broadcast %shift_left3A_823 : i32 to vector<16xi32>
          %shift_left3A_825 = arith.shli %get3A_818, %shift_left3A_824 : vector<16xi32>
          %bitcast3A_826 = vector.bitcast %shift_left3A_825 : vector<16xi32> to vector<16xf32>
          %bitcast3A_827 = vector.bitcast %get3A_811 : vector<16xi32> to vector<16xf32>
          %bitcast3A_828 = vector.bitcast %get3A_818 : vector<16xi32> to vector<16xf32>
          %mul3A_829 = arith.mulf %bitcast3A_822, %bitcast3A_826 : vector<16xf32>
          %add3A_830 = arith.addf %add3A_804, %mul3A_829 : vector<16xf32>
          %mul3A_831 = arith.mulf %bitcast3A_827, %bitcast3A_828 : vector<16xf32>
          %add3A_832 = arith.addf %add3A_830, %mul3A_831 : vector<16xf32>
          %get3A_833 = arith.constant 0 : i32
          %get3A_834 = arith.constant 0 : i32
          %get3A_835 = tpu.memref_slice %arg9[%scan3A_413, %get3A_833, %get3A_834] : memref<2x64x128xi32, #tpu.memory_space<vmem>> -> memref<1x64x128xi32, #tpu.memory_space<vmem>>
          %get3A_836 = tpu.memref_squeeze %get3A_835 : memref<1x64x128xi32, #tpu.memory_space<vmem>> -> memref<64x128xi32, #tpu.memory_space<vmem>>
          %get3A_837 = arith.index_cast %add3A_690 : i32 to index
          %get3A_838 = arith.constant 80 : index
          %get3A_839 = tpu.vector_load %get3A_836[%get3A_837, %get3A_838] {strides = array<i32>} : memref<64x128xi32, #tpu.memory_space<vmem>>, vector<16xi32>,
          %get3A_840 = arith.constant 0 : i32
          %get3A_841 = arith.constant 0 : i32
          %get3A_842 = tpu.memref_slice %arg10[%scan3A_414, %get3A_840, %get3A_841] : memref<2x64x128xi32, #tpu.memory_space<vmem>> -> memref<1x64x128xi32, #tpu.memory_space<vmem>>
          %get3A_843 = tpu.memref_squeeze %get3A_842 : memref<1x64x128xi32, #tpu.memory_space<vmem>> -> memref<64x128xi32, #tpu.memory_space<vmem>>
          %get3A_844 = arith.index_cast %add3A_690 : i32 to index
          %get3A_845 = arith.constant 80 : index
          %get3A_846 = tpu.vector_load %get3A_843[%get3A_844, %get3A_845] {strides = array<i32>} : memref<64x128xi32, #tpu.memory_space<vmem>>, vector<16xi32>,
          %shift_left3A_847 = arith.constant 16 : i32
          %shift_left3A_848 = vector.broadcast %shift_left3A_847 : i32 to vector<16xi32>
          %shift_left3A_849 = arith.shli %get3A_839, %shift_left3A_848 : vector<16xi32>
          %bitcast3A_850 = vector.bitcast %shift_left3A_849 : vector<16xi32> to vector<16xf32>
          %shift_left3A_851 = arith.constant 16 : i32
          %shift_left3A_852 = vector.broadcast %shift_left3A_851 : i32 to vector<16xi32>
          %shift_left3A_853 = arith.shli %get3A_846, %shift_left3A_852 : vector<16xi32>
          %bitcast3A_854 = vector.bitcast %shift_left3A_853 : vector<16xi32> to vector<16xf32>
          %bitcast3A_855 = vector.bitcast %get3A_839 : vector<16xi32> to vector<16xf32>
          %bitcast3A_856 = vector.bitcast %get3A_846 : vector<16xi32> to vector<16xf32>
          %mul3A_857 = arith.mulf %bitcast3A_850, %bitcast3A_854 : vector<16xf32>
          %add3A_858 = arith.addf %add3A_832, %mul3A_857 : vector<16xf32>
          %mul3A_859 = arith.mulf %bitcast3A_855, %bitcast3A_856 : vector<16xf32>
          %add3A_860 = arith.addf %add3A_858, %mul3A_859 : vector<16xf32>
          %get3A_861 = arith.constant 0 : i32
          %get3A_862 = arith.constant 0 : i32
          %get3A_863 = tpu.memref_slice %arg9[%scan3A_413, %get3A_861, %get3A_862] : memref<2x64x128xi32, #tpu.memory_space<vmem>> -> memref<1x64x128xi32, #tpu.memory_space<vmem>>
          %get3A_864 = tpu.memref_squeeze %get3A_863 : memref<1x64x128xi32, #tpu.memory_space<vmem>> -> memref<64x128xi32, #tpu.memory_space<vmem>>
          %get3A_865 = arith.index_cast %add3A_690 : i32 to index
          %get3A_866 = arith.constant 96 : index
          %get3A_867 = tpu.vector_load %get3A_864[%get3A_865, %get3A_866] {strides = array<i32>} : memref<64x128xi32, #tpu.memory_space<vmem>>, vector<16xi32>,
          %get3A_868 = arith.constant 0 : i32
          %get3A_869 = arith.constant 0 : i32
          %get3A_870 = tpu.memref_slice %arg10[%scan3A_414, %get3A_868, %get3A_869] : memref<2x64x128xi32, #tpu.memory_space<vmem>> -> memref<1x64x128xi32, #tpu.memory_space<vmem>>
          %get3A_871 = tpu.memref_squeeze %get3A_870 : memref<1x64x128xi32, #tpu.memory_space<vmem>> -> memref<64x128xi32, #tpu.memory_space<vmem>>
          %get3A_872 = arith.index_cast %add3A_690 : i32 to index
          %get3A_873 = arith.constant 96 : index
          %get3A_874 = tpu.vector_load %get3A_871[%get3A_872, %get3A_873] {strides = array<i32>} : memref<64x128xi32, #tpu.memory_space<vmem>>, vector<16xi32>,
          %shift_left3A_875 = arith.constant 16 : i32
          %shift_left3A_876 = vector.broadcast %shift_left3A_875 : i32 to vector<16xi32>
          %shift_left3A_877 = arith.shli %get3A_867, %shift_left3A_876 : vector<16xi32>
          %bitcast3A_878 = vector.bitcast %shift_left3A_877 : vector<16xi32> to vector<16xf32>
          %shift_left3A_879 = arith.constant 16 : i32
          %shift_left3A_880 = vector.broadcast %shift_left3A_879 : i32 to vector<16xi32>
          %shift_left3A_881 = arith.shli %get3A_874, %shift_left3A_880 : vector<16xi32>
          %bitcast3A_882 = vector.bitcast %shift_left3A_881 : vector<16xi32> to vector<16xf32>
          %bitcast3A_883 = vector.bitcast %get3A_867 : vector<16xi32> to vector<16xf32>
          %bitcast3A_884 = vector.bitcast %get3A_874 : vector<16xi32> to vector<16xf32>
          %mul3A_885 = arith.mulf %bitcast3A_878, %bitcast3A_882 : vector<16xf32>
          %add3A_886 = arith.addf %add3A_860, %mul3A_885 : vector<16xf32>
          %mul3A_887 = arith.mulf %bitcast3A_883, %bitcast3A_884 : vector<16xf32>
          %add3A_888 = arith.addf %add3A_886, %mul3A_887 : vector<16xf32>
          %get3A_889 = arith.constant 0 : i32
          %get3A_890 = arith.constant 0 : i32
          %get3A_891 = tpu.memref_slice %arg9[%scan3A_413, %get3A_889, %get3A_890] : memref<2x64x128xi32, #tpu.memory_space<vmem>> -> memref<1x64x128xi32, #tpu.memory_space<vmem>>
          %get3A_892 = tpu.memref_squeeze %get3A_891 : memref<1x64x128xi32, #tpu.memory_space<vmem>> -> memref<64x128xi32, #tpu.memory_space<vmem>>
          %get3A_893 = arith.index_cast %add3A_690 : i32 to index
          %get3A_894 = arith.constant 112 : index
          %get3A_895 = tpu.vector_load %get3A_892[%get3A_893, %get3A_894] {strides = array<i32>} : memref<64x128xi32, #tpu.memory_space<vmem>>, vector<16xi32>,
          %get3A_896 = arith.constant 0 : i32
          %get3A_897 = arith.constant 0 : i32
          %get3A_898 = tpu.memref_slice %arg10[%scan3A_414, %get3A_896, %get3A_897] : memref<2x64x128xi32, #tpu.memory_space<vmem>> -> memref<1x64x128xi32, #tpu.memory_space<vmem>>
          %get3A_899 = tpu.memref_squeeze %get3A_898 : memref<1x64x128xi32, #tpu.memory_space<vmem>> -> memref<64x128xi32, #tpu.memory_space<vmem>>
          %get3A_900 = arith.index_cast %add3A_690 : i32 to index
          %get3A_901 = arith.constant 112 : index
          %get3A_902 = tpu.vector_load %get3A_899[%get3A_900, %get3A_901] {strides = array<i32>} : memref<64x128xi32, #tpu.memory_space<vmem>>, vector<16xi32>,
          %shift_left3A_903 = arith.constant 16 : i32
          %shift_left3A_904 = vector.broadcast %shift_left3A_903 : i32 to vector<16xi32>
          %shift_left3A_905 = arith.shli %get3A_895, %shift_left3A_904 : vector<16xi32>
          %bitcast3A_906 = vector.bitcast %shift_left3A_905 : vector<16xi32> to vector<16xf32>
          %shift_left3A_907 = arith.constant 16 : i32
          %shift_left3A_908 = vector.broadcast %shift_left3A_907 : i32 to vector<16xi32>
          %shift_left3A_909 = arith.shli %get3A_902, %shift_left3A_908 : vector<16xi32>
          %bitcast3A_910 = vector.bitcast %shift_left3A_909 : vector<16xi32> to vector<16xf32>
          %bitcast3A_911 = vector.bitcast %get3A_895 : vector<16xi32> to vector<16xf32>
          %bitcast3A_912 = vector.bitcast %get3A_902 : vector<16xi32> to vector<16xf32>
          %mul3A_913 = arith.mulf %bitcast3A_906, %bitcast3A_910 : vector<16xf32>
          %add3A_914 = arith.addf %add3A_888, %mul3A_913 : vector<16xf32>
          %mul3A_915 = arith.mulf %bitcast3A_911, %bitcast3A_912 : vector<16xf32>
          %add3A_916 = arith.addf %add3A_914, %mul3A_915 : vector<16xf32>
          %broadcast_in_dim3A_917 = vector.shape_cast %select_n3A_22 : vector<16xi32> to vector<16x1xi32>
          %gather3A_918 = vector.shape_cast %broadcast_in_dim3A_917 : vector<16x1xi32> to vector<16xi32>
          %gather3A_919 = tpu.dynamic_gather %add3A_916[%gather3A_918] in [0] : vector<16xf32>, vector<16xi32> -> vector<16xf32>
          %add3A_920 = arith.addf %add3A_916, %gather3A_919 : vector<16xf32>
          %broadcast_in_dim3A_921 = vector.shape_cast %select_n3A_47 : vector<16xi32> to vector<16x1xi32>
          %gather3A_922 = vector.shape_cast %broadcast_in_dim3A_921 : vector<16x1xi32> to vector<16xi32>
          %gather3A_923 = tpu.dynamic_gather %add3A_920[%gather3A_922] in [0] : vector<16xf32>, vector<16xi32> -> vector<16xf32>
          %add3A_924 = arith.addf %add3A_920, %gather3A_923 : vector<16xf32>
          %broadcast_in_dim3A_925 = vector.shape_cast %select_n3A_72 : vector<16xi32> to vector<16x1xi32>
          %gather3A_926 = vector.shape_cast %broadcast_in_dim3A_925 : vector<16x1xi32> to vector<16xi32>
          %gather3A_927 = tpu.dynamic_gather %add3A_924[%gather3A_926] in [0] : vector<16xf32>, vector<16xi32> -> vector<16xf32>
          %add3A_928 = arith.addf %add3A_924, %gather3A_927 : vector<16xf32>
          %broadcast_in_dim3A_929 = vector.shape_cast %select_n3A_97 : vector<16xi32> to vector<16x1xi32>
          %gather3A_930 = vector.shape_cast %broadcast_in_dim3A_929 : vector<16x1xi32> to vector<16xi32>
          %gather3A_931 = tpu.dynamic_gather %add3A_928[%gather3A_930] in [0] : vector<16xf32>, vector<16xi32> -> vector<16xf32>
          %add3A_932 = arith.addf %add3A_928, %gather3A_931 : vector<16xf32>
          %eq3A_933 = vector.broadcast %scan3A_689 : i32 to vector<16xi32>
          %eq3A_934 = arith.cmpi eq, %iota3A, %eq3A_933 : vector<16xi32>
          %select_n3A_935 = arith.select %eq3A_934, %add3A_932, %select_n3A_687 : vector<16xi1>, vector<16xf32>
          scf.yield %select_n3A_935 : vector<16xf32>
        }
        %scan3A_432 = arith.constant 16 : i32
        %neg3A = arith.constant 0.000000e+00 : f32
        %neg3A_433 = vector.broadcast %neg3A : f32 to vector<16xf32>
        %neg3A_434 = arith.subf %neg3A_433, %scan3A_431 : vector<16xf32>
        %exp3A = math.exp %neg3A_434 : vector<16xf32>
        %add3A_435 = arith.constant 1.000000e+00 : f32
        %add3A_436 = vector.broadcast %add3A_435 : f32 to vector<16xf32>
        %add3A_437 = arith.addf %add3A_436, %exp3A : vector<16xf32>
        %div3A = arith.constant 1.000000e+00 : f32
        %div3A_438 = vector.broadcast %div3A : f32 to vector<16xf32>
        %div3A_439 = arith.divf %div3A_438, %add3A_437 : vector<16xf32>
        %multiple_of3A = tpu.assume_multiple %mul3A_425, 16 : i32
        %swap3A = arith.constant 0 : i32
        %swap3A_440 = tpu.memref_slice %arg11[%scan3A_415, %swap3A] : memref<2x64xf32, #tpu.memory_space<vmem>> -> memref<1x64xf32, #tpu.memory_space<vmem>>
        %swap3A_441 = tpu.memref_squeeze %swap3A_440 : memref<1x64xf32, #tpu.memory_space<vmem>> -> memref<64xf32, #tpu.memory_space<vmem>>
        %swap3A_442 = arith.index_cast %multiple_of3A : i32 to index
        %swap3A_443 = tpu.vector_load %swap3A_441[%swap3A_442] {strides = array<i32>} : memref<64xf32, #tpu.memory_space<vmem>>, vector<16xf32>,
        tpu.vector_store %swap3A_441[%swap3A_442], %div3A_439 {strides = array<i32>} : memref<64xf32, #tpu.memory_space<vmem>>, vector<16xf32>,
      }
      %scan3A_420 = arith.constant 4 : i32
      %add3A_421 = arith.addi %mul3A_2, %add3A_373 : i32
      %run_scoped3A_422 = arith.constant 1 : i32
      "tpu.region"() ({
        %run_scoped3A_423 = tpu.sem_alloc : memref<!tpu.dma_semaphore, #tpu.memory_space<semaphore_mem>>
        %dma_start3A_424 = arith.constant 0 : i32
        %dma_start3A_425 = tpu.memref_slice %arg11[%run_scoped3A_422, %dma_start3A_424] : memref<2x64xf32, #tpu.memory_space<vmem>> -> memref<1x64xf32, #tpu.memory_space<vmem>>
        %dma_start3A_426 = tpu.memref_squeeze %dma_start3A_425 : memref<1x64xf32, #tpu.memory_space<vmem>> -> memref<64xf32, #tpu.memory_space<vmem>>
        %dma_start3A_427 = arith.constant 0 : i32
        %dma_start3A_428 = tpu.memref_slice %arg5[%add3A_421, %dma_start3A_427] : memref<2560x64xf32, #tpu.memory_space<hbm>> -> memref<1x64xf32, #tpu.memory_space<hbm>>
        %dma_start3A_429 = tpu.memref_squeeze %dma_start3A_428 : memref<1x64xf32, #tpu.memory_space<hbm>> -> memref<64xf32, #tpu.memory_space<hbm>>
        %dma_start3A_430 = arith.constant 0 : i32
        %dma_start3A_431 = tpu.memref_slice %arg5[%add3A_421, %dma_start3A_430] : memref<2560x64xf32, #tpu.memory_space<hbm>> -> memref<1x64xf32, #tpu.memory_space<hbm>>
        %dma_start3A_432 = tpu.memref_squeeze %dma_start3A_431 : memref<1x64xf32, #tpu.memory_space<hbm>> -> memref<64xf32, #tpu.memory_space<hbm>>
        %dma_start3A_433 = arith.constant 0 : i32
        %dma_start3A_434 = tpu.memref_slice %arg11[%run_scoped3A_422, %dma_start3A_433] : memref<2x64xf32, #tpu.memory_space<vmem>> -> memref<1x64xf32, #tpu.memory_space<vmem>>
        %dma_start3A_435 = tpu.memref_squeeze %dma_start3A_434 : memref<1x64xf32, #tpu.memory_space<vmem>> -> memref<64xf32, #tpu.memory_space<vmem>>
        tpu.enqueue_dma source(%dma_start3A_435 : memref<64xf32, #tpu.memory_space<vmem>>) target(%dma_start3A_432 : memref<64xf32, #tpu.memory_space<hbm>>) target_semaphore(%run_scoped3A_423 : memref<!tpu.dma_semaphore, #tpu.memory_space<semaphore_mem>>)
        %dma_wait3A_436 = arith.constant 0 : i32
        %dma_wait3A_437 = tpu.memref_slice %arg11[%run_scoped3A_422, %dma_wait3A_436] : memref<2x64xf32, #tpu.memory_space<vmem>> -> memref<1x64xf32, #tpu.memory_space<vmem>>
        %dma_wait3A_438 = tpu.memref_squeeze %dma_wait3A_437 : memref<1x64xf32, #tpu.memory_space<vmem>> -> memref<64xf32, #tpu.memory_space<vmem>>
        %dma_wait3A_439 = arith.constant 0 : i32
        %dma_wait3A_440 = tpu.memref_slice %arg5[%add3A_421, %dma_wait3A_439] : memref<2560x64xf32, #tpu.memory_space<hbm>> -> memref<1x64xf32, #tpu.memory_space<hbm>>
        %dma_wait3A_441 = tpu.memref_squeeze %dma_wait3A_440 : memref<1x64xf32, #tpu.memory_space<hbm>> -> memref<64xf32, #tpu.memory_space<hbm>>
        %dma_wait3A_442 = arith.constant 0 : i32
        %dma_wait3A_443 = tpu.memref_slice %arg5[%add3A_421, %dma_wait3A_442] : memref<2560x64xf32, #tpu.memory_space<hbm>> -> memref<1x64xf32, #tpu.memory_space<hbm>>
        %dma_wait3A_444 = tpu.memref_squeeze %dma_wait3A_443 : memref<1x64xf32, #tpu.memory_space<hbm>> -> memref<64xf32, #tpu.memory_space<hbm>>
        %dma_wait3A_445 = arith.constant 0 : i32
        %dma_wait3A_446 = tpu.memref_slice %arg11[%run_scoped3A_422, %dma_wait3A_445] : memref<2x64xf32, #tpu.memory_space<vmem>> -> memref<1x64xf32, #tpu.memory_space<vmem>>
        %dma_wait3A_447 = tpu.memref_squeeze %dma_wait3A_446 : memref<1x64xf32, #tpu.memory_space<vmem>> -> memref<64xf32, #tpu.memory_space<vmem>>
        tpu.wait_dma2 semaphore(%run_scoped3A_423 : memref<!tpu.dma_semaphore, #tpu.memory_space<semaphore_mem>>) src(%dma_wait3A_447 : memref<64xf32, #tpu.memory_space<vmem>>) dst(%dma_wait3A_444 : memref<64xf32, #tpu.memory_space<hbm>>)
        tpu.yield
      }) : () -> ()
    }
    %scan3A_212 = arith.constant 20 : i32
    return
  }
}

</mosaic_0001>

<sc_bundles>
// kernel: kernel.3.cloned.1.call-start
scs
__scs_entry_jumppad:
0x0: {  	(pc) =	sbr.rel $0x88, $3  }
0x1: {  	(tag) =	ssettag $0x0;
	lr =	simm.s32 $0x1  }
0x2: {  	[smem:$0x3F9F] =	sst lr;
	_ =	strace $0xD0000000  }
0x3: {  	_ = 	snop  }
0x4: {  	_ = 	snop  }
0x5: {  	_ = 	snop  }
0x6: {  	_ = 	snop  }
0x7: {  	_ = 	snop  }
__scs_overlays_trampoline_lowered:
0x8: {  	[smem:$0x3FAE] =	sst s0  }
0x9: {  	[smem:$0x3FAF] =	sst s1  }
0xa: {  	[smem:$0x3FB0] =	sst s2  }
0xb: {  	[smem:$0x3FB1] =	sst s3  }
0xc: {  	[smem:$0x3FB2] =	sst s4  }
0xd: {  	[smem:$0x3FB3] =	sst s5  }
0xe: {  	[smem:$0x3FB4] =	sst s6  }
0xf: {  	[smem:$0x3FB5] =	sst s7  }
0x10: {  	[smem:$0x3FB6] =	sst s8  }
0x11: {  	[smem:$0x3FB7] =	sst s9;
	s0 =	simm.s32 @!p0 $0x0  }
0x12: {  	s1 =	sld [smem:$0x3F9D];
	s0 =	simm.s32 @p0 $0x1  }
0x13: {  	[smem:$0x3FB8] =	sst s0;
	s0 =	simm.s32 @!p1 $0x0  }
0x14: {  	s2 =	sld [smem:$0x3F9C];
	s0 =	simm.s32 @p1 $0x1  }
0x15: {  	[smem:$0x3FB9] =	sst s0;
	s0 =	simm.s32 @!p2 $0x0  }
0x16: {  	s3 =	sld [smem:$0x3FDB];
	s0 =	simm.s32 @p2 $0x1  }
0x17: {  	s4 =	simm.s32 $0x1BF5;
	[smem:$0x3FBB] =	sst s0  }
0x18: {  	s0 =	sld [smem:$0x3F9E];
	_ =	swait.ge [sflag:s4], $0x0  }
0x19: {  	s7 =	sld [smem:$0x3F9F]  }
0x1a: {  	s8 =	sadd.s32 $0xFFFFE003, lr  }
0x1b: {  	s9 =	sadd.s32 $0xFFFFFEF7, lr;
	s5 =	simm.s32 $0xFFFFFFFF;
	p2 =	slt.u32 s8, $0xFFFFF086  }
0x1c: {  	p1 =	slt.u32 s9, $0xF7A;
	s5 =	simm.s32 @!p2 $0x0  }
0x1d: {  	s5 =	simm.s32 @p1 $0x1;
	p0 =	seq.s32 s7, s2  }
0x1e: {  	s7 =	smul.u32 @!p0 $0xF7A, s2;
	p2 =	seq.s32 @!p0 s5, $0x0  }
0x1f: {  	s9 =	smul.u32 $0xF7A, s1;
	s8 =	simm.s32 @!p0 $0x1BF5;
	p2 =	por !p2, p0  }
0x20: {  	[sflag:s8] =	ssyncset.s32 @!p0 $0xFFFFF086;
	s6 =	sadd.s32 @!p0 s3, s7;
	s7 =	simm.s32 @!p0 $0x108  }
0x21: {  	s3 =	sadd.s32 s3, s9;
	s6 =	sadd.s32 @!p0 $0x88, s6;
	s7 =	simm.s32 @p2 $0x1082  }
0x22: {  	[simem:s7], [sflag:s8] =	dma.local @!p0 [hbm:s6], $0xF7A  }
0x23: {  	s9 =	sor.u32 $0xD0000000, s2;
	s6 =	simm.s32 $0x108;
	_ =	swait.ge @!p0 [sflag:s8], $0x0  }
0x24: {  	s3 =	sadd.s32 $0x88, s3;
	s6 =	simm.s32 @!p1 $0x1082;
	[sflag:s4] =	ssyncset.s32 $0xFFFFF086  }
0x25: {  	[simem:s6], [sflag:s4] =	dma.local [hbm:s3], $0xF7A  }
0x26: {  	[smem:$0x3F9F] =	sst s1;
	(tag) =	ssettag s2;
	_ =	strace s9  }
0x27: {  	s1 =	sld [smem:$0x3FAF]  }
0x28: {  	s2 =	sld [smem:$0x3FB0]  }
0x29: {  	s4 =	sld [smem:$0x3FB2]  }
0x2a: {  	p0 =	seq.s32 s5, $0x0;
	s5 =	sld [smem:$0x3FB3]  }
0x2b: {  	s6 =	sld [smem:$0x3FB4]  }
0x2c: {  	s7 =	sld [smem:$0x3FB5]  }
0x2d: {  	s3 =	simm.s32 $0x108;
	s8 =	sld [smem:$0x3FB6]  }
0x2e: {  	s3 =	simm.s32 @!p0 $0x1082;
	s9 =	sld [smem:$0x3FB7]  }
0x2f: {  	lr =	sadd.s32 s0, s3;
	s0 =	sld [smem:$0x3FAE]  }
0x30: {  	s3 =	sld [smem:$0x3FB1]  }
0x31: {  	[smem:$0x3FBA] =	sst s10  }
0x32: {  	s10 =	sld [smem:$0x3FB8];
	_ =	sdelay $0x3  }
0x33: {  	p0 =	seq.s32 s10, $0x1;
	s10 =	sld [smem:$0x3FBA];
	_ =	sdelay $0x3  }
0x34: {  	[smem:$0x3FBA] =	sst s10  }
0x35: {  	s10 =	sld [smem:$0x3FB9];
	_ =	sdelay $0x3  }
0x36: {  	p1 =	seq.s32 s10, $0x1;
	s10 =	sld [smem:$0x3FBA];
	_ =	sdelay $0x3  }
0x37: {  	[smem:$0x3FBA] =	sst s10  }
0x38: {  	s10 =	sld [smem:$0x3FBB]  }
0x39: {  	_ = 	snop;
	(pc) =	sbr.ind lr, $3  }
0x3a: {  	_ = 	snop  }
0x3b: {  	_ = 	snop  }
0x3c: {  	p2 =	seq.s32 s10, $0x1;
	s10 =	sld [smem:$0x3FBA]  }
0x3d: {  	_ =	shalt  }
0x3e: {  	_ =	shalt  }
0x3f: {  	_ =	shalt  }
0x40: {  	_ =	shalt  }
0x41: {  	_ =	shalt  }
0x42: {  	_ =	shalt  }
0x43: {  	_ =	shalt  }
0x44: {  	_ =	shalt  }
0x45: {  	_ =	shalt  }
0x46: {  	_ =	shalt  }
0x47: {  	_ =	shalt  }
0x48: {  	_ =	shalt  }
0x49: {  	_ =	shalt  }
0x4a: {  	_ =	shalt  }
0x4b: {  	_ =	shalt  }
0x4c: {  	_ =	shalt  }
0x4d: {  	_ =	shalt  }
0x4e: {  	_ =	shalt  }
0x4f: {  	_ =	shalt  }
0x50: {  	_ =	shalt  }
0x51: {  	_ =	shalt  }
0x52: {  	_ =	shalt  }
0x53: {  	_ =	shalt  }
0x54: {  	_ =	shalt  }
0x55: {  	_ =	shalt  }
0x56: {  	_ =	shalt  }
0x57: {  	_ =	shalt  }
0x58: {  	_ =	shalt  }
0x59: {  	_ =	shalt  }
0x5a: {  	_ =	shalt  }
0x5b: {  	_ =	shalt  }
0x5c: {  	_ =	shalt  }
0x5d: {  	_ =	shalt  }
0x5e: {  	_ =	shalt  }
0x5f: {  	_ =	shalt  }
0x60: {  	_ =	shalt  }
0x61: {  	_ =	shalt  }
0x62: {  	_ =	shalt  }
0x63: {  	_ =	shalt  }
0x64: {  	_ =	shalt  }
0x65: {  	_ =	shalt  }
0x66: {  	_ =	shalt  }
0x67: {  	_ =	shalt  }
0x68: {  	_ =	shalt  }
0x69: {  	_ =	shalt  }
0x6a: {  	_ =	shalt  }
0x6b: {  	_ =	shalt  }
0x6c: {  	_ =	shalt  }
0x6d: {  	_ =	shalt  }
0x6e: {  	_ =	shalt  }
0x6f: {  	_ =	shalt  }
0x70: {  	_ =	shalt  }
0x71: {  	_ =	shalt  }
0x72: {  	_ =	shalt  }
0x73: {  	_ =	shalt  }
0x74: {  	_ =	shalt  }
0x75: {  	_ =	shalt  }
0x76: {  	_ =	shalt  }
0x77: {  	_ =	shalt  }
0x78: {  	_ =	shalt  }
0x79: {  	_ =	shalt  }
0x7a: {  	_ =	shalt  }
0x7b: {  	_ =	shalt  }
0x7c: {  	_ =	shalt  }
0x7d: {  	_ =	shalt  }
0x7e: {  	_ =	shalt  }
0x7f: {  	_ =	shalt  }
0x80: {  	_ =	shalt  }
0x81: {  	_ =	shalt  }
0x82: {  	_ =	shalt  }
0x83: {  	_ =	shalt  }
0x84: {  	_ =	shalt  }
0x85: {  	_ =	shalt  }
0x86: {  	_ =	shalt  }
0x87: {  	_ =	shalt  }
.Lfunc_end0:
.L_simem_size_0:
called_computation_lowered:
.L_overlay_start_0:
0x88: {  	s2 =	sld [smem:$0x3FD9]  }
0x89: {  	s3 =	sld [smem:$0x3FFE];
	_ =	sdelay $0x1  }
0x8a: {  	s1 =	srdreg.scid  }
0x8b: {  	s0 =	sand.u32 $0x1, s1  }
0x8c: {  	s16 =	sshll.u32 s0, $0xA;
	s2 =	sadd.s32 s3, s2  }
0x8d: {  	s2 =	sadd.s32 s2, s16  }
0x8e: {  	[smem:$0x3FC6] =	sst s2  }
0x8f: {  	_ = 	snop  }
0x90: {  	(tm) =	ssettm $0x1  }
0x91: {  	s17 =	sld [smem:$0x3FFB];
	_ =	sdelay $0x3  }
0x92: {  	_ =	strace s17  }
0x93: {  	s2 =	sld [smem:$0x3FFC];
	_ =	sdelay $0x3  }
0x94: {  	_ =	strace s2  }
0x95: {  	s2 =	sld [smem:$0x3FFD];
	_ =	sdelay $0x3  }
0x96: {  	_ =	strace s2  }
0x97: {  	_ =	strace $0x8FFFFFFF  }
0x98: {  	s18 =	sld [smem:$0x3FDB];
	_ =	sdelay $0x1  }
0x99: {  	s19 =	simm.s32 $_scs_section_size  }
0x9a: {  	s4 =	simm.s32 $_size__tile_overlayer_lowered;
	s5 =	simm.s32 $_tile_overlayer_lowered  }
0x9b: {  	s22 =	simm.s32 $0x1BFF;
	s21 =	sshll.u32 s5, $0x1;
	s2 =	sadd.s32 s19, s18  }
0x9c: {  	s6 =	simm.s32 $0x0;
	s20 =	sshll.u32 s4, $0x1;
	s4 =	sadd.s32 s21, s2  }
0x9d: {  	[timem:s6], [sflag:s22] =	dma.local [hbm:s4], s20  }
0x9e: {  	_ =	swait.ge [sflag:s22], s20  }
0x9f: {  	s3 =	ssub.s32 $0x0, s20;
	[sflag:s22] =	ssyncset.done $0x0  }
0xa0: {  	[sflag:s22] =	ssyncadd.s32 s3;
	_ =	sdelay $0x1  }
0xa1: {  	s23 =	simm.s32 $0x1B8B  }
0xa2: {  	_ =	swait.ge [sflag:s23], $0x1  }
0xa3: {  	[sflag:s23] =	ssyncset.done $0x0  }
0xa4: {  	s25 =	simm.s32 $0x1B8E;
	s24 =	sld [smem:$0x3FFE];
	[sflag:s23] =	ssyncadd.s32 $0xFFFFFFFF  }
0xa5: {  	s26 =	simm.s32 $execute0_lowered;
	[smem:$0x3FD2] =	sst s25  }
0xa6: {  	s4 =	sshll.u32 s26, $0x1;
	_ =	strace $0x80000046;
	[dreg:$0x1] =	wrdreg $0xFFFFFFFF  }
0xa7: {  	s28 =	simm.s32 $_size_execute0_lowered;
	s2 =	sadd.s32 s2, s4;
	[dreg:$0x0] =	wrdreg $0x0  }
0xa8: {  	s4 =	sshll.u32 s28, $0x1;
	[dreg:$0x2] =	wrdreg s2  }
0xa9: {  	[dreg:$0x3] =	wrdreg s4  }
0xaa: {  	[dreg:$0x4] =	wrdreg $0xC0  }
0xab: {  	_ =	task [dreg:s6], $0x5FFFF  }
0xac: {  	[dreg:$0x1] =	wrdreg $0xFFFFFFFF  }
0xad: {  	[dreg:$0x0] =	wrdreg $0x60  }
0xae: {  	[dreg:$0x2] =	wrdreg s24  }
0xaf: {  	[dreg:$0x3] =	wrdreg $0x0  }
0xb0: {  	[dreg:$0x4] =	wrdreg $0x9  }
0xb1: {  	_ =	task.clear_ibuf [dreg:s6], $0x5FFFF;
	_ =	strace $0x90000046  }
0xb2: {  	s29 =	simm.s32 $0x9;
	_ =	strace $0x80000048  }
0xb3: {  	_ =	swait.ge [sflag:s29], $0x1  }
0xb4: {  	[sflag:s29] =	ssyncadd.s32 $0xFFFFFFFF  }
0xb5: {  	_ =	strace $0x90000048  }
0xb6: {  	_ =	sfence  }
0xb7: {  	s30 =	sld [smem:$0x0];
	_ =	sdelay $0x2  }
0xb8: {  	s31 =	sshll.u32 s1, $0xD;
	s1 =	sshrl.u32 s1, $0x2  }
0xb9: {  	s3 =	sand.u32 $0x4000, s31;
	s1 =	sadd.s32 s1, s30  }
0xba: {  	s0 =	sor.u32 s3, s0;
	s1 =	sshll.u32 s1, $0x11  }
0xbb: {  	s0 =	sor.u32 s1, s0  }
0xbc: {  	s0 =	sadd.s32 $0x8F2B, s0  }
0xbd: {  	[sflag:s0] =	ssyncadd.remote.s32 $0x1  }
0xbe: {  	_ =	sfence.sel $0xFFFF  }
0xbf: {  	[dreg:$0x0] =	wrdreg $0xFFFFFFFF;
	(pc) =	sbr.abs _section_cstart, $3  }
0xc0: {  	[dreg:$0x1] =	wrdreg $0xFFFFFFFF  }
0xc1: {  	_ =	task.clear_ibuf [dreg:s6], $0x2FFFF;
	_ =	strace $0x9FFFFFFF  }
0xc2: {  	(tm) =	ssettm $0x7FFFFFFF  }
0xc3: {  	_ =	shalt  }
tec
execute0_lowered:
.L_overlay_start_1:
0x0: {  	(tag) =	ssettag $0x1  }
0x1: {  	s0 =	rddreg [dreg:$0x0]  }
0x2: {  	s2 =	rddreg [dreg:$0x1];
	s3 =	simm.s32 $0x0;
	s1 =	srdreg.scid  }
0x3: {  	s11 =	stileid.u32;
	s17 =	simm.s32 $0x7;
	s29 =	simm.s32 $0x16400  }
0x4: {  	s30 =	simm.s32 $0x1A400;
	s31 =	simm.s32 $0x1;
	s18 =	simm.s32 $0x14380  }
0x5: {  	v0 =	vimm.s32 $0xFEDCBA98;
	v1 =	vimm.s32 $0x76543210;
	[smem:$0x7FF] =	sst s3;
	s1 =	sand.u32 $0x1, s1;
	s4 =	sshll.u32 s11, $0x1  }
0x6: {  	v2 =	vimm.s32 $0x3210FEDC;
	s6 =	sadd.s32 $0x32000, s0;
	s10 =	smul.u32 $0x50000, s11;
	s7 =	sadd.s32 $0x3C000, s0  }
0x7: {  	v3 =	vimm.s32 $0xBA987654;
	s21 =	smul.u32 $0x2800, s11;
	s11 =	sshll.u32 s11, $0x6;
	_ =	strace $0x80000047  }
0x8: {  	v4 =	vimm.s32 $0x10FEDCBA;
	v5 =	vimm.s32 $0x98765432;
	s8 =	sor.u32 s1, s4;
	s4 =	sadd.s32 $0x28000, s0;
	s1 =	ssub.s32 $0x2, s1  }
0x9: {  	v6 =	vimm.s32 $0xFEDCBA9;
	v7 =	vimm.s32 $0x87654321;
	s22 =	sor.u32 $0x1C07, s11;
	s11 =	simm.s32 $0x0;
	s5 =	smul.u32 $0x50, s8  }
0xa: {  	v0 =	vunpack.c.l.s4.s8 v0;
	v1 =	vunpack.c.l.s4.s8 v1;
	v2 =	vunpack.c.l.s4.s8 v2;
	s9 =	sshrl.u32 s1, $0x1;
	s10 =	sshrl.u32 s10, $0x2;
	s8 =	smul.u32 $0x500, s8  }
0xb: {  	v3 =	vunpack.c.l.s4.s8 v3;
	v4 =	vunpack.c.l.s4.s8 v4;
	v5 =	vunpack.c.l.s4.s8 v5;
	s0 =	sadd.s32 s0, s21;
	[dreg:$0x4] =	wrdreg s22;
	s22 =	simm.s32 $0x40  }
0xc: {  	v6 =	vunpack.c.l.s4.s8 v6;
	v7 =	vunpack.c.l.s4.s8 v7;
	v0 =	vunpack.c.0.s8.s32 v0;
	s1 =	ssub.s32 s1, s9;
	[dreg:$0x3] =	wrdreg s0;
	s23 =	sadd.s32 s4, s8  }
0xd: {  	v2 =	vunpack.c.0.s8.s32 v2;
	v3 =	vunpack.c.0.s8.s32 v3;
	v4 =	vunpack.c.0.s8.s32 v4;
	s10 =	sadd.s32 s10, s2;
	s24 =	sadd.s32 s6, s8;
	[dreg:$0x5] =	wrdreg s23  }
0xe: {  	v5 =	vunpack.c.0.s8.s32 v5;
	v6 =	vunpack.c.0.s8.s32 v6;
	v7 =	vunpack.c.0.s8.s32 v7;
	s9 =	simm.s32 $0x1C480;
	s26 =	smax.u32 s1, $0x1;
	[dreg:$0x6] =	wrdreg s24  }
0xf: {  	v1 =	vunpack.c.0.s8.s32 v1;
	s25 =	sor.u32 $0x10, s8;
	s28 =	sshrl.u32 s10, $0x3;
	v2 =	vcombine.low v3, v2;
	[dreg:$0x9] =	wrdreg s26  }
0x10: {  	v3 =	vcombine.low v5, v4;
	v4 =	vcombine.low v7, v6;
	v0 =	vand.u32 $0xF, v0;
	s1 =	simm.s32 $0x5;
	s8 =	sadd.s32 s4, s25;
	[dreg:$0xa] =	wrdreg s28  }
0x11: {  	s10 =	simm.s32 $0x6;
	s0 =	sadd.s32 s6, s25;
	v0 =	vcombine.low v0, v1;
	[dreg:$0x7] =	wrdreg s8;
	v1 =	vand.u32 $0xF, v2  }
0x12: {  	s25 =	simm.s32 $0x4;
	[dreg:$0x8] =	wrdreg s0;
	s8 =	simm.s32 $0x2;
	v2 =	vand.u32 $0xF, v3;
	v3 =	vand.u32 $0xF, v4;
	v4 =	vlaneseq.u32  }
.LBB2_1:
0x13: {  	[dreg:$0xb] =	wrdreg s11  }
0x14: {  	s0 =	rddreg [dreg:$0x3]  }
0x15: {  	s13 =	rddreg [dreg:$0x4]  }
0x16: {  	s12 =	rddreg [dreg:$0xa]  }
0x17: {  	[spmem:s12], [sflag:s13] =	dma.local [hbm:s0], $0x2800  }
0x18: {  	_ =	swait.ge [sflag:s17], $0x2800  }
0x19: {  	[sflag:s17] =	ssyncset.done $0x0  }
0x1a: {  	[sflag:s17] =	ssyncadd.s32 $0xFFFFD800  }
0x1b: {  	[bflag:$0x0] =	sbarrier.arrive $0xFFFF  }
0x1c: {  	s15 =	simm.s32 $0x14000;
	s14 =	rddreg [dreg:$0x5]  }
0x1d: {  	[tilespmem:s15], [sflag:$0x3] =	stream.linear.gather [hbm4b:s14+s3], $0x80, $0x38;
	[tilespmem:$0x1C500] =	vst v63  }
0x1e: {  	s19 =	simm.s32 $0x14200;
	s16 =	rddreg [dreg:$0x6]  }
0x1f: {  	[tilespmem:s19], [sflag:$0x3] =	stream.linear.gather [hbm4b:s16+s3], $0x80, $0x38;
	[tilespmem:$0x1C500] =	vst v63  }
0x20: {  	s13 =	simm.s32 $0x14080;
	s20 =	rddreg [dreg:$0x7]  }
0x21: {  	[tilespmem:s13], [sflag:$0x4] =	stream.linear.gather [hbm4b:s20+s3], $0x80, $0x38;
	[tilespmem:$0x1C500] =	vst v63  }
0x22: {  	s23 =	simm.s32 $0x14280;
	s24 =	simm.s32 $0x3;
	s21 =	rddreg [dreg:$0x8]  }
0x23: {  	[tilespmem:s23], [sflag:$0x4] =	stream.linear.gather [hbm4b:s21+s3], $0x80, $0x38;
	[tilespmem:$0x1C500] =	vst v63  }
0x24: {  	_ =	swait.ge [sflag:s24], $0x80  }
0x25: {  	[sflag:s24] =	ssyncset.done $0x0  }
0x26: {  	[sflag:s24] =	ssyncadd.s32 $0xFFFFFF80  }
0x27: {  	_ =	swait.ge [sflag:s24], $0x80  }
0x28: {  	[sflag:s24] =	ssyncset.done $0x0  }
0x29: {  	s26 =	simm.s32 $0x14400;
	[sflag:s24] =	ssyncadd.s32 $0xFFFFFF80  }
0x2a: {  	[tilespmem:s26], [sflag:$0x1] =	stream.indirect.gather [spmem:s2], $0x80, s15, s22, $0xb8;
	[tilespmem:$0x1C500] =	vst v63  }
0x2b: {  	s28 =	simm.s32 $0x18400;
	s12 =	simm.s32 $0x0  }
0x2c: {  	[tilespmem:s28], [sflag:$0x1] =	stream.indirect.gather [spmem:s2], $0x80, s19, s22, $0xb8;
	[tilespmem:$0x1C500] =	vst v63  }
.LBB2_2:
0x2d: {  	_ =	swait.ge [sflag:s25], $0x80  }
0x2e: {  	[sflag:s25] =	ssyncset.done $0x0  }
0x2f: {  	[sflag:s25] =	ssyncadd.s32 $0xFFFFFF80  }
0x30: {  	_ =	swait.ge [sflag:s25], $0x80  }
0x31: {  	s13 =	sshll.u32 s12, $0x2;
	[sflag:s25] =	ssyncset.done $0x0  }
0x32: {  	s0 =	simm.s32 $0x14080;
	s26 =	sadd.s32 s5, s13;
	[sflag:s25] =	ssyncadd.s32 $0xFFFFFF80  }
0x33: {  	[tilespmem:s29], [sflag:$0x2] =	stream.indirect.gather [spmem:s2], $0x80, s0, s22, $0xb8;
	[tilespmem:$0x1C500] =	vst v63  }
0x34: {  	s11 =	sshll.u32 s12, $0x6;
	s0 =	sshll.u32 s26, $0x4  }
0x35: {  	s24 =	simm.s32 $0x14280;
	s11 =	sand.u32 $0x40, s11;
	s21 =	sand.u32 $0xFFFFF80, s0  }
0x36: {  	[tilespmem:s30], [sflag:$0x2] =	stream.indirect.gather [spmem:s2], $0x80, s24, s22, $0xb8;
	[tilespmem:$0x1C500] =	vst v63  }
0x37: {  	s15 =	sor.u32 s21, s11  }
0x38: {  	s16 =	sor.u32 $0x20, s15  }
0x39: {  	s19 =	simm.s32 $0x0;
	s14 =	simm.s32 $0x14100;
	s28 =	sadd.s32 s4, s16  }
0x3a: {  	[tilespmem:s14], [sflag:$0x5] =	stream.linear.gather [hbm4b:s28+s19], $0x80, $0x38;
	[tilespmem:$0x1C500] =	vst v63  }
0x3b: {  	s30 =	simm.s32 $0x14300;
	s29 =	sadd.s32 s6, s16  }
0x3c: {  	[tilespmem:s30], [sflag:$0x5] =	stream.linear.gather [hbm4b:s29+s19], $0x80, $0x38;
	[tilespmem:$0x1C500] =	vst v63  }
0x3d: {  	_ =	swait.ge [sflag:s31], $0x2000  }
0x3e: {  	[sflag:s31] =	ssyncset.done $0x0  }
0x3f: {  	[sflag:s31] =	ssyncadd.s32 $0xFFFFE000  }
0x40: {  	_ =	swait.ge [sflag:s31], $0x2000  }
0x41: {  	s20 =	simm.s32 $0x18480;
	[sflag:s31] =	ssyncset.done $0x0  }
0x42: {  	s23 =	simm.s32 $0x14480;
	s24 =	simm.s32 $0x0;
	[sflag:s31] =	ssyncadd.s32 $0xFFFFE000  }
.LBB2_3:
0x43: {  	v5 =	vld [tilespmem:s23+$0x30]  }
0x44: {  	v7 =	vld [tilespmem:s23+$0x0]  }
0x45: {  	v8 =	vld [tilespmem:s23+$0xFFFFFF80]  }
0x46: {  	v9 =	vld [tilespmem:s20+$0xFFFFFF80]  }
0x47: {  	v10 =	vld [tilespmem:s20+$0x0]  }
0x48: {  	v11 =	vld [tilespmem:s23+$0x10]  }
0x49: {  	v12 =	vld [tilespmem:s23+$0xFFFFFF90]  }
0x4a: {  	v13 =	vld [tilespmem:s20+$0xFFFFFF90]  }
0x4b: {  	v14 =	vld [tilespmem:s20+$0x10]  }
0x4c: {  	v6 =	vld [tilespmem:s23+$0xFFFFFFB0];
	v15 =	vshll.u32 v8, $0x10;
	v16 =	vshll.u32 v9, $0x10  }
0x4d: {  	v17 =	vld [tilespmem:s23+$0x20];
	v18 =	vshll.u32 v7, $0x10;
	v15 =	vmul.f32 v16, v15;
	v16 =	vshll.u32 v10, $0x10  }
0x4e: {  	v19 =	vld [tilespmem:s23+$0xFFFFFFA0];
	v20 =	vshll.u32 v11, $0x10;
	v21 =	vshll.u32 v12, $0x10;
	v16 =	vmul.f32 v16, v18  }
0x4f: {  	v8 =	vmul.f32 v9, v8;
	v22 =	vshll.u32 v13, $0x10;
	v18 =	vld [tilespmem:s20+$0xFFFFFFA0];
	v15 =	vadd.f32 $0.0e+00, v15  }
0x50: {  	v9 =	vld [tilespmem:s20+$0x20];
	v7 =	vmul.f32 v10, v7;
	v23 =	vshll.u32 v14, $0x10;
	v16 =	vadd.f32 $0.0e+00, v16  }
0x51: {  	v12 =	vmul.f32 v13, v12;
	v13 =	vld [tilespmem:s20+$0x70];
	v8 =	vadd.f32 v15, v8;
	v15 =	vmul.f32 v22, v21  }
0x52: {  	v11 =	vmul.f32 v14, v11;
	v14 =	vld [tilespmem:s20+$0x30];
	v7 =	vadd.f32 v16, v7;
	v16 =	vmul.f32 v23, v20  }
0x53: {  	v10 =	vld [tilespmem:s20+$0xFFFFFFB0];
	v21 =	vshll.u32 v17, $0x10;
	v8 =	vadd.f32 v15, v8  }
0x54: {  	v22 =	vshll.u32 v19, $0x10;
	v20 =	vld [tilespmem:s23+$0x70];
	v15 =	vshll.u32 v18, $0x10;
	v7 =	vadd.f32 v16, v7  }
0x55: {  	v23 =	vld [tilespmem:s23+$0xFFFFFFC0];
	v16 =	vshll.u32 v9, $0x10;
	v8 =	vadd.f32 v8, v12;
	v12 =	vmul.f32 v15, v22  }
0x56: {  	v9 =	vmul.f32 v9, v17;
	v15 =	vld [tilespmem:s23+$0x40];
	v7 =	vadd.f32 v7, v11;
	v11 =	vmul.f32 v16, v21  }
0x57: {  	v22 =	vshll.u32 v5, $0x10;
	v8 =	vadd.f32 v12, v8;
	v12 =	vmul.f32 v18, v19;
	v18 =	vld [tilespmem:s20+$0xFFFFFFC0]  }
0x58: {  	v16 =	vshll.u32 v6, $0x10;
	v19 =	vshll.u32 v10, $0x10;
	v7 =	vadd.f32 v11, v7;
	v11 =	vld [tilespmem:s20+$0x40]  }
0x59: {  	v17 =	vld [tilespmem:s23+$0x50];
	v8 =	vadd.f32 v8, v12;
	v12 =	vmul.f32 v19, v16;
	v16 =	vshll.u32 v14, $0x10  }
0x5a: {  	v5 =	vmul.f32 v14, v5;
	v19 =	vld [tilespmem:s23+$0xFFFFFFD0];
	v7 =	vadd.f32 v7, v9;
	v9 =	vmul.f32 v16, v22  }
0x5b: {  	v6 =	vmul.f32 v10, v6;
	v10 =	vshll.u32 v23, $0x10;
	v8 =	vadd.f32 v12, v8;
	v12 =	vld [tilespmem:s20+$0xFFFFFFD0]  }
0x5c: {  	v16 =	vshll.u32 v15, $0x10;
	v21 =	vshll.u32 v18, $0x10;
	v7 =	vadd.f32 v9, v7;
	v9 =	vld [tilespmem:s20+$0x50]  }
0x5d: {  	v14 =	vld [tilespmem:s23+$0x60];
	v6 =	vadd.f32 v8, v6;
	v8 =	vmul.f32 v21, v10;
	v10 =	vshll.u32 v11, $0x10  }
0x5e: {  	v21 =	vld [tilespmem:s23+$0xFFFFFFE0];
	v5 =	vadd.f32 v7, v5;
	v7 =	vmul.f32 v10, v16;
	v10 =	vshll.u32 v17, $0x10  }
0x5f: {  	v16 =	vshll.u32 v19, $0x10;
	v6 =	vadd.f32 v8, v6;
	v8 =	vmul.f32 v18, v23;
	v18 =	vld [tilespmem:s20+$0xFFFFFFE0]  }
0x60: {  	v22 =	vshll.u32 v12, $0x10;
	v5 =	vadd.f32 v7, v5;
	v7 =	vmul.f32 v11, v15;
	v15 =	vld [tilespmem:s20+$0x60]  }
0x61: {  	v23 =	vld [tilespmem:s20+$0xFFFFFFF0];
	v8 =	vadd.f32 v6, v8;
	v11 =	vmul.f32 v22, v16;
	v6 =	vshll.u32 v9, $0x10  }
0x62: {  	s29 =	sadd.s32 $0x100, s23;
	v12 =	vmul.f32 v12, v19;
	v22 =	vld [tilespmem:s23+$0xFFFFFFF0];
	v5 =	vadd.f32 v5, v7;
	v10 =	vmul.f32 v6, v10  }
0x63: {  	v16 =	vshll.u32 v14, $0x10;
	v6 =	vld [tilespmem:s29+$0x30];
	v19 =	vshll.u32 v21, $0x10;
	v11 =	vadd.f32 v11, v8  }
0x64: {  	s30 =	sadd.s32 $0x100, s20;
	v7 =	vld [tilespmem:s29+$0xFFFFFFB0];
	v24 =	vshll.u32 v18, $0x10;
	v5 =	vadd.f32 v10, v5;
	v10 =	vmul.f32 v9, v17  }
0x65: {  	v8 =	vld [tilespmem:s30+$0xFFFFFFB0];
	v11 =	vadd.f32 v11, v12;
	v12 =	vmul.f32 v24, v19;
	v17 =	vshll.u32 v15, $0x10  }
0x66: {  	v9 =	vld [tilespmem:s29+$0x20];
	v18 =	vmul.f32 v18, v21;
	v5 =	vadd.f32 v5, v10;
	v16 =	vmul.f32 v17, v16  }
0x67: {  	v24 =	vshll.u32 v23, $0x10;
	v14 =	vmul.f32 v15, v14;
	v10 =	vld [tilespmem:s30+$0x20];
	v19 =	vadd.f32 v12, v11  }
0x68: {  	v17 =	vshll.u32 v20, $0x10;
	v21 =	vshll.u32 v22, $0x10;
	v11 =	vld [tilespmem:s29+$0xFFFFFFA0];
	v5 =	vadd.f32 v16, v5  }
0x69: {  	v12 =	vld [tilespmem:s30+$0xFFFFFFA0];
	v15 =	vadd.f32 v19, v18;
	v18 =	vmul.f32 v24, v21;
	v19 =	vshll.u32 v13, $0x10  }
0x6a: {  	v16 =	vld [tilespmem:s29+$0x10];
	v14 =	vadd.f32 v5, v14;
	v19 =	vmul.f32 v19, v17  }
0x6b: {  	v20 =	vmul.f32 v13, v20;
	v21 =	vld [tilespmem:s29+$0xFFFFFF90];
	v15 =	vadd.f32 v18, v15;
	v18 =	vmul.f32 v23, v22  }
0x6c: {  	s0 =	simm.s32 $0x1;
	v13 =	vshll.u32 v6, $0x10;
	v24 =	vld [tilespmem:s30+$0xFFFFFF80];
	v5 =	vimm.f32 $0.0e+00;
	v19 =	vadd.f32 v19, v14  }
0x6d: {  	v17 =	vld [tilespmem:s30+$0x10];
	v23 =	vmov s19;
	v14 =	vadd.f32 v15, v18;
	v18 =	vmov s0  }
0x6e: {  	v22 =	vld [tilespmem:s29+$0x0];
	vm0 =	veq.s32 v23, v4;
	v15 =	vadd.f32 v19, v20;
	vm1 =	veq.s32 v18, v4  }
0x6f: {  	s26 =	sshll.u32 s24, $0x4;
	s28 =	simm.s32 $0x2;
	v23 =	vld [tilespmem:s29+$0xFFFFFF80];
	s0 =	simm.s32 $0x4;
	v18 =	vshll.u32 v7, $0x10;
	v19 =	vshll.u32 v8, $0x10;
	v20 =	vperm.xlane v14, v0  }
.LBB2_4:
0x70: {  	p0 =	slt.u32 s0, $0xE;
	v25 =	vld [tilespmem:s30+$0x0];
	v26 =	vshll.u32 v9, $0x10;
	v27 =	vshll.u32 v10, $0x10;
	v28 =	vperm.xlane v15, v0  }
0x71: {  	v30 =	vshll.u32 v11, $0x10;
	v31 =	vshll.u32 v12, $0x10;
	v29 =	vld [tilespmem:s30+$0xFFFFFF90];
	v14 =	vadd.f32 v14, v20  }
0x72: {  	v32 =	vshll.u32 v17, $0x10;
	v20 =	vshll.u32 v16, $0x10;
	v15 =	vadd.f32 v15, v28  }
0x73: {  	v28 =	vshll.u32 v21, $0x10;
	v33 =	vshll.u32 v22, $0x10;
	v34 =	vperm.xlane v14, v1  }
0x74: {  	v35 =	vshll.u32 v23, $0x10;
	v36 =	vshll.u32 v24, $0x10;
	v37 =	vperm.xlane v15, v1  }
0x75: {  	v35 =	vmul.f32 v36, v35;
	v36 =	vshll.u32 v25, $0x10;
	v14 =	vadd.f32 v14, v34  }
0x76: {  	v34 =	vshll.u32 v29, $0x10;
	v33 =	vmul.f32 v36, v33;
	v15 =	vadd.f32 v15, v37  }
0x77: {  	v23 =	vmul.f32 v24, v23;
	v35 =	vadd.f32 $0.0e+00, v35;
	v24 =	vperm.xlane v14, v2  }
0x78: {  	v22 =	vmul.f32 v25, v22;
	v33 =	vadd.f32 $0.0e+00, v33;
	v25 =	vperm.xlane v15, v2  }
0x79: {  	v28 =	vmul.f32 v34, v28;
	v23 =	vadd.f32 v35, v23;
	v24 =	vadd.f32 v14, v24  }
0x7a: {  	v20 =	vmul.f32 v32, v20;
	v22 =	vadd.f32 v33, v22;
	v14 =	vld [tilespmem:s29+$0x70];
	v15 =	vadd.f32 v15, v25  }
0x7b: {  	v21 =	vmul.f32 v29, v21;
	v23 =	vadd.f32 v28, v23;
	v25 =	vld [tilespmem:s30+$0x70];
	v28 =	vperm.xlane v24, v3  }
0x7c: {  	v16 =	vmul.f32 v17, v16;
	v20 =	vadd.f32 v20, v22;
	v17 =	vld [tilespmem:s30+$0x30];
	v22 =	vperm.xlane v15, v3  }
0x7d: {  	v21 =	vadd.f32 v23, v21;
	v23 =	vmul.f32 v31, v30;
	v29 =	vld [tilespmem:s29+$0x40];
	v24 =	vadd.f32 v24, v28  }
0x7e: {  	v28 =	vld [tilespmem:s29+$0xFFFFFFC0];
	v16 =	vadd.f32 v20, v16;
	v20 =	vmul.f32 v27, v26;
	v15 =	vadd.f32 v15, v22  }
0x7f: {  	v11 =	vmul.f32 v12, v11;
	v21 =	vadd.f32 v23, v21;
	v12 =	vld [tilespmem:s30+$0xFFFFFFC0];
	v5 =	vsel vm0, v24, v5  }
0x80: {  	v9 =	vmul.f32 v10, v9;
	v16 =	vadd.f32 v20, v16;
	v10 =	vld [tilespmem:s30+$0x40];
	v5 =	vsel vm1, v15, v5  }
0x81: {  	v15 =	vmul.f32 v19, v18;
	v11 =	vadd.f32 v21, v11;
	v18 =	vshll.u32 v17, $0x10;
	v19 =	vld [tilespmem:s29+$0x50]  }
0x82: {  	v20 =	vld [tilespmem:s29+$0xFFFFFFD0];
	v9 =	vadd.f32 v16, v9;
	v13 =	vmul.f32 v18, v13;
	v16 =	vshll.u32 v29, $0x10  }
0x83: {  	v7 =	vmul.f32 v8, v7;
	v11 =	vadd.f32 v15, v11;
	v8 =	vshll.u32 v28, $0x10;
	v15 =	vld [tilespmem:s30+$0xFFFFFFD0]  }
0x84: {  	v6 =	vmul.f32 v17, v6;
	v18 =	vshll.u32 v12, $0x10;
	v9 =	vadd.f32 v13, v9;
	v13 =	vld [tilespmem:s30+$0x50]  }
0x85: {  	v7 =	vadd.f32 v11, v7;
	v8 =	vmul.f32 v18, v8;
	v11 =	vshll.u32 v10, $0x10;
	v17 =	vld [tilespmem:s29+$0x60]  }
0x86: {  	v18 =	vld [tilespmem:s29+$0xFFFFFFE0];
	v6 =	vadd.f32 v9, v6;
	v9 =	vmul.f32 v11, v16;
	v11 =	vshll.u32 v19, $0x10  }
0x87: {  	v7 =	vadd.f32 v8, v7;
	v8 =	vmul.f32 v12, v28;
	v12 =	vshll.u32 v20, $0x10;
	v16 =	vld [tilespmem:s30+$0xFFFFFFE0]  }
0x88: {  	v21 =	vshll.u32 v15, $0x10;
	v6 =	vadd.f32 v9, v6;
	v9 =	vmul.f32 v10, v29;
	v22 =	vld [tilespmem:s30+$0x60]  }
0x89: {  	v7 =	vadd.f32 v7, v8;
	v8 =	vmul.f32 v21, v12;
	v21 =	vld [tilespmem:s29+$0xFFFFFFF0];
	v10 =	vshll.u32 v13, $0x10  }
0x8a: {  	s29 =	sadd.s32 $0x100, s29;
	v23 =	vld [tilespmem:s30+$0xFFFFFFF0];
	v9 =	vadd.f32 v6, v9;
	v10 =	vmul.f32 v10, v11;
	v11 =	vshll.u32 v17, $0x10  }
0x8b: {  	v15 =	vmul.f32 v15, v20;
	v6 =	vld [tilespmem:s29+$0x30];
	v12 =	vadd.f32 v8, v7;
	v20 =	vshll.u32 v18, $0x10  }
0x8c: {  	v13 =	vmul.f32 v13, v19;
	s30 =	sadd.s32 $0x100, s30;
	v7 =	vld [tilespmem:s29+$0xFFFFFFB0];
	v24 =	vshll.u32 v16, $0x10;
	v10 =	vadd.f32 v10, v9  }
0x8d: {  	v8 =	vld [tilespmem:s30+$0xFFFFFFB0];
	v12 =	vadd.f32 v12, v15;
	v15 =	vmul.f32 v24, v20;
	v19 =	vshll.u32 v22, $0x10  }
0x8e: {  	v20 =	vshll.u32 v14, $0x10;
	v9 =	vld [tilespmem:s29+$0x20];
	v13 =	vadd.f32 v10, v13;
	v19 =	vmul.f32 v19, v11  }
0x8f: {  	v16 =	vmul.f32 v16, v18;
	v18 =	vshll.u32 v21, $0x10;
	v10 =	vld [tilespmem:s30+$0x20];
	v15 =	vadd.f32 v15, v12  }
0x90: {  	v17 =	vmul.f32 v22, v17;
	v24 =	vshll.u32 v23, $0x10;
	v11 =	vld [tilespmem:s29+$0xFFFFFFA0];
	v13 =	vadd.f32 v19, v13  }
0x91: {  	v18 =	vmul.f32 v24, v18;
	v19 =	vshll.u32 v25, $0x10;
	v12 =	vld [tilespmem:s30+$0xFFFFFFA0];
	v15 =	vadd.f32 v15, v16  }
0x92: {  	v19 =	vmul.f32 v19, v20;
	v16 =	vld [tilespmem:s29+$0x10];
	v13 =	vadd.f32 v13, v17  }
.Ltmp0:
0x93: {  	v17 =	vld [tilespmem:s30+$0x10];
	v15 =	vadd.f32 v18, v15;
	v18 =	vmul.f32 v23, v21;
	(pc) =	sbr.rel @p0 .LBB2_4-.Ltmp0, $4  }
0x94: {  	s14 =	sadd.s32 $0x1, s28;
	v24 =	vmul.f32 v25, v14;
	v20 =	vmov s28;
	s28 =	smov.u32 s0;
	v21 =	vld [tilespmem:s29+$0xFFFFFF90];
	v19 =	vadd.f32 v19, v13  }
0x95: {  	vm0 =	veq.s32 v20, v4;
	v22 =	vld [tilespmem:s29+$0x0];
	v14 =	vadd.f32 v15, v18;
	v18 =	vmov s14  }
0x96: {  	v13 =	vshll.u32 v6, $0x10;
	v23 =	vld [tilespmem:s29+$0xFFFFFF80];
	v15 =	vadd.f32 v19, v24;
	vm1 =	veq.s32 v18, v4  }
0x97: {  	s0 =	sadd.s32 $0x2, s0;
	v18 =	vshll.u32 v7, $0x10;
	v19 =	vshll.u32 v8, $0x10;
	v24 =	vld [tilespmem:s30+$0xFFFFFF80];
	v20 =	vperm.xlane v14, v0  }
0x98: {  	v25 =	vld [tilespmem:s30+$0x0];
	_ =	sdelay $0x2  }
0x99: {  	v26 =	vld [tilespmem:s30+$0xFFFFFF90]  }
0x9a: {  	v27 =	vshll.u32 v23, $0x10;
	v28 =	vshll.u32 v24, $0x10  }
0x9b: {  	v29 =	vshll.u32 v22, $0x10;
	v27 =	vmul.f32 v28, v27;
	v57 =	vshll.u32 v25, $0x10  }
0x9c: {  	v30 =	vshll.u32 v16, $0x10;
	v28 =	vmul.f32 v57, v29  }
0x9d: {  	v58 =	vshll.u32 v21, $0x10;
	v59 =	vmul.f32 v24, v23;
	v27 =	vadd.f32 $0.0e+00, v27  }
0x9e: {  	v60 =	vshll.u32 v26, $0x10;
	v61 =	vmul.f32 v25, v22;
	v28 =	vadd.f32 $0.0e+00, v28  }
0x9f: {  	v62 =	vshll.u32 v17, $0x10;
	v24 =	vmul.f32 v60, v58;
	v23 =	vadd.f32 v27, v59  }
0xa0: {  	v63 =	vshll.u32 v9, $0x10;
	v25 =	vmul.f32 v62, v30;
	v22 =	vadd.f32 v28, v61  }
0xa1: {  	v32 =	vshll.u32 v11, $0x10;
	v33 =	vmul.f32 v26, v21;
	v23 =	vadd.f32 v24, v23  }
0xa2: {  	v34 =	vshll.u32 v12, $0x10;
	v35 =	vmul.f32 v17, v16;
	v36 =	vld [tilespmem:s30+$0x30];
	v22 =	vadd.f32 v25, v22  }
0xa3: {  	v37 =	vshll.u32 v10, $0x10;
	v39 =	vld [tilespmem:s29+$0x40];
	v38 =	vmul.f32 v34, v32;
	v21 =	vadd.f32 v23, v33  }
0xa4: {  	v40 =	vld [tilespmem:s29+$0xFFFFFFC0];
	v41 =	vmul.f32 v37, v63;
	v16 =	vadd.f32 v22, v35  }
0xa5: {  	v42 =	vmul.f32 v12, v11;
	v43 =	vld [tilespmem:s30+$0xFFFFFFC0];
	v21 =	vadd.f32 v38, v21  }
0xa6: {  	v44 =	vmul.f32 v10, v9;
	v45 =	vld [tilespmem:s30+$0x40];
	v16 =	vadd.f32 v41, v16  }
0xa7: {  	v18 =	vmul.f32 v19, v18;
	v51 =	vld [tilespmem:s30+$0xFFFFFFD0];
	v46 =	vshll.u32 v36, $0x10;
	v11 =	vadd.f32 v21, v42  }
0xa8: {  	v48 =	vld [tilespmem:s29+$0xFFFFFFD0];
	v7 =	vmul.f32 v8, v7;
	v13 =	vmul.f32 v46, v13;
	v9 =	vadd.f32 v16, v44  }
0xa9: {  	v53 =	vld [tilespmem:s30+$0x50];
	v49 =	vshll.u32 v39, $0x10;
	v50 =	vshll.u32 v40, $0x10;
	v11 =	vadd.f32 v18, v11  }
0xaa: {  	v47 =	vld [tilespmem:s29+$0x50];
	v52 =	vshll.u32 v43, $0x10;
	v6 =	vmul.f32 v36, v6;
	v9 =	vadd.f32 v13, v9  }
0xab: {  	v55 =	vld [tilespmem:s29+$0x60];
	v54 =	vshll.u32 v45, $0x10;
	v8 =	vmul.f32 v52, v50;
	v7 =	vadd.f32 v11, v7  }
0xac: {  	v56 =	vld [tilespmem:s29+$0xFFFFFFE0];
	v62 =	vshll.u32 v51, $0x10;
	v57 =	vmul.f32 v54, v49;
	v6 =	vadd.f32 v9, v6  }
0xad: {  	v63 =	vmul.f32 v45, v39;
	v59 =	vmul.f32 v43, v40;
	v61 =	vld [tilespmem:s30+$0xFFFFFFE0];
	v7 =	vadd.f32 v8, v7  }
0xae: {  	v31 =	vshll.u32 v53, $0x10;
	v60 =	vshll.u32 v48, $0x10;
	v28 =	vld [tilespmem:s30+$0x60];
	v6 =	vadd.f32 v57, v6  }
0xaf: {  	v32 =	vld [tilespmem:s29+$0xFFFFFFF0];
	v58 =	vshll.u32 v47, $0x10;
	v30 =	vmul.f32 v62, v60;
	v7 =	vadd.f32 v7, v59  }
0xb0: {  	v34 =	vshll.u32 v55, $0x10;
	v29 =	vld [tilespmem:s29+$0x70];
	v33 =	vmul.f32 v31, v58;
	v6 =	vadd.f32 v6, v63  }
0xb1: {  	v36 =	vmul.f32 v51, v48;
	v37 =	vshll.u32 v56, $0x10;
	v35 =	vld [tilespmem:s30+$0xFFFFFFF0];
	v7 =	vadd.f32 v30, v7  }
0xb2: {  	v40 =	vmul.f32 v53, v47;
	v38 =	vld [tilespmem:s30+$0x70];
	v39 =	vshll.u32 v61, $0x10;
	v6 =	vadd.f32 v33, v6  }
0xb3: {  	v41 =	vmul.f32 v39, v37;
	v42 =	vshll.u32 v28, $0x10;
	v7 =	vadd.f32 v7, v36  }
0xb4: {  	v46 =	vshll.u32 v32, $0x10;
	v43 =	vmul.f32 v42, v34;
	v6 =	vadd.f32 v6, v40  }
0xb5: {  	v45 =	vmul.f32 v61, v56;
	v48 =	vmul.f32 v28, v55;
	v7 =	vadd.f32 v41, v7  }
0xb6: {  	v44 =	vshll.u32 v29, $0x10;
	v47 =	vshll.u32 v35, $0x10;
	v6 =	vadd.f32 v43, v6  }
0xb7: {  	v49 =	vmul.f32 v47, v46;
	v50 =	vshll.u32 v38, $0x10;
	v7 =	vadd.f32 v7, v45  }
0xb8: {  	v51 =	vmul.f32 v50, v44;
	v6 =	vadd.f32 v6, v48  }
0xb9: {  	v52 =	vmul.f32 v35, v32;
	v7 =	vadd.f32 v49, v7  }
0xba: {  	v53 =	vmul.f32 v38, v29;
	v6 =	vadd.f32 v51, v6  }
0xbb: {  	v7 =	vadd.f32 v7, v52  }
0xbc: {  	v54 =	vperm.xlane v15, v0;
	v6 =	vadd.f32 v6, v53  }
0xbd: {  	v55 =	vadd.f32 v14, v20;
	v57 =	vperm.xlane v7, v0  }
0xbe: {  	v56 =	vadd.f32 v15, v54;
	v59 =	vperm.xlane v6, v0  }
0xbf: {  	v58 =	vperm.xlane v55, v1;
	v7 =	vadd.f32 v7, v57  }
0xc0: {  	v60 =	vperm.xlane v56, v1;
	v6 =	vadd.f32 v6, v59  }
0xc1: {  	v8 =	vadd.f32 v55, v58;
	v10 =	vperm.xlane v7, v1  }
0xc2: {  	v9 =	vadd.f32 v56, v60;
	v12 =	vperm.xlane v6, v1  }
0xc3: {  	v11 =	vperm.xlane v8, v2;
	v7 =	vadd.f32 v7, v10  }
0xc4: {  	v13 =	vperm.xlane v9, v2;
	v6 =	vadd.f32 v6, v12  }
0xc5: {  	v8 =	vadd.f32 v8, v11;
	v10 =	vperm.xlane v7, v2  }
0xc6: {  	v9 =	vadd.f32 v9, v13;
	v12 =	vperm.xlane v6, v2  }
0xc7: {  	v11 =	vperm.xlane v8, v3;
	v7 =	vadd.f32 v7, v10  }
0xc8: {  	v13 =	vperm.xlane v9, v3;
	v6 =	vadd.f32 v6, v12  }
0xc9: {  	v8 =	vadd.f32 v8, v11;
	v10 =	vperm.xlane v7, v3  }
0xca: {  	v62 =	vmov s28;
	v9 =	vadd.f32 v9, v13;
	v61 =	vperm.xlane v6, v3  }
0xcb: {  	s0 =	sadd.s32 $0x1, s28;
	vm14 =	veq.s32 v62, v4;
	v5 =	vsel vm0, v8, v5;
	v7 =	vadd.f32 v7, v10  }
0xcc: {  	v63 =	vmov s0;
	v5 =	vsel vm1, v9, v5;
	v6 =	vadd.f32 v6, v61  }
0xcd: {  	vm15 =	veq.s32 v63, v4;
	v5 =	vsel vm14, v7, v5  }
0xce: {  	v5 =	vsel vm15, v6, v5  }
0xcf: {  	v5 =	vsub.f32 $0.0e+00, v5;
	_ =	sdelay $0x1  }
0xd0: {  	v5 =	vmul.f32 $1.442695020e+00, v5;
	_ =	sdelay $0x1  }
0xd1: {  	(erf) = vpow2.f32 v5;
	_ =	sdelay $0x8  }
0xd2: {  	v5 =	vpop (erf)  }
0xd3: {  	v5 =	vadd.f32 $1.000000000e+00, v5;
	_ =	sdelay $0x1  }
0xd4: {  	(erf) = vrcp.f32 v5;
	_ =	sdelay $0x3  }
0xd5: {  	s24 =	sadd.s32 $0x1, s24  }
0xd6: {  	p0 =	sne.s32 s24, $0x4  }
.Ltmp1:
0xd7: {  	_ = 	snop;
	(pc) =	sbr.rel @p0 .LBB2_3-.Ltmp1, $3  }
0xd8: {  	_ =	sdelay $0x1  }
0xd9: {  	v5 =	vpop (erf)  }
0xda: {  	s20 =	sadd.s32 $0x800, s20;
	s23 =	sadd.s32 $0x800, s23;
	[tilespmem:s26+$0x1C400] =	vst v5  }
0xdb: {  	s0 =	sadd.s32 s7, s11  }
0xdc: {  	s19 =	simm.s32 $0x0;
	s14 =	simm.s32 $0x1C400;
	s0 =	sadd.s32 s21, s0  }
0xdd: {  	[hbm4b:s0+s19] =	stream.linear.scatter [tilespmem:s14], [sflag:$0x7], $0x80, $0x38;
	[tilespmem:$0x1C500] =	vst v63  }
0xde: {  	_ =	swait.ge [sflag:s17], $0x80  }
0xdf: {  	[sflag:s17] =	ssyncset.done $0x0  }
0xe0: {  	[sflag:s17] =	ssyncadd.s32 $0xFFFFFF80  }
0xe1: {  	_ =	swait.ge [sflag:s1], $0x80  }
0xe2: {  	[sflag:s1] =	ssyncset.done $0x0  }
0xe3: {  	[sflag:s1] =	ssyncadd.s32 $0xFFFFFF80  }
0xe4: {  	_ =	swait.ge [sflag:s1], $0x80  }
0xe5: {  	[sflag:s1] =	ssyncset.done $0x0  }
0xe6: {  	s20 =	simm.s32 $0x14400;
	s23 =	simm.s32 $0x14100;
	[sflag:s1] =	ssyncadd.s32 $0xFFFFFF80  }
0xe7: {  	[tilespmem:s20], [sflag:$0x1] =	stream.indirect.gather [spmem:s2], $0x80, s23, s22, $0xb8;
	[tilespmem:$0x1C500] =	vst v63  }
0xe8: {  	s24 =	simm.s32 $0x18400;
	s26 =	simm.s32 $0x14300;
	s15 =	sor.u32 $0x30, s15  }
0xe9: {  	[tilespmem:s24], [sflag:$0x1] =	stream.indirect.gather [spmem:s2], $0x80, s26, s22, $0xb8;
	[tilespmem:$0x1C500] =	vst v63  }
0xea: {  	s29 =	simm.s32 $0x14180;
	s28 =	sadd.s32 s4, s15  }
0xeb: {  	[tilespmem:s29], [sflag:$0x6] =	stream.linear.gather [hbm4b:s28+s19], $0x80, $0x38;
	[tilespmem:$0x1C500] =	vst v63  }
0xec: {  	s30 =	sadd.s32 s6, s15  }
0xed: {  	[tilespmem:s18], [sflag:$0x6] =	stream.linear.gather [hbm4b:s30+s19], $0x80, $0x38;
	[tilespmem:$0x1C500] =	vst v63  }
0xee: {  	_ =	swait.ge [sflag:s8], $0x2000  }
0xef: {  	[sflag:s8] =	ssyncset.done $0x0  }
0xf0: {  	[sflag:s8] =	ssyncadd.s32 $0xFFFFE000  }
0xf1: {  	_ =	swait.ge [sflag:s8], $0x2000  }
0xf2: {  	s20 =	simm.s32 $0x164F0;
	[sflag:s8] =	ssyncset.done $0x0  }
0xf3: {  	s23 =	simm.s32 $0x1A4F0;
	s24 =	simm.s32 $0x0;
	[sflag:s8] =	ssyncadd.s32 $0xFFFFE000  }
.LBB2_7:
0xf4: {  	v5 =	vld [tilespmem:s20+$0xFFFFFFC0]  }
0xf5: {  	v7 =	vld [tilespmem:s20+$0xFFFFFF90]  }
0xf6: {  	v8 =	vld [tilespmem:s20+$0xFFFFFF10]  }
0xf7: {  	v9 =	vld [tilespmem:s23+$0xFFFFFF10]  }
0xf8: {  	v10 =	vld [tilespmem:s23+$0xFFFFFF90]  }
0xf9: {  	v11 =	vld [tilespmem:s20+$0xFFFFFFA0]  }
0xfa: {  	v12 =	vld [tilespmem:s20+$0xFFFFFF20]  }
0xfb: {  	v13 =	vld [tilespmem:s23+$0xFFFFFF20]  }
0xfc: {  	v14 =	vld [tilespmem:s23+$0xFFFFFFA0]  }
0xfd: {  	v6 =	vld [tilespmem:s20+$0xFFFFFF40];
	v15 =	vshll.u32 v8, $0x10;
	v16 =	vshll.u32 v9, $0x10  }
0xfe: {  	v17 =	vld [tilespmem:s20+$0xFFFFFFB0];
	v18 =	vshll.u32 v7, $0x10;
	v15 =	vmul.f32 v16, v15;
	v16 =	vshll.u32 v10, $0x10  }
0xff: {  	v19 =	vld [tilespmem:s20+$0xFFFFFF30];
	v20 =	vshll.u32 v11, $0x10;
	v21 =	vshll.u32 v12, $0x10;
	v16 =	vmul.f32 v16, v18  }
0x100: {  	v8 =	vmul.f32 v9, v8;
	v22 =	vshll.u32 v13, $0x10;
	v18 =	vld [tilespmem:s23+$0xFFFFFF30];
	v15 =	vadd.f32 $0.0e+00, v15  }
0x101: {  	v9 =	vld [tilespmem:s23+$0xFFFFFFB0];
	v7 =	vmul.f32 v10, v7;
	v23 =	vshll.u32 v14, $0x10;
	v16 =	vadd.f32 $0.0e+00, v16  }
0x102: {  	v12 =	vmul.f32 v13, v12;
	v13 =	vld [tilespmem:s23+$0x0];
	v8 =	vadd.f32 v15, v8;
	v15 =	vmul.f32 v22, v21  }
0x103: {  	v11 =	vmul.f32 v14, v11;
	v14 =	vld [tilespmem:s23+$0xFFFFFFC0];
	v7 =	vadd.f32 v16, v7;
	v16 =	vmul.f32 v23, v20  }
0x104: {  	v10 =	vld [tilespmem:s23+$0xFFFFFF40];
	v21 =	vshll.u32 v17, $0x10;
	v8 =	vadd.f32 v15, v8  }
0x105: {  	v22 =	vshll.u32 v19, $0x10;
	v20 =	vld [tilespmem:s20+$0x0];
	v15 =	vshll.u32 v18, $0x10;
	v7 =	vadd.f32 v16, v7  }
0x106: {  	v23 =	vld [tilespmem:s20+$0xFFFFFF50];
	v16 =	vshll.u32 v9, $0x10;
	v8 =	vadd.f32 v8, v12;
	v12 =	vmul.f32 v15, v22  }
0x107: {  	v9 =	vmul.f32 v9, v17;
	v15 =	vld [tilespmem:s20+$0xFFFFFFD0];
	v7 =	vadd.f32 v7, v11;
	v11 =	vmul.f32 v16, v21  }
0x108: {  	v22 =	vshll.u32 v5, $0x10;
	v8 =	vadd.f32 v12, v8;
	v12 =	vmul.f32 v18, v19;
	v18 =	vld [tilespmem:s23+$0xFFFFFF50]  }
0x109: {  	v16 =	vshll.u32 v6, $0x10;
	v19 =	vshll.u32 v10, $0x10;
	v7 =	vadd.f32 v11, v7;
	v11 =	vld [tilespmem:s23+$0xFFFFFFD0]  }
0x10a: {  	v17 =	vld [tilespmem:s20+$0xFFFFFFE0];
	v8 =	vadd.f32 v8, v12;
	v12 =	vmul.f32 v19, v16;
	v16 =	vshll.u32 v14, $0x10  }
0x10b: {  	v5 =	vmul.f32 v14, v5;
	v19 =	vld [tilespmem:s20+$0xFFFFFF60];
	v7 =	vadd.f32 v7, v9;
	v9 =	vmul.f32 v16, v22  }
0x10c: {  	v6 =	vmul.f32 v10, v6;
	v10 =	vshll.u32 v23, $0x10;
	v8 =	vadd.f32 v12, v8;
	v12 =	vld [tilespmem:s23+$0xFFFFFF60]  }
0x10d: {  	v16 =	vshll.u32 v15, $0x10;
	v21 =	vshll.u32 v18, $0x10;
	v7 =	vadd.f32 v9, v7;
	v9 =	vld [tilespmem:s23+$0xFFFFFFE0]  }
0x10e: {  	v14 =	vld [tilespmem:s20+$0xFFFFFFF0];
	v6 =	vadd.f32 v8, v6;
	v8 =	vmul.f32 v21, v10;
	v10 =	vshll.u32 v11, $0x10  }
0x10f: {  	v21 =	vld [tilespmem:s20+$0xFFFFFF70];
	v5 =	vadd.f32 v7, v5;
	v7 =	vmul.f32 v10, v16;
	v10 =	vshll.u32 v17, $0x10  }
0x110: {  	v16 =	vshll.u32 v19, $0x10;
	v6 =	vadd.f32 v8, v6;
	v8 =	vmul.f32 v18, v23;
	v18 =	vld [tilespmem:s23+$0xFFFFFF70]  }
0x111: {  	v22 =	vshll.u32 v12, $0x10;
	v5 =	vadd.f32 v7, v5;
	v7 =	vmul.f32 v11, v15;
	v15 =	vld [tilespmem:s23+$0xFFFFFFF0]  }
0x112: {  	v23 =	vld [tilespmem:s23+$0xFFFFFF80];
	v8 =	vadd.f32 v6, v8;
	v11 =	vmul.f32 v22, v16;
	v6 =	vshll.u32 v9, $0x10  }
0x113: {  	s29 =	sadd.s32 $0x100, s20;
	v12 =	vmul.f32 v12, v19;
	v22 =	vld [tilespmem:s20+$0xFFFFFF80];
	v5 =	vadd.f32 v5, v7;
	v10 =	vmul.f32 v6, v10  }
0x114: {  	v16 =	vshll.u32 v14, $0x10;
	v6 =	vld [tilespmem:s29+$0xFFFFFFC0];
	v19 =	vshll.u32 v21, $0x10;
	v11 =	vadd.f32 v11, v8  }
0x115: {  	s30 =	sadd.s32 $0x100, s23;
	v7 =	vld [tilespmem:s29+$0xFFFFFF40];
	v24 =	vshll.u32 v18, $0x10;
	v5 =	vadd.f32 v10, v5;
	v10 =	vmul.f32 v9, v17  }
0x116: {  	v8 =	vld [tilespmem:s30+$0xFFFFFF40];
	v11 =	vadd.f32 v11, v12;
	v12 =	vmul.f32 v24, v19;
	v17 =	vshll.u32 v15, $0x10  }
0x117: {  	v9 =	vld [tilespmem:s29+$0xFFFFFFB0];
	v18 =	vmul.f32 v18, v21;
	v5 =	vadd.f32 v5, v10;
	v16 =	vmul.f32 v17, v16  }
0x118: {  	v24 =	vshll.u32 v23, $0x10;
	v14 =	vmul.f32 v15, v14;
	v10 =	vld [tilespmem:s30+$0xFFFFFFB0];
	v19 =	vadd.f32 v12, v11  }
0x119: {  	v17 =	vshll.u32 v20, $0x10;
	v21 =	vshll.u32 v22, $0x10;
	v11 =	vld [tilespmem:s29+$0xFFFFFF30];
	v5 =	vadd.f32 v16, v5  }
0x11a: {  	v12 =	vld [tilespmem:s30+$0xFFFFFF30];
	v15 =	vadd.f32 v19, v18;
	v18 =	vmul.f32 v24, v21;
	v19 =	vshll.u32 v13, $0x10  }
0x11b: {  	v16 =	vld [tilespmem:s29+$0xFFFFFFA0];
	v14 =	vadd.f32 v5, v14;
	v19 =	vmul.f32 v19, v17  }
0x11c: {  	v20 =	vmul.f32 v13, v20;
	v21 =	vld [tilespmem:s29+$0xFFFFFF20];
	v15 =	vadd.f32 v18, v15;
	v18 =	vmul.f32 v23, v22  }
0x11d: {  	s0 =	simm.s32 $0x1;
	v13 =	vshll.u32 v6, $0x10;
	v24 =	vld [tilespmem:s30+$0xFFFFFF10];
	v5 =	vimm.f32 $0.0e+00;
	v19 =	vadd.f32 v19, v14  }
0x11e: {  	v17 =	vld [tilespmem:s30+$0xFFFFFFA0];
	v23 =	vmov s19;
	v14 =	vadd.f32 v15, v18;
	v18 =	vmov s0  }
0x11f: {  	v22 =	vld [tilespmem:s29+$0xFFFFFF90];
	vm0 =	veq.s32 v23, v4;
	v15 =	vadd.f32 v19, v20;
	vm1 =	veq.s32 v18, v4  }
0x120: {  	s26 =	sshll.u32 s24, $0x4;
	s28 =	simm.s32 $0x2;
	v23 =	vld [tilespmem:s29+$0xFFFFFF10];
	s0 =	simm.s32 $0x4;
	v18 =	vshll.u32 v7, $0x10;
	v19 =	vshll.u32 v8, $0x10;
	v20 =	vperm.xlane v14, v0  }
.LBB2_8:
0x121: {  	p0 =	slt.u32 s0, $0xE;
	v25 =	vld [tilespmem:s30+$0xFFFFFF90];
	v26 =	vshll.u32 v9, $0x10;
	v27 =	vshll.u32 v10, $0x10;
	v28 =	vperm.xlane v15, v0  }
0x122: {  	v30 =	vshll.u32 v11, $0x10;
	v31 =	vshll.u32 v12, $0x10;
	v29 =	vld [tilespmem:s30+$0xFFFFFF20];
	v14 =	vadd.f32 v14, v20  }
0x123: {  	v32 =	vshll.u32 v17, $0x10;
	v20 =	vshll.u32 v16, $0x10;
	v15 =	vadd.f32 v15, v28  }
0x124: {  	v28 =	vshll.u32 v21, $0x10;
	v33 =	vshll.u32 v22, $0x10;
	v34 =	vperm.xlane v14, v1  }
0x125: {  	v35 =	vshll.u32 v23, $0x10;
	v36 =	vshll.u32 v24, $0x10;
	v37 =	vperm.xlane v15, v1  }
0x126: {  	v35 =	vmul.f32 v36, v35;
	v36 =	vshll.u32 v25, $0x10;
	v14 =	vadd.f32 v14, v34  }
0x127: {  	v34 =	vshll.u32 v29, $0x10;
	v33 =	vmul.f32 v36, v33;
	v15 =	vadd.f32 v15, v37  }
0x128: {  	v23 =	vmul.f32 v24, v23;
	v35 =	vadd.f32 $0.0e+00, v35;
	v24 =	vperm.xlane v14, v2  }
0x129: {  	v22 =	vmul.f32 v25, v22;
	v33 =	vadd.f32 $0.0e+00, v33;
	v25 =	vperm.xlane v15, v2  }
0x12a: {  	v28 =	vmul.f32 v34, v28;
	v23 =	vadd.f32 v35, v23;
	v24 =	vadd.f32 v14, v24  }
0x12b: {  	v20 =	vmul.f32 v32, v20;
	v22 =	vadd.f32 v33, v22;
	v14 =	vld [tilespmem:s29+$0x0];
	v15 =	vadd.f32 v15, v25  }
0x12c: {  	v21 =	vmul.f32 v29, v21;
	v23 =	vadd.f32 v28, v23;
	v25 =	vld [tilespmem:s30+$0x0];
	v28 =	vperm.xlane v24, v3  }
0x12d: {  	v16 =	vmul.f32 v17, v16;
	v20 =	vadd.f32 v20, v22;
	v17 =	vld [tilespmem:s30+$0xFFFFFFC0];
	v22 =	vperm.xlane v15, v3  }
0x12e: {  	v21 =	vadd.f32 v23, v21;
	v23 =	vmul.f32 v31, v30;
	v29 =	vld [tilespmem:s29+$0xFFFFFFD0];
	v24 =	vadd.f32 v24, v28  }
0x12f: {  	v28 =	vld [tilespmem:s29+$0xFFFFFF50];
	v16 =	vadd.f32 v20, v16;
	v20 =	vmul.f32 v27, v26;
	v15 =	vadd.f32 v15, v22  }
0x130: {  	v11 =	vmul.f32 v12, v11;
	v21 =	vadd.f32 v23, v21;
	v12 =	vld [tilespmem:s30+$0xFFFFFF50];
	v5 =	vsel vm0, v24, v5  }
0x131: {  	v9 =	vmul.f32 v10, v9;
	v16 =	vadd.f32 v20, v16;
	v10 =	vld [tilespmem:s30+$0xFFFFFFD0];
	v5 =	vsel vm1, v15, v5  }
0x132: {  	v15 =	vmul.f32 v19, v18;
	v11 =	vadd.f32 v21, v11;
	v18 =	vshll.u32 v17, $0x10;
	v19 =	vld [tilespmem:s29+$0xFFFFFFE0]  }
0x133: {  	v20 =	vld [tilespmem:s29+$0xFFFFFF60];
	v9 =	vadd.f32 v16, v9;
	v13 =	vmul.f32 v18, v13;
	v16 =	vshll.u32 v29, $0x10  }
0x134: {  	v7 =	vmul.f32 v8, v7;
	v11 =	vadd.f32 v15, v11;
	v8 =	vshll.u32 v28, $0x10;
	v15 =	vld [tilespmem:s30+$0xFFFFFF60]  }
0x135: {  	v6 =	vmul.f32 v17, v6;
	v18 =	vshll.u32 v12, $0x10;
	v9 =	vadd.f32 v13, v9;
	v13 =	vld [tilespmem:s30+$0xFFFFFFE0]  }
0x136: {  	v7 =	vadd.f32 v11, v7;
	v8 =	vmul.f32 v18, v8;
	v11 =	vshll.u32 v10, $0x10;
	v17 =	vld [tilespmem:s29+$0xFFFFFFF0]  }
0x137: {  	v18 =	vld [tilespmem:s29+$0xFFFFFF70];
	v6 =	vadd.f32 v9, v6;
	v9 =	vmul.f32 v11, v16;
	v11 =	vshll.u32 v19, $0x10  }
0x138: {  	v7 =	vadd.f32 v8, v7;
	v8 =	vmul.f32 v12, v28;
	v12 =	vshll.u32 v20, $0x10;
	v16 =	vld [tilespmem:s30+$0xFFFFFF70]  }
0x139: {  	v21 =	vshll.u32 v15, $0x10;
	v6 =	vadd.f32 v9, v6;
	v9 =	vmul.f32 v10, v29;
	v22 =	vld [tilespmem:s30+$0xFFFFFFF0]  }
0x13a: {  	v7 =	vadd.f32 v7, v8;
	v8 =	vmul.f32 v21, v12;
	v21 =	vld [tilespmem:s29+$0xFFFFFF80];
	v10 =	vshll.u32 v13, $0x10  }
0x13b: {  	s29 =	sadd.s32 $0x100, s29;
	v23 =	vld [tilespmem:s30+$0xFFFFFF80];
	v9 =	vadd.f32 v6, v9;
	v10 =	vmul.f32 v10, v11;
	v11 =	vshll.u32 v17, $0x10  }
0x13c: {  	v15 =	vmul.f32 v15, v20;
	v6 =	vld [tilespmem:s29+$0xFFFFFFC0];
	v12 =	vadd.f32 v8, v7;
	v20 =	vshll.u32 v18, $0x10  }
0x13d: {  	v13 =	vmul.f32 v13, v19;
	s30 =	sadd.s32 $0x100, s30;
	v7 =	vld [tilespmem:s29+$0xFFFFFF40];
	v24 =	vshll.u32 v16, $0x10;
	v10 =	vadd.f32 v10, v9  }
0x13e: {  	v8 =	vld [tilespmem:s30+$0xFFFFFF40];
	v12 =	vadd.f32 v12, v15;
	v15 =	vmul.f32 v24, v20;
	v19 =	vshll.u32 v22, $0x10  }
0x13f: {  	v20 =	vshll.u32 v14, $0x10;
	v9 =	vld [tilespmem:s29+$0xFFFFFFB0];
	v13 =	vadd.f32 v10, v13;
	v19 =	vmul.f32 v19, v11  }
0x140: {  	v16 =	vmul.f32 v16, v18;
	v18 =	vshll.u32 v21, $0x10;
	v10 =	vld [tilespmem:s30+$0xFFFFFFB0];
	v15 =	vadd.f32 v15, v12  }
0x141: {  	v17 =	vmul.f32 v22, v17;
	v24 =	vshll.u32 v23, $0x10;
	v11 =	vld [tilespmem:s29+$0xFFFFFF30];
	v13 =	vadd.f32 v19, v13  }
0x142: {  	v18 =	vmul.f32 v24, v18;
	v19 =	vshll.u32 v25, $0x10;
	v12 =	vld [tilespmem:s30+$0xFFFFFF30];
	v15 =	vadd.f32 v15, v16  }
0x143: {  	v19 =	vmul.f32 v19, v20;
	v16 =	vld [tilespmem:s29+$0xFFFFFFA0];
	v13 =	vadd.f32 v13, v17  }
.Ltmp2:
0x144: {  	v17 =	vld [tilespmem:s30+$0xFFFFFFA0];
	v15 =	vadd.f32 v18, v15;
	v18 =	vmul.f32 v23, v21;
	(pc) =	sbr.rel @p0 .LBB2_8-.Ltmp2, $4  }
0x145: {  	s14 =	sadd.s32 $0x1, s28;
	v24 =	vmul.f32 v25, v14;
	v20 =	vmov s28;
	s28 =	smov.u32 s0;
	v21 =	vld [tilespmem:s29+$0xFFFFFF20];
	v19 =	vadd.f32 v19, v13  }
0x146: {  	vm0 =	veq.s32 v20, v4;
	v22 =	vld [tilespmem:s29+$0xFFFFFF90];
	v14 =	vadd.f32 v15, v18;
	v18 =	vmov s14  }
0x147: {  	v13 =	vshll.u32 v6, $0x10;
	v23 =	vld [tilespmem:s29+$0xFFFFFF10];
	v15 =	vadd.f32 v19, v24;
	vm1 =	veq.s32 v18, v4  }
0x148: {  	s0 =	sadd.s32 $0x2, s0;
	v18 =	vshll.u32 v7, $0x10;
	v19 =	vshll.u32 v8, $0x10;
	v24 =	vld [tilespmem:s30+$0xFFFFFF10];
	v20 =	vperm.xlane v14, v0  }
0x149: {  	v25 =	vld [tilespmem:s30+$0xFFFFFF90];
	_ =	sdelay $0x2  }
0x14a: {  	v26 =	vld [tilespmem:s30+$0xFFFFFF20]  }
0x14b: {  	v27 =	vshll.u32 v23, $0x10;
	v28 =	vshll.u32 v24, $0x10  }
0x14c: {  	v29 =	vshll.u32 v22, $0x10;
	v27 =	vmul.f32 v28, v27;
	v57 =	vshll.u32 v25, $0x10  }
0x14d: {  	v30 =	vshll.u32 v16, $0x10;
	v28 =	vmul.f32 v57, v29  }
0x14e: {  	v58 =	vshll.u32 v21, $0x10;
	v59 =	vmul.f32 v24, v23;
	v27 =	vadd.f32 $0.0e+00, v27  }
0x14f: {  	v60 =	vshll.u32 v26, $0x10;
	v61 =	vmul.f32 v25, v22;
	v28 =	vadd.f32 $0.0e+00, v28  }
0x150: {  	v62 =	vshll.u32 v17, $0x10;
	v24 =	vmul.f32 v60, v58;
	v23 =	vadd.f32 v27, v59  }
0x151: {  	v63 =	vshll.u32 v9, $0x10;
	v25 =	vmul.f32 v62, v30;
	v22 =	vadd.f32 v28, v61  }
0x152: {  	v32 =	vshll.u32 v11, $0x10;
	v33 =	vmul.f32 v26, v21;
	v23 =	vadd.f32 v24, v23  }
0x153: {  	v34 =	vshll.u32 v12, $0x10;
	v35 =	vmul.f32 v17, v16;
	v36 =	vld [tilespmem:s30+$0xFFFFFFC0];
	v22 =	vadd.f32 v25, v22  }
0x154: {  	v37 =	vshll.u32 v10, $0x10;
	v39 =	vld [tilespmem:s29+$0xFFFFFFD0];
	v38 =	vmul.f32 v34, v32;
	v21 =	vadd.f32 v23, v33  }
0x155: {  	v40 =	vld [tilespmem:s29+$0xFFFFFF50];
	v41 =	vmul.f32 v37, v63;
	v16 =	vadd.f32 v22, v35  }
0x156: {  	v42 =	vmul.f32 v12, v11;
	v43 =	vld [tilespmem:s30+$0xFFFFFF50];
	v21 =	vadd.f32 v38, v21  }
0x157: {  	v44 =	vmul.f32 v10, v9;
	v45 =	vld [tilespmem:s30+$0xFFFFFFD0];
	v16 =	vadd.f32 v41, v16  }
0x158: {  	v18 =	vmul.f32 v19, v18;
	v51 =	vld [tilespmem:s30+$0xFFFFFF60];
	v46 =	vshll.u32 v36, $0x10;
	v11 =	vadd.f32 v21, v42  }
0x159: {  	v48 =	vld [tilespmem:s29+$0xFFFFFF60];
	v7 =	vmul.f32 v8, v7;
	v13 =	vmul.f32 v46, v13;
	v9 =	vadd.f32 v16, v44  }
0x15a: {  	v53 =	vld [tilespmem:s30+$0xFFFFFFE0];
	v49 =	vshll.u32 v39, $0x10;
	v50 =	vshll.u32 v40, $0x10;
	v11 =	vadd.f32 v18, v11  }
0x15b: {  	v47 =	vld [tilespmem:s29+$0xFFFFFFE0];
	v52 =	vshll.u32 v43, $0x10;
	v6 =	vmul.f32 v36, v6;
	v9 =	vadd.f32 v13, v9  }
0x15c: {  	v55 =	vld [tilespmem:s29+$0xFFFFFFF0];
	v54 =	vshll.u32 v45, $0x10;
	v8 =	vmul.f32 v52, v50;
	v7 =	vadd.f32 v11, v7  }
0x15d: {  	v56 =	vld [tilespmem:s29+$0xFFFFFF70];
	v62 =	vshll.u32 v51, $0x10;
	v57 =	vmul.f32 v54, v49;
	v6 =	vadd.f32 v9, v6  }
0x15e: {  	v63 =	vmul.f32 v45, v39;
	v59 =	vmul.f32 v43, v40;
	v61 =	vld [tilespmem:s30+$0xFFFFFF70];
	v7 =	vadd.f32 v8, v7  }
0x15f: {  	v31 =	vshll.u32 v53, $0x10;
	v60 =	vshll.u32 v48, $0x10;
	v28 =	vld [tilespmem:s30+$0xFFFFFFF0];
	v6 =	vadd.f32 v57, v6  }
0x160: {  	v32 =	vld [tilespmem:s29+$0xFFFFFF80];
	v58 =	vshll.u32 v47, $0x10;
	v30 =	vmul.f32 v62, v60;
	v7 =	vadd.f32 v7, v59  }
0x161: {  	v34 =	vshll.u32 v55, $0x10;
	v29 =	vld [tilespmem:s29+$0x0];
	v33 =	vmul.f32 v31, v58;
	v6 =	vadd.f32 v6, v63  }
0x162: {  	v36 =	vmul.f32 v51, v48;
	v37 =	vshll.u32 v56, $0x10;
	v35 =	vld [tilespmem:s30+$0xFFFFFF80];
	v7 =	vadd.f32 v30, v7  }
0x163: {  	v40 =	vmul.f32 v53, v47;
	v38 =	vld [tilespmem:s30+$0x0];
	v39 =	vshll.u32 v61, $0x10;
	v6 =	vadd.f32 v33, v6  }
0x164: {  	v41 =	vmul.f32 v39, v37;
	v42 =	vshll.u32 v28, $0x10;
	v7 =	vadd.f32 v7, v36  }
0x165: {  	v46 =	vshll.u32 v32, $0x10;
	v43 =	vmul.f32 v42, v34;
	v6 =	vadd.f32 v6, v40  }
0x166: {  	v45 =	vmul.f32 v61, v56;
	v48 =	vmul.f32 v28, v55;
	v7 =	vadd.f32 v41, v7  }
0x167: {  	v44 =	vshll.u32 v29, $0x10;
	v47 =	vshll.u32 v35, $0x10;
	v6 =	vadd.f32 v43, v6  }
0x168: {  	v49 =	vmul.f32 v47, v46;
	v50 =	vshll.u32 v38, $0x10;
	v7 =	vadd.f32 v7, v45  }
0x169: {  	v51 =	vmul.f32 v50, v44;
	v6 =	vadd.f32 v6, v48  }
0x16a: {  	v52 =	vmul.f32 v35, v32;
	v7 =	vadd.f32 v49, v7  }
0x16b: {  	v53 =	vmul.f32 v38, v29;
	v6 =	vadd.f32 v51, v6  }
0x16c: {  	v7 =	vadd.f32 v7, v52  }
0x16d: {  	v54 =	vperm.xlane v15, v0;
	v6 =	vadd.f32 v6, v53  }
0x16e: {  	v55 =	vadd.f32 v14, v20;
	v57 =	vperm.xlane v7, v0  }
0x16f: {  	v56 =	vadd.f32 v15, v54;
	v59 =	vperm.xlane v6, v0  }
0x170: {  	v58 =	vperm.xlane v55, v1;
	v7 =	vadd.f32 v7, v57  }
0x171: {  	v60 =	vperm.xlane v56, v1;
	v6 =	vadd.f32 v6, v59  }
0x172: {  	v8 =	vadd.f32 v55, v58;
	v10 =	vperm.xlane v7, v1  }
0x173: {  	v9 =	vadd.f32 v56, v60;
	v12 =	vperm.xlane v6, v1  }
0x174: {  	v11 =	vperm.xlane v8, v2;
	v7 =	vadd.f32 v7, v10  }
0x175: {  	v13 =	vperm.xlane v9, v2;
	v6 =	vadd.f32 v6, v12  }
0x176: {  	v8 =	vadd.f32 v8, v11;
	v10 =	vperm.xlane v7, v2  }
0x177: {  	v9 =	vadd.f32 v9, v13;
	v12 =	vperm.xlane v6, v2  }
0x178: {  	v11 =	vperm.xlane v8, v3;
	v7 =	vadd.f32 v7, v10  }
0x179: {  	v13 =	vperm.xlane v9, v3;
	v6 =	vadd.f32 v6, v12  }
0x17a: {  	v8 =	vadd.f32 v8, v11;
	v10 =	vperm.xlane v7, v3  }
0x17b: {  	v62 =	vmov s28;
	v9 =	vadd.f32 v9, v13;
	v61 =	vperm.xlane v6, v3  }
0x17c: {  	s0 =	sadd.s32 $0x1, s28;
	vm14 =	veq.s32 v62, v4;
	v5 =	vsel vm0, v8, v5;
	v7 =	vadd.f32 v7, v10  }
0x17d: {  	v63 =	vmov s0;
	v5 =	vsel vm1, v9, v5;
	v6 =	vadd.f32 v6, v61  }
0x17e: {  	vm15 =	veq.s32 v63, v4;
	v5 =	vsel vm14, v7, v5  }
0x17f: {  	v5 =	vsel vm15, v6, v5  }
0x180: {  	v5 =	vsub.f32 $0.0e+00, v5;
	_ =	sdelay $0x1  }
0x181: {  	v5 =	vmul.f32 $1.442695020e+00, v5;
	_ =	sdelay $0x1  }
0x182: {  	(erf) = vpow2.f32 v5;
	_ =	sdelay $0x8  }
0x183: {  	v5 =	vpop (erf)  }
0x184: {  	v5 =	vadd.f32 $1.000000000e+00, v5;
	_ =	sdelay $0x1  }
0x185: {  	(erf) = vrcp.f32 v5;
	_ =	sdelay $0x3  }
0x186: {  	s24 =	sadd.s32 $0x1, s24  }
0x187: {  	p0 =	sne.s32 s24, $0x4  }
.Ltmp3:
0x188: {  	_ = 	snop;
	(pc) =	sbr.rel @p0 .LBB2_7-.Ltmp3, $3  }
0x189: {  	_ =	sdelay $0x1  }
0x18a: {  	v5 =	vpop (erf)  }
0x18b: {  	s20 =	sadd.s32 $0x800, s20;
	s23 =	sadd.s32 $0x800, s23;
	[tilespmem:s26+$0x1C480] =	vst v5  }
0x18c: {  	s0 =	sadd.s32 s11, s7  }
0x18d: {  	s0 =	sadd.s32 s21, s0  }
0x18e: {  	s0 =	sadd.s32 $0x10, s0  }
0x18f: {  	[hbm4b:s0+s3] =	stream.linear.scatter [tilespmem:s9], [sflag:$0x7], $0x80, $0x38;
	[tilespmem:$0x1C500] =	vst v63  }
0x190: {  	_ =	swait.ge [sflag:s17], $0x80  }
0x191: {  	[sflag:s17] =	ssyncset.done $0x0  }
0x192: {  	[sflag:s17] =	ssyncadd.s32 $0xFFFFFF80  }
0x193: {  	_ =	swait.ge [sflag:s10], $0x80  }
0x194: {  	p0 =	seq.s32 s12, $0x13;
	[sflag:s10] =	ssyncset.done $0x0  }
0x195: {  	s29 =	simm.s32 $0x16400;
	s0 =	sadd.s32 @!p0 $0x4, s13;
	[sflag:s10] =	ssyncadd.s32 $0xFFFFFF80  }
0x196: {  	s28 =	simm.s32 $0x14180;
	s11 =	sadd.s32 @!p0 s5, s0;
	_ =	swait.ge [sflag:s10], $0x80  }
0x197: {  	s0 =	sshll.u32 @!p0 s0, $0x4;
	s11 =	sshll.u32 @!p0 s11, $0x4;
	[sflag:s10] =	ssyncset.done $0x0  }
0x198: {  	s0 =	sand.u32 @!p0 $0x40, s0;
	s11 =	sand.u32 @!p0 $0xFFFFF80, s11;
	[sflag:s10] =	ssyncadd.s32 $0xFFFFFF80  }
0x199: {  	[tilespmem:s29], [sflag:$0x2] =	stream.indirect.gather [spmem:s2], $0x80, s28, s22, $0xb8;
	[tilespmem:$0x1C500] =	vst v63  }
0x19a: {  	s30 =	simm.s32 $0x1A400;
	s0 =	sor.u32 @!p0 s0, s11  }
0x19b: {  	[tilespmem:s30], [sflag:$0x2] =	stream.indirect.gather [spmem:s2], $0x80, s18, s22, $0xb8;
	[tilespmem:$0x1C500] =	vst v63  }
0x19c: {  	s14 =	simm.s32 @!p0 $0x0;
	s19 =	simm.s32 @!p0 $0x14000;
	s11 =	sadd.s32 @!p0 s4, s0  }
0x19d: {  	[tilespmem:s19], [sflag:$0x3] =	stream.linear.gather @!p0 [hbm4b:s11+s14], $0x80, $0x38;
	[tilespmem:$0x1C500] =	vst v63  }
0x19e: {  	s0 =	sadd.s32 @!p0 s6, s0;
	s11 =	simm.s32 @!p0 $0x14200  }
0x19f: {  	[tilespmem:s11], [sflag:$0x3] =	stream.linear.gather @!p0 [hbm4b:s0+s14], $0x80, $0x38;
	[tilespmem:$0x1C500] =	vst v63  }
0x1a0: {  	_ =	swait.ge [sflag:s31], $0x2000  }
0x1a1: {  	[sflag:s31] =	ssyncset.done $0x0  }
0x1a2: {  	[sflag:s31] =	ssyncadd.s32 $0xFFFFE000  }
0x1a3: {  	_ =	swait.ge [sflag:s31], $0x2000  }
0x1a4: {  	s20 =	simm.s32 $0x14480;
	s21 =	simm.s32 $0x0;
	[sflag:s31] =	ssyncset.done $0x0  }
0x1a5: {  	s19 =	simm.s32 $0x18480;
	s11 =	simm.s32 $0x0;
	[sflag:s31] =	ssyncadd.s32 $0xFFFFE000  }
.LBB2_11:
0x1a6: {  	v5 =	vld [tilespmem:s20+$0x30]  }
0x1a7: {  	v7 =	vld [tilespmem:s20+$0x0]  }
0x1a8: {  	v8 =	vld [tilespmem:s20+$0xFFFFFF80]  }
0x1a9: {  	v9 =	vld [tilespmem:s19+$0xFFFFFF80]  }
0x1aa: {  	v10 =	vld [tilespmem:s19+$0x0]  }
0x1ab: {  	v11 =	vld [tilespmem:s20+$0x10]  }
0x1ac: {  	v12 =	vld [tilespmem:s20+$0xFFFFFF90]  }
0x1ad: {  	v13 =	vld [tilespmem:s19+$0xFFFFFF90]  }
0x1ae: {  	v14 =	vld [tilespmem:s19+$0x10]  }
0x1af: {  	v6 =	vld [tilespmem:s20+$0xFFFFFFB0];
	v15 =	vshll.u32 v8, $0x10;
	v16 =	vshll.u32 v9, $0x10  }
0x1b0: {  	v17 =	vld [tilespmem:s20+$0x20];
	v18 =	vshll.u32 v7, $0x10;
	v15 =	vmul.f32 v16, v15;
	v16 =	vshll.u32 v10, $0x10  }
0x1b1: {  	v19 =	vld [tilespmem:s20+$0xFFFFFFA0];
	v20 =	vshll.u32 v11, $0x10;
	v21 =	vshll.u32 v12, $0x10;
	v16 =	vmul.f32 v16, v18  }
0x1b2: {  	v8 =	vmul.f32 v9, v8;
	v22 =	vshll.u32 v13, $0x10;
	v18 =	vld [tilespmem:s19+$0xFFFFFFA0];
	v15 =	vadd.f32 $0.0e+00, v15  }
0x1b3: {  	v9 =	vld [tilespmem:s19+$0x20];
	v7 =	vmul.f32 v10, v7;
	v23 =	vshll.u32 v14, $0x10;
	v16 =	vadd.f32 $0.0e+00, v16  }
0x1b4: {  	v12 =	vmul.f32 v13, v12;
	v13 =	vld [tilespmem:s19+$0x70];
	v8 =	vadd.f32 v15, v8;
	v15 =	vmul.f32 v22, v21  }
0x1b5: {  	v11 =	vmul.f32 v14, v11;
	v14 =	vld [tilespmem:s19+$0x30];
	v7 =	vadd.f32 v16, v7;
	v16 =	vmul.f32 v23, v20  }
0x1b6: {  	v10 =	vld [tilespmem:s19+$0xFFFFFFB0];
	v21 =	vshll.u32 v17, $0x10;
	v8 =	vadd.f32 v15, v8  }
0x1b7: {  	v22 =	vshll.u32 v19, $0x10;
	v20 =	vld [tilespmem:s20+$0x70];
	v15 =	vshll.u32 v18, $0x10;
	v7 =	vadd.f32 v16, v7  }
0x1b8: {  	v23 =	vld [tilespmem:s20+$0xFFFFFFC0];
	v16 =	vshll.u32 v9, $0x10;
	v8 =	vadd.f32 v8, v12;
	v12 =	vmul.f32 v15, v22  }
0x1b9: {  	v9 =	vmul.f32 v9, v17;
	v15 =	vld [tilespmem:s20+$0x40];
	v7 =	vadd.f32 v7, v11;
	v11 =	vmul.f32 v16, v21  }
0x1ba: {  	v22 =	vshll.u32 v5, $0x10;
	v8 =	vadd.f32 v12, v8;
	v12 =	vmul.f32 v18, v19;
	v18 =	vld [tilespmem:s19+$0xFFFFFFC0]  }
0x1bb: {  	v16 =	vshll.u32 v6, $0x10;
	v19 =	vshll.u32 v10, $0x10;
	v7 =	vadd.f32 v11, v7;
	v11 =	vld [tilespmem:s19+$0x40]  }
0x1bc: {  	v17 =	vld [tilespmem:s20+$0x50];
	v8 =	vadd.f32 v8, v12;
	v12 =	vmul.f32 v19, v16;
	v16 =	vshll.u32 v14, $0x10  }
0x1bd: {  	v5 =	vmul.f32 v14, v5;
	v19 =	vld [tilespmem:s20+$0xFFFFFFD0];
	v7 =	vadd.f32 v7, v9;
	v9 =	vmul.f32 v16, v22  }
0x1be: {  	v6 =	vmul.f32 v10, v6;
	v10 =	vshll.u32 v23, $0x10;
	v8 =	vadd.f32 v12, v8;
	v12 =	vld [tilespmem:s19+$0xFFFFFFD0]  }
0x1bf: {  	v16 =	vshll.u32 v15, $0x10;
	v21 =	vshll.u32 v18, $0x10;
	v7 =	vadd.f32 v9, v7;
	v9 =	vld [tilespmem:s19+$0x50]  }
0x1c0: {  	v14 =	vld [tilespmem:s20+$0x60];
	v6 =	vadd.f32 v8, v6;
	v8 =	vmul.f32 v21, v10;
	v10 =	vshll.u32 v11, $0x10  }
0x1c1: {  	v21 =	vld [tilespmem:s20+$0xFFFFFFE0];
	v5 =	vadd.f32 v7, v5;
	v7 =	vmul.f32 v10, v16;
	v10 =	vshll.u32 v17, $0x10  }
0x1c2: {  	v16 =	vshll.u32 v19, $0x10;
	v6 =	vadd.f32 v8, v6;
	v8 =	vmul.f32 v18, v23;
	v18 =	vld [tilespmem:s19+$0xFFFFFFE0]  }
0x1c3: {  	v22 =	vshll.u32 v12, $0x10;
	v5 =	vadd.f32 v7, v5;
	v7 =	vmul.f32 v11, v15;
	v15 =	vld [tilespmem:s19+$0x60]  }
0x1c4: {  	v23 =	vld [tilespmem:s19+$0xFFFFFFF0];
	v8 =	vadd.f32 v6, v8;
	v11 =	vmul.f32 v22, v16;
	v6 =	vshll.u32 v9, $0x10  }
0x1c5: {  	s26 =	sadd.s32 $0x100, s20;
	v12 =	vmul.f32 v12, v19;
	v22 =	vld [tilespmem:s20+$0xFFFFFFF0];
	v5 =	vadd.f32 v5, v7;
	v10 =	vmul.f32 v6, v10  }
0x1c6: {  	v16 =	vshll.u32 v14, $0x10;
	v6 =	vld [tilespmem:s26+$0x30];
	v19 =	vshll.u32 v21, $0x10;
	v11 =	vadd.f32 v11, v8  }
0x1c7: {  	s28 =	sadd.s32 $0x100, s19;
	v7 =	vld [tilespmem:s26+$0xFFFFFFB0];
	v24 =	vshll.u32 v18, $0x10;
	v5 =	vadd.f32 v10, v5;
	v10 =	vmul.f32 v9, v17  }
0x1c8: {  	v8 =	vld [tilespmem:s28+$0xFFFFFFB0];
	v11 =	vadd.f32 v11, v12;
	v12 =	vmul.f32 v24, v19;
	v17 =	vshll.u32 v15, $0x10  }
0x1c9: {  	v9 =	vld [tilespmem:s26+$0x20];
	v18 =	vmul.f32 v18, v21;
	v5 =	vadd.f32 v5, v10;
	v16 =	vmul.f32 v17, v16  }
0x1ca: {  	v24 =	vshll.u32 v23, $0x10;
	v14 =	vmul.f32 v15, v14;
	v10 =	vld [tilespmem:s28+$0x20];
	v19 =	vadd.f32 v12, v11  }
0x1cb: {  	v17 =	vshll.u32 v20, $0x10;
	v21 =	vshll.u32 v22, $0x10;
	v11 =	vld [tilespmem:s26+$0xFFFFFFA0];
	v5 =	vadd.f32 v16, v5  }
0x1cc: {  	v12 =	vld [tilespmem:s28+$0xFFFFFFA0];
	v15 =	vadd.f32 v19, v18;
	v18 =	vmul.f32 v24, v21;
	v19 =	vshll.u32 v13, $0x10  }
0x1cd: {  	v16 =	vld [tilespmem:s26+$0x10];
	v14 =	vadd.f32 v5, v14;
	v19 =	vmul.f32 v19, v17  }
0x1ce: {  	v20 =	vmul.f32 v13, v20;
	v21 =	vld [tilespmem:s26+$0xFFFFFF90];
	v15 =	vadd.f32 v18, v15;
	v18 =	vmul.f32 v23, v22  }
0x1cf: {  	s0 =	simm.s32 $0x1;
	v13 =	vshll.u32 v6, $0x10;
	v24 =	vld [tilespmem:s28+$0xFFFFFF80];
	v5 =	vimm.f32 $0.0e+00;
	v19 =	vadd.f32 v19, v14  }
0x1d0: {  	v17 =	vld [tilespmem:s28+$0x10];
	v23 =	vmov s11;
	v14 =	vadd.f32 v15, v18;
	v18 =	vmov s0  }
0x1d1: {  	v22 =	vld [tilespmem:s26+$0x0];
	vm0 =	veq.s32 v23, v4;
	v15 =	vadd.f32 v19, v20;
	vm1 =	veq.s32 v18, v4  }
0x1d2: {  	s23 =	sshll.u32 s21, $0x4;
	s24 =	simm.s32 $0x2;
	v23 =	vld [tilespmem:s26+$0xFFFFFF80];
	s0 =	simm.s32 $0x4;
	v18 =	vshll.u32 v7, $0x10;
	v19 =	vshll.u32 v8, $0x10;
	v20 =	vperm.xlane v14, v0  }
.LBB2_12:
0x1d3: {  	p1 =	slt.u32 s0, $0xE;
	v25 =	vld [tilespmem:s28+$0x0];
	v26 =	vshll.u32 v9, $0x10;
	v27 =	vshll.u32 v10, $0x10;
	v28 =	vperm.xlane v15, v0  }
0x1d4: {  	v30 =	vshll.u32 v11, $0x10;
	v31 =	vshll.u32 v12, $0x10;
	v29 =	vld [tilespmem:s28+$0xFFFFFF90];
	v14 =	vadd.f32 v14, v20  }
0x1d5: {  	v32 =	vshll.u32 v17, $0x10;
	v20 =	vshll.u32 v16, $0x10;
	v15 =	vadd.f32 v15, v28  }
0x1d6: {  	v28 =	vshll.u32 v21, $0x10;
	v33 =	vshll.u32 v22, $0x10;
	v34 =	vperm.xlane v14, v1  }
0x1d7: {  	v35 =	vshll.u32 v23, $0x10;
	v36 =	vshll.u32 v24, $0x10;
	v37 =	vperm.xlane v15, v1  }
0x1d8: {  	v35 =	vmul.f32 v36, v35;
	v36 =	vshll.u32 v25, $0x10;
	v14 =	vadd.f32 v14, v34  }
0x1d9: {  	v34 =	vshll.u32 v29, $0x10;
	v33 =	vmul.f32 v36, v33;
	v15 =	vadd.f32 v15, v37  }
0x1da: {  	v23 =	vmul.f32 v24, v23;
	v35 =	vadd.f32 $0.0e+00, v35;
	v24 =	vperm.xlane v14, v2  }
0x1db: {  	v22 =	vmul.f32 v25, v22;
	v33 =	vadd.f32 $0.0e+00, v33;
	v25 =	vperm.xlane v15, v2  }
0x1dc: {  	v28 =	vmul.f32 v34, v28;
	v23 =	vadd.f32 v35, v23;
	v24 =	vadd.f32 v14, v24  }
0x1dd: {  	v20 =	vmul.f32 v32, v20;
	v22 =	vadd.f32 v33, v22;
	v14 =	vld [tilespmem:s26+$0x70];
	v15 =	vadd.f32 v15, v25  }
0x1de: {  	v21 =	vmul.f32 v29, v21;
	v23 =	vadd.f32 v28, v23;
	v25 =	vld [tilespmem:s28+$0x70];
	v28 =	vperm.xlane v24, v3  }
0x1df: {  	v16 =	vmul.f32 v17, v16;
	v20 =	vadd.f32 v20, v22;
	v17 =	vld [tilespmem:s28+$0x30];
	v22 =	vperm.xlane v15, v3  }
0x1e0: {  	v21 =	vadd.f32 v23, v21;
	v23 =	vmul.f32 v31, v30;
	v29 =	vld [tilespmem:s26+$0x40];
	v24 =	vadd.f32 v24, v28  }
0x1e1: {  	v28 =	vld [tilespmem:s26+$0xFFFFFFC0];
	v16 =	vadd.f32 v20, v16;
	v20 =	vmul.f32 v27, v26;
	v15 =	vadd.f32 v15, v22  }
0x1e2: {  	v11 =	vmul.f32 v12, v11;
	v21 =	vadd.f32 v23, v21;
	v12 =	vld [tilespmem:s28+$0xFFFFFFC0];
	v5 =	vsel vm0, v24, v5  }
0x1e3: {  	v9 =	vmul.f32 v10, v9;
	v16 =	vadd.f32 v20, v16;
	v10 =	vld [tilespmem:s28+$0x40];
	v5 =	vsel vm1, v15, v5  }
0x1e4: {  	v15 =	vmul.f32 v19, v18;
	v11 =	vadd.f32 v21, v11;
	v18 =	vshll.u32 v17, $0x10;
	v19 =	vld [tilespmem:s26+$0x50]  }
0x1e5: {  	v20 =	vld [tilespmem:s26+$0xFFFFFFD0];
	v9 =	vadd.f32 v16, v9;
	v13 =	vmul.f32 v18, v13;
	v16 =	vshll.u32 v29, $0x10  }
0x1e6: {  	v7 =	vmul.f32 v8, v7;
	v11 =	vadd.f32 v15, v11;
	v8 =	vshll.u32 v28, $0x10;
	v15 =	vld [tilespmem:s28+$0xFFFFFFD0]  }
0x1e7: {  	v6 =	vmul.f32 v17, v6;
	v18 =	vshll.u32 v12, $0x10;
	v9 =	vadd.f32 v13, v9;
	v13 =	vld [tilespmem:s28+$0x50]  }
0x1e8: {  	v7 =	vadd.f32 v11, v7;
	v8 =	vmul.f32 v18, v8;
	v11 =	vshll.u32 v10, $0x10;
	v17 =	vld [tilespmem:s26+$0x60]  }
0x1e9: {  	v18 =	vld [tilespmem:s26+$0xFFFFFFE0];
	v6 =	vadd.f32 v9, v6;
	v9 =	vmul.f32 v11, v16;
	v11 =	vshll.u32 v19, $0x10  }
0x1ea: {  	v7 =	vadd.f32 v8, v7;
	v8 =	vmul.f32 v12, v28;
	v12 =	vshll.u32 v20, $0x10;
	v16 =	vld [tilespmem:s28+$0xFFFFFFE0]  }
0x1eb: {  	v21 =	vshll.u32 v15, $0x10;
	v6 =	vadd.f32 v9, v6;
	v9 =	vmul.f32 v10, v29;
	v22 =	vld [tilespmem:s28+$0x60]  }
0x1ec: {  	v7 =	vadd.f32 v7, v8;
	v8 =	vmul.f32 v21, v12;
	v21 =	vld [tilespmem:s26+$0xFFFFFFF0];
	v10 =	vshll.u32 v13, $0x10  }
0x1ed: {  	s26 =	sadd.s32 $0x100, s26;
	v23 =	vld [tilespmem:s28+$0xFFFFFFF0];
	v9 =	vadd.f32 v6, v9;
	v10 =	vmul.f32 v10, v11;
	v11 =	vshll.u32 v17, $0x10  }
0x1ee: {  	v15 =	vmul.f32 v15, v20;
	v6 =	vld [tilespmem:s26+$0x30];
	v12 =	vadd.f32 v8, v7;
	v20 =	vshll.u32 v18, $0x10  }
0x1ef: {  	v13 =	vmul.f32 v13, v19;
	s28 =	sadd.s32 $0x100, s28;
	v7 =	vld [tilespmem:s26+$0xFFFFFFB0];
	v24 =	vshll.u32 v16, $0x10;
	v10 =	vadd.f32 v10, v9  }
0x1f0: {  	v8 =	vld [tilespmem:s28+$0xFFFFFFB0];
	v12 =	vadd.f32 v12, v15;
	v15 =	vmul.f32 v24, v20;
	v19 =	vshll.u32 v22, $0x10  }
0x1f1: {  	v20 =	vshll.u32 v14, $0x10;
	v9 =	vld [tilespmem:s26+$0x20];
	v13 =	vadd.f32 v10, v13;
	v19 =	vmul.f32 v19, v11  }
0x1f2: {  	v16 =	vmul.f32 v16, v18;
	v18 =	vshll.u32 v21, $0x10;
	v10 =	vld [tilespmem:s28+$0x20];
	v15 =	vadd.f32 v15, v12  }
0x1f3: {  	v17 =	vmul.f32 v22, v17;
	v24 =	vshll.u32 v23, $0x10;
	v11 =	vld [tilespmem:s26+$0xFFFFFFA0];
	v13 =	vadd.f32 v19, v13  }
0x1f4: {  	v18 =	vmul.f32 v24, v18;
	v19 =	vshll.u32 v25, $0x10;
	v12 =	vld [tilespmem:s28+$0xFFFFFFA0];
	v15 =	vadd.f32 v15, v16  }
0x1f5: {  	v19 =	vmul.f32 v19, v20;
	v16 =	vld [tilespmem:s26+$0x10];
	v13 =	vadd.f32 v13, v17  }
.Ltmp4:
0x1f6: {  	v17 =	vld [tilespmem:s28+$0x10];
	v15 =	vadd.f32 v18, v15;
	v18 =	vmul.f32 v23, v21;
	(pc) =	sbr.rel @p1 .LBB2_12-.Ltmp4, $4  }
0x1f7: {  	s14 =	sadd.s32 $0x1, s24;
	v24 =	vmul.f32 v25, v14;
	v20 =	vmov s24;
	s24 =	smov.u32 s0;
	v21 =	vld [tilespmem:s26+$0xFFFFFF90];
	v19 =	vadd.f32 v19, v13  }
0x1f8: {  	vm0 =	veq.s32 v20, v4;
	v22 =	vld [tilespmem:s26+$0x0];
	v14 =	vadd.f32 v15, v18;
	v18 =	vmov s14  }
0x1f9: {  	v13 =	vshll.u32 v6, $0x10;
	v23 =	vld [tilespmem:s26+$0xFFFFFF80];
	v15 =	vadd.f32 v19, v24;
	vm1 =	veq.s32 v18, v4  }
0x1fa: {  	s0 =	sadd.s32 $0x2, s0;
	v18 =	vshll.u32 v7, $0x10;
	v19 =	vshll.u32 v8, $0x10;
	v24 =	vld [tilespmem:s28+$0xFFFFFF80];
	v20 =	vperm.xlane v14, v0  }
0x1fb: {  	v25 =	vld [tilespmem:s28+$0x0];
	_ =	sdelay $0x2  }
0x1fc: {  	v26 =	vld [tilespmem:s28+$0xFFFFFF90]  }
0x1fd: {  	v27 =	vshll.u32 v23, $0x10;
	v28 =	vshll.u32 v24, $0x10  }
0x1fe: {  	v29 =	vshll.u32 v22, $0x10;
	v27 =	vmul.f32 v28, v27;
	v57 =	vshll.u32 v25, $0x10  }
0x1ff: {  	v30 =	vshll.u32 v16, $0x10;
	v28 =	vmul.f32 v57, v29  }
0x200: {  	v58 =	vshll.u32 v21, $0x10;
	v59 =	vmul.f32 v24, v23;
	v27 =	vadd.f32 $0.0e+00, v27  }
0x201: {  	v60 =	vshll.u32 v26, $0x10;
	v61 =	vmul.f32 v25, v22;
	v28 =	vadd.f32 $0.0e+00, v28  }
0x202: {  	v62 =	vshll.u32 v17, $0x10;
	v24 =	vmul.f32 v60, v58;
	v23 =	vadd.f32 v27, v59  }
0x203: {  	v63 =	vshll.u32 v9, $0x10;
	v25 =	vmul.f32 v62, v30;
	v22 =	vadd.f32 v28, v61  }
0x204: {  	v32 =	vshll.u32 v11, $0x10;
	v33 =	vmul.f32 v26, v21;
	v23 =	vadd.f32 v24, v23  }
0x205: {  	v34 =	vshll.u32 v12, $0x10;
	v35 =	vmul.f32 v17, v16;
	v36 =	vld [tilespmem:s28+$0x30];
	v22 =	vadd.f32 v25, v22  }
0x206: {  	v37 =	vshll.u32 v10, $0x10;
	v39 =	vld [tilespmem:s26+$0x40];
	v38 =	vmul.f32 v34, v32;
	v21 =	vadd.f32 v23, v33  }
0x207: {  	v40 =	vld [tilespmem:s26+$0xFFFFFFC0];
	v41 =	vmul.f32 v37, v63;
	v16 =	vadd.f32 v22, v35  }
0x208: {  	v42 =	vmul.f32 v12, v11;
	v43 =	vld [tilespmem:s28+$0xFFFFFFC0];
	v21 =	vadd.f32 v38, v21  }
0x209: {  	v44 =	vmul.f32 v10, v9;
	v45 =	vld [tilespmem:s28+$0x40];
	v16 =	vadd.f32 v41, v16  }
0x20a: {  	v18 =	vmul.f32 v19, v18;
	v51 =	vld [tilespmem:s28+$0xFFFFFFD0];
	v46 =	vshll.u32 v36, $0x10;
	v11 =	vadd.f32 v21, v42  }
0x20b: {  	v48 =	vld [tilespmem:s26+$0xFFFFFFD0];
	v7 =	vmul.f32 v8, v7;
	v13 =	vmul.f32 v46, v13;
	v9 =	vadd.f32 v16, v44  }
0x20c: {  	v53 =	vld [tilespmem:s28+$0x50];
	v49 =	vshll.u32 v39, $0x10;
	v50 =	vshll.u32 v40, $0x10;
	v11 =	vadd.f32 v18, v11  }
0x20d: {  	v47 =	vld [tilespmem:s26+$0x50];
	v52 =	vshll.u32 v43, $0x10;
	v6 =	vmul.f32 v36, v6;
	v9 =	vadd.f32 v13, v9  }
0x20e: {  	v55 =	vld [tilespmem:s26+$0x60];
	v54 =	vshll.u32 v45, $0x10;
	v8 =	vmul.f32 v52, v50;
	v7 =	vadd.f32 v11, v7  }
0x20f: {  	v56 =	vld [tilespmem:s26+$0xFFFFFFE0];
	v62 =	vshll.u32 v51, $0x10;
	v57 =	vmul.f32 v54, v49;
	v6 =	vadd.f32 v9, v6  }
0x210: {  	v63 =	vmul.f32 v45, v39;
	v59 =	vmul.f32 v43, v40;
	v61 =	vld [tilespmem:s28+$0xFFFFFFE0];
	v7 =	vadd.f32 v8, v7  }
0x211: {  	v31 =	vshll.u32 v53, $0x10;
	v60 =	vshll.u32 v48, $0x10;
	v28 =	vld [tilespmem:s28+$0x60];
	v6 =	vadd.f32 v57, v6  }
0x212: {  	v32 =	vld [tilespmem:s26+$0xFFFFFFF0];
	v58 =	vshll.u32 v47, $0x10;
	v30 =	vmul.f32 v62, v60;
	v7 =	vadd.f32 v7, v59  }
0x213: {  	v34 =	vshll.u32 v55, $0x10;
	v29 =	vld [tilespmem:s26+$0x70];
	v33 =	vmul.f32 v31, v58;
	v6 =	vadd.f32 v6, v63  }
0x214: {  	v36 =	vmul.f32 v51, v48;
	v37 =	vshll.u32 v56, $0x10;
	v35 =	vld [tilespmem:s28+$0xFFFFFFF0];
	v7 =	vadd.f32 v30, v7  }
0x215: {  	v40 =	vmul.f32 v53, v47;
	v38 =	vld [tilespmem:s28+$0x70];
	v39 =	vshll.u32 v61, $0x10;
	v6 =	vadd.f32 v33, v6  }
0x216: {  	v41 =	vmul.f32 v39, v37;
	v42 =	vshll.u32 v28, $0x10;
	v7 =	vadd.f32 v7, v36  }
0x217: {  	v46 =	vshll.u32 v32, $0x10;
	v43 =	vmul.f32 v42, v34;
	v6 =	vadd.f32 v6, v40  }
0x218: {  	v45 =	vmul.f32 v61, v56;
	v48 =	vmul.f32 v28, v55;
	v7 =	vadd.f32 v41, v7  }
0x219: {  	v44 =	vshll.u32 v29, $0x10;
	v47 =	vshll.u32 v35, $0x10;
	v6 =	vadd.f32 v43, v6  }
0x21a: {  	v49 =	vmul.f32 v47, v46;
	v50 =	vshll.u32 v38, $0x10;
	v7 =	vadd.f32 v7, v45  }
0x21b: {  	v51 =	vmul.f32 v50, v44;
	v6 =	vadd.f32 v6, v48  }
0x21c: {  	v52 =	vmul.f32 v35, v32;
	v7 =	vadd.f32 v49, v7  }
0x21d: {  	v53 =	vmul.f32 v38, v29;
	v6 =	vadd.f32 v51, v6  }
0x21e: {  	v7 =	vadd.f32 v7, v52  }
0x21f: {  	v54 =	vperm.xlane v15, v0;
	v6 =	vadd.f32 v6, v53  }
0x220: {  	v55 =	vadd.f32 v14, v20;
	v57 =	vperm.xlane v7, v0  }
0x221: {  	v56 =	vadd.f32 v15, v54;
	v59 =	vperm.xlane v6, v0  }
0x222: {  	v58 =	vperm.xlane v55, v1;
	v7 =	vadd.f32 v7, v57  }
0x223: {  	v60 =	vperm.xlane v56, v1;
	v6 =	vadd.f32 v6, v59  }
0x224: {  	v8 =	vadd.f32 v55, v58;
	v10 =	vperm.xlane v7, v1  }
0x225: {  	v9 =	vadd.f32 v56, v60;
	v12 =	vperm.xlane v6, v1  }
0x226: {  	v11 =	vperm.xlane v8, v2;
	v7 =	vadd.f32 v7, v10  }
0x227: {  	v13 =	vperm.xlane v9, v2;
	v6 =	vadd.f32 v6, v12  }
0x228: {  	v8 =	vadd.f32 v8, v11;
	v10 =	vperm.xlane v7, v2  }
0x229: {  	v9 =	vadd.f32 v9, v13;
	v12 =	vperm.xlane v6, v2  }
0x22a: {  	v11 =	vperm.xlane v8, v3;
	v7 =	vadd.f32 v7, v10  }
0x22b: {  	v13 =	vperm.xlane v9, v3;
	v6 =	vadd.f32 v6, v12  }
0x22c: {  	v8 =	vadd.f32 v8, v11;
	v10 =	vperm.xlane v7, v3  }
0x22d: {  	v62 =	vmov s24;
	v9 =	vadd.f32 v9, v13;
	v61 =	vperm.xlane v6, v3  }
0x22e: {  	s0 =	sadd.s32 $0x1, s24;
	vm14 =	veq.s32 v62, v4;
	v5 =	vsel vm0, v8, v5;
	v7 =	vadd.f32 v7, v10  }
0x22f: {  	v63 =	vmov s0;
	v5 =	vsel vm1, v9, v5;
	v6 =	vadd.f32 v6, v61  }
0x230: {  	vm15 =	veq.s32 v63, v4;
	v5 =	vsel vm14, v7, v5  }
0x231: {  	v5 =	vsel vm15, v6, v5  }
0x232: {  	v5 =	vsub.f32 $0.0e+00, v5;
	_ =	sdelay $0x1  }
0x233: {  	v5 =	vmul.f32 $1.442695020e+00, v5;
	_ =	sdelay $0x1  }
0x234: {  	(erf) = vpow2.f32 v5;
	_ =	sdelay $0x8  }
0x235: {  	v5 =	vpop (erf)  }
0x236: {  	v5 =	vadd.f32 $1.000000000e+00, v5;
	_ =	sdelay $0x1  }
0x237: {  	(erf) = vrcp.f32 v5;
	_ =	sdelay $0x3  }
0x238: {  	s21 =	sadd.s32 $0x1, s21  }
0x239: {  	p1 =	sne.s32 s21, $0x4  }
.Ltmp5:
0x23a: {  	_ = 	snop;
	(pc) =	sbr.rel @p1 .LBB2_11-.Ltmp5, $3  }
0x23b: {  	_ =	sdelay $0x1  }
0x23c: {  	v5 =	vpop (erf)  }
0x23d: {  	s19 =	sadd.s32 $0x800, s19;
	s20 =	sadd.s32 $0x800, s20;
	[tilespmem:s23+$0x1C400] =	vst v5  }
0x23e: {  	s0 =	sadd.s32 s7, s16;
	s11 =	simm.s32 $0x1C400  }
0x23f: {  	[hbm4b:s0+s3] =	stream.linear.scatter [tilespmem:s11], [sflag:$0x7], $0x80, $0x38;
	[tilespmem:$0x1C500] =	vst v63  }
0x240: {  	_ =	swait.ge [sflag:s17], $0x80  }
0x241: {  	[sflag:s17] =	ssyncset.done $0x0  }
0x242: {  	s0 =	simm.s32 @!p0 $0x3;
	[sflag:s17] =	ssyncadd.s32 $0xFFFFFF80  }
0x243: {  	_ =	swait.ge @!p0 [sflag:s0], $0x80  }
0x244: {  	[sflag:s0] =	ssyncset.done @!p0 $0x0  }
0x245: {  	[sflag:s0] =	ssyncadd.s32 @!p0 $0xFFFFFF80  }
0x246: {  	_ =	swait.ge @!p0 [sflag:s0], $0x80  }
0x247: {  	s14 =	simm.s32 @!p0 $0x14400;
	[sflag:s0] =	ssyncset.done @!p0 $0x0  }
0x248: {  	s11 =	simm.s32 @!p0 $0x14000;
	[sflag:s0] =	ssyncadd.s32 @!p0 $0xFFFFFF80;
	s0 =	simm.s32 @!p0 $0x40  }
0x249: {  	[tilespmem:s14], [sflag:$0x1] =	stream.indirect.gather @!p0 [spmem:s2], $0x80, s11, s0, $0xb8;
	[tilespmem:$0x1C500] =	vst v63  }
0x24a: {  	s11 =	simm.s32 @!p0 $0x14200;
	s14 =	simm.s32 @!p0 $0x18400  }
0x24b: {  	[tilespmem:s14], [sflag:$0x1] =	stream.indirect.gather @!p0 [spmem:s2], $0x80, s11, s0, $0xb8;
	[tilespmem:$0x1C500] =	vst v63  }
0x24c: {  	s0 =	sadd.s32 @!p0 $0x5, s13  }
0x24d: {  	s11 =	sadd.s32 @!p0 s5, s0  }
0x24e: {  	s0 =	sshll.u32 @!p0 s0, $0x4;
	s11 =	sshll.u32 @!p0 s11, $0x4  }
0x24f: {  	s0 =	sand.u32 @!p0 $0x50, s0;
	s11 =	sand.u32 @!p0 $0xFFFFF80, s11  }
0x250: {  	s0 =	sor.u32 @!p0 s0, s11  }
0x251: {  	s13 =	simm.s32 @!p0 $0x0;
	s14 =	simm.s32 @!p0 $0x14080;
	s11 =	sadd.s32 @!p0 s4, s0  }
0x252: {  	[tilespmem:s14], [sflag:$0x4] =	stream.linear.gather @!p0 [hbm4b:s11+s13], $0x80, $0x38;
	[tilespmem:$0x1C500] =	vst v63  }
0x253: {  	s0 =	sadd.s32 @!p0 s6, s0;
	s11 =	simm.s32 @!p0 $0x14280  }
0x254: {  	[tilespmem:s11], [sflag:$0x4] =	stream.linear.gather @!p0 [hbm4b:s0+s13], $0x80, $0x38;
	[tilespmem:$0x1C500] =	vst v63  }
0x255: {  	_ =	swait.ge [sflag:s8], $0x2000  }
0x256: {  	[sflag:s8] =	ssyncset.done $0x0  }
0x257: {  	[sflag:s8] =	ssyncadd.s32 $0xFFFFE000  }
0x258: {  	_ =	swait.ge [sflag:s8], $0x2000  }
0x259: {  	s16 =	simm.s32 $0x1A4F0;
	s19 =	simm.s32 $0x0;
	[sflag:s8] =	ssyncset.done $0x0  }
0x25a: {  	s11 =	simm.s32 $0x0;
	s13 =	simm.s32 $0x164F0;
	[sflag:s8] =	ssyncadd.s32 $0xFFFFE000  }
.LBB2_15:
0x25b: {  	v5 =	vld [tilespmem:s13+$0xFFFFFFC0]  }
0x25c: {  	v7 =	vld [tilespmem:s13+$0xFFFFFF90]  }
0x25d: {  	v8 =	vld [tilespmem:s13+$0xFFFFFF10]  }
0x25e: {  	v9 =	vld [tilespmem:s16+$0xFFFFFF10]  }
0x25f: {  	v10 =	vld [tilespmem:s16+$0xFFFFFF90]  }
0x260: {  	v11 =	vld [tilespmem:s13+$0xFFFFFFA0]  }
0x261: {  	v12 =	vld [tilespmem:s13+$0xFFFFFF20]  }
0x262: {  	v13 =	vld [tilespmem:s16+$0xFFFFFF20]  }
0x263: {  	v14 =	vld [tilespmem:s16+$0xFFFFFFA0]  }
0x264: {  	v6 =	vld [tilespmem:s13+$0xFFFFFF40];
	v15 =	vshll.u32 v8, $0x10;
	v16 =	vshll.u32 v9, $0x10  }
0x265: {  	v17 =	vld [tilespmem:s13+$0xFFFFFFB0];
	v18 =	vshll.u32 v7, $0x10;
	v15 =	vmul.f32 v16, v15;
	v16 =	vshll.u32 v10, $0x10  }
0x266: {  	v19 =	vld [tilespmem:s13+$0xFFFFFF30];
	v20 =	vshll.u32 v11, $0x10;
	v21 =	vshll.u32 v12, $0x10;
	v16 =	vmul.f32 v16, v18  }
0x267: {  	v8 =	vmul.f32 v9, v8;
	v22 =	vshll.u32 v13, $0x10;
	v18 =	vld [tilespmem:s16+$0xFFFFFF30];
	v15 =	vadd.f32 $0.0e+00, v15  }
0x268: {  	v9 =	vld [tilespmem:s16+$0xFFFFFFB0];
	v7 =	vmul.f32 v10, v7;
	v23 =	vshll.u32 v14, $0x10;
	v16 =	vadd.f32 $0.0e+00, v16  }
0x269: {  	v12 =	vmul.f32 v13, v12;
	v13 =	vld [tilespmem:s16+$0x0];
	v8 =	vadd.f32 v15, v8;
	v15 =	vmul.f32 v22, v21  }
0x26a: {  	v11 =	vmul.f32 v14, v11;
	v14 =	vld [tilespmem:s16+$0xFFFFFFC0];
	v7 =	vadd.f32 v16, v7;
	v16 =	vmul.f32 v23, v20  }
0x26b: {  	v10 =	vld [tilespmem:s16+$0xFFFFFF40];
	v21 =	vshll.u32 v17, $0x10;
	v8 =	vadd.f32 v15, v8  }
0x26c: {  	v22 =	vshll.u32 v19, $0x10;
	v20 =	vld [tilespmem:s13+$0x0];
	v15 =	vshll.u32 v18, $0x10;
	v7 =	vadd.f32 v16, v7  }
0x26d: {  	v23 =	vld [tilespmem:s13+$0xFFFFFF50];
	v16 =	vshll.u32 v9, $0x10;
	v8 =	vadd.f32 v8, v12;
	v12 =	vmul.f32 v15, v22  }
0x26e: {  	v9 =	vmul.f32 v9, v17;
	v15 =	vld [tilespmem:s13+$0xFFFFFFD0];
	v7 =	vadd.f32 v7, v11;
	v11 =	vmul.f32 v16, v21  }
0x26f: {  	v22 =	vshll.u32 v5, $0x10;
	v8 =	vadd.f32 v12, v8;
	v12 =	vmul.f32 v18, v19;
	v18 =	vld [tilespmem:s16+$0xFFFFFF50]  }
0x270: {  	v16 =	vshll.u32 v6, $0x10;
	v19 =	vshll.u32 v10, $0x10;
	v7 =	vadd.f32 v11, v7;
	v11 =	vld [tilespmem:s16+$0xFFFFFFD0]  }
0x271: {  	v17 =	vld [tilespmem:s13+$0xFFFFFFE0];
	v8 =	vadd.f32 v8, v12;
	v12 =	vmul.f32 v19, v16;
	v16 =	vshll.u32 v14, $0x10  }
0x272: {  	v5 =	vmul.f32 v14, v5;
	v19 =	vld [tilespmem:s13+$0xFFFFFF60];
	v7 =	vadd.f32 v7, v9;
	v9 =	vmul.f32 v16, v22  }
0x273: {  	v6 =	vmul.f32 v10, v6;
	v10 =	vshll.u32 v23, $0x10;
	v8 =	vadd.f32 v12, v8;
	v12 =	vld [tilespmem:s16+$0xFFFFFF60]  }
0x274: {  	v16 =	vshll.u32 v15, $0x10;
	v21 =	vshll.u32 v18, $0x10;
	v7 =	vadd.f32 v9, v7;
	v9 =	vld [tilespmem:s16+$0xFFFFFFE0]  }
0x275: {  	v14 =	vld [tilespmem:s13+$0xFFFFFFF0];
	v6 =	vadd.f32 v8, v6;
	v8 =	vmul.f32 v21, v10;
	v10 =	vshll.u32 v11, $0x10  }
0x276: {  	v21 =	vld [tilespmem:s13+$0xFFFFFF70];
	v5 =	vadd.f32 v7, v5;
	v7 =	vmul.f32 v10, v16;
	v10 =	vshll.u32 v17, $0x10  }
0x277: {  	v16 =	vshll.u32 v19, $0x10;
	v6 =	vadd.f32 v8, v6;
	v8 =	vmul.f32 v18, v23;
	v18 =	vld [tilespmem:s16+$0xFFFFFF70]  }
0x278: {  	v22 =	vshll.u32 v12, $0x10;
	v5 =	vadd.f32 v7, v5;
	v7 =	vmul.f32 v11, v15;
	v15 =	vld [tilespmem:s16+$0xFFFFFFF0]  }
0x279: {  	v23 =	vld [tilespmem:s16+$0xFFFFFF80];
	v8 =	vadd.f32 v6, v8;
	v11 =	vmul.f32 v22, v16;
	v6 =	vshll.u32 v9, $0x10  }
0x27a: {  	s23 =	sadd.s32 $0x100, s13;
	v12 =	vmul.f32 v12, v19;
	v22 =	vld [tilespmem:s13+$0xFFFFFF80];
	v5 =	vadd.f32 v5, v7;
	v10 =	vmul.f32 v6, v10  }
0x27b: {  	v16 =	vshll.u32 v14, $0x10;
	v6 =	vld [tilespmem:s23+$0xFFFFFFC0];
	v19 =	vshll.u32 v21, $0x10;
	v11 =	vadd.f32 v11, v8  }
0x27c: {  	s24 =	sadd.s32 $0x100, s16;
	v7 =	vld [tilespmem:s23+$0xFFFFFF40];
	v24 =	vshll.u32 v18, $0x10;
	v5 =	vadd.f32 v10, v5;
	v10 =	vmul.f32 v9, v17  }
0x27d: {  	v8 =	vld [tilespmem:s24+$0xFFFFFF40];
	v11 =	vadd.f32 v11, v12;
	v12 =	vmul.f32 v24, v19;
	v17 =	vshll.u32 v15, $0x10  }
0x27e: {  	v9 =	vld [tilespmem:s23+$0xFFFFFFB0];
	v18 =	vmul.f32 v18, v21;
	v5 =	vadd.f32 v5, v10;
	v16 =	vmul.f32 v17, v16  }
0x27f: {  	v24 =	vshll.u32 v23, $0x10;
	v14 =	vmul.f32 v15, v14;
	v10 =	vld [tilespmem:s24+$0xFFFFFFB0];
	v19 =	vadd.f32 v12, v11  }
0x280: {  	v17 =	vshll.u32 v20, $0x10;
	v21 =	vshll.u32 v22, $0x10;
	v11 =	vld [tilespmem:s23+$0xFFFFFF30];
	v5 =	vadd.f32 v16, v5  }
0x281: {  	v12 =	vld [tilespmem:s24+$0xFFFFFF30];
	v15 =	vadd.f32 v19, v18;
	v18 =	vmul.f32 v24, v21;
	v19 =	vshll.u32 v13, $0x10  }
0x282: {  	v16 =	vld [tilespmem:s23+$0xFFFFFFA0];
	v14 =	vadd.f32 v5, v14;
	v19 =	vmul.f32 v19, v17  }
0x283: {  	v20 =	vmul.f32 v13, v20;
	v21 =	vld [tilespmem:s23+$0xFFFFFF20];
	v15 =	vadd.f32 v18, v15;
	v18 =	vmul.f32 v23, v22  }
0x284: {  	s0 =	simm.s32 $0x1;
	v13 =	vshll.u32 v6, $0x10;
	v24 =	vld [tilespmem:s24+$0xFFFFFF10];
	v5 =	vimm.f32 $0.0e+00;
	v19 =	vadd.f32 v19, v14  }
0x285: {  	v17 =	vld [tilespmem:s24+$0xFFFFFFA0];
	v23 =	vmov s11;
	v14 =	vadd.f32 v15, v18;
	v18 =	vmov s0  }
0x286: {  	v22 =	vld [tilespmem:s23+$0xFFFFFF90];
	vm0 =	veq.s32 v23, v4;
	v15 =	vadd.f32 v19, v20;
	vm1 =	veq.s32 v18, v4  }
0x287: {  	s20 =	sshll.u32 s19, $0x4;
	s21 =	simm.s32 $0x2;
	v23 =	vld [tilespmem:s23+$0xFFFFFF10];
	s0 =	simm.s32 $0x4;
	v18 =	vshll.u32 v7, $0x10;
	v19 =	vshll.u32 v8, $0x10;
	v20 =	vperm.xlane v14, v0  }
.LBB2_16:
0x288: {  	p0 =	slt.u32 s0, $0xE;
	v25 =	vld [tilespmem:s24+$0xFFFFFF90];
	v26 =	vshll.u32 v9, $0x10;
	v27 =	vshll.u32 v10, $0x10;
	v28 =	vperm.xlane v15, v0  }
0x289: {  	v30 =	vshll.u32 v11, $0x10;
	v31 =	vshll.u32 v12, $0x10;
	v29 =	vld [tilespmem:s24+$0xFFFFFF20];
	v14 =	vadd.f32 v14, v20  }
0x28a: {  	v32 =	vshll.u32 v17, $0x10;
	v20 =	vshll.u32 v16, $0x10;
	v15 =	vadd.f32 v15, v28  }
0x28b: {  	v28 =	vshll.u32 v21, $0x10;
	v33 =	vshll.u32 v22, $0x10;
	v34 =	vperm.xlane v14, v1  }
0x28c: {  	v35 =	vshll.u32 v23, $0x10;
	v36 =	vshll.u32 v24, $0x10;
	v37 =	vperm.xlane v15, v1  }
0x28d: {  	v35 =	vmul.f32 v36, v35;
	v36 =	vshll.u32 v25, $0x10;
	v14 =	vadd.f32 v14, v34  }
0x28e: {  	v34 =	vshll.u32 v29, $0x10;
	v33 =	vmul.f32 v36, v33;
	v15 =	vadd.f32 v15, v37  }
0x28f: {  	v23 =	vmul.f32 v24, v23;
	v35 =	vadd.f32 $0.0e+00, v35;
	v24 =	vperm.xlane v14, v2  }
0x290: {  	v22 =	vmul.f32 v25, v22;
	v33 =	vadd.f32 $0.0e+00, v33;
	v25 =	vperm.xlane v15, v2  }
0x291: {  	v28 =	vmul.f32 v34, v28;
	v23 =	vadd.f32 v35, v23;
	v24 =	vadd.f32 v14, v24  }
0x292: {  	v20 =	vmul.f32 v32, v20;
	v22 =	vadd.f32 v33, v22;
	v14 =	vld [tilespmem:s23+$0x0];
	v15 =	vadd.f32 v15, v25  }
0x293: {  	v21 =	vmul.f32 v29, v21;
	v23 =	vadd.f32 v28, v23;
	v25 =	vld [tilespmem:s24+$0x0];
	v28 =	vperm.xlane v24, v3  }
0x294: {  	v16 =	vmul.f32 v17, v16;
	v20 =	vadd.f32 v20, v22;
	v17 =	vld [tilespmem:s24+$0xFFFFFFC0];
	v22 =	vperm.xlane v15, v3  }
0x295: {  	v21 =	vadd.f32 v23, v21;
	v23 =	vmul.f32 v31, v30;
	v29 =	vld [tilespmem:s23+$0xFFFFFFD0];
	v24 =	vadd.f32 v24, v28  }
0x296: {  	v28 =	vld [tilespmem:s23+$0xFFFFFF50];
	v16 =	vadd.f32 v20, v16;
	v20 =	vmul.f32 v27, v26;
	v15 =	vadd.f32 v15, v22  }
0x297: {  	v11 =	vmul.f32 v12, v11;
	v21 =	vadd.f32 v23, v21;
	v12 =	vld [tilespmem:s24+$0xFFFFFF50];
	v5 =	vsel vm0, v24, v5  }
0x298: {  	v9 =	vmul.f32 v10, v9;
	v16 =	vadd.f32 v20, v16;
	v10 =	vld [tilespmem:s24+$0xFFFFFFD0];
	v5 =	vsel vm1, v15, v5  }
0x299: {  	v15 =	vmul.f32 v19, v18;
	v11 =	vadd.f32 v21, v11;
	v18 =	vshll.u32 v17, $0x10;
	v19 =	vld [tilespmem:s23+$0xFFFFFFE0]  }
0x29a: {  	v20 =	vld [tilespmem:s23+$0xFFFFFF60];
	v9 =	vadd.f32 v16, v9;
	v13 =	vmul.f32 v18, v13;
	v16 =	vshll.u32 v29, $0x10  }
0x29b: {  	v7 =	vmul.f32 v8, v7;
	v11 =	vadd.f32 v15, v11;
	v8 =	vshll.u32 v28, $0x10;
	v15 =	vld [tilespmem:s24+$0xFFFFFF60]  }
0x29c: {  	v6 =	vmul.f32 v17, v6;
	v18 =	vshll.u32 v12, $0x10;
	v9 =	vadd.f32 v13, v9;
	v13 =	vld [tilespmem:s24+$0xFFFFFFE0]  }
0x29d: {  	v7 =	vadd.f32 v11, v7;
	v8 =	vmul.f32 v18, v8;
	v11 =	vshll.u32 v10, $0x10;
	v17 =	vld [tilespmem:s23+$0xFFFFFFF0]  }
0x29e: {  	v18 =	vld [tilespmem:s23+$0xFFFFFF70];
	v6 =	vadd.f32 v9, v6;
	v9 =	vmul.f32 v11, v16;
	v11 =	vshll.u32 v19, $0x10  }
0x29f: {  	v7 =	vadd.f32 v8, v7;
	v8 =	vmul.f32 v12, v28;
	v12 =	vshll.u32 v20, $0x10;
	v16 =	vld [tilespmem:s24+$0xFFFFFF70]  }
0x2a0: {  	v21 =	vshll.u32 v15, $0x10;
	v6 =	vadd.f32 v9, v6;
	v9 =	vmul.f32 v10, v29;
	v22 =	vld [tilespmem:s24+$0xFFFFFFF0]  }
0x2a1: {  	v7 =	vadd.f32 v7, v8;
	v8 =	vmul.f32 v21, v12;
	v21 =	vld [tilespmem:s23+$0xFFFFFF80];
	v10 =	vshll.u32 v13, $0x10  }
0x2a2: {  	s23 =	sadd.s32 $0x100, s23;
	v23 =	vld [tilespmem:s24+$0xFFFFFF80];
	v9 =	vadd.f32 v6, v9;
	v10 =	vmul.f32 v10, v11;
	v11 =	vshll.u32 v17, $0x10  }
0x2a3: {  	v15 =	vmul.f32 v15, v20;
	v6 =	vld [tilespmem:s23+$0xFFFFFFC0];
	v12 =	vadd.f32 v8, v7;
	v20 =	vshll.u32 v18, $0x10  }
0x2a4: {  	v13 =	vmul.f32 v13, v19;
	s24 =	sadd.s32 $0x100, s24;
	v7 =	vld [tilespmem:s23+$0xFFFFFF40];
	v24 =	vshll.u32 v16, $0x10;
	v10 =	vadd.f32 v10, v9  }
0x2a5: {  	v8 =	vld [tilespmem:s24+$0xFFFFFF40];
	v12 =	vadd.f32 v12, v15;
	v15 =	vmul.f32 v24, v20;
	v19 =	vshll.u32 v22, $0x10  }
0x2a6: {  	v20 =	vshll.u32 v14, $0x10;
	v9 =	vld [tilespmem:s23+$0xFFFFFFB0];
	v13 =	vadd.f32 v10, v13;
	v19 =	vmul.f32 v19, v11  }
0x2a7: {  	v16 =	vmul.f32 v16, v18;
	v18 =	vshll.u32 v21, $0x10;
	v10 =	vld [tilespmem:s24+$0xFFFFFFB0];
	v15 =	vadd.f32 v15, v12  }
0x2a8: {  	v17 =	vmul.f32 v22, v17;
	v24 =	vshll.u32 v23, $0x10;
	v11 =	vld [tilespmem:s23+$0xFFFFFF30];
	v13 =	vadd.f32 v19, v13  }
0x2a9: {  	v18 =	vmul.f32 v24, v18;
	v19 =	vshll.u32 v25, $0x10;
	v12 =	vld [tilespmem:s24+$0xFFFFFF30];
	v15 =	vadd.f32 v15, v16  }
0x2aa: {  	v19 =	vmul.f32 v19, v20;
	v16 =	vld [tilespmem:s23+$0xFFFFFFA0];
	v13 =	vadd.f32 v13, v17  }
.Ltmp6:
0x2ab: {  	v17 =	vld [tilespmem:s24+$0xFFFFFFA0];
	v15 =	vadd.f32 v18, v15;
	v18 =	vmul.f32 v23, v21;
	(pc) =	sbr.rel @p0 .LBB2_16-.Ltmp6, $4  }
0x2ac: {  	s14 =	sadd.s32 $0x1, s21;
	v24 =	vmul.f32 v25, v14;
	v20 =	vmov s21;
	s21 =	smov.u32 s0;
	v21 =	vld [tilespmem:s23+$0xFFFFFF20];
	v19 =	vadd.f32 v19, v13  }
0x2ad: {  	vm0 =	veq.s32 v20, v4;
	v22 =	vld [tilespmem:s23+$0xFFFFFF90];
	v14 =	vadd.f32 v15, v18;
	v18 =	vmov s14  }
0x2ae: {  	v13 =	vshll.u32 v6, $0x10;
	v23 =	vld [tilespmem:s23+$0xFFFFFF10];
	v15 =	vadd.f32 v19, v24;
	vm1 =	veq.s32 v18, v4  }
0x2af: {  	s0 =	sadd.s32 $0x2, s0;
	v18 =	vshll.u32 v7, $0x10;
	v19 =	vshll.u32 v8, $0x10;
	v24 =	vld [tilespmem:s24+$0xFFFFFF10];
	v20 =	vperm.xlane v14, v0  }
0x2b0: {  	v25 =	vld [tilespmem:s24+$0xFFFFFF90];
	_ =	sdelay $0x2  }
0x2b1: {  	v26 =	vld [tilespmem:s24+$0xFFFFFF20]  }
0x2b2: {  	v27 =	vshll.u32 v23, $0x10;
	v28 =	vshll.u32 v24, $0x10  }
0x2b3: {  	v29 =	vshll.u32 v22, $0x10;
	v27 =	vmul.f32 v28, v27;
	v57 =	vshll.u32 v25, $0x10  }
0x2b4: {  	v30 =	vshll.u32 v16, $0x10;
	v28 =	vmul.f32 v57, v29  }
0x2b5: {  	v58 =	vshll.u32 v21, $0x10;
	v59 =	vmul.f32 v24, v23;
	v27 =	vadd.f32 $0.0e+00, v27  }
0x2b6: {  	v60 =	vshll.u32 v26, $0x10;
	v61 =	vmul.f32 v25, v22;
	v28 =	vadd.f32 $0.0e+00, v28  }
0x2b7: {  	v62 =	vshll.u32 v17, $0x10;
	v24 =	vmul.f32 v60, v58;
	v23 =	vadd.f32 v27, v59  }
0x2b8: {  	v63 =	vshll.u32 v9, $0x10;
	v25 =	vmul.f32 v62, v30;
	v22 =	vadd.f32 v28, v61  }
0x2b9: {  	v32 =	vshll.u32 v11, $0x10;
	v33 =	vmul.f32 v26, v21;
	v23 =	vadd.f32 v24, v23  }
0x2ba: {  	v34 =	vshll.u32 v12, $0x10;
	v35 =	vmul.f32 v17, v16;
	v36 =	vld [tilespmem:s24+$0xFFFFFFC0];
	v22 =	vadd.f32 v25, v22  }
0x2bb: {  	v37 =	vshll.u32 v10, $0x10;
	v39 =	vld [tilespmem:s23+$0xFFFFFFD0];
	v38 =	vmul.f32 v34, v32;
	v21 =	vadd.f32 v23, v33  }
0x2bc: {  	v40 =	vld [tilespmem:s23+$0xFFFFFF50];
	v41 =	vmul.f32 v37, v63;
	v16 =	vadd.f32 v22, v35  }
0x2bd: {  	v42 =	vmul.f32 v12, v11;
	v43 =	vld [tilespmem:s24+$0xFFFFFF50];
	v21 =	vadd.f32 v38, v21  }
0x2be: {  	v44 =	vmul.f32 v10, v9;
	v45 =	vld [tilespmem:s24+$0xFFFFFFD0];
	v16 =	vadd.f32 v41, v16  }
0x2bf: {  	v18 =	vmul.f32 v19, v18;
	v51 =	vld [tilespmem:s24+$0xFFFFFF60];
	v46 =	vshll.u32 v36, $0x10;
	v11 =	vadd.f32 v21, v42  }
0x2c0: {  	v48 =	vld [tilespmem:s23+$0xFFFFFF60];
	v7 =	vmul.f32 v8, v7;
	v13 =	vmul.f32 v46, v13;
	v9 =	vadd.f32 v16, v44  }
0x2c1: {  	v53 =	vld [tilespmem:s24+$0xFFFFFFE0];
	v49 =	vshll.u32 v39, $0x10;
	v50 =	vshll.u32 v40, $0x10;
	v11 =	vadd.f32 v18, v11  }
0x2c2: {  	v47 =	vld [tilespmem:s23+$0xFFFFFFE0];
	v52 =	vshll.u32 v43, $0x10;
	v6 =	vmul.f32 v36, v6;
	v9 =	vadd.f32 v13, v9  }
0x2c3: {  	v55 =	vld [tilespmem:s23+$0xFFFFFFF0];
	v54 =	vshll.u32 v45, $0x10;
	v8 =	vmul.f32 v52, v50;
	v7 =	vadd.f32 v11, v7  }
0x2c4: {  	v56 =	vld [tilespmem:s23+$0xFFFFFF70];
	v62 =	vshll.u32 v51, $0x10;
	v57 =	vmul.f32 v54, v49;
	v6 =	vadd.f32 v9, v6  }
0x2c5: {  	v63 =	vmul.f32 v45, v39;
	v59 =	vmul.f32 v43, v40;
	v61 =	vld [tilespmem:s24+$0xFFFFFF70];
	v7 =	vadd.f32 v8, v7  }
0x2c6: {  	v31 =	vshll.u32 v53, $0x10;
	v60 =	vshll.u32 v48, $0x10;
	v28 =	vld [tilespmem:s24+$0xFFFFFFF0];
	v6 =	vadd.f32 v57, v6  }
0x2c7: {  	v32 =	vld [tilespmem:s23+$0xFFFFFF80];
	v58 =	vshll.u32 v47, $0x10;
	v30 =	vmul.f32 v62, v60;
	v7 =	vadd.f32 v7, v59  }
0x2c8: {  	v34 =	vshll.u32 v55, $0x10;
	v29 =	vld [tilespmem:s23+$0x0];
	v33 =	vmul.f32 v31, v58;
	v6 =	vadd.f32 v6, v63  }
0x2c9: {  	v36 =	vmul.f32 v51, v48;
	v37 =	vshll.u32 v56, $0x10;
	v35 =	vld [tilespmem:s24+$0xFFFFFF80];
	v7 =	vadd.f32 v30, v7  }
0x2ca: {  	v40 =	vmul.f32 v53, v47;
	v38 =	vld [tilespmem:s24+$0x0];
	v39 =	vshll.u32 v61, $0x10;
	v6 =	vadd.f32 v33, v6  }
0x2cb: {  	v41 =	vmul.f32 v39, v37;
	v42 =	vshll.u32 v28, $0x10;
	v7 =	vadd.f32 v7, v36  }
0x2cc: {  	v46 =	vshll.u32 v32, $0x10;
	v43 =	vmul.f32 v42, v34;
	v6 =	vadd.f32 v6, v40  }
0x2cd: {  	v45 =	vmul.f32 v61, v56;
	v48 =	vmul.f32 v28, v55;
	v7 =	vadd.f32 v41, v7  }
0x2ce: {  	v44 =	vshll.u32 v29, $0x10;
	v47 =	vshll.u32 v35, $0x10;
	v6 =	vadd.f32 v43, v6  }
0x2cf: {  	v49 =	vmul.f32 v47, v46;
	v50 =	vshll.u32 v38, $0x10;
	v7 =	vadd.f32 v7, v45  }
0x2d0: {  	v51 =	vmul.f32 v50, v44;
	v6 =	vadd.f32 v6, v48  }
0x2d1: {  	v52 =	vmul.f32 v35, v32;
	v7 =	vadd.f32 v49, v7  }
0x2d2: {  	v53 =	vmul.f32 v38, v29;
	v6 =	vadd.f32 v51, v6  }
0x2d3: {  	v7 =	vadd.f32 v7, v52  }
0x2d4: {  	v54 =	vperm.xlane v15, v0;
	v6 =	vadd.f32 v6, v53  }
0x2d5: {  	v55 =	vadd.f32 v14, v20;
	v57 =	vperm.xlane v7, v0  }
0x2d6: {  	v56 =	vadd.f32 v15, v54;
	v59 =	vperm.xlane v6, v0  }
0x2d7: {  	v58 =	vperm.xlane v55, v1;
	v7 =	vadd.f32 v7, v57  }
0x2d8: {  	v60 =	vperm.xlane v56, v1;
	v6 =	vadd.f32 v6, v59  }
0x2d9: {  	v8 =	vadd.f32 v55, v58;
	v10 =	vperm.xlane v7, v1  }
0x2da: {  	v9 =	vadd.f32 v56, v60;
	v12 =	vperm.xlane v6, v1  }
0x2db: {  	v11 =	vperm.xlane v8, v2;
	v7 =	vadd.f32 v7, v10  }
0x2dc: {  	v13 =	vperm.xlane v9, v2;
	v6 =	vadd.f32 v6, v12  }
0x2dd: {  	v8 =	vadd.f32 v8, v11;
	v10 =	vperm.xlane v7, v2  }
0x2de: {  	v9 =	vadd.f32 v9, v13;
	v12 =	vperm.xlane v6, v2  }
0x2df: {  	v11 =	vperm.xlane v8, v3;
	v7 =	vadd.f32 v7, v10  }
0x2e0: {  	v13 =	vperm.xlane v9, v3;
	v6 =	vadd.f32 v6, v12  }
0x2e1: {  	v8 =	vadd.f32 v8, v11;
	v10 =	vperm.xlane v7, v3  }
0x2e2: {  	v62 =	vmov s21;
	v9 =	vadd.f32 v9, v13;
	v61 =	vperm.xlane v6, v3  }
0x2e3: {  	s0 =	sadd.s32 $0x1, s21;
	vm14 =	veq.s32 v62, v4;
	v5 =	vsel vm0, v8, v5;
	v7 =	vadd.f32 v7, v10  }
0x2e4: {  	v63 =	vmov s0;
	v5 =	vsel vm1, v9, v5;
	v6 =	vadd.f32 v6, v61  }
0x2e5: {  	vm15 =	veq.s32 v63, v4;
	v5 =	vsel vm14, v7, v5  }
0x2e6: {  	v5 =	vsel vm15, v6, v5  }
0x2e7: {  	v5 =	vsub.f32 $0.0e+00, v5;
	_ =	sdelay $0x1  }
0x2e8: {  	v5 =	vmul.f32 $1.442695020e+00, v5;
	_ =	sdelay $0x1  }
0x2e9: {  	(erf) = vpow2.f32 v5;
	_ =	sdelay $0x8  }
0x2ea: {  	v5 =	vpop (erf)  }
0x2eb: {  	v5 =	vadd.f32 $1.000000000e+00, v5;
	_ =	sdelay $0x1  }
0x2ec: {  	(erf) = vrcp.f32 v5;
	_ =	sdelay $0x3  }
0x2ed: {  	s19 =	sadd.s32 $0x1, s19  }
0x2ee: {  	p0 =	sne.s32 s19, $0x4  }
.Ltmp7:
0x2ef: {  	_ = 	snop;
	(pc) =	sbr.rel @p0 .LBB2_15-.Ltmp7, $3  }
0x2f0: {  	_ =	sdelay $0x1  }
0x2f1: {  	v5 =	vpop (erf)  }
0x2f2: {  	s13 =	sadd.s32 $0x800, s13;
	s16 =	sadd.s32 $0x800, s16;
	[tilespmem:s20+$0x1C480] =	vst v5  }
0x2f3: {  	s12 =	sadd.s32 $0x1, s12  }
0x2f4: {  	p0 =	sne.s32 s12, $0x14  }
.Ltmp8:
0x2f5: {  	s0 =	sadd.s32 s7, s15;
	(pc) =	sbr.rel @p0 .LBB2_2-.Ltmp8, $4  }
0x2f6: {  	[hbm4b:s0+s3] =	stream.linear.scatter [tilespmem:s9], [sflag:$0x7], $0x80, $0x38;
	[tilespmem:$0x1C500] =	vst v63  }
0x2f7: {  	_ =	swait.ge [sflag:s17], $0x80  }
0x2f8: {  	[sflag:s17] =	ssyncset.done $0x0  }
0x2f9: {  	[sflag:s17] =	ssyncadd.s32 $0xFFFFFF80  }
0x2fa: {  	s11 =	rddreg [dreg:$0xb]  }
0x2fb: {  	s0 =	rddreg [dreg:$0x9];
	s11 =	sadd.s32 $0x1, s11  }
0x2fc: {  	p0 =	sne.s32 s11, s0  }
.Ltmp9:
0x2fd: {  	_ = 	snop;
	(pc) =	sbr.rel @p0 .LBB2_1-.Ltmp9, $1  }
0x2fe: {  	_ =	sdelay $0x3  }
0x2ff: {  	_ =	sfence.sel $0x180000  }
0x300: {  	[bflag:$0x0] =	sbarrier.arrive $0xFFFF  }
0x301: {  	_ =	strace $0x90000047  }
0x302: {  	s0 =	stileid.u32;
	[bflag:$0x2] =	sbarrier.arrive $0xFFFF  }
0x303: {  	p0 =	sne.s32 s0, $0x0;
	s0 =	rddreg [dreg:$0x2]  }
0x304: {  	s0 =	sadd.s32 @!p0 $0x100000, s0  }
0x305: {  	[sflag:s0] =	ssyncadd.tile.s32 @!p0 $0x1;
	_ =	shalt  }
.Lfunc_end2:
_tile_overlayer_lowered:
.L_overlay_start_2:
0x306: {  	(tag) =	ssettag $0x2  }
0x307: {  	s0 =	rddreg [dreg:$0x0];
	s2 =	stileid.u32  }
0x308: {  	s1 =	rddreg [dreg:$0x1];
	p0 =	sne.s32 s2, $0x0  }
0x309: {  	s3 =	rddreg [dreg:$0x2];
	[bflag:$0x3] =	sbarrier.arrive $0xFFFF;
	s2 =	simm.s32 @!p0 $0x1C07  }
0x30a: {  	[timem:s3], [sflag:s2] =	dma.local @!p0 [hbm:s0], s1  }
0x30b: {  	s0 =	simm.s32 @!p0 $0x7  }
0x30c: {  	_ =	swait.ge @!p0 [sflag:s0], s1  }
0x30d: {  	s1 =	ssub.s32 @!p0 $0x0, s1;
	[sflag:s0] =	ssyncset.done @!p0 $0x0  }
0x30e: {  	[sflag:s0] =	ssyncadd.s32 @!p0 s1  }
0x30f: {  	[bflag:$0x3] =	sbarrier.arrive $0xFFFF  }
0x310: {  	_ =	shalt  }

</sc_bundles>
